<compile_context>
chip_gen: v7x
topology: tpu7x:2x2x1
jax: 0.10.2.dev20260603
libtpu: 0.0.44.dev20260713+nightly
codegen_flags: <defaults>
</compile_context>

<pallas_src>
import functools

import jax
import jax.numpy as jnp
from jax import lax
from jax.experimental import pallas as pl
from jax.experimental.pallas import tpu as pltpu
from jax.experimental.pallas import tpu_sc as plsc

_B = 4096
_S = 200
_D = 64
_V = 1000000

_NC = 2
_NS = 16
_NW = _NC * _NS
_C = _B // _NW
_H = _D // 2

_mesh = plsc.VectorSubcoreMesh(core_axis_name="c", subcore_axis_name="s")


@functools.partial(
    pl.kernel,
    out_type=jax.ShapeDtypeStruct((_S, _D // 8, _B // _C, 8, _C), jnp.float32),
    mesh=_mesh,
    compiler_params=pltpu.CompilerParams(
        needs_layout_passes=False, use_tc_tiling_on_sc=False),
    scratch_types=[
        pltpu.VMEM((_S // 8, 8, _C), jnp.int32),
        pltpu.VMEM((2, _C), jnp.int32),
        pltpu.VMEM((_C, _D), jnp.float32),
        pltpu.VMEM((_C, _D), jnp.float32),
        pltpu.VMEM((_D, _C + 1), jnp.float32),
        pltpu.VMEM((_D, _C + 1), jnp.float32),
        pltpu.VMEM((_S * _D,), jnp.float32),
        pltpu.VMEM((_C,), jnp.float32),
        pltpu.SemaphoreType.DMA((2,)),
        pltpu.SemaphoreType.DMA((2,)),
    ],
)
def _embed(ids_hbm, tok_hbm, pos_hbm, out_hbm,
           ids_v, ridx_v, rows0_v, rows1_v, stage0_v, stage1_v, pos_v, msk_v,
           gsem, osem):
    wid = lax.axis_index("s") * _NC + lax.axis_index("c")
    pltpu.sync_copy(pos_hbm, pos_v)
    for k in range(_S // 8):
        pltpu.sync_copy(ids_hbm.at[k, wid], ids_v.at[k])
    lane = jnp.arange(16, dtype=jnp.int32)
    rows = (rows0_v, rows1_v)
    stages = (stage0_v, stage1_v)

    def fire_gather(s, j):
        sh = lax.div(s, 8)
        sl = lax.rem(s, 8)

        @plsc.parallel_loop(0, _C // 16)
        def _expand(t):
            tv = ids_v[sh, sl, pl.ds(t * 16, 16)]
            ridx_v[j, pl.ds(t * 16, 16)] = tv + tv

        pltpu.async_copy(tok_hbm.at[ridx_v.at[j]], rows[j], gsem.at[j])

    def wait_gather(j):
        pltpu.make_async_copy(tok_hbm.at[ridx_v.at[j]], rows[j],
                              gsem.at[j]).wait()

    def fire_out(s, j):
        for dh in range(_D // 8):
            pltpu.async_copy(stages[j].at[pl.ds(dh * 8, 8), pl.ds(0, _C)],
                             out_hbm.at[s, dh, wid], osem.at[j])

    def wait_out(s, j):
        for dh in range(_D // 8):
            pltpu.make_async_copy(stages[j].at[pl.ds(dh * 8, 8), pl.ds(0, _C)],
                                  out_hbm.at[s, dh, wid], osem.at[j]).wait()

    def compute(s, j):
        sh = lax.div(s, 8)
        sl = lax.rem(s, 8)
        wait_gather(j)
        rows_v, stage_v = rows[j], stages[j]
        for t in range(_C // 16):
            tv = ids_v[sh, sl, pl.ds(t * 16, 16)]
            msk_v[pl.ds(t * 16, 16)] = jnp.where(tv != 0, 1.0, 0.0)
        s64 = s * _D
        pvecs = [pos_v[pl.ds(s64 + k * 16, 16)] for k in range(_D // 16)]
        dvecs = [lane + (k * 16) for k in range(_D // 16)]

        @plsc.parallel_loop(0, _C, unroll=4)
        def _row(b):
            m = plsc.load_gather(msk_v, [jnp.full((16,), b, jnp.int32)])
            cb = jnp.full((16,), b, jnp.int32)
            for k in range(_D // 16):
                v = rows_v[b, pl.ds(k * 16, 16)]
                plsc.store_scatter(stage_v, [dvecs[k], cb],
                                   (v * 8.0 + pvecs[k]) * m)

    fire_gather(0, 0)

    def body(s2, carry):
        s = s2 * 2
        fire_gather(s + 1, 1)

        @pl.when(s2 > 0)
        def _():
            wait_out(s - 2, 0)
        compute(s, 0)
        fire_out(s, 0)

        @pl.when(s2 < _S // 2 - 1)
        def _():
            fire_gather(s + 2, 0)

        @pl.when(s2 > 0)
        def _():
            wait_out(s - 1, 1)
        compute(s + 1, 1)
        fire_out(s + 1, 1)
        return carry

    lax.fori_loop(0, _S // 2, body, 0)
    wait_out(_S - 2, 0)
    wait_out(_S - 1, 1)


def kernel(inputs, token_table, pos_table):
    ids4 = (inputs.T.reshape(_S // 8, 8, _B // _C, _C)
            .transpose(0, 2, 1, 3))
    tok_pad = jnp.pad(token_table, ((0, 0), (0, _D)))
    tok2 = tok_pad.reshape(2 * _V, _D)
    out5 = _embed(ids4, tok2, pos_table.reshape(_S * _D))
    return (out5.transpose(2, 4, 0, 1, 3)
            .reshape(_B, _S, _D))

# --- scband reference (transcript-rebuilt; emitter-appended) ---
"""Pipeline reference for scband-positional-embedding-15436112462278 (READ-ONLY COPY).

The authoritative reference and input builder live on the scoring server;
editing this copy changes nothing except your own understanding.
"""

import jax, jax.numpy as jnp
import numpy as np

VOCAB_SIZE = 1000000
SEQ_LEN = 200
EMBED_DIM = 64
BATCH = 4096


def setup_inputs(seed: int = 0) -> dict:
    key = jax.random.key(seed)
    k1, k2, k3 = jax.random.split(key, 3)
    inputs = jax.random.randint(k1, (BATCH, SEQ_LEN), 0, VOCAB_SIZE, dtype=jnp.int64 if jax.config.jax_enable_x64 else jnp.int32)
    token_table = jax.random.normal(k2, (VOCAB_SIZE, EMBED_DIM), dtype=jnp.float32) * 0.02
    pos_table = jax.random.normal(k3, (SEQ_LEN, EMBED_DIM), dtype=jnp.float32) * 0.02
    return {"inputs": inputs, "token_table": token_table, "pos_table": pos_table}


def reference(inputs, token_table, pos_table):
    # token embedding lookup (gather) scaled by sqrt(d)
    embedding_scale = jnp.sqrt(jnp.asarray(EMBED_DIM, dtype=jnp.float32))
    embedded_tokens = jnp.take(token_table, inputs, axis=0) * embedding_scale
    # positional embedding lookup over range(length)
    length = inputs.shape[-1]
    positions = jnp.arange(length)
    embedded_positions = jnp.take(pos_table, positions, axis=0)
    full_embedding = embedded_tokens + embedded_positions
    # mask_zero=True: zero out embeddings where token id == 0
    mask = (inputs != 0).astype(jnp.float32)[..., None]
    full_embedding = full_embedding * mask
    return full_embedding

if __name__ == "__main__":
    import jax
    _d = setup_inputs()
    print(jax.jit(kernel)(*tuple(_d.values())))

</pallas_src>

<mosaic_0001>
#map = affine_map<(d0, d1) -> (0, 0, 0, 0)>
#map1 = affine_map<(d0, d1) -> (0, 0)>
#map2 = affine_map<(d0, d1) -> (0)>
#map3 = affine_map<(d0, d1) -> (0, 0, 0, 0, 0)>
module attributes {stable_mosaic.version = 14 : i64} {
  func.func @_embed(%arg0: i32, %arg1: i32, %arg2: memref<25x32x8x128xi32, #tpu.memory_space<hbm>>, %arg3: memref<2000000x64xf32, #tpu.memory_space<hbm>>, %arg4: memref<12800xf32, #tpu.memory_space<hbm>>, %arg5: memref<200x8x32x8x128xf32, #tpu.memory_space<hbm>>, %arg6: memref<25x8x128xi32, #tpu.memory_space<vmem>>, %arg7: memref<2x128xi32, #tpu.memory_space<vmem>>, %arg8: memref<128x64xf32, #tpu.memory_space<vmem>>, %arg9: memref<128x64xf32, #tpu.memory_space<vmem>>, %arg10: memref<64x129xf32, #tpu.memory_space<vmem>>, %arg11: memref<64x129xf32, #tpu.memory_space<vmem>>, %arg12: memref<12800xf32, #tpu.memory_space<vmem>>, %arg13: memref<128xf32, #tpu.memory_space<vmem>>, %arg14: memref<2x!tpu.dma_semaphore, #tpu.memory_space<semaphore_mem>>, %arg15: memref<2x!tpu.dma_semaphore, #tpu.memory_space<semaphore_mem>>) attributes {dimension_semantics = [#tpu.dimension_semantics<core_parallel>, #tpu.dimension_semantics<subcore_parallel>], iteration_bounds = array<i64: 2, 16>, scalar_prefetch = 0 : i64, scratch_operands = 10 : i64, tpu.core_type = #tpu.core_type<sc_vector_subcore>, window_params = [{transform_indices = #map}, {transform_indices = #map1}, {transform_indices = #map2}, {transform_indices = #map3}]} {
    %mul3A = arith.constant 2 : i32
    %mul3A_0 = arith.muli %arg1, %mul3A : i32
    %add3A = arith.addi %mul3A_0, %arg0 : i32
    "tpu.region"() ({
      %run_scoped3A_373 = tpu.sem_alloc : memref<!tpu.dma_semaphore, #tpu.memory_space<semaphore_mem>>
      tpu.enqueue_dma source(%arg4 : memref<12800xf32, #tpu.memory_space<hbm>>) target(%arg12 : memref<12800xf32, #tpu.memory_space<vmem>>) target_semaphore(%run_scoped3A_373 : memref<!tpu.dma_semaphore, #tpu.memory_space<semaphore_mem>>)
      tpu.wait_dma2 semaphore(%run_scoped3A_373 : memref<!tpu.dma_semaphore, #tpu.memory_space<semaphore_mem>>) src(%arg4 : memref<12800xf32, #tpu.memory_space<hbm>>) dst(%arg12 : memref<12800xf32, #tpu.memory_space<vmem>>)
      tpu.yield
    }) : () -> ()
    %run_scoped3A = arith.constant 0 : i32
    %run_scoped3A_1 = arith.constant 0 : i32
    "tpu.region"() ({
      %run_scoped3A_373 = tpu.sem_alloc : memref<!tpu.dma_semaphore, #tpu.memory_space<semaphore_mem>>
      %dma_start3A_374 = arith.constant 0 : i32
      %dma_start3A_375 = arith.constant 0 : i32
      %dma_start3A_376 = tpu.memref_slice %arg6[%run_scoped3A_1, %dma_start3A_374, %dma_start3A_375] : memref<25x8x128xi32, #tpu.memory_space<vmem>> -> memref<1x8x128xi32, #tpu.memory_space<vmem>>
      %dma_start3A_377 = tpu.memref_squeeze %dma_start3A_376 : memref<1x8x128xi32, #tpu.memory_space<vmem>> -> memref<8x128xi32, #tpu.memory_space<vmem>>
      %dma_start3A_378 = arith.constant 0 : i32
      %dma_start3A_379 = arith.constant 0 : i32
      %dma_start3A_380 = tpu.memref_slice %arg2[%run_scoped3A, %add3A, %dma_start3A_378, %dma_start3A_379] : memref<25x32x8x128xi32, #tpu.memory_space<hbm>> -> memref<1x1x8x128xi32, #tpu.memory_space<hbm>>
      %dma_start3A_381 = tpu.memref_squeeze %dma_start3A_380 : memref<1x1x8x128xi32, #tpu.memory_space<hbm>> -> memref<8x128xi32, #tpu.memory_space<hbm>>
      %dma_start3A_382 = arith.constant 0 : i32
      %dma_start3A_383 = arith.constant 0 : i32
      %dma_start3A_384 = tpu.memref_slice %arg6[%run_scoped3A_1, %dma_start3A_382, %dma_start3A_383] : memref<25x8x128xi32, #tpu.memory_space<vmem>> -> memref<1x8x128xi32, #tpu.memory_space<vmem>>
      %dma_start3A_385 = tpu.memref_squeeze %dma_start3A_384 : memref<1x8x128xi32, #tpu.memory_space<vmem>> -> memref<8x128xi32, #tpu.memory_space<vmem>>
      %dma_start3A_386 = arith.constant 0 : i32
      %dma_start3A_387 = arith.constant 0 : i32
      %dma_start3A_388 = tpu.memref_slice %arg2[%run_scoped3A, %add3A, %dma_start3A_386, %dma_start3A_387] : memref<25x32x8x128xi32, #tpu.memory_space<hbm>> -> memref<1x1x8x128xi32, #tpu.memory_space<hbm>>
      %dma_start3A_389 = tpu.memref_squeeze %dma_start3A_388 : memref<1x1x8x128xi32, #tpu.memory_space<hbm>> -> memref<8x128xi32, #tpu.memory_space<hbm>>
      tpu.enqueue_dma source(%dma_start3A_389 : memref<8x128xi32, #tpu.memory_space<hbm>>) target(%dma_start3A_385 : memref<8x128xi32, #tpu.memory_space<vmem>>) target_semaphore(%run_scoped3A_373 : memref<!tpu.dma_semaphore, #tpu.memory_space<semaphore_mem>>)
      %dma_wait3A_390 = arith.constant 0 : i32
      %dma_wait3A_391 = arith.constant 0 : i32
      %dma_wait3A_392 = tpu.memref_slice %arg6[%run_scoped3A_1, %dma_wait3A_390, %dma_wait3A_391] : memref<25x8x128xi32, #tpu.memory_space<vmem>> -> memref<1x8x128xi32, #tpu.memory_space<vmem>>
      %dma_wait3A_393 = tpu.memref_squeeze %dma_wait3A_392 : memref<1x8x128xi32, #tpu.memory_space<vmem>> -> memref<8x128xi32, #tpu.memory_space<vmem>>
      %dma_wait3A_394 = arith.constant 0 : i32
      %dma_wait3A_395 = arith.constant 0 : i32
      %dma_wait3A_396 = tpu.memref_slice %arg2[%run_scoped3A, %add3A, %dma_wait3A_394, %dma_wait3A_395] : memref<25x32x8x128xi32, #tpu.memory_space<hbm>> -> memref<1x1x8x128xi32, #tpu.memory_space<hbm>>
      %dma_wait3A_397 = tpu.memref_squeeze %dma_wait3A_396 : memref<1x1x8x128xi32, #tpu.memory_space<hbm>> -> memref<8x128xi32, #tpu.memory_space<hbm>>
      %dma_wait3A_398 = arith.constant 0 : i32
      %dma_wait3A_399 = arith.constant 0 : i32
      %dma_wait3A_400 = tpu.memref_slice %arg6[%run_scoped3A_1, %dma_wait3A_398, %dma_wait3A_399] : memref<25x8x128xi32, #tpu.memory_space<vmem>> -> memref<1x8x128xi32, #tpu.memory_space<vmem>>
      %dma_wait3A_401 = tpu.memref_squeeze %dma_wait3A_400 : memref<1x8x128xi32, #tpu.memory_space<vmem>> -> memref<8x128xi32, #tpu.memory_space<vmem>>
      %dma_wait3A_402 = arith.constant 0 : i32
      %dma_wait3A_403 = arith.constant 0 : i32
      %dma_wait3A_404 = tpu.memref_slice %arg2[%run_scoped3A, %add3A, %dma_wait3A_402, %dma_wait3A_403] : memref<25x32x8x128xi32, #tpu.memory_space<hbm>> -> memref<1x1x8x128xi32, #tpu.memory_space<hbm>>
      %dma_wait3A_405 = tpu.memref_squeeze %dma_wait3A_404 : memref<1x1x8x128xi32, #tpu.memory_space<hbm>> -> memref<8x128xi32, #tpu.memory_space<hbm>>
      tpu.wait_dma2 semaphore(%run_scoped3A_373 : memref<!tpu.dma_semaphore, #tpu.memory_space<semaphore_mem>>) src(%dma_wait3A_405 : memref<8x128xi32, #tpu.memory_space<hbm>>) dst(%dma_wait3A_401 : memref<8x128xi32, #tpu.memory_space<vmem>>)
      tpu.yield
    }) : () -> ()
    %run_scoped3A_2 = arith.constant 1 : i32
    %run_scoped3A_3 = arith.constant 1 : i32
    "tpu.region"() ({
      %run_scoped3A_373 = tpu.sem_alloc : memref<!tpu.dma_semaphore, #tpu.memory_space<semaphore_mem>>
      %dma_start3A_374 = arith.constant 0 : i32
      %dma_start3A_375 = arith.constant 0 : i32
      %dma_start3A_376 = tpu.memref_slice %arg6[%run_scoped3A_3, %dma_start3A_374, %dma_start3A_375] : memref<25x8x128xi32, #tpu.memory_space<vmem>> -> memref<1x8x128xi32, #tpu.memory_space<vmem>>
      %dma_start3A_377 = tpu.memref_squeeze %dma_start3A_376 : memref<1x8x128xi32, #tpu.memory_space<vmem>> -> memref<8x128xi32, #tpu.memory_space<vmem>>
      %dma_start3A_378 = arith.constant 0 : i32
      %dma_start3A_379 = arith.constant 0 : i32
      %dma_start3A_380 = tpu.memref_slice %arg2[%run_scoped3A_2, %add3A, %dma_start3A_378, %dma_start3A_379] : memref<25x32x8x128xi32, #tpu.memory_space<hbm>> -> memref<1x1x8x128xi32, #tpu.memory_space<hbm>>
      %dma_start3A_381 = tpu.memref_squeeze %dma_start3A_380 : memref<1x1x8x128xi32, #tpu.memory_space<hbm>> -> memref<8x128xi32, #tpu.memory_space<hbm>>
      %dma_start3A_382 = arith.constant 0 : i32
      %dma_start3A_383 = arith.constant 0 : i32
      %dma_start3A_384 = tpu.memref_slice %arg6[%run_scoped3A_3, %dma_start3A_382, %dma_start3A_383] : memref<25x8x128xi32, #tpu.memory_space<vmem>> -> memref<1x8x128xi32, #tpu.memory_space<vmem>>
      %dma_start3A_385 = tpu.memref_squeeze %dma_start3A_384 : memref<1x8x128xi32, #tpu.memory_space<vmem>> -> memref<8x128xi32, #tpu.memory_space<vmem>>
      %dma_start3A_386 = arith.constant 0 : i32
      %dma_start3A_387 = arith.constant 0 : i32
      %dma_start3A_388 = tpu.memref_slice %arg2[%run_scoped3A_2, %add3A, %dma_start3A_386, %dma_start3A_387] : memref<25x32x8x128xi32, #tpu.memory_space<hbm>> -> memref<1x1x8x128xi32, #tpu.memory_space<hbm>>
      %dma_start3A_389 = tpu.memref_squeeze %dma_start3A_388 : memref<1x1x8x128xi32, #tpu.memory_space<hbm>> -> memref<8x128xi32, #tpu.memory_space<hbm>>
      tpu.enqueue_dma source(%dma_start3A_389 : memref<8x128xi32, #tpu.memory_space<hbm>>) target(%dma_start3A_385 : memref<8x128xi32, #tpu.memory_space<vmem>>) target_semaphore(%run_scoped3A_373 : memref<!tpu.dma_semaphore, #tpu.memory_space<semaphore_mem>>)
      %dma_wait3A_390 = arith.constant 0 : i32
      %dma_wait3A_391 = arith.constant 0 : i32
      %dma_wait3A_392 = tpu.memref_slice %arg6[%run_scoped3A_3, %dma_wait3A_390, %dma_wait3A_391] : memref<25x8x128xi32, #tpu.memory_space<vmem>> -> memref<1x8x128xi32, #tpu.memory_space<vmem>>
      %dma_wait3A_393 = tpu.memref_squeeze %dma_wait3A_392 : memref<1x8x128xi32, #tpu.memory_space<vmem>> -> memref<8x128xi32, #tpu.memory_space<vmem>>
      %dma_wait3A_394 = arith.constant 0 : i32
      %dma_wait3A_395 = arith.constant 0 : i32
      %dma_wait3A_396 = tpu.memref_slice %arg2[%run_scoped3A_2, %add3A, %dma_wait3A_394, %dma_wait3A_395] : memref<25x32x8x128xi32, #tpu.memory_space<hbm>> -> memref<1x1x8x128xi32, #tpu.memory_space<hbm>>
      %dma_wait3A_397 = tpu.memref_squeeze %dma_wait3A_396 : memref<1x1x8x128xi32, #tpu.memory_space<hbm>> -> memref<8x128xi32, #tpu.memory_space<hbm>>
      %dma_wait3A_398 = arith.constant 0 : i32
      %dma_wait3A_399 = arith.constant 0 : i32
      %dma_wait3A_400 = tpu.memref_slice %arg6[%run_scoped3A_3, %dma_wait3A_398, %dma_wait3A_399] : memref<25x8x128xi32, #tpu.memory_space<vmem>> -> memref<1x8x128xi32, #tpu.memory_space<vmem>>
      %dma_wait3A_401 = tpu.memref_squeeze %dma_wait3A_400 : memref<1x8x128xi32, #tpu.memory_space<vmem>> -> memref<8x128xi32, #tpu.memory_space<vmem>>
      %dma_wait3A_402 = arith.constant 0 : i32
      %dma_wait3A_403 = arith.constant 0 : i32
      %dma_wait3A_404 = tpu.memref_slice %arg2[%run_scoped3A_2, %add3A, %dma_wait3A_402, %dma_wait3A_403] : memref<25x32x8x128xi32, #tpu.memory_space<hbm>> -> memref<1x1x8x128xi32, #tpu.memory_space<hbm>>
      %dma_wait3A_405 = tpu.memref_squeeze %dma_wait3A_404 : memref<1x1x8x128xi32, #tpu.memory_space<hbm>> -> memref<8x128xi32, #tpu.memory_space<hbm>>
      tpu.wait_dma2 semaphore(%run_scoped3A_373 : memref<!tpu.dma_semaphore, #tpu.memory_space<semaphore_mem>>) src(%dma_wait3A_405 : memref<8x128xi32, #tpu.memory_space<hbm>>) dst(%dma_wait3A_401 : memref<8x128xi32, #tpu.memory_space<vmem>>)
      tpu.yield
    }) : () -> ()
    %run_scoped3A_4 = arith.constant 2 : i32
    %run_scoped3A_5 = arith.constant 2 : i32
    "tpu.region"() ({
      %run_scoped3A_373 = tpu.sem_alloc : memref<!tpu.dma_semaphore, #tpu.memory_space<semaphore_mem>>
      %dma_start3A_374 = arith.constant 0 : i32
      %dma_start3A_375 = arith.constant 0 : i32
      %dma_start3A_376 = tpu.memref_slice %arg6[%run_scoped3A_5, %dma_start3A_374, %dma_start3A_375] : memref<25x8x128xi32, #tpu.memory_space<vmem>> -> memref<1x8x128xi32, #tpu.memory_space<vmem>>
      %dma_start3A_377 = tpu.memref_squeeze %dma_start3A_376 : memref<1x8x128xi32, #tpu.memory_space<vmem>> -> memref<8x128xi32, #tpu.memory_space<vmem>>
      %dma_start3A_378 = arith.constant 0 : i32
      %dma_start3A_379 = arith.constant 0 : i32
      %dma_start3A_380 = tpu.memref_slice %arg2[%run_scoped3A_4, %add3A, %dma_start3A_378, %dma_start3A_379] : memref<25x32x8x128xi32, #tpu.memory_space<hbm>> -> memref<1x1x8x128xi32, #tpu.memory_space<hbm>>
      %dma_start3A_381 = tpu.memref_squeeze %dma_start3A_380 : memref<1x1x8x128xi32, #tpu.memory_space<hbm>> -> memref<8x128xi32, #tpu.memory_space<hbm>>
      %dma_start3A_382 = arith.constant 0 : i32
      %dma_start3A_383 = arith.constant 0 : i32
      %dma_start3A_384 = tpu.memref_slice %arg6[%run_scoped3A_5, %dma_start3A_382, %dma_start3A_383] : memref<25x8x128xi32, #tpu.memory_space<vmem>> -> memref<1x8x128xi32, #tpu.memory_space<vmem>>
      %dma_start3A_385 = tpu.memref_squeeze %dma_start3A_384 : memref<1x8x128xi32, #tpu.memory_space<vmem>> -> memref<8x128xi32, #tpu.memory_space<vmem>>
      %dma_start3A_386 = arith.constant 0 : i32
      %dma_start3A_387 = arith.constant 0 : i32
      %dma_start3A_388 = tpu.memref_slice %arg2[%run_scoped3A_4, %add3A, %dma_start3A_386, %dma_start3A_387] : memref<25x32x8x128xi32, #tpu.memory_space<hbm>> -> memref<1x1x8x128xi32, #tpu.memory_space<hbm>>
      %dma_start3A_389 = tpu.memref_squeeze %dma_start3A_388 : memref<1x1x8x128xi32, #tpu.memory_space<hbm>> -> memref<8x128xi32, #tpu.memory_space<hbm>>
      tpu.enqueue_dma source(%dma_start3A_389 : memref<8x128xi32, #tpu.memory_space<hbm>>) target(%dma_start3A_385 : memref<8x128xi32, #tpu.memory_space<vmem>>) target_semaphore(%run_scoped3A_373 : memref<!tpu.dma_semaphore, #tpu.memory_space<semaphore_mem>>)
      %dma_wait3A_390 = arith.constant 0 : i32
      %dma_wait3A_391 = arith.constant 0 : i32
      %dma_wait3A_392 = tpu.memref_slice %arg6[%run_scoped3A_5, %dma_wait3A_390, %dma_wait3A_391] : memref<25x8x128xi32, #tpu.memory_space<vmem>> -> memref<1x8x128xi32, #tpu.memory_space<vmem>>
      %dma_wait3A_393 = tpu.memref_squeeze %dma_wait3A_392 : memref<1x8x128xi32, #tpu.memory_space<vmem>> -> memref<8x128xi32, #tpu.memory_space<vmem>>
      %dma_wait3A_394 = arith.constant 0 : i32
      %dma_wait3A_395 = arith.constant 0 : i32
      %dma_wait3A_396 = tpu.memref_slice %arg2[%run_scoped3A_4, %add3A, %dma_wait3A_394, %dma_wait3A_395] : memref<25x32x8x128xi32, #tpu.memory_space<hbm>> -> memref<1x1x8x128xi32, #tpu.memory_space<hbm>>
      %dma_wait3A_397 = tpu.memref_squeeze %dma_wait3A_396 : memref<1x1x8x128xi32, #tpu.memory_space<hbm>> -> memref<8x128xi32, #tpu.memory_space<hbm>>
      %dma_wait3A_398 = arith.constant 0 : i32
      %dma_wait3A_399 = arith.constant 0 : i32
      %dma_wait3A_400 = tpu.memref_slice %arg6[%run_scoped3A_5, %dma_wait3A_398, %dma_wait3A_399] : memref<25x8x128xi32, #tpu.memory_space<vmem>> -> memref<1x8x128xi32, #tpu.memory_space<vmem>>
      %dma_wait3A_401 = tpu.memref_squeeze %dma_wait3A_400 : memref<1x8x128xi32, #tpu.memory_space<vmem>> -> memref<8x128xi32, #tpu.memory_space<vmem>>
      %dma_wait3A_402 = arith.constant 0 : i32
      %dma_wait3A_403 = arith.constant 0 : i32
      %dma_wait3A_404 = tpu.memref_slice %arg2[%run_scoped3A_4, %add3A, %dma_wait3A_402, %dma_wait3A_403] : memref<25x32x8x128xi32, #tpu.memory_space<hbm>> -> memref<1x1x8x128xi32, #tpu.memory_space<hbm>>
      %dma_wait3A_405 = tpu.memref_squeeze %dma_wait3A_404 : memref<1x1x8x128xi32, #tpu.memory_space<hbm>> -> memref<8x128xi32, #tpu.memory_space<hbm>>
      tpu.wait_dma2 semaphore(%run_scoped3A_373 : memref<!tpu.dma_semaphore, #tpu.memory_space<semaphore_mem>>) src(%dma_wait3A_405 : memref<8x128xi32, #tpu.memory_space<hbm>>) dst(%dma_wait3A_401 : memref<8x128xi32, #tpu.memory_space<vmem>>)
      tpu.yield
    }) : () -> ()
    %run_scoped3A_6 = arith.constant 3 : i32
    %run_scoped3A_7 = arith.constant 3 : i32
    "tpu.region"() ({
      %run_scoped3A_373 = tpu.sem_alloc : memref<!tpu.dma_semaphore, #tpu.memory_space<semaphore_mem>>
      %dma_start3A_374 = arith.constant 0 : i32
      %dma_start3A_375 = arith.constant 0 : i32
      %dma_start3A_376 = tpu.memref_slice %arg6[%run_scoped3A_7, %dma_start3A_374, %dma_start3A_375] : memref<25x8x128xi32, #tpu.memory_space<vmem>> -> memref<1x8x128xi32, #tpu.memory_space<vmem>>
      %dma_start3A_377 = tpu.memref_squeeze %dma_start3A_376 : memref<1x8x128xi32, #tpu.memory_space<vmem>> -> memref<8x128xi32, #tpu.memory_space<vmem>>
      %dma_start3A_378 = arith.constant 0 : i32
      %dma_start3A_379 = arith.constant 0 : i32
      %dma_start3A_380 = tpu.memref_slice %arg2[%run_scoped3A_6, %add3A, %dma_start3A_378, %dma_start3A_379] : memref<25x32x8x128xi32, #tpu.memory_space<hbm>> -> memref<1x1x8x128xi32, #tpu.memory_space<hbm>>
      %dma_start3A_381 = tpu.memref_squeeze %dma_start3A_380 : memref<1x1x8x128xi32, #tpu.memory_space<hbm>> -> memref<8x128xi32, #tpu.memory_space<hbm>>
      %dma_start3A_382 = arith.constant 0 : i32
      %dma_start3A_383 = arith.constant 0 : i32
      %dma_start3A_384 = tpu.memref_slice %arg6[%run_scoped3A_7, %dma_start3A_382, %dma_start3A_383] : memref<25x8x128xi32, #tpu.memory_space<vmem>> -> memref<1x8x128xi32, #tpu.memory_space<vmem>>
      %dma_start3A_385 = tpu.memref_squeeze %dma_start3A_384 : memref<1x8x128xi32, #tpu.memory_space<vmem>> -> memref<8x128xi32, #tpu.memory_space<vmem>>
      %dma_start3A_386 = arith.constant 0 : i32
      %dma_start3A_387 = arith.constant 0 : i32
      %dma_start3A_388 = tpu.memref_slice %arg2[%run_scoped3A_6, %add3A, %dma_start3A_386, %dma_start3A_387] : memref<25x32x8x128xi32, #tpu.memory_space<hbm>> -> memref<1x1x8x128xi32, #tpu.memory_space<hbm>>
      %dma_start3A_389 = tpu.memref_squeeze %dma_start3A_388 : memref<1x1x8x128xi32, #tpu.memory_space<hbm>> -> memref<8x128xi32, #tpu.memory_space<hbm>>
      tpu.enqueue_dma source(%dma_start3A_389 : memref<8x128xi32, #tpu.memory_space<hbm>>) target(%dma_start3A_385 : memref<8x128xi32, #tpu.memory_space<vmem>>) target_semaphore(%run_scoped3A_373 : memref<!tpu.dma_semaphore, #tpu.memory_space<semaphore_mem>>)
      %dma_wait3A_390 = arith.constant 0 : i32
      %dma_wait3A_391 = arith.constant 0 : i32
      %dma_wait3A_392 = tpu.memref_slice %arg6[%run_scoped3A_7, %dma_wait3A_390, %dma_wait3A_391] : memref<25x8x128xi32, #tpu.memory_space<vmem>> -> memref<1x8x128xi32, #tpu.memory_space<vmem>>
      %dma_wait3A_393 = tpu.memref_squeeze %dma_wait3A_392 : memref<1x8x128xi32, #tpu.memory_space<vmem>> -> memref<8x128xi32, #tpu.memory_space<vmem>>
      %dma_wait3A_394 = arith.constant 0 : i32
      %dma_wait3A_395 = arith.constant 0 : i32
      %dma_wait3A_396 = tpu.memref_slice %arg2[%run_scoped3A_6, %add3A, %dma_wait3A_394, %dma_wait3A_395] : memref<25x32x8x128xi32, #tpu.memory_space<hbm>> -> memref<1x1x8x128xi32, #tpu.memory_space<hbm>>
      %dma_wait3A_397 = tpu.memref_squeeze %dma_wait3A_396 : memref<1x1x8x128xi32, #tpu.memory_space<hbm>> -> memref<8x128xi32, #tpu.memory_space<hbm>>
      %dma_wait3A_398 = arith.constant 0 : i32
      %dma_wait3A_399 = arith.constant 0 : i32
      %dma_wait3A_400 = tpu.memref_slice %arg6[%run_scoped3A_7, %dma_wait3A_398, %dma_wait3A_399] : memref<25x8x128xi32, #tpu.memory_space<vmem>> -> memref<1x8x128xi32, #tpu.memory_space<vmem>>
      %dma_wait3A_401 = tpu.memref_squeeze %dma_wait3A_400 : memref<1x8x128xi32, #tpu.memory_space<vmem>> -> memref<8x128xi32, #tpu.memory_space<vmem>>
      %dma_wait3A_402 = arith.constant 0 : i32
      %dma_wait3A_403 = arith.constant 0 : i32
      %dma_wait3A_404 = tpu.memref_slice %arg2[%run_scoped3A_6, %add3A, %dma_wait3A_402, %dma_wait3A_403] : memref<25x32x8x128xi32, #tpu.memory_space<hbm>> -> memref<1x1x8x128xi32, #tpu.memory_space<hbm>>
      %dma_wait3A_405 = tpu.memref_squeeze %dma_wait3A_404 : memref<1x1x8x128xi32, #tpu.memory_space<hbm>> -> memref<8x128xi32, #tpu.memory_space<hbm>>
      tpu.wait_dma2 semaphore(%run_scoped3A_373 : memref<!tpu.dma_semaphore, #tpu.memory_space<semaphore_mem>>) src(%dma_wait3A_405 : memref<8x128xi32, #tpu.memory_space<hbm>>) dst(%dma_wait3A_401 : memref<8x128xi32, #tpu.memory_space<vmem>>)
      tpu.yield
    }) : () -> ()
    %run_scoped3A_8 = arith.constant 4 : i32
    %run_scoped3A_9 = arith.constant 4 : i32
    "tpu.region"() ({
      %run_scoped3A_373 = tpu.sem_alloc : memref<!tpu.dma_semaphore, #tpu.memory_space<semaphore_mem>>
      %dma_start3A_374 = arith.constant 0 : i32
      %dma_start3A_375 = arith.constant 0 : i32
      %dma_start3A_376 = tpu.memref_slice %arg6[%run_scoped3A_9, %dma_start3A_374, %dma_start3A_375] : memref<25x8x128xi32, #tpu.memory_space<vmem>> -> memref<1x8x128xi32, #tpu.memory_space<vmem>>
      %dma_start3A_377 = tpu.memref_squeeze %dma_start3A_376 : memref<1x8x128xi32, #tpu.memory_space<vmem>> -> memref<8x128xi32, #tpu.memory_space<vmem>>
      %dma_start3A_378 = arith.constant 0 : i32
      %dma_start3A_379 = arith.constant 0 : i32
      %dma_start3A_380 = tpu.memref_slice %arg2[%run_scoped3A_8, %add3A, %dma_start3A_378, %dma_start3A_379] : memref<25x32x8x128xi32, #tpu.memory_space<hbm>> -> memref<1x1x8x128xi32, #tpu.memory_space<hbm>>
      %dma_start3A_381 = tpu.memref_squeeze %dma_start3A_380 : memref<1x1x8x128xi32, #tpu.memory_space<hbm>> -> memref<8x128xi32, #tpu.memory_space<hbm>>
      %dma_start3A_382 = arith.constant 0 : i32
      %dma_start3A_383 = arith.constant 0 : i32
      %dma_start3A_384 = tpu.memref_slice %arg6[%run_scoped3A_9, %dma_start3A_382, %dma_start3A_383] : memref<25x8x128xi32, #tpu.memory_space<vmem>> -> memref<1x8x128xi32, #tpu.memory_space<vmem>>
      %dma_start3A_385 = tpu.memref_squeeze %dma_start3A_384 : memref<1x8x128xi32, #tpu.memory_space<vmem>> -> memref<8x128xi32, #tpu.memory_space<vmem>>
      %dma_start3A_386 = arith.constant 0 : i32
      %dma_start3A_387 = arith.constant 0 : i32
      %dma_start3A_388 = tpu.memref_slice %arg2[%run_scoped3A_8, %add3A, %dma_start3A_386, %dma_start3A_387] : memref<25x32x8x128xi32, #tpu.memory_space<hbm>> -> memref<1x1x8x128xi32, #tpu.memory_space<hbm>>
      %dma_start3A_389 = tpu.memref_squeeze %dma_start3A_388 : memref<1x1x8x128xi32, #tpu.memory_space<hbm>> -> memref<8x128xi32, #tpu.memory_space<hbm>>
      tpu.enqueue_dma source(%dma_start3A_389 : memref<8x128xi32, #tpu.memory_space<hbm>>) target(%dma_start3A_385 : memref<8x128xi32, #tpu.memory_space<vmem>>) target_semaphore(%run_scoped3A_373 : memref<!tpu.dma_semaphore, #tpu.memory_space<semaphore_mem>>)
      %dma_wait3A_390 = arith.constant 0 : i32
      %dma_wait3A_391 = arith.constant 0 : i32
      %dma_wait3A_392 = tpu.memref_slice %arg6[%run_scoped3A_9, %dma_wait3A_390, %dma_wait3A_391] : memref<25x8x128xi32, #tpu.memory_space<vmem>> -> memref<1x8x128xi32, #tpu.memory_space<vmem>>
      %dma_wait3A_393 = tpu.memref_squeeze %dma_wait3A_392 : memref<1x8x128xi32, #tpu.memory_space<vmem>> -> memref<8x128xi32, #tpu.memory_space<vmem>>
      %dma_wait3A_394 = arith.constant 0 : i32
      %dma_wait3A_395 = arith.constant 0 : i32
      %dma_wait3A_396 = tpu.memref_slice %arg2[%run_scoped3A_8, %add3A, %dma_wait3A_394, %dma_wait3A_395] : memref<25x32x8x128xi32, #tpu.memory_space<hbm>> -> memref<1x1x8x128xi32, #tpu.memory_space<hbm>>
      %dma_wait3A_397 = tpu.memref_squeeze %dma_wait3A_396 : memref<1x1x8x128xi32, #tpu.memory_space<hbm>> -> memref<8x128xi32, #tpu.memory_space<hbm>>
      %dma_wait3A_398 = arith.constant 0 : i32
      %dma_wait3A_399 = arith.constant 0 : i32
      %dma_wait3A_400 = tpu.memref_slice %arg6[%run_scoped3A_9, %dma_wait3A_398, %dma_wait3A_399] : memref<25x8x128xi32, #tpu.memory_space<vmem>> -> memref<1x8x128xi32, #tpu.memory_space<vmem>>
      %dma_wait3A_401 = tpu.memref_squeeze %dma_wait3A_400 : memref<1x8x128xi32, #tpu.memory_space<vmem>> -> memref<8x128xi32, #tpu.memory_space<vmem>>
      %dma_wait3A_402 = arith.constant 0 : i32
      %dma_wait3A_403 = arith.constant 0 : i32
      %dma_wait3A_404 = tpu.memref_slice %arg2[%run_scoped3A_8, %add3A, %dma_wait3A_402, %dma_wait3A_403] : memref<25x32x8x128xi32, #tpu.memory_space<hbm>> -> memref<1x1x8x128xi32, #tpu.memory_space<hbm>>
      %dma_wait3A_405 = tpu.memref_squeeze %dma_wait3A_404 : memref<1x1x8x128xi32, #tpu.memory_space<hbm>> -> memref<8x128xi32, #tpu.memory_space<hbm>>
      tpu.wait_dma2 semaphore(%run_scoped3A_373 : memref<!tpu.dma_semaphore, #tpu.memory_space<semaphore_mem>>) src(%dma_wait3A_405 : memref<8x128xi32, #tpu.memory_space<hbm>>) dst(%dma_wait3A_401 : memref<8x128xi32, #tpu.memory_space<vmem>>)
      tpu.yield
    }) : () -> ()
    %run_scoped3A_10 = arith.constant 5 : i32
    %run_scoped3A_11 = arith.constant 5 : i32
    "tpu.region"() ({
      %run_scoped3A_373 = tpu.sem_alloc : memref<!tpu.dma_semaphore, #tpu.memory_space<semaphore_mem>>
      %dma_start3A_374 = arith.constant 0 : i32
      %dma_start3A_375 = arith.constant 0 : i32
      %dma_start3A_376 = tpu.memref_slice %arg6[%run_scoped3A_11, %dma_start3A_374, %dma_start3A_375] : memref<25x8x128xi32, #tpu.memory_space<vmem>> -> memref<1x8x128xi32, #tpu.memory_space<vmem>>
      %dma_start3A_377 = tpu.memref_squeeze %dma_start3A_376 : memref<1x8x128xi32, #tpu.memory_space<vmem>> -> memref<8x128xi32, #tpu.memory_space<vmem>>
      %dma_start3A_378 = arith.constant 0 : i32
      %dma_start3A_379 = arith.constant 0 : i32
      %dma_start3A_380 = tpu.memref_slice %arg2[%run_scoped3A_10, %add3A, %dma_start3A_378, %dma_start3A_379] : memref<25x32x8x128xi32, #tpu.memory_space<hbm>> -> memref<1x1x8x128xi32, #tpu.memory_space<hbm>>
      %dma_start3A_381 = tpu.memref_squeeze %dma_start3A_380 : memref<1x1x8x128xi32, #tpu.memory_space<hbm>> -> memref<8x128xi32, #tpu.memory_space<hbm>>
      %dma_start3A_382 = arith.constant 0 : i32
      %dma_start3A_383 = arith.constant 0 : i32
      %dma_start3A_384 = tpu.memref_slice %arg6[%run_scoped3A_11, %dma_start3A_382, %dma_start3A_383] : memref<25x8x128xi32, #tpu.memory_space<vmem>> -> memref<1x8x128xi32, #tpu.memory_space<vmem>>
      %dma_start3A_385 = tpu.memref_squeeze %dma_start3A_384 : memref<1x8x128xi32, #tpu.memory_space<vmem>> -> memref<8x128xi32, #tpu.memory_space<vmem>>
      %dma_start3A_386 = arith.constant 0 : i32
      %dma_start3A_387 = arith.constant 0 : i32
      %dma_start3A_388 = tpu.memref_slice %arg2[%run_scoped3A_10, %add3A, %dma_start3A_386, %dma_start3A_387] : memref<25x32x8x128xi32, #tpu.memory_space<hbm>> -> memref<1x1x8x128xi32, #tpu.memory_space<hbm>>
      %dma_start3A_389 = tpu.memref_squeeze %dma_start3A_388 : memref<1x1x8x128xi32, #tpu.memory_space<hbm>> -> memref<8x128xi32, #tpu.memory_space<hbm>>
      tpu.enqueue_dma source(%dma_start3A_389 : memref<8x128xi32, #tpu.memory_space<hbm>>) target(%dma_start3A_385 : memref<8x128xi32, #tpu.memory_space<vmem>>) target_semaphore(%run_scoped3A_373 : memref<!tpu.dma_semaphore, #tpu.memory_space<semaphore_mem>>)
      %dma_wait3A_390 = arith.constant 0 : i32
      %dma_wait3A_391 = arith.constant 0 : i32
      %dma_wait3A_392 = tpu.memref_slice %arg6[%run_scoped3A_11, %dma_wait3A_390, %dma_wait3A_391] : memref<25x8x128xi32, #tpu.memory_space<vmem>> -> memref<1x8x128xi32, #tpu.memory_space<vmem>>
      %dma_wait3A_393 = tpu.memref_squeeze %dma_wait3A_392 : memref<1x8x128xi32, #tpu.memory_space<vmem>> -> memref<8x128xi32, #tpu.memory_space<vmem>>
      %dma_wait3A_394 = arith.constant 0 : i32
      %dma_wait3A_395 = arith.constant 0 : i32
      %dma_wait3A_396 = tpu.memref_slice %arg2[%run_scoped3A_10, %add3A, %dma_wait3A_394, %dma_wait3A_395] : memref<25x32x8x128xi32, #tpu.memory_space<hbm>> -> memref<1x1x8x128xi32, #tpu.memory_space<hbm>>
      %dma_wait3A_397 = tpu.memref_squeeze %dma_wait3A_396 : memref<1x1x8x128xi32, #tpu.memory_space<hbm>> -> memref<8x128xi32, #tpu.memory_space<hbm>>
      %dma_wait3A_398 = arith.constant 0 : i32
      %dma_wait3A_399 = arith.constant 0 : i32
      %dma_wait3A_400 = tpu.memref_slice %arg6[%run_scoped3A_11, %dma_wait3A_398, %dma_wait3A_399] : memref<25x8x128xi32, #tpu.memory_space<vmem>> -> memref<1x8x128xi32, #tpu.memory_space<vmem>>
      %dma_wait3A_401 = tpu.memref_squeeze %dma_wait3A_400 : memref<1x8x128xi32, #tpu.memory_space<vmem>> -> memref<8x128xi32, #tpu.memory_space<vmem>>
      %dma_wait3A_402 = arith.constant 0 : i32
      %dma_wait3A_403 = arith.constant 0 : i32
      %dma_wait3A_404 = tpu.memref_slice %arg2[%run_scoped3A_10, %add3A, %dma_wait3A_402, %dma_wait3A_403] : memref<25x32x8x128xi32, #tpu.memory_space<hbm>> -> memref<1x1x8x128xi32, #tpu.memory_space<hbm>>
      %dma_wait3A_405 = tpu.memref_squeeze %dma_wait3A_404 : memref<1x1x8x128xi32, #tpu.memory_space<hbm>> -> memref<8x128xi32, #tpu.memory_space<hbm>>
      tpu.wait_dma2 semaphore(%run_scoped3A_373 : memref<!tpu.dma_semaphore, #tpu.memory_space<semaphore_mem>>) src(%dma_wait3A_405 : memref<8x128xi32, #tpu.memory_space<hbm>>) dst(%dma_wait3A_401 : memref<8x128xi32, #tpu.memory_space<vmem>>)
      tpu.yield
    }) : () -> ()
    %run_scoped3A_12 = arith.constant 6 : i32
    %run_scoped3A_13 = arith.constant 6 : i32
    "tpu.region"() ({
      %run_scoped3A_373 = tpu.sem_alloc : memref<!tpu.dma_semaphore, #tpu.memory_space<semaphore_mem>>
      %dma_start3A_374 = arith.constant 0 : i32
      %dma_start3A_375 = arith.constant 0 : i32
      %dma_start3A_376 = tpu.memref_slice %arg6[%run_scoped3A_13, %dma_start3A_374, %dma_start3A_375] : memref<25x8x128xi32, #tpu.memory_space<vmem>> -> memref<1x8x128xi32, #tpu.memory_space<vmem>>
      %dma_start3A_377 = tpu.memref_squeeze %dma_start3A_376 : memref<1x8x128xi32, #tpu.memory_space<vmem>> -> memref<8x128xi32, #tpu.memory_space<vmem>>
      %dma_start3A_378 = arith.constant 0 : i32
      %dma_start3A_379 = arith.constant 0 : i32
      %dma_start3A_380 = tpu.memref_slice %arg2[%run_scoped3A_12, %add3A, %dma_start3A_378, %dma_start3A_379] : memref<25x32x8x128xi32, #tpu.memory_space<hbm>> -> memref<1x1x8x128xi32, #tpu.memory_space<hbm>>
      %dma_start3A_381 = tpu.memref_squeeze %dma_start3A_380 : memref<1x1x8x128xi32, #tpu.memory_space<hbm>> -> memref<8x128xi32, #tpu.memory_space<hbm>>
      %dma_start3A_382 = arith.constant 0 : i32
      %dma_start3A_383 = arith.constant 0 : i32
      %dma_start3A_384 = tpu.memref_slice %arg6[%run_scoped3A_13, %dma_start3A_382, %dma_start3A_383] : memref<25x8x128xi32, #tpu.memory_space<vmem>> -> memref<1x8x128xi32, #tpu.memory_space<vmem>>
      %dma_start3A_385 = tpu.memref_squeeze %dma_start3A_384 : memref<1x8x128xi32, #tpu.memory_space<vmem>> -> memref<8x128xi32, #tpu.memory_space<vmem>>
      %dma_start3A_386 = arith.constant 0 : i32
      %dma_start3A_387 = arith.constant 0 : i32
      %dma_start3A_388 = tpu.memref_slice %arg2[%run_scoped3A_12, %add3A, %dma_start3A_386, %dma_start3A_387] : memref<25x32x8x128xi32, #tpu.memory_space<hbm>> -> memref<1x1x8x128xi32, #tpu.memory_space<hbm>>
      %dma_start3A_389 = tpu.memref_squeeze %dma_start3A_388 : memref<1x1x8x128xi32, #tpu.memory_space<hbm>> -> memref<8x128xi32, #tpu.memory_space<hbm>>
      tpu.enqueue_dma source(%dma_start3A_389 : memref<8x128xi32, #tpu.memory_space<hbm>>) target(%dma_start3A_385 : memref<8x128xi32, #tpu.memory_space<vmem>>) target_semaphore(%run_scoped3A_373 : memref<!tpu.dma_semaphore, #tpu.memory_space<semaphore_mem>>)
      %dma_wait3A_390 = arith.constant 0 : i32
      %dma_wait3A_391 = arith.constant 0 : i32
      %dma_wait3A_392 = tpu.memref_slice %arg6[%run_scoped3A_13, %dma_wait3A_390, %dma_wait3A_391] : memref<25x8x128xi32, #tpu.memory_space<vmem>> -> memref<1x8x128xi32, #tpu.memory_space<vmem>>
      %dma_wait3A_393 = tpu.memref_squeeze %dma_wait3A_392 : memref<1x8x128xi32, #tpu.memory_space<vmem>> -> memref<8x128xi32, #tpu.memory_space<vmem>>
      %dma_wait3A_394 = arith.constant 0 : i32
      %dma_wait3A_395 = arith.constant 0 : i32
      %dma_wait3A_396 = tpu.memref_slice %arg2[%run_scoped3A_12, %add3A, %dma_wait3A_394, %dma_wait3A_395] : memref<25x32x8x128xi32, #tpu.memory_space<hbm>> -> memref<1x1x8x128xi32, #tpu.memory_space<hbm>>
      %dma_wait3A_397 = tpu.memref_squeeze %dma_wait3A_396 : memref<1x1x8x128xi32, #tpu.memory_space<hbm>> -> memref<8x128xi32, #tpu.memory_space<hbm>>
      %dma_wait3A_398 = arith.constant 0 : i32
      %dma_wait3A_399 = arith.constant 0 : i32
      %dma_wait3A_400 = tpu.memref_slice %arg6[%run_scoped3A_13, %dma_wait3A_398, %dma_wait3A_399] : memref<25x8x128xi32, #tpu.memory_space<vmem>> -> memref<1x8x128xi32, #tpu.memory_space<vmem>>
      %dma_wait3A_401 = tpu.memref_squeeze %dma_wait3A_400 : memref<1x8x128xi32, #tpu.memory_space<vmem>> -> memref<8x128xi32, #tpu.memory_space<vmem>>
      %dma_wait3A_402 = arith.constant 0 : i32
      %dma_wait3A_403 = arith.constant 0 : i32
      %dma_wait3A_404 = tpu.memref_slice %arg2[%run_scoped3A_12, %add3A, %dma_wait3A_402, %dma_wait3A_403] : memref<25x32x8x128xi32, #tpu.memory_space<hbm>> -> memref<1x1x8x128xi32, #tpu.memory_space<hbm>>
      %dma_wait3A_405 = tpu.memref_squeeze %dma_wait3A_404 : memref<1x1x8x128xi32, #tpu.memory_space<hbm>> -> memref<8x128xi32, #tpu.memory_space<hbm>>
      tpu.wait_dma2 semaphore(%run_scoped3A_373 : memref<!tpu.dma_semaphore, #tpu.memory_space<semaphore_mem>>) src(%dma_wait3A_405 : memref<8x128xi32, #tpu.memory_space<hbm>>) dst(%dma_wait3A_401 : memref<8x128xi32, #tpu.memory_space<vmem>>)
      tpu.yield
    }) : () -> ()
    %run_scoped3A_14 = arith.constant 7 : i32
    %run_scoped3A_15 = arith.constant 7 : i32
    "tpu.region"() ({
      %run_scoped3A_373 = tpu.sem_alloc : memref<!tpu.dma_semaphore, #tpu.memory_space<semaphore_mem>>
      %dma_start3A_374 = arith.constant 0 : i32
      %dma_start3A_375 = arith.constant 0 : i32
      %dma_start3A_376 = tpu.memref_slice %arg6[%run_scoped3A_15, %dma_start3A_374, %dma_start3A_375] : memref<25x8x128xi32, #tpu.memory_space<vmem>> -> memref<1x8x128xi32, #tpu.memory_space<vmem>>
      %dma_start3A_377 = tpu.memref_squeeze %dma_start3A_376 : memref<1x8x128xi32, #tpu.memory_space<vmem>> -> memref<8x128xi32, #tpu.memory_space<vmem>>
      %dma_start3A_378 = arith.constant 0 : i32
      %dma_start3A_379 = arith.constant 0 : i32
      %dma_start3A_380 = tpu.memref_slice %arg2[%run_scoped3A_14, %add3A, %dma_start3A_378, %dma_start3A_379] : memref<25x32x8x128xi32, #tpu.memory_space<hbm>> -> memref<1x1x8x128xi32, #tpu.memory_space<hbm>>
      %dma_start3A_381 = tpu.memref_squeeze %dma_start3A_380 : memref<1x1x8x128xi32, #tpu.memory_space<hbm>> -> memref<8x128xi32, #tpu.memory_space<hbm>>
      %dma_start3A_382 = arith.constant 0 : i32
      %dma_start3A_383 = arith.constant 0 : i32
      %dma_start3A_384 = tpu.memref_slice %arg6[%run_scoped3A_15, %dma_start3A_382, %dma_start3A_383] : memref<25x8x128xi32, #tpu.memory_space<vmem>> -> memref<1x8x128xi32, #tpu.memory_space<vmem>>
      %dma_start3A_385 = tpu.memref_squeeze %dma_start3A_384 : memref<1x8x128xi32, #tpu.memory_space<vmem>> -> memref<8x128xi32, #tpu.memory_space<vmem>>
      %dma_start3A_386 = arith.constant 0 : i32
      %dma_start3A_387 = arith.constant 0 : i32
      %dma_start3A_388 = tpu.memref_slice %arg2[%run_scoped3A_14, %add3A, %dma_start3A_386, %dma_start3A_387] : memref<25x32x8x128xi32, #tpu.memory_space<hbm>> -> memref<1x1x8x128xi32, #tpu.memory_space<hbm>>
      %dma_start3A_389 = tpu.memref_squeeze %dma_start3A_388 : memref<1x1x8x128xi32, #tpu.memory_space<hbm>> -> memref<8x128xi32, #tpu.memory_space<hbm>>
      tpu.enqueue_dma source(%dma_start3A_389 : memref<8x128xi32, #tpu.memory_space<hbm>>) target(%dma_start3A_385 : memref<8x128xi32, #tpu.memory_space<vmem>>) target_semaphore(%run_scoped3A_373 : memref<!tpu.dma_semaphore, #tpu.memory_space<semaphore_mem>>)
      %dma_wait3A_390 = arith.constant 0 : i32
      %dma_wait3A_391 = arith.constant 0 : i32
      %dma_wait3A_392 = tpu.memref_slice %arg6[%run_scoped3A_15, %dma_wait3A_390, %dma_wait3A_391] : memref<25x8x128xi32, #tpu.memory_space<vmem>> -> memref<1x8x128xi32, #tpu.memory_space<vmem>>
      %dma_wait3A_393 = tpu.memref_squeeze %dma_wait3A_392 : memref<1x8x128xi32, #tpu.memory_space<vmem>> -> memref<8x128xi32, #tpu.memory_space<vmem>>
      %dma_wait3A_394 = arith.constant 0 : i32
      %dma_wait3A_395 = arith.constant 0 : i32
      %dma_wait3A_396 = tpu.memref_slice %arg2[%run_scoped3A_14, %add3A, %dma_wait3A_394, %dma_wait3A_395] : memref<25x32x8x128xi32, #tpu.memory_space<hbm>> -> memref<1x1x8x128xi32, #tpu.memory_space<hbm>>
      %dma_wait3A_397 = tpu.memref_squeeze %dma_wait3A_396 : memref<1x1x8x128xi32, #tpu.memory_space<hbm>> -> memref<8x128xi32, #tpu.memory_space<hbm>>
      %dma_wait3A_398 = arith.constant 0 : i32
      %dma_wait3A_399 = arith.constant 0 : i32
      %dma_wait3A_400 = tpu.memref_slice %arg6[%run_scoped3A_15, %dma_wait3A_398, %dma_wait3A_399] : memref<25x8x128xi32, #tpu.memory_space<vmem>> -> memref<1x8x128xi32, #tpu.memory_space<vmem>>
      %dma_wait3A_401 = tpu.memref_squeeze %dma_wait3A_400 : memref<1x8x128xi32, #tpu.memory_space<vmem>> -> memref<8x128xi32, #tpu.memory_space<vmem>>
      %dma_wait3A_402 = arith.constant 0 : i32
      %dma_wait3A_403 = arith.constant 0 : i32
      %dma_wait3A_404 = tpu.memref_slice %arg2[%run_scoped3A_14, %add3A, %dma_wait3A_402, %dma_wait3A_403] : memref<25x32x8x128xi32, #tpu.memory_space<hbm>> -> memref<1x1x8x128xi32, #tpu.memory_space<hbm>>
      %dma_wait3A_405 = tpu.memref_squeeze %dma_wait3A_404 : memref<1x1x8x128xi32, #tpu.memory_space<hbm>> -> memref<8x128xi32, #tpu.memory_space<hbm>>
      tpu.wait_dma2 semaphore(%run_scoped3A_373 : memref<!tpu.dma_semaphore, #tpu.memory_space<semaphore_mem>>) src(%dma_wait3A_405 : memref<8x128xi32, #tpu.memory_space<hbm>>) dst(%dma_wait3A_401 : memref<8x128xi32, #tpu.memory_space<vmem>>)
      tpu.yield
    }) : () -> ()
    %run_scoped3A_16 = arith.constant 8 : i32
    %run_scoped3A_17 = arith.constant 8 : i32
    "tpu.region"() ({
      %run_scoped3A_373 = tpu.sem_alloc : memref<!tpu.dma_semaphore, #tpu.memory_space<semaphore_mem>>
      %dma_start3A_374 = arith.constant 0 : i32
      %dma_start3A_375 = arith.constant 0 : i32
      %dma_start3A_376 = tpu.memref_slice %arg6[%run_scoped3A_17, %dma_start3A_374, %dma_start3A_375] : memref<25x8x128xi32, #tpu.memory_space<vmem>> -> memref<1x8x128xi32, #tpu.memory_space<vmem>>
      %dma_start3A_377 = tpu.memref_squeeze %dma_start3A_376 : memref<1x8x128xi32, #tpu.memory_space<vmem>> -> memref<8x128xi32, #tpu.memory_space<vmem>>
      %dma_start3A_378 = arith.constant 0 : i32
      %dma_start3A_379 = arith.constant 0 : i32
      %dma_start3A_380 = tpu.memref_slice %arg2[%run_scoped3A_16, %add3A, %dma_start3A_378, %dma_start3A_379] : memref<25x32x8x128xi32, #tpu.memory_space<hbm>> -> memref<1x1x8x128xi32, #tpu.memory_space<hbm>>
      %dma_start3A_381 = tpu.memref_squeeze %dma_start3A_380 : memref<1x1x8x128xi32, #tpu.memory_space<hbm>> -> memref<8x128xi32, #tpu.memory_space<hbm>>
      %dma_start3A_382 = arith.constant 0 : i32
      %dma_start3A_383 = arith.constant 0 : i32
      %dma_start3A_384 = tpu.memref_slice %arg6[%run_scoped3A_17, %dma_start3A_382, %dma_start3A_383] : memref<25x8x128xi32, #tpu.memory_space<vmem>> -> memref<1x8x128xi32, #tpu.memory_space<vmem>>
      %dma_start3A_385 = tpu.memref_squeeze %dma_start3A_384 : memref<1x8x128xi32, #tpu.memory_space<vmem>> -> memref<8x128xi32, #tpu.memory_space<vmem>>
      %dma_start3A_386 = arith.constant 0 : i32
      %dma_start3A_387 = arith.constant 0 : i32
      %dma_start3A_388 = tpu.memref_slice %arg2[%run_scoped3A_16, %add3A, %dma_start3A_386, %dma_start3A_387] : memref<25x32x8x128xi32, #tpu.memory_space<hbm>> -> memref<1x1x8x128xi32, #tpu.memory_space<hbm>>
      %dma_start3A_389 = tpu.memref_squeeze %dma_start3A_388 : memref<1x1x8x128xi32, #tpu.memory_space<hbm>> -> memref<8x128xi32, #tpu.memory_space<hbm>>
      tpu.enqueue_dma source(%dma_start3A_389 : memref<8x128xi32, #tpu.memory_space<hbm>>) target(%dma_start3A_385 : memref<8x128xi32, #tpu.memory_space<vmem>>) target_semaphore(%run_scoped3A_373 : memref<!tpu.dma_semaphore, #tpu.memory_space<semaphore_mem>>)
      %dma_wait3A_390 = arith.constant 0 : i32
      %dma_wait3A_391 = arith.constant 0 : i32
      %dma_wait3A_392 = tpu.memref_slice %arg6[%run_scoped3A_17, %dma_wait3A_390, %dma_wait3A_391] : memref<25x8x128xi32, #tpu.memory_space<vmem>> -> memref<1x8x128xi32, #tpu.memory_space<vmem>>
      %dma_wait3A_393 = tpu.memref_squeeze %dma_wait3A_392 : memref<1x8x128xi32, #tpu.memory_space<vmem>> -> memref<8x128xi32, #tpu.memory_space<vmem>>
      %dma_wait3A_394 = arith.constant 0 : i32
      %dma_wait3A_395 = arith.constant 0 : i32
      %dma_wait3A_396 = tpu.memref_slice %arg2[%run_scoped3A_16, %add3A, %dma_wait3A_394, %dma_wait3A_395] : memref<25x32x8x128xi32, #tpu.memory_space<hbm>> -> memref<1x1x8x128xi32, #tpu.memory_space<hbm>>
      %dma_wait3A_397 = tpu.memref_squeeze %dma_wait3A_396 : memref<1x1x8x128xi32, #tpu.memory_space<hbm>> -> memref<8x128xi32, #tpu.memory_space<hbm>>
      %dma_wait3A_398 = arith.constant 0 : i32
      %dma_wait3A_399 = arith.constant 0 : i32
      %dma_wait3A_400 = tpu.memref_slice %arg6[%run_scoped3A_17, %dma_wait3A_398, %dma_wait3A_399] : memref<25x8x128xi32, #tpu.memory_space<vmem>> -> memref<1x8x128xi32, #tpu.memory_space<vmem>>
      %dma_wait3A_401 = tpu.memref_squeeze %dma_wait3A_400 : memref<1x8x128xi32, #tpu.memory_space<vmem>> -> memref<8x128xi32, #tpu.memory_space<vmem>>
      %dma_wait3A_402 = arith.constant 0 : i32
      %dma_wait3A_403 = arith.constant 0 : i32
      %dma_wait3A_404 = tpu.memref_slice %arg2[%run_scoped3A_16, %add3A, %dma_wait3A_402, %dma_wait3A_403] : memref<25x32x8x128xi32, #tpu.memory_space<hbm>> -> memref<1x1x8x128xi32, #tpu.memory_space<hbm>>
      %dma_wait3A_405 = tpu.memref_squeeze %dma_wait3A_404 : memref<1x1x8x128xi32, #tpu.memory_space<hbm>> -> memref<8x128xi32, #tpu.memory_space<hbm>>
      tpu.wait_dma2 semaphore(%run_scoped3A_373 : memref<!tpu.dma_semaphore, #tpu.memory_space<semaphore_mem>>) src(%dma_wait3A_405 : memref<8x128xi32, #tpu.memory_space<hbm>>) dst(%dma_wait3A_401 : memref<8x128xi32, #tpu.memory_space<vmem>>)
      tpu.yield
    }) : () -> ()
    %run_scoped3A_18 = arith.constant 9 : i32
    %run_scoped3A_19 = arith.constant 9 : i32
    "tpu.region"() ({
      %run_scoped3A_373 = tpu.sem_alloc : memref<!tpu.dma_semaphore, #tpu.memory_space<semaphore_mem>>
      %dma_start3A_374 = arith.constant 0 : i32
      %dma_start3A_375 = arith.constant 0 : i32
      %dma_start3A_376 = tpu.memref_slice %arg6[%run_scoped3A_19, %dma_start3A_374, %dma_start3A_375] : memref<25x8x128xi32, #tpu.memory_space<vmem>> -> memref<1x8x128xi32, #tpu.memory_space<vmem>>
      %dma_start3A_377 = tpu.memref_squeeze %dma_start3A_376 : memref<1x8x128xi32, #tpu.memory_space<vmem>> -> memref<8x128xi32, #tpu.memory_space<vmem>>
      %dma_start3A_378 = arith.constant 0 : i32
      %dma_start3A_379 = arith.constant 0 : i32
      %dma_start3A_380 = tpu.memref_slice %arg2[%run_scoped3A_18, %add3A, %dma_start3A_378, %dma_start3A_379] : memref<25x32x8x128xi32, #tpu.memory_space<hbm>> -> memref<1x1x8x128xi32, #tpu.memory_space<hbm>>
      %dma_start3A_381 = tpu.memref_squeeze %dma_start3A_380 : memref<1x1x8x128xi32, #tpu.memory_space<hbm>> -> memref<8x128xi32, #tpu.memory_space<hbm>>
      %dma_start3A_382 = arith.constant 0 : i32
      %dma_start3A_383 = arith.constant 0 : i32
      %dma_start3A_384 = tpu.memref_slice %arg6[%run_scoped3A_19, %dma_start3A_382, %dma_start3A_383] : memref<25x8x128xi32, #tpu.memory_space<vmem>> -> memref<1x8x128xi32, #tpu.memory_space<vmem>>
      %dma_start3A_385 = tpu.memref_squeeze %dma_start3A_384 : memref<1x8x128xi32, #tpu.memory_space<vmem>> -> memref<8x128xi32, #tpu.memory_space<vmem>>
      %dma_start3A_386 = arith.constant 0 : i32
      %dma_start3A_387 = arith.constant 0 : i32
      %dma_start3A_388 = tpu.memref_slice %arg2[%run_scoped3A_18, %add3A, %dma_start3A_386, %dma_start3A_387] : memref<25x32x8x128xi32, #tpu.memory_space<hbm>> -> memref<1x1x8x128xi32, #tpu.memory_space<hbm>>
      %dma_start3A_389 = tpu.memref_squeeze %dma_start3A_388 : memref<1x1x8x128xi32, #tpu.memory_space<hbm>> -> memref<8x128xi32, #tpu.memory_space<hbm>>
      tpu.enqueue_dma source(%dma_start3A_389 : memref<8x128xi32, #tpu.memory_space<hbm>>) target(%dma_start3A_385 : memref<8x128xi32, #tpu.memory_space<vmem>>) target_semaphore(%run_scoped3A_373 : memref<!tpu.dma_semaphore, #tpu.memory_space<semaphore_mem>>)
      %dma_wait3A_390 = arith.constant 0 : i32
      %dma_wait3A_391 = arith.constant 0 : i32
      %dma_wait3A_392 = tpu.memref_slice %arg6[%run_scoped3A_19, %dma_wait3A_390, %dma_wait3A_391] : memref<25x8x128xi32, #tpu.memory_space<vmem>> -> memref<1x8x128xi32, #tpu.memory_space<vmem>>
      %dma_wait3A_393 = tpu.memref_squeeze %dma_wait3A_392 : memref<1x8x128xi32, #tpu.memory_space<vmem>> -> memref<8x128xi32, #tpu.memory_space<vmem>>
      %dma_wait3A_394 = arith.constant 0 : i32
      %dma_wait3A_395 = arith.constant 0 : i32
      %dma_wait3A_396 = tpu.memref_slice %arg2[%run_scoped3A_18, %add3A, %dma_wait3A_394, %dma_wait3A_395] : memref<25x32x8x128xi32, #tpu.memory_space<hbm>> -> memref<1x1x8x128xi32, #tpu.memory_space<hbm>>
      %dma_wait3A_397 = tpu.memref_squeeze %dma_wait3A_396 : memref<1x1x8x128xi32, #tpu.memory_space<hbm>> -> memref<8x128xi32, #tpu.memory_space<hbm>>
      %dma_wait3A_398 = arith.constant 0 : i32
      %dma_wait3A_399 = arith.constant 0 : i32
      %dma_wait3A_400 = tpu.memref_slice %arg6[%run_scoped3A_19, %dma_wait3A_398, %dma_wait3A_399] : memref<25x8x128xi32, #tpu.memory_space<vmem>> -> memref<1x8x128xi32, #tpu.memory_space<vmem>>
      %dma_wait3A_401 = tpu.memref_squeeze %dma_wait3A_400 : memref<1x8x128xi32, #tpu.memory_space<vmem>> -> memref<8x128xi32, #tpu.memory_space<vmem>>
      %dma_wait3A_402 = arith.constant 0 : i32
      %dma_wait3A_403 = arith.constant 0 : i32
      %dma_wait3A_404 = tpu.memref_slice %arg2[%run_scoped3A_18, %add3A, %dma_wait3A_402, %dma_wait3A_403] : memref<25x32x8x128xi32, #tpu.memory_space<hbm>> -> memref<1x1x8x128xi32, #tpu.memory_space<hbm>>
      %dma_wait3A_405 = tpu.memref_squeeze %dma_wait3A_404 : memref<1x1x8x128xi32, #tpu.memory_space<hbm>> -> memref<8x128xi32, #tpu.memory_space<hbm>>
      tpu.wait_dma2 semaphore(%run_scoped3A_373 : memref<!tpu.dma_semaphore, #tpu.memory_space<semaphore_mem>>) src(%dma_wait3A_405 : memref<8x128xi32, #tpu.memory_space<hbm>>) dst(%dma_wait3A_401 : memref<8x128xi32, #tpu.memory_space<vmem>>)
      tpu.yield
    }) : () -> ()
    %run_scoped3A_20 = arith.constant 10 : i32
    %run_scoped3A_21 = arith.constant 10 : i32
    "tpu.region"() ({
      %run_scoped3A_373 = tpu.sem_alloc : memref<!tpu.dma_semaphore, #tpu.memory_space<semaphore_mem>>
      %dma_start3A_374 = arith.constant 0 : i32
      %dma_start3A_375 = arith.constant 0 : i32
      %dma_start3A_376 = tpu.memref_slice %arg6[%run_scoped3A_21, %dma_start3A_374, %dma_start3A_375] : memref<25x8x128xi32, #tpu.memory_space<vmem>> -> memref<1x8x128xi32, #tpu.memory_space<vmem>>
      %dma_start3A_377 = tpu.memref_squeeze %dma_start3A_376 : memref<1x8x128xi32, #tpu.memory_space<vmem>> -> memref<8x128xi32, #tpu.memory_space<vmem>>
      %dma_start3A_378 = arith.constant 0 : i32
      %dma_start3A_379 = arith.constant 0 : i32
      %dma_start3A_380 = tpu.memref_slice %arg2[%run_scoped3A_20, %add3A, %dma_start3A_378, %dma_start3A_379] : memref<25x32x8x128xi32, #tpu.memory_space<hbm>> -> memref<1x1x8x128xi32, #tpu.memory_space<hbm>>
      %dma_start3A_381 = tpu.memref_squeeze %dma_start3A_380 : memref<1x1x8x128xi32, #tpu.memory_space<hbm>> -> memref<8x128xi32, #tpu.memory_space<hbm>>
      %dma_start3A_382 = arith.constant 0 : i32
      %dma_start3A_383 = arith.constant 0 : i32
      %dma_start3A_384 = tpu.memref_slice %arg6[%run_scoped3A_21, %dma_start3A_382, %dma_start3A_383] : memref<25x8x128xi32, #tpu.memory_space<vmem>> -> memref<1x8x128xi32, #tpu.memory_space<vmem>>
      %dma_start3A_385 = tpu.memref_squeeze %dma_start3A_384 : memref<1x8x128xi32, #tpu.memory_space<vmem>> -> memref<8x128xi32, #tpu.memory_space<vmem>>
      %dma_start3A_386 = arith.constant 0 : i32
      %dma_start3A_387 = arith.constant 0 : i32
      %dma_start3A_388 = tpu.memref_slice %arg2[%run_scoped3A_20, %add3A, %dma_start3A_386, %dma_start3A_387] : memref<25x32x8x128xi32, #tpu.memory_space<hbm>> -> memref<1x1x8x128xi32, #tpu.memory_space<hbm>>
      %dma_start3A_389 = tpu.memref_squeeze %dma_start3A_388 : memref<1x1x8x128xi32, #tpu.memory_space<hbm>> -> memref<8x128xi32, #tpu.memory_space<hbm>>
      tpu.enqueue_dma source(%dma_start3A_389 : memref<8x128xi32, #tpu.memory_space<hbm>>) target(%dma_start3A_385 : memref<8x128xi32, #tpu.memory_space<vmem>>) target_semaphore(%run_scoped3A_373 : memref<!tpu.dma_semaphore, #tpu.memory_space<semaphore_mem>>)
      %dma_wait3A_390 = arith.constant 0 : i32
      %dma_wait3A_391 = arith.constant 0 : i32
      %dma_wait3A_392 = tpu.memref_slice %arg6[%run_scoped3A_21, %dma_wait3A_390, %dma_wait3A_391] : memref<25x8x128xi32, #tpu.memory_space<vmem>> -> memref<1x8x128xi32, #tpu.memory_space<vmem>>
      %dma_wait3A_393 = tpu.memref_squeeze %dma_wait3A_392 : memref<1x8x128xi32, #tpu.memory_space<vmem>> -> memref<8x128xi32, #tpu.memory_space<vmem>>
      %dma_wait3A_394 = arith.constant 0 : i32
      %dma_wait3A_395 = arith.constant 0 : i32
      %dma_wait3A_396 = tpu.memref_slice %arg2[%run_scoped3A_20, %add3A, %dma_wait3A_394, %dma_wait3A_395] : memref<25x32x8x128xi32, #tpu.memory_space<hbm>> -> memref<1x1x8x128xi32, #tpu.memory_space<hbm>>
      %dma_wait3A_397 = tpu.memref_squeeze %dma_wait3A_396 : memref<1x1x8x128xi32, #tpu.memory_space<hbm>> -> memref<8x128xi32, #tpu.memory_space<hbm>>
      %dma_wait3A_398 = arith.constant 0 : i32
      %dma_wait3A_399 = arith.constant 0 : i32
      %dma_wait3A_400 = tpu.memref_slice %arg6[%run_scoped3A_21, %dma_wait3A_398, %dma_wait3A_399] : memref<25x8x128xi32, #tpu.memory_space<vmem>> -> memref<1x8x128xi32, #tpu.memory_space<vmem>>
      %dma_wait3A_401 = tpu.memref_squeeze %dma_wait3A_400 : memref<1x8x128xi32, #tpu.memory_space<vmem>> -> memref<8x128xi32, #tpu.memory_space<vmem>>
      %dma_wait3A_402 = arith.constant 0 : i32
      %dma_wait3A_403 = arith.constant 0 : i32
      %dma_wait3A_404 = tpu.memref_slice %arg2[%run_scoped3A_20, %add3A, %dma_wait3A_402, %dma_wait3A_403] : memref<25x32x8x128xi32, #tpu.memory_space<hbm>> -> memref<1x1x8x128xi32, #tpu.memory_space<hbm>>
      %dma_wait3A_405 = tpu.memref_squeeze %dma_wait3A_404 : memref<1x1x8x128xi32, #tpu.memory_space<hbm>> -> memref<8x128xi32, #tpu.memory_space<hbm>>
      tpu.wait_dma2 semaphore(%run_scoped3A_373 : memref<!tpu.dma_semaphore, #tpu.memory_space<semaphore_mem>>) src(%dma_wait3A_405 : memref<8x128xi32, #tpu.memory_space<hbm>>) dst(%dma_wait3A_401 : memref<8x128xi32, #tpu.memory_space<vmem>>)
      tpu.yield
    }) : () -> ()
    %run_scoped3A_22 = arith.constant 11 : i32
    %run_scoped3A_23 = arith.constant 11 : i32
    "tpu.region"() ({
      %run_scoped3A_373 = tpu.sem_alloc : memref<!tpu.dma_semaphore, #tpu.memory_space<semaphore_mem>>
      %dma_start3A_374 = arith.constant 0 : i32
      %dma_start3A_375 = arith.constant 0 : i32
      %dma_start3A_376 = tpu.memref_slice %arg6[%run_scoped3A_23, %dma_start3A_374, %dma_start3A_375] : memref<25x8x128xi32, #tpu.memory_space<vmem>> -> memref<1x8x128xi32, #tpu.memory_space<vmem>>
      %dma_start3A_377 = tpu.memref_squeeze %dma_start3A_376 : memref<1x8x128xi32, #tpu.memory_space<vmem>> -> memref<8x128xi32, #tpu.memory_space<vmem>>
      %dma_start3A_378 = arith.constant 0 : i32
      %dma_start3A_379 = arith.constant 0 : i32
      %dma_start3A_380 = tpu.memref_slice %arg2[%run_scoped3A_22, %add3A, %dma_start3A_378, %dma_start3A_379] : memref<25x32x8x128xi32, #tpu.memory_space<hbm>> -> memref<1x1x8x128xi32, #tpu.memory_space<hbm>>
      %dma_start3A_381 = tpu.memref_squeeze %dma_start3A_380 : memref<1x1x8x128xi32, #tpu.memory_space<hbm>> -> memref<8x128xi32, #tpu.memory_space<hbm>>
      %dma_start3A_382 = arith.constant 0 : i32
      %dma_start3A_383 = arith.constant 0 : i32
      %dma_start3A_384 = tpu.memref_slice %arg6[%run_scoped3A_23, %dma_start3A_382, %dma_start3A_383] : memref<25x8x128xi32, #tpu.memory_space<vmem>> -> memref<1x8x128xi32, #tpu.memory_space<vmem>>
      %dma_start3A_385 = tpu.memref_squeeze %dma_start3A_384 : memref<1x8x128xi32, #tpu.memory_space<vmem>> -> memref<8x128xi32, #tpu.memory_space<vmem>>
      %dma_start3A_386 = arith.constant 0 : i32
      %dma_start3A_387 = arith.constant 0 : i32
      %dma_start3A_388 = tpu.memref_slice %arg2[%run_scoped3A_22, %add3A, %dma_start3A_386, %dma_start3A_387] : memref<25x32x8x128xi32, #tpu.memory_space<hbm>> -> memref<1x1x8x128xi32, #tpu.memory_space<hbm>>
      %dma_start3A_389 = tpu.memref_squeeze %dma_start3A_388 : memref<1x1x8x128xi32, #tpu.memory_space<hbm>> -> memref<8x128xi32, #tpu.memory_space<hbm>>
      tpu.enqueue_dma source(%dma_start3A_389 : memref<8x128xi32, #tpu.memory_space<hbm>>) target(%dma_start3A_385 : memref<8x128xi32, #tpu.memory_space<vmem>>) target_semaphore(%run_scoped3A_373 : memref<!tpu.dma_semaphore, #tpu.memory_space<semaphore_mem>>)
      %dma_wait3A_390 = arith.constant 0 : i32
      %dma_wait3A_391 = arith.constant 0 : i32
      %dma_wait3A_392 = tpu.memref_slice %arg6[%run_scoped3A_23, %dma_wait3A_390, %dma_wait3A_391] : memref<25x8x128xi32, #tpu.memory_space<vmem>> -> memref<1x8x128xi32, #tpu.memory_space<vmem>>
      %dma_wait3A_393 = tpu.memref_squeeze %dma_wait3A_392 : memref<1x8x128xi32, #tpu.memory_space<vmem>> -> memref<8x128xi32, #tpu.memory_space<vmem>>
      %dma_wait3A_394 = arith.constant 0 : i32
      %dma_wait3A_395 = arith.constant 0 : i32
      %dma_wait3A_396 = tpu.memref_slice %arg2[%run_scoped3A_22, %add3A, %dma_wait3A_394, %dma_wait3A_395] : memref<25x32x8x128xi32, #tpu.memory_space<hbm>> -> memref<1x1x8x128xi32, #tpu.memory_space<hbm>>
      %dma_wait3A_397 = tpu.memref_squeeze %dma_wait3A_396 : memref<1x1x8x128xi32, #tpu.memory_space<hbm>> -> memref<8x128xi32, #tpu.memory_space<hbm>>
      %dma_wait3A_398 = arith.constant 0 : i32
      %dma_wait3A_399 = arith.constant 0 : i32
      %dma_wait3A_400 = tpu.memref_slice %arg6[%run_scoped3A_23, %dma_wait3A_398, %dma_wait3A_399] : memref<25x8x128xi32, #tpu.memory_space<vmem>> -> memref<1x8x128xi32, #tpu.memory_space<vmem>>
      %dma_wait3A_401 = tpu.memref_squeeze %dma_wait3A_400 : memref<1x8x128xi32, #tpu.memory_space<vmem>> -> memref<8x128xi32, #tpu.memory_space<vmem>>
      %dma_wait3A_402 = arith.constant 0 : i32
      %dma_wait3A_403 = arith.constant 0 : i32
      %dma_wait3A_404 = tpu.memref_slice %arg2[%run_scoped3A_22, %add3A, %dma_wait3A_402, %dma_wait3A_403] : memref<25x32x8x128xi32, #tpu.memory_space<hbm>> -> memref<1x1x8x128xi32, #tpu.memory_space<hbm>>
      %dma_wait3A_405 = tpu.memref_squeeze %dma_wait3A_404 : memref<1x1x8x128xi32, #tpu.memory_space<hbm>> -> memref<8x128xi32, #tpu.memory_space<hbm>>
      tpu.wait_dma2 semaphore(%run_scoped3A_373 : memref<!tpu.dma_semaphore, #tpu.memory_space<semaphore_mem>>) src(%dma_wait3A_405 : memref<8x128xi32, #tpu.memory_space<hbm>>) dst(%dma_wait3A_401 : memref<8x128xi32, #tpu.memory_space<vmem>>)
      tpu.yield
    }) : () -> ()
    %run_scoped3A_24 = arith.constant 12 : i32
    %run_scoped3A_25 = arith.constant 12 : i32
    "tpu.region"() ({
      %run_scoped3A_373 = tpu.sem_alloc : memref<!tpu.dma_semaphore, #tpu.memory_space<semaphore_mem>>
      %dma_start3A_374 = arith.constant 0 : i32
      %dma_start3A_375 = arith.constant 0 : i32
      %dma_start3A_376 = tpu.memref_slice %arg6[%run_scoped3A_25, %dma_start3A_374, %dma_start3A_375] : memref<25x8x128xi32, #tpu.memory_space<vmem>> -> memref<1x8x128xi32, #tpu.memory_space<vmem>>
      %dma_start3A_377 = tpu.memref_squeeze %dma_start3A_376 : memref<1x8x128xi32, #tpu.memory_space<vmem>> -> memref<8x128xi32, #tpu.memory_space<vmem>>
      %dma_start3A_378 = arith.constant 0 : i32
      %dma_start3A_379 = arith.constant 0 : i32
      %dma_start3A_380 = tpu.memref_slice %arg2[%run_scoped3A_24, %add3A, %dma_start3A_378, %dma_start3A_379] : memref<25x32x8x128xi32, #tpu.memory_space<hbm>> -> memref<1x1x8x128xi32, #tpu.memory_space<hbm>>
      %dma_start3A_381 = tpu.memref_squeeze %dma_start3A_380 : memref<1x1x8x128xi32, #tpu.memory_space<hbm>> -> memref<8x128xi32, #tpu.memory_space<hbm>>
      %dma_start3A_382 = arith.constant 0 : i32
      %dma_start3A_383 = arith.constant 0 : i32
      %dma_start3A_384 = tpu.memref_slice %arg6[%run_scoped3A_25, %dma_start3A_382, %dma_start3A_383] : memref<25x8x128xi32, #tpu.memory_space<vmem>> -> memref<1x8x128xi32, #tpu.memory_space<vmem>>
      %dma_start3A_385 = tpu.memref_squeeze %dma_start3A_384 : memref<1x8x128xi32, #tpu.memory_space<vmem>> -> memref<8x128xi32, #tpu.memory_space<vmem>>
      %dma_start3A_386 = arith.constant 0 : i32
      %dma_start3A_387 = arith.constant 0 : i32
      %dma_start3A_388 = tpu.memref_slice %arg2[%run_scoped3A_24, %add3A, %dma_start3A_386, %dma_start3A_387] : memref<25x32x8x128xi32, #tpu.memory_space<hbm>> -> memref<1x1x8x128xi32, #tpu.memory_space<hbm>>
      %dma_start3A_389 = tpu.memref_squeeze %dma_start3A_388 : memref<1x1x8x128xi32, #tpu.memory_space<hbm>> -> memref<8x128xi32, #tpu.memory_space<hbm>>
      tpu.enqueue_dma source(%dma_start3A_389 : memref<8x128xi32, #tpu.memory_space<hbm>>) target(%dma_start3A_385 : memref<8x128xi32, #tpu.memory_space<vmem>>) target_semaphore(%run_scoped3A_373 : memref<!tpu.dma_semaphore, #tpu.memory_space<semaphore_mem>>)
      %dma_wait3A_390 = arith.constant 0 : i32
      %dma_wait3A_391 = arith.constant 0 : i32
      %dma_wait3A_392 = tpu.memref_slice %arg6[%run_scoped3A_25, %dma_wait3A_390, %dma_wait3A_391] : memref<25x8x128xi32, #tpu.memory_space<vmem>> -> memref<1x8x128xi32, #tpu.memory_space<vmem>>
      %dma_wait3A_393 = tpu.memref_squeeze %dma_wait3A_392 : memref<1x8x128xi32, #tpu.memory_space<vmem>> -> memref<8x128xi32, #tpu.memory_space<vmem>>
      %dma_wait3A_394 = arith.constant 0 : i32
      %dma_wait3A_395 = arith.constant 0 : i32
      %dma_wait3A_396 = tpu.memref_slice %arg2[%run_scoped3A_24, %add3A, %dma_wait3A_394, %dma_wait3A_395] : memref<25x32x8x128xi32, #tpu.memory_space<hbm>> -> memref<1x1x8x128xi32, #tpu.memory_space<hbm>>
      %dma_wait3A_397 = tpu.memref_squeeze %dma_wait3A_396 : memref<1x1x8x128xi32, #tpu.memory_space<hbm>> -> memref<8x128xi32, #tpu.memory_space<hbm>>
      %dma_wait3A_398 = arith.constant 0 : i32
      %dma_wait3A_399 = arith.constant 0 : i32
      %dma_wait3A_400 = tpu.memref_slice %arg6[%run_scoped3A_25, %dma_wait3A_398, %dma_wait3A_399] : memref<25x8x128xi32, #tpu.memory_space<vmem>> -> memref<1x8x128xi32, #tpu.memory_space<vmem>>
      %dma_wait3A_401 = tpu.memref_squeeze %dma_wait3A_400 : memref<1x8x128xi32, #tpu.memory_space<vmem>> -> memref<8x128xi32, #tpu.memory_space<vmem>>
      %dma_wait3A_402 = arith.constant 0 : i32
      %dma_wait3A_403 = arith.constant 0 : i32
      %dma_wait3A_404 = tpu.memref_slice %arg2[%run_scoped3A_24, %add3A, %dma_wait3A_402, %dma_wait3A_403] : memref<25x32x8x128xi32, #tpu.memory_space<hbm>> -> memref<1x1x8x128xi32, #tpu.memory_space<hbm>>
      %dma_wait3A_405 = tpu.memref_squeeze %dma_wait3A_404 : memref<1x1x8x128xi32, #tpu.memory_space<hbm>> -> memref<8x128xi32, #tpu.memory_space<hbm>>
      tpu.wait_dma2 semaphore(%run_scoped3A_373 : memref<!tpu.dma_semaphore, #tpu.memory_space<semaphore_mem>>) src(%dma_wait3A_405 : memref<8x128xi32, #tpu.memory_space<hbm>>) dst(%dma_wait3A_401 : memref<8x128xi32, #tpu.memory_space<vmem>>)
      tpu.yield
    }) : () -> ()
    %run_scoped3A_26 = arith.constant 13 : i32
    %run_scoped3A_27 = arith.constant 13 : i32
    "tpu.region"() ({
      %run_scoped3A_373 = tpu.sem_alloc : memref<!tpu.dma_semaphore, #tpu.memory_space<semaphore_mem>>
      %dma_start3A_374 = arith.constant 0 : i32
      %dma_start3A_375 = arith.constant 0 : i32
      %dma_start3A_376 = tpu.memref_slice %arg6[%run_scoped3A_27, %dma_start3A_374, %dma_start3A_375] : memref<25x8x128xi32, #tpu.memory_space<vmem>> -> memref<1x8x128xi32, #tpu.memory_space<vmem>>
      %dma_start3A_377 = tpu.memref_squeeze %dma_start3A_376 : memref<1x8x128xi32, #tpu.memory_space<vmem>> -> memref<8x128xi32, #tpu.memory_space<vmem>>
      %dma_start3A_378 = arith.constant 0 : i32
      %dma_start3A_379 = arith.constant 0 : i32
      %dma_start3A_380 = tpu.memref_slice %arg2[%run_scoped3A_26, %add3A, %dma_start3A_378, %dma_start3A_379] : memref<25x32x8x128xi32, #tpu.memory_space<hbm>> -> memref<1x1x8x128xi32, #tpu.memory_space<hbm>>
      %dma_start3A_381 = tpu.memref_squeeze %dma_start3A_380 : memref<1x1x8x128xi32, #tpu.memory_space<hbm>> -> memref<8x128xi32, #tpu.memory_space<hbm>>
      %dma_start3A_382 = arith.constant 0 : i32
      %dma_start3A_383 = arith.constant 0 : i32
      %dma_start3A_384 = tpu.memref_slice %arg6[%run_scoped3A_27, %dma_start3A_382, %dma_start3A_383] : memref<25x8x128xi32, #tpu.memory_space<vmem>> -> memref<1x8x128xi32, #tpu.memory_space<vmem>>
      %dma_start3A_385 = tpu.memref_squeeze %dma_start3A_384 : memref<1x8x128xi32, #tpu.memory_space<vmem>> -> memref<8x128xi32, #tpu.memory_space<vmem>>
      %dma_start3A_386 = arith.constant 0 : i32
      %dma_start3A_387 = arith.constant 0 : i32
      %dma_start3A_388 = tpu.memref_slice %arg2[%run_scoped3A_26, %add3A, %dma_start3A_386, %dma_start3A_387] : memref<25x32x8x128xi32, #tpu.memory_space<hbm>> -> memref<1x1x8x128xi32, #tpu.memory_space<hbm>>
      %dma_start3A_389 = tpu.memref_squeeze %dma_start3A_388 : memref<1x1x8x128xi32, #tpu.memory_space<hbm>> -> memref<8x128xi32, #tpu.memory_space<hbm>>
      tpu.enqueue_dma source(%dma_start3A_389 : memref<8x128xi32, #tpu.memory_space<hbm>>) target(%dma_start3A_385 : memref<8x128xi32, #tpu.memory_space<vmem>>) target_semaphore(%run_scoped3A_373 : memref<!tpu.dma_semaphore, #tpu.memory_space<semaphore_mem>>)
      %dma_wait3A_390 = arith.constant 0 : i32
      %dma_wait3A_391 = arith.constant 0 : i32
      %dma_wait3A_392 = tpu.memref_slice %arg6[%run_scoped3A_27, %dma_wait3A_390, %dma_wait3A_391] : memref<25x8x128xi32, #tpu.memory_space<vmem>> -> memref<1x8x128xi32, #tpu.memory_space<vmem>>
      %dma_wait3A_393 = tpu.memref_squeeze %dma_wait3A_392 : memref<1x8x128xi32, #tpu.memory_space<vmem>> -> memref<8x128xi32, #tpu.memory_space<vmem>>
      %dma_wait3A_394 = arith.constant 0 : i32
      %dma_wait3A_395 = arith.constant 0 : i32
      %dma_wait3A_396 = tpu.memref_slice %arg2[%run_scoped3A_26, %add3A, %dma_wait3A_394, %dma_wait3A_395] : memref<25x32x8x128xi32, #tpu.memory_space<hbm>> -> memref<1x1x8x128xi32, #tpu.memory_space<hbm>>
      %dma_wait3A_397 = tpu.memref_squeeze %dma_wait3A_396 : memref<1x1x8x128xi32, #tpu.memory_space<hbm>> -> memref<8x128xi32, #tpu.memory_space<hbm>>
      %dma_wait3A_398 = arith.constant 0 : i32
      %dma_wait3A_399 = arith.constant 0 : i32
      %dma_wait3A_400 = tpu.memref_slice %arg6[%run_scoped3A_27, %dma_wait3A_398, %dma_wait3A_399] : memref<25x8x128xi32, #tpu.memory_space<vmem>> -> memref<1x8x128xi32, #tpu.memory_space<vmem>>
      %dma_wait3A_401 = tpu.memref_squeeze %dma_wait3A_400 : memref<1x8x128xi32, #tpu.memory_space<vmem>> -> memref<8x128xi32, #tpu.memory_space<vmem>>
      %dma_wait3A_402 = arith.constant 0 : i32
      %dma_wait3A_403 = arith.constant 0 : i32
      %dma_wait3A_404 = tpu.memref_slice %arg2[%run_scoped3A_26, %add3A, %dma_wait3A_402, %dma_wait3A_403] : memref<25x32x8x128xi32, #tpu.memory_space<hbm>> -> memref<1x1x8x128xi32, #tpu.memory_space<hbm>>
      %dma_wait3A_405 = tpu.memref_squeeze %dma_wait3A_404 : memref<1x1x8x128xi32, #tpu.memory_space<hbm>> -> memref<8x128xi32, #tpu.memory_space<hbm>>
      tpu.wait_dma2 semaphore(%run_scoped3A_373 : memref<!tpu.dma_semaphore, #tpu.memory_space<semaphore_mem>>) src(%dma_wait3A_405 : memref<8x128xi32, #tpu.memory_space<hbm>>) dst(%dma_wait3A_401 : memref<8x128xi32, #tpu.memory_space<vmem>>)
      tpu.yield
    }) : () -> ()
    %run_scoped3A_28 = arith.constant 14 : i32
    %run_scoped3A_29 = arith.constant 14 : i32
    "tpu.region"() ({
      %run_scoped3A_373 = tpu.sem_alloc : memref<!tpu.dma_semaphore, #tpu.memory_space<semaphore_mem>>
      %dma_start3A_374 = arith.constant 0 : i32
      %dma_start3A_375 = arith.constant 0 : i32
      %dma_start3A_376 = tpu.memref_slice %arg6[%run_scoped3A_29, %dma_start3A_374, %dma_start3A_375] : memref<25x8x128xi32, #tpu.memory_space<vmem>> -> memref<1x8x128xi32, #tpu.memory_space<vmem>>
      %dma_start3A_377 = tpu.memref_squeeze %dma_start3A_376 : memref<1x8x128xi32, #tpu.memory_space<vmem>> -> memref<8x128xi32, #tpu.memory_space<vmem>>
      %dma_start3A_378 = arith.constant 0 : i32
      %dma_start3A_379 = arith.constant 0 : i32
      %dma_start3A_380 = tpu.memref_slice %arg2[%run_scoped3A_28, %add3A, %dma_start3A_378, %dma_start3A_379] : memref<25x32x8x128xi32, #tpu.memory_space<hbm>> -> memref<1x1x8x128xi32, #tpu.memory_space<hbm>>
      %dma_start3A_381 = tpu.memref_squeeze %dma_start3A_380 : memref<1x1x8x128xi32, #tpu.memory_space<hbm>> -> memref<8x128xi32, #tpu.memory_space<hbm>>
      %dma_start3A_382 = arith.constant 0 : i32
      %dma_start3A_383 = arith.constant 0 : i32
      %dma_start3A_384 = tpu.memref_slice %arg6[%run_scoped3A_29, %dma_start3A_382, %dma_start3A_383] : memref<25x8x128xi32, #tpu.memory_space<vmem>> -> memref<1x8x128xi32, #tpu.memory_space<vmem>>
      %dma_start3A_385 = tpu.memref_squeeze %dma_start3A_384 : memref<1x8x128xi32, #tpu.memory_space<vmem>> -> memref<8x128xi32, #tpu.memory_space<vmem>>
      %dma_start3A_386 = arith.constant 0 : i32
      %dma_start3A_387 = arith.constant 0 : i32
      %dma_start3A_388 = tpu.memref_slice %arg2[%run_scoped3A_28, %add3A, %dma_start3A_386, %dma_start3A_387] : memref<25x32x8x128xi32, #tpu.memory_space<hbm>> -> memref<1x1x8x128xi32, #tpu.memory_space<hbm>>
      %dma_start3A_389 = tpu.memref_squeeze %dma_start3A_388 : memref<1x1x8x128xi32, #tpu.memory_space<hbm>> -> memref<8x128xi32, #tpu.memory_space<hbm>>
      tpu.enqueue_dma source(%dma_start3A_389 : memref<8x128xi32, #tpu.memory_space<hbm>>) target(%dma_start3A_385 : memref<8x128xi32, #tpu.memory_space<vmem>>) target_semaphore(%run_scoped3A_373 : memref<!tpu.dma_semaphore, #tpu.memory_space<semaphore_mem>>)
      %dma_wait3A_390 = arith.constant 0 : i32
      %dma_wait3A_391 = arith.constant 0 : i32
      %dma_wait3A_392 = tpu.memref_slice %arg6[%run_scoped3A_29, %dma_wait3A_390, %dma_wait3A_391] : memref<25x8x128xi32, #tpu.memory_space<vmem>> -> memref<1x8x128xi32, #tpu.memory_space<vmem>>
      %dma_wait3A_393 = tpu.memref_squeeze %dma_wait3A_392 : memref<1x8x128xi32, #tpu.memory_space<vmem>> -> memref<8x128xi32, #tpu.memory_space<vmem>>
      %dma_wait3A_394 = arith.constant 0 : i32
      %dma_wait3A_395 = arith.constant 0 : i32
      %dma_wait3A_396 = tpu.memref_slice %arg2[%run_scoped3A_28, %add3A, %dma_wait3A_394, %dma_wait3A_395] : memref<25x32x8x128xi32, #tpu.memory_space<hbm>> -> memref<1x1x8x128xi32, #tpu.memory_space<hbm>>
      %dma_wait3A_397 = tpu.memref_squeeze %dma_wait3A_396 : memref<1x1x8x128xi32, #tpu.memory_space<hbm>> -> memref<8x128xi32, #tpu.memory_space<hbm>>
      %dma_wait3A_398 = arith.constant 0 : i32
      %dma_wait3A_399 = arith.constant 0 : i32
      %dma_wait3A_400 = tpu.memref_slice %arg6[%run_scoped3A_29, %dma_wait3A_398, %dma_wait3A_399] : memref<25x8x128xi32, #tpu.memory_space<vmem>> -> memref<1x8x128xi32, #tpu.memory_space<vmem>>
      %dma_wait3A_401 = tpu.memref_squeeze %dma_wait3A_400 : memref<1x8x128xi32, #tpu.memory_space<vmem>> -> memref<8x128xi32, #tpu.memory_space<vmem>>
      %dma_wait3A_402 = arith.constant 0 : i32
      %dma_wait3A_403 = arith.constant 0 : i32
      %dma_wait3A_404 = tpu.memref_slice %arg2[%run_scoped3A_28, %add3A, %dma_wait3A_402, %dma_wait3A_403] : memref<25x32x8x128xi32, #tpu.memory_space<hbm>> -> memref<1x1x8x128xi32, #tpu.memory_space<hbm>>
      %dma_wait3A_405 = tpu.memref_squeeze %dma_wait3A_404 : memref<1x1x8x128xi32, #tpu.memory_space<hbm>> -> memref<8x128xi32, #tpu.memory_space<hbm>>
      tpu.wait_dma2 semaphore(%run_scoped3A_373 : memref<!tpu.dma_semaphore, #tpu.memory_space<semaphore_mem>>) src(%dma_wait3A_405 : memref<8x128xi32, #tpu.memory_space<hbm>>) dst(%dma_wait3A_401 : memref<8x128xi32, #tpu.memory_space<vmem>>)
      tpu.yield
    }) : () -> ()
    %run_scoped3A_30 = arith.constant 15 : i32
    %run_scoped3A_31 = arith.constant 15 : i32
    "tpu.region"() ({
      %run_scoped3A_373 = tpu.sem_alloc : memref<!tpu.dma_semaphore, #tpu.memory_space<semaphore_mem>>
      %dma_start3A_374 = arith.constant 0 : i32
      %dma_start3A_375 = arith.constant 0 : i32
      %dma_start3A_376 = tpu.memref_slice %arg6[%run_scoped3A_31, %dma_start3A_374, %dma_start3A_375] : memref<25x8x128xi32, #tpu.memory_space<vmem>> -> memref<1x8x128xi32, #tpu.memory_space<vmem>>
      %dma_start3A_377 = tpu.memref_squeeze %dma_start3A_376 : memref<1x8x128xi32, #tpu.memory_space<vmem>> -> memref<8x128xi32, #tpu.memory_space<vmem>>
      %dma_start3A_378 = arith.constant 0 : i32
      %dma_start3A_379 = arith.constant 0 : i32
      %dma_start3A_380 = tpu.memref_slice %arg2[%run_scoped3A_30, %add3A, %dma_start3A_378, %dma_start3A_379] : memref<25x32x8x128xi32, #tpu.memory_space<hbm>> -> memref<1x1x8x128xi32, #tpu.memory_space<hbm>>
      %dma_start3A_381 = tpu.memref_squeeze %dma_start3A_380 : memref<1x1x8x128xi32, #tpu.memory_space<hbm>> -> memref<8x128xi32, #tpu.memory_space<hbm>>
      %dma_start3A_382 = arith.constant 0 : i32
      %dma_start3A_383 = arith.constant 0 : i32
      %dma_start3A_384 = tpu.memref_slice %arg6[%run_scoped3A_31, %dma_start3A_382, %dma_start3A_383] : memref<25x8x128xi32, #tpu.memory_space<vmem>> -> memref<1x8x128xi32, #tpu.memory_space<vmem>>
      %dma_start3A_385 = tpu.memref_squeeze %dma_start3A_384 : memref<1x8x128xi32, #tpu.memory_space<vmem>> -> memref<8x128xi32, #tpu.memory_space<vmem>>
      %dma_start3A_386 = arith.constant 0 : i32
      %dma_start3A_387 = arith.constant 0 : i32
      %dma_start3A_388 = tpu.memref_slice %arg2[%run_scoped3A_30, %add3A, %dma_start3A_386, %dma_start3A_387] : memref<25x32x8x128xi32, #tpu.memory_space<hbm>> -> memref<1x1x8x128xi32, #tpu.memory_space<hbm>>
      %dma_start3A_389 = tpu.memref_squeeze %dma_start3A_388 : memref<1x1x8x128xi32, #tpu.memory_space<hbm>> -> memref<8x128xi32, #tpu.memory_space<hbm>>
      tpu.enqueue_dma source(%dma_start3A_389 : memref<8x128xi32, #tpu.memory_space<hbm>>) target(%dma_start3A_385 : memref<8x128xi32, #tpu.memory_space<vmem>>) target_semaphore(%run_scoped3A_373 : memref<!tpu.dma_semaphore, #tpu.memory_space<semaphore_mem>>)
      %dma_wait3A_390 = arith.constant 0 : i32
      %dma_wait3A_391 = arith.constant 0 : i32
      %dma_wait3A_392 = tpu.memref_slice %arg6[%run_scoped3A_31, %dma_wait3A_390, %dma_wait3A_391] : memref<25x8x128xi32, #tpu.memory_space<vmem>> -> memref<1x8x128xi32, #tpu.memory_space<vmem>>
      %dma_wait3A_393 = tpu.memref_squeeze %dma_wait3A_392 : memref<1x8x128xi32, #tpu.memory_space<vmem>> -> memref<8x128xi32, #tpu.memory_space<vmem>>
      %dma_wait3A_394 = arith.constant 0 : i32
      %dma_wait3A_395 = arith.constant 0 : i32
      %dma_wait3A_396 = tpu.memref_slice %arg2[%run_scoped3A_30, %add3A, %dma_wait3A_394, %dma_wait3A_395] : memref<25x32x8x128xi32, #tpu.memory_space<hbm>> -> memref<1x1x8x128xi32, #tpu.memory_space<hbm>>
      %dma_wait3A_397 = tpu.memref_squeeze %dma_wait3A_396 : memref<1x1x8x128xi32, #tpu.memory_space<hbm>> -> memref<8x128xi32, #tpu.memory_space<hbm>>
      %dma_wait3A_398 = arith.constant 0 : i32
      %dma_wait3A_399 = arith.constant 0 : i32
      %dma_wait3A_400 = tpu.memref_slice %arg6[%run_scoped3A_31, %dma_wait3A_398, %dma_wait3A_399] : memref<25x8x128xi32, #tpu.memory_space<vmem>> -> memref<1x8x128xi32, #tpu.memory_space<vmem>>
      %dma_wait3A_401 = tpu.memref_squeeze %dma_wait3A_400 : memref<1x8x128xi32, #tpu.memory_space<vmem>> -> memref<8x128xi32, #tpu.memory_space<vmem>>
      %dma_wait3A_402 = arith.constant 0 : i32
      %dma_wait3A_403 = arith.constant 0 : i32
      %dma_wait3A_404 = tpu.memref_slice %arg2[%run_scoped3A_30, %add3A, %dma_wait3A_402, %dma_wait3A_403] : memref<25x32x8x128xi32, #tpu.memory_space<hbm>> -> memref<1x1x8x128xi32, #tpu.memory_space<hbm>>
      %dma_wait3A_405 = tpu.memref_squeeze %dma_wait3A_404 : memref<1x1x8x128xi32, #tpu.memory_space<hbm>> -> memref<8x128xi32, #tpu.memory_space<hbm>>
      tpu.wait_dma2 semaphore(%run_scoped3A_373 : memref<!tpu.dma_semaphore, #tpu.memory_space<semaphore_mem>>) src(%dma_wait3A_405 : memref<8x128xi32, #tpu.memory_space<hbm>>) dst(%dma_wait3A_401 : memref<8x128xi32, #tpu.memory_space<vmem>>)
      tpu.yield
    }) : () -> ()
    %run_scoped3A_32 = arith.constant 16 : i32
    %run_scoped3A_33 = arith.constant 16 : i32
    "tpu.region"() ({
      %run_scoped3A_373 = tpu.sem_alloc : memref<!tpu.dma_semaphore, #tpu.memory_space<semaphore_mem>>
      %dma_start3A_374 = arith.constant 0 : i32
      %dma_start3A_375 = arith.constant 0 : i32
      %dma_start3A_376 = tpu.memref_slice %arg6[%run_scoped3A_33, %dma_start3A_374, %dma_start3A_375] : memref<25x8x128xi32, #tpu.memory_space<vmem>> -> memref<1x8x128xi32, #tpu.memory_space<vmem>>
      %dma_start3A_377 = tpu.memref_squeeze %dma_start3A_376 : memref<1x8x128xi32, #tpu.memory_space<vmem>> -> memref<8x128xi32, #tpu.memory_space<vmem>>
      %dma_start3A_378 = arith.constant 0 : i32
      %dma_start3A_379 = arith.constant 0 : i32
      %dma_start3A_380 = tpu.memref_slice %arg2[%run_scoped3A_32, %add3A, %dma_start3A_378, %dma_start3A_379] : memref<25x32x8x128xi32, #tpu.memory_space<hbm>> -> memref<1x1x8x128xi32, #tpu.memory_space<hbm>>
      %dma_start3A_381 = tpu.memref_squeeze %dma_start3A_380 : memref<1x1x8x128xi32, #tpu.memory_space<hbm>> -> memref<8x128xi32, #tpu.memory_space<hbm>>
      %dma_start3A_382 = arith.constant 0 : i32
      %dma_start3A_383 = arith.constant 0 : i32
      %dma_start3A_384 = tpu.memref_slice %arg6[%run_scoped3A_33, %dma_start3A_382, %dma_start3A_383] : memref<25x8x128xi32, #tpu.memory_space<vmem>> -> memref<1x8x128xi32, #tpu.memory_space<vmem>>
      %dma_start3A_385 = tpu.memref_squeeze %dma_start3A_384 : memref<1x8x128xi32, #tpu.memory_space<vmem>> -> memref<8x128xi32, #tpu.memory_space<vmem>>
      %dma_start3A_386 = arith.constant 0 : i32
      %dma_start3A_387 = arith.constant 0 : i32
      %dma_start3A_388 = tpu.memref_slice %arg2[%run_scoped3A_32, %add3A, %dma_start3A_386, %dma_start3A_387] : memref<25x32x8x128xi32, #tpu.memory_space<hbm>> -> memref<1x1x8x128xi32, #tpu.memory_space<hbm>>
      %dma_start3A_389 = tpu.memref_squeeze %dma_start3A_388 : memref<1x1x8x128xi32, #tpu.memory_space<hbm>> -> memref<8x128xi32, #tpu.memory_space<hbm>>
      tpu.enqueue_dma source(%dma_start3A_389 : memref<8x128xi32, #tpu.memory_space<hbm>>) target(%dma_start3A_385 : memref<8x128xi32, #tpu.memory_space<vmem>>) target_semaphore(%run_scoped3A_373 : memref<!tpu.dma_semaphore, #tpu.memory_space<semaphore_mem>>)
      %dma_wait3A_390 = arith.constant 0 : i32
      %dma_wait3A_391 = arith.constant 0 : i32
      %dma_wait3A_392 = tpu.memref_slice %arg6[%run_scoped3A_33, %dma_wait3A_390, %dma_wait3A_391] : memref<25x8x128xi32, #tpu.memory_space<vmem>> -> memref<1x8x128xi32, #tpu.memory_space<vmem>>
      %dma_wait3A_393 = tpu.memref_squeeze %dma_wait3A_392 : memref<1x8x128xi32, #tpu.memory_space<vmem>> -> memref<8x128xi32, #tpu.memory_space<vmem>>
      %dma_wait3A_394 = arith.constant 0 : i32
      %dma_wait3A_395 = arith.constant 0 : i32
      %dma_wait3A_396 = tpu.memref_slice %arg2[%run_scoped3A_32, %add3A, %dma_wait3A_394, %dma_wait3A_395] : memref<25x32x8x128xi32, #tpu.memory_space<hbm>> -> memref<1x1x8x128xi32, #tpu.memory_space<hbm>>
      %dma_wait3A_397 = tpu.memref_squeeze %dma_wait3A_396 : memref<1x1x8x128xi32, #tpu.memory_space<hbm>> -> memref<8x128xi32, #tpu.memory_space<hbm>>
      %dma_wait3A_398 = arith.constant 0 : i32
      %dma_wait3A_399 = arith.constant 0 : i32
      %dma_wait3A_400 = tpu.memref_slice %arg6[%run_scoped3A_33, %dma_wait3A_398, %dma_wait3A_399] : memref<25x8x128xi32, #tpu.memory_space<vmem>> -> memref<1x8x128xi32, #tpu.memory_space<vmem>>
      %dma_wait3A_401 = tpu.memref_squeeze %dma_wait3A_400 : memref<1x8x128xi32, #tpu.memory_space<vmem>> -> memref<8x128xi32, #tpu.memory_space<vmem>>
      %dma_wait3A_402 = arith.constant 0 : i32
      %dma_wait3A_403 = arith.constant 0 : i32
      %dma_wait3A_404 = tpu.memref_slice %arg2[%run_scoped3A_32, %add3A, %dma_wait3A_402, %dma_wait3A_403] : memref<25x32x8x128xi32, #tpu.memory_space<hbm>> -> memref<1x1x8x128xi32, #tpu.memory_space<hbm>>
      %dma_wait3A_405 = tpu.memref_squeeze %dma_wait3A_404 : memref<1x1x8x128xi32, #tpu.memory_space<hbm>> -> memref<8x128xi32, #tpu.memory_space<hbm>>
      tpu.wait_dma2 semaphore(%run_scoped3A_373 : memref<!tpu.dma_semaphore, #tpu.memory_space<semaphore_mem>>) src(%dma_wait3A_405 : memref<8x128xi32, #tpu.memory_space<hbm>>) dst(%dma_wait3A_401 : memref<8x128xi32, #tpu.memory_space<vmem>>)
      tpu.yield
    }) : () -> ()
    %run_scoped3A_34 = arith.constant 17 : i32
    %run_scoped3A_35 = arith.constant 17 : i32
    "tpu.region"() ({
      %run_scoped3A_373 = tpu.sem_alloc : memref<!tpu.dma_semaphore, #tpu.memory_space<semaphore_mem>>
      %dma_start3A_374 = arith.constant 0 : i32
      %dma_start3A_375 = arith.constant 0 : i32
      %dma_start3A_376 = tpu.memref_slice %arg6[%run_scoped3A_35, %dma_start3A_374, %dma_start3A_375] : memref<25x8x128xi32, #tpu.memory_space<vmem>> -> memref<1x8x128xi32, #tpu.memory_space<vmem>>
      %dma_start3A_377 = tpu.memref_squeeze %dma_start3A_376 : memref<1x8x128xi32, #tpu.memory_space<vmem>> -> memref<8x128xi32, #tpu.memory_space<vmem>>
      %dma_start3A_378 = arith.constant 0 : i32
      %dma_start3A_379 = arith.constant 0 : i32
      %dma_start3A_380 = tpu.memref_slice %arg2[%run_scoped3A_34, %add3A, %dma_start3A_378, %dma_start3A_379] : memref<25x32x8x128xi32, #tpu.memory_space<hbm>> -> memref<1x1x8x128xi32, #tpu.memory_space<hbm>>
      %dma_start3A_381 = tpu.memref_squeeze %dma_start3A_380 : memref<1x1x8x128xi32, #tpu.memory_space<hbm>> -> memref<8x128xi32, #tpu.memory_space<hbm>>
      %dma_start3A_382 = arith.constant 0 : i32
      %dma_start3A_383 = arith.constant 0 : i32
      %dma_start3A_384 = tpu.memref_slice %arg6[%run_scoped3A_35, %dma_start3A_382, %dma_start3A_383] : memref<25x8x128xi32, #tpu.memory_space<vmem>> -> memref<1x8x128xi32, #tpu.memory_space<vmem>>
      %dma_start3A_385 = tpu.memref_squeeze %dma_start3A_384 : memref<1x8x128xi32, #tpu.memory_space<vmem>> -> memref<8x128xi32, #tpu.memory_space<vmem>>
      %dma_start3A_386 = arith.constant 0 : i32
      %dma_start3A_387 = arith.constant 0 : i32
      %dma_start3A_388 = tpu.memref_slice %arg2[%run_scoped3A_34, %add3A, %dma_start3A_386, %dma_start3A_387] : memref<25x32x8x128xi32, #tpu.memory_space<hbm>> -> memref<1x1x8x128xi32, #tpu.memory_space<hbm>>
      %dma_start3A_389 = tpu.memref_squeeze %dma_start3A_388 : memref<1x1x8x128xi32, #tpu.memory_space<hbm>> -> memref<8x128xi32, #tpu.memory_space<hbm>>
      tpu.enqueue_dma source(%dma_start3A_389 : memref<8x128xi32, #tpu.memory_space<hbm>>) target(%dma_start3A_385 : memref<8x128xi32, #tpu.memory_space<vmem>>) target_semaphore(%run_scoped3A_373 : memref<!tpu.dma_semaphore, #tpu.memory_space<semaphore_mem>>)
      %dma_wait3A_390 = arith.constant 0 : i32
      %dma_wait3A_391 = arith.constant 0 : i32
      %dma_wait3A_392 = tpu.memref_slice %arg6[%run_scoped3A_35, %dma_wait3A_390, %dma_wait3A_391] : memref<25x8x128xi32, #tpu.memory_space<vmem>> -> memref<1x8x128xi32, #tpu.memory_space<vmem>>
      %dma_wait3A_393 = tpu.memref_squeeze %dma_wait3A_392 : memref<1x8x128xi32, #tpu.memory_space<vmem>> -> memref<8x128xi32, #tpu.memory_space<vmem>>
      %dma_wait3A_394 = arith.constant 0 : i32
      %dma_wait3A_395 = arith.constant 0 : i32
      %dma_wait3A_396 = tpu.memref_slice %arg2[%run_scoped3A_34, %add3A, %dma_wait3A_394, %dma_wait3A_395] : memref<25x32x8x128xi32, #tpu.memory_space<hbm>> -> memref<1x1x8x128xi32, #tpu.memory_space<hbm>>
      %dma_wait3A_397 = tpu.memref_squeeze %dma_wait3A_396 : memref<1x1x8x128xi32, #tpu.memory_space<hbm>> -> memref<8x128xi32, #tpu.memory_space<hbm>>
      %dma_wait3A_398 = arith.constant 0 : i32
      %dma_wait3A_399 = arith.constant 0 : i32
      %dma_wait3A_400 = tpu.memref_slice %arg6[%run_scoped3A_35, %dma_wait3A_398, %dma_wait3A_399] : memref<25x8x128xi32, #tpu.memory_space<vmem>> -> memref<1x8x128xi32, #tpu.memory_space<vmem>>
      %dma_wait3A_401 = tpu.memref_squeeze %dma_wait3A_400 : memref<1x8x128xi32, #tpu.memory_space<vmem>> -> memref<8x128xi32, #tpu.memory_space<vmem>>
      %dma_wait3A_402 = arith.constant 0 : i32
      %dma_wait3A_403 = arith.constant 0 : i32
      %dma_wait3A_404 = tpu.memref_slice %arg2[%run_scoped3A_34, %add3A, %dma_wait3A_402, %dma_wait3A_403] : memref<25x32x8x128xi32, #tpu.memory_space<hbm>> -> memref<1x1x8x128xi32, #tpu.memory_space<hbm>>
      %dma_wait3A_405 = tpu.memref_squeeze %dma_wait3A_404 : memref<1x1x8x128xi32, #tpu.memory_space<hbm>> -> memref<8x128xi32, #tpu.memory_space<hbm>>
      tpu.wait_dma2 semaphore(%run_scoped3A_373 : memref<!tpu.dma_semaphore, #tpu.memory_space<semaphore_mem>>) src(%dma_wait3A_405 : memref<8x128xi32, #tpu.memory_space<hbm>>) dst(%dma_wait3A_401 : memref<8x128xi32, #tpu.memory_space<vmem>>)
      tpu.yield
    }) : () -> ()
    %run_scoped3A_36 = arith.constant 18 : i32
    %run_scoped3A_37 = arith.constant 18 : i32
    "tpu.region"() ({
      %run_scoped3A_373 = tpu.sem_alloc : memref<!tpu.dma_semaphore, #tpu.memory_space<semaphore_mem>>
      %dma_start3A_374 = arith.constant 0 : i32
      %dma_start3A_375 = arith.constant 0 : i32
      %dma_start3A_376 = tpu.memref_slice %arg6[%run_scoped3A_37, %dma_start3A_374, %dma_start3A_375] : memref<25x8x128xi32, #tpu.memory_space<vmem>> -> memref<1x8x128xi32, #tpu.memory_space<vmem>>
      %dma_start3A_377 = tpu.memref_squeeze %dma_start3A_376 : memref<1x8x128xi32, #tpu.memory_space<vmem>> -> memref<8x128xi32, #tpu.memory_space<vmem>>
      %dma_start3A_378 = arith.constant 0 : i32
      %dma_start3A_379 = arith.constant 0 : i32
      %dma_start3A_380 = tpu.memref_slice %arg2[%run_scoped3A_36, %add3A, %dma_start3A_378, %dma_start3A_379] : memref<25x32x8x128xi32, #tpu.memory_space<hbm>> -> memref<1x1x8x128xi32, #tpu.memory_space<hbm>>
      %dma_start3A_381 = tpu.memref_squeeze %dma_start3A_380 : memref<1x1x8x128xi32, #tpu.memory_space<hbm>> -> memref<8x128xi32, #tpu.memory_space<hbm>>
      %dma_start3A_382 = arith.constant 0 : i32
      %dma_start3A_383 = arith.constant 0 : i32
      %dma_start3A_384 = tpu.memref_slice %arg6[%run_scoped3A_37, %dma_start3A_382, %dma_start3A_383] : memref<25x8x128xi32, #tpu.memory_space<vmem>> -> memref<1x8x128xi32, #tpu.memory_space<vmem>>
      %dma_start3A_385 = tpu.memref_squeeze %dma_start3A_384 : memref<1x8x128xi32, #tpu.memory_space<vmem>> -> memref<8x128xi32, #tpu.memory_space<vmem>>
      %dma_start3A_386 = arith.constant 0 : i32
      %dma_start3A_387 = arith.constant 0 : i32
      %dma_start3A_388 = tpu.memref_slice %arg2[%run_scoped3A_36, %add3A, %dma_start3A_386, %dma_start3A_387] : memref<25x32x8x128xi32, #tpu.memory_space<hbm>> -> memref<1x1x8x128xi32, #tpu.memory_space<hbm>>
      %dma_start3A_389 = tpu.memref_squeeze %dma_start3A_388 : memref<1x1x8x128xi32, #tpu.memory_space<hbm>> -> memref<8x128xi32, #tpu.memory_space<hbm>>
      tpu.enqueue_dma source(%dma_start3A_389 : memref<8x128xi32, #tpu.memory_space<hbm>>) target(%dma_start3A_385 : memref<8x128xi32, #tpu.memory_space<vmem>>) target_semaphore(%run_scoped3A_373 : memref<!tpu.dma_semaphore, #tpu.memory_space<semaphore_mem>>)
      %dma_wait3A_390 = arith.constant 0 : i32
      %dma_wait3A_391 = arith.constant 0 : i32
      %dma_wait3A_392 = tpu.memref_slice %arg6[%run_scoped3A_37, %dma_wait3A_390, %dma_wait3A_391] : memref<25x8x128xi32, #tpu.memory_space<vmem>> -> memref<1x8x128xi32, #tpu.memory_space<vmem>>
      %dma_wait3A_393 = tpu.memref_squeeze %dma_wait3A_392 : memref<1x8x128xi32, #tpu.memory_space<vmem>> -> memref<8x128xi32, #tpu.memory_space<vmem>>
      %dma_wait3A_394 = arith.constant 0 : i32
      %dma_wait3A_395 = arith.constant 0 : i32
      %dma_wait3A_396 = tpu.memref_slice %arg2[%run_scoped3A_36, %add3A, %dma_wait3A_394, %dma_wait3A_395] : memref<25x32x8x128xi32, #tpu.memory_space<hbm>> -> memref<1x1x8x128xi32, #tpu.memory_space<hbm>>
      %dma_wait3A_397 = tpu.memref_squeeze %dma_wait3A_396 : memref<1x1x8x128xi32, #tpu.memory_space<hbm>> -> memref<8x128xi32, #tpu.memory_space<hbm>>
      %dma_wait3A_398 = arith.constant 0 : i32
      %dma_wait3A_399 = arith.constant 0 : i32
      %dma_wait3A_400 = tpu.memref_slice %arg6[%run_scoped3A_37, %dma_wait3A_398, %dma_wait3A_399] : memref<25x8x128xi32, #tpu.memory_space<vmem>> -> memref<1x8x128xi32, #tpu.memory_space<vmem>>
      %dma_wait3A_401 = tpu.memref_squeeze %dma_wait3A_400 : memref<1x8x128xi32, #tpu.memory_space<vmem>> -> memref<8x128xi32, #tpu.memory_space<vmem>>
      %dma_wait3A_402 = arith.constant 0 : i32
      %dma_wait3A_403 = arith.constant 0 : i32
      %dma_wait3A_404 = tpu.memref_slice %arg2[%run_scoped3A_36, %add3A, %dma_wait3A_402, %dma_wait3A_403] : memref<25x32x8x128xi32, #tpu.memory_space<hbm>> -> memref<1x1x8x128xi32, #tpu.memory_space<hbm>>
      %dma_wait3A_405 = tpu.memref_squeeze %dma_wait3A_404 : memref<1x1x8x128xi32, #tpu.memory_space<hbm>> -> memref<8x128xi32, #tpu.memory_space<hbm>>
      tpu.wait_dma2 semaphore(%run_scoped3A_373 : memref<!tpu.dma_semaphore, #tpu.memory_space<semaphore_mem>>) src(%dma_wait3A_405 : memref<8x128xi32, #tpu.memory_space<hbm>>) dst(%dma_wait3A_401 : memref<8x128xi32, #tpu.memory_space<vmem>>)
      tpu.yield
    }) : () -> ()
    %run_scoped3A_38 = arith.constant 19 : i32
    %run_scoped3A_39 = arith.constant 19 : i32
    "tpu.region"() ({
      %run_scoped3A_373 = tpu.sem_alloc : memref<!tpu.dma_semaphore, #tpu.memory_space<semaphore_mem>>
      %dma_start3A_374 = arith.constant 0 : i32
      %dma_start3A_375 = arith.constant 0 : i32
      %dma_start3A_376 = tpu.memref_slice %arg6[%run_scoped3A_39, %dma_start3A_374, %dma_start3A_375] : memref<25x8x128xi32, #tpu.memory_space<vmem>> -> memref<1x8x128xi32, #tpu.memory_space<vmem>>
      %dma_start3A_377 = tpu.memref_squeeze %dma_start3A_376 : memref<1x8x128xi32, #tpu.memory_space<vmem>> -> memref<8x128xi32, #tpu.memory_space<vmem>>
      %dma_start3A_378 = arith.constant 0 : i32
      %dma_start3A_379 = arith.constant 0 : i32
      %dma_start3A_380 = tpu.memref_slice %arg2[%run_scoped3A_38, %add3A, %dma_start3A_378, %dma_start3A_379] : memref<25x32x8x128xi32, #tpu.memory_space<hbm>> -> memref<1x1x8x128xi32, #tpu.memory_space<hbm>>
      %dma_start3A_381 = tpu.memref_squeeze %dma_start3A_380 : memref<1x1x8x128xi32, #tpu.memory_space<hbm>> -> memref<8x128xi32, #tpu.memory_space<hbm>>
      %dma_start3A_382 = arith.constant 0 : i32
      %dma_start3A_383 = arith.constant 0 : i32
      %dma_start3A_384 = tpu.memref_slice %arg6[%run_scoped3A_39, %dma_start3A_382, %dma_start3A_383] : memref<25x8x128xi32, #tpu.memory_space<vmem>> -> memref<1x8x128xi32, #tpu.memory_space<vmem>>
      %dma_start3A_385 = tpu.memref_squeeze %dma_start3A_384 : memref<1x8x128xi32, #tpu.memory_space<vmem>> -> memref<8x128xi32, #tpu.memory_space<vmem>>
      %dma_start3A_386 = arith.constant 0 : i32
      %dma_start3A_387 = arith.constant 0 : i32
      %dma_start3A_388 = tpu.memref_slice %arg2[%run_scoped3A_38, %add3A, %dma_start3A_386, %dma_start3A_387] : memref<25x32x8x128xi32, #tpu.memory_space<hbm>> -> memref<1x1x8x128xi32, #tpu.memory_space<hbm>>
      %dma_start3A_389 = tpu.memref_squeeze %dma_start3A_388 : memref<1x1x8x128xi32, #tpu.memory_space<hbm>> -> memref<8x128xi32, #tpu.memory_space<hbm>>
      tpu.enqueue_dma source(%dma_start3A_389 : memref<8x128xi32, #tpu.memory_space<hbm>>) target(%dma_start3A_385 : memref<8x128xi32, #tpu.memory_space<vmem>>) target_semaphore(%run_scoped3A_373 : memref<!tpu.dma_semaphore, #tpu.memory_space<semaphore_mem>>)
      %dma_wait3A_390 = arith.constant 0 : i32
      %dma_wait3A_391 = arith.constant 0 : i32
      %dma_wait3A_392 = tpu.memref_slice %arg6[%run_scoped3A_39, %dma_wait3A_390, %dma_wait3A_391] : memref<25x8x128xi32, #tpu.memory_space<vmem>> -> memref<1x8x128xi32, #tpu.memory_space<vmem>>
      %dma_wait3A_393 = tpu.memref_squeeze %dma_wait3A_392 : memref<1x8x128xi32, #tpu.memory_space<vmem>> -> memref<8x128xi32, #tpu.memory_space<vmem>>
      %dma_wait3A_394 = arith.constant 0 : i32
      %dma_wait3A_395 = arith.constant 0 : i32
      %dma_wait3A_396 = tpu.memref_slice %arg2[%run_scoped3A_38, %add3A, %dma_wait3A_394, %dma_wait3A_395] : memref<25x32x8x128xi32, #tpu.memory_space<hbm>> -> memref<1x1x8x128xi32, #tpu.memory_space<hbm>>
      %dma_wait3A_397 = tpu.memref_squeeze %dma_wait3A_396 : memref<1x1x8x128xi32, #tpu.memory_space<hbm>> -> memref<8x128xi32, #tpu.memory_space<hbm>>
      %dma_wait3A_398 = arith.constant 0 : i32
      %dma_wait3A_399 = arith.constant 0 : i32
      %dma_wait3A_400 = tpu.memref_slice %arg6[%run_scoped3A_39, %dma_wait3A_398, %dma_wait3A_399] : memref<25x8x128xi32, #tpu.memory_space<vmem>> -> memref<1x8x128xi32, #tpu.memory_space<vmem>>
      %dma_wait3A_401 = tpu.memref_squeeze %dma_wait3A_400 : memref<1x8x128xi32, #tpu.memory_space<vmem>> -> memref<8x128xi32, #tpu.memory_space<vmem>>
      %dma_wait3A_402 = arith.constant 0 : i32
      %dma_wait3A_403 = arith.constant 0 : i32
      %dma_wait3A_404 = tpu.memref_slice %arg2[%run_scoped3A_38, %add3A, %dma_wait3A_402, %dma_wait3A_403] : memref<25x32x8x128xi32, #tpu.memory_space<hbm>> -> memref<1x1x8x128xi32, #tpu.memory_space<hbm>>
      %dma_wait3A_405 = tpu.memref_squeeze %dma_wait3A_404 : memref<1x1x8x128xi32, #tpu.memory_space<hbm>> -> memref<8x128xi32, #tpu.memory_space<hbm>>
      tpu.wait_dma2 semaphore(%run_scoped3A_373 : memref<!tpu.dma_semaphore, #tpu.memory_space<semaphore_mem>>) src(%dma_wait3A_405 : memref<8x128xi32, #tpu.memory_space<hbm>>) dst(%dma_wait3A_401 : memref<8x128xi32, #tpu.memory_space<vmem>>)
      tpu.yield
    }) : () -> ()
    %run_scoped3A_40 = arith.constant 20 : i32
    %run_scoped3A_41 = arith.constant 20 : i32
    "tpu.region"() ({
      %run_scoped3A_373 = tpu.sem_alloc : memref<!tpu.dma_semaphore, #tpu.memory_space<semaphore_mem>>
      %dma_start3A_374 = arith.constant 0 : i32
      %dma_start3A_375 = arith.constant 0 : i32
      %dma_start3A_376 = tpu.memref_slice %arg6[%run_scoped3A_41, %dma_start3A_374, %dma_start3A_375] : memref<25x8x128xi32, #tpu.memory_space<vmem>> -> memref<1x8x128xi32, #tpu.memory_space<vmem>>
      %dma_start3A_377 = tpu.memref_squeeze %dma_start3A_376 : memref<1x8x128xi32, #tpu.memory_space<vmem>> -> memref<8x128xi32, #tpu.memory_space<vmem>>
      %dma_start3A_378 = arith.constant 0 : i32
      %dma_start3A_379 = arith.constant 0 : i32
      %dma_start3A_380 = tpu.memref_slice %arg2[%run_scoped3A_40, %add3A, %dma_start3A_378, %dma_start3A_379] : memref<25x32x8x128xi32, #tpu.memory_space<hbm>> -> memref<1x1x8x128xi32, #tpu.memory_space<hbm>>
      %dma_start3A_381 = tpu.memref_squeeze %dma_start3A_380 : memref<1x1x8x128xi32, #tpu.memory_space<hbm>> -> memref<8x128xi32, #tpu.memory_space<hbm>>
      %dma_start3A_382 = arith.constant 0 : i32
      %dma_start3A_383 = arith.constant 0 : i32
      %dma_start3A_384 = tpu.memref_slice %arg6[%run_scoped3A_41, %dma_start3A_382, %dma_start3A_383] : memref<25x8x128xi32, #tpu.memory_space<vmem>> -> memref<1x8x128xi32, #tpu.memory_space<vmem>>
      %dma_start3A_385 = tpu.memref_squeeze %dma_start3A_384 : memref<1x8x128xi32, #tpu.memory_space<vmem>> -> memref<8x128xi32, #tpu.memory_space<vmem>>
      %dma_start3A_386 = arith.constant 0 : i32
      %dma_start3A_387 = arith.constant 0 : i32
      %dma_start3A_388 = tpu.memref_slice %arg2[%run_scoped3A_40, %add3A, %dma_start3A_386, %dma_start3A_387] : memref<25x32x8x128xi32, #tpu.memory_space<hbm>> -> memref<1x1x8x128xi32, #tpu.memory_space<hbm>>
      %dma_start3A_389 = tpu.memref_squeeze %dma_start3A_388 : memref<1x1x8x128xi32, #tpu.memory_space<hbm>> -> memref<8x128xi32, #tpu.memory_space<hbm>>
      tpu.enqueue_dma source(%dma_start3A_389 : memref<8x128xi32, #tpu.memory_space<hbm>>) target(%dma_start3A_385 : memref<8x128xi32, #tpu.memory_space<vmem>>) target_semaphore(%run_scoped3A_373 : memref<!tpu.dma_semaphore, #tpu.memory_space<semaphore_mem>>)
      %dma_wait3A_390 = arith.constant 0 : i32
      %dma_wait3A_391 = arith.constant 0 : i32
      %dma_wait3A_392 = tpu.memref_slice %arg6[%run_scoped3A_41, %dma_wait3A_390, %dma_wait3A_391] : memref<25x8x128xi32, #tpu.memory_space<vmem>> -> memref<1x8x128xi32, #tpu.memory_space<vmem>>
      %dma_wait3A_393 = tpu.memref_squeeze %dma_wait3A_392 : memref<1x8x128xi32, #tpu.memory_space<vmem>> -> memref<8x128xi32, #tpu.memory_space<vmem>>
      %dma_wait3A_394 = arith.constant 0 : i32
      %dma_wait3A_395 = arith.constant 0 : i32
      %dma_wait3A_396 = tpu.memref_slice %arg2[%run_scoped3A_40, %add3A, %dma_wait3A_394, %dma_wait3A_395] : memref<25x32x8x128xi32, #tpu.memory_space<hbm>> -> memref<1x1x8x128xi32, #tpu.memory_space<hbm>>
      %dma_wait3A_397 = tpu.memref_squeeze %dma_wait3A_396 : memref<1x1x8x128xi32, #tpu.memory_space<hbm>> -> memref<8x128xi32, #tpu.memory_space<hbm>>
      %dma_wait3A_398 = arith.constant 0 : i32
      %dma_wait3A_399 = arith.constant 0 : i32
      %dma_wait3A_400 = tpu.memref_slice %arg6[%run_scoped3A_41, %dma_wait3A_398, %dma_wait3A_399] : memref<25x8x128xi32, #tpu.memory_space<vmem>> -> memref<1x8x128xi32, #tpu.memory_space<vmem>>
      %dma_wait3A_401 = tpu.memref_squeeze %dma_wait3A_400 : memref<1x8x128xi32, #tpu.memory_space<vmem>> -> memref<8x128xi32, #tpu.memory_space<vmem>>
      %dma_wait3A_402 = arith.constant 0 : i32
      %dma_wait3A_403 = arith.constant 0 : i32
      %dma_wait3A_404 = tpu.memref_slice %arg2[%run_scoped3A_40, %add3A, %dma_wait3A_402, %dma_wait3A_403] : memref<25x32x8x128xi32, #tpu.memory_space<hbm>> -> memref<1x1x8x128xi32, #tpu.memory_space<hbm>>
      %dma_wait3A_405 = tpu.memref_squeeze %dma_wait3A_404 : memref<1x1x8x128xi32, #tpu.memory_space<hbm>> -> memref<8x128xi32, #tpu.memory_space<hbm>>
      tpu.wait_dma2 semaphore(%run_scoped3A_373 : memref<!tpu.dma_semaphore, #tpu.memory_space<semaphore_mem>>) src(%dma_wait3A_405 : memref<8x128xi32, #tpu.memory_space<hbm>>) dst(%dma_wait3A_401 : memref<8x128xi32, #tpu.memory_space<vmem>>)
      tpu.yield
    }) : () -> ()
    %run_scoped3A_42 = arith.constant 21 : i32
    %run_scoped3A_43 = arith.constant 21 : i32
    "tpu.region"() ({
      %run_scoped3A_373 = tpu.sem_alloc : memref<!tpu.dma_semaphore, #tpu.memory_space<semaphore_mem>>
      %dma_start3A_374 = arith.constant 0 : i32
      %dma_start3A_375 = arith.constant 0 : i32
      %dma_start3A_376 = tpu.memref_slice %arg6[%run_scoped3A_43, %dma_start3A_374, %dma_start3A_375] : memref<25x8x128xi32, #tpu.memory_space<vmem>> -> memref<1x8x128xi32, #tpu.memory_space<vmem>>
      %dma_start3A_377 = tpu.memref_squeeze %dma_start3A_376 : memref<1x8x128xi32, #tpu.memory_space<vmem>> -> memref<8x128xi32, #tpu.memory_space<vmem>>
      %dma_start3A_378 = arith.constant 0 : i32
      %dma_start3A_379 = arith.constant 0 : i32
      %dma_start3A_380 = tpu.memref_slice %arg2[%run_scoped3A_42, %add3A, %dma_start3A_378, %dma_start3A_379] : memref<25x32x8x128xi32, #tpu.memory_space<hbm>> -> memref<1x1x8x128xi32, #tpu.memory_space<hbm>>
      %dma_start3A_381 = tpu.memref_squeeze %dma_start3A_380 : memref<1x1x8x128xi32, #tpu.memory_space<hbm>> -> memref<8x128xi32, #tpu.memory_space<hbm>>
      %dma_start3A_382 = arith.constant 0 : i32
      %dma_start3A_383 = arith.constant 0 : i32
      %dma_start3A_384 = tpu.memref_slice %arg6[%run_scoped3A_43, %dma_start3A_382, %dma_start3A_383] : memref<25x8x128xi32, #tpu.memory_space<vmem>> -> memref<1x8x128xi32, #tpu.memory_space<vmem>>
      %dma_start3A_385 = tpu.memref_squeeze %dma_start3A_384 : memref<1x8x128xi32, #tpu.memory_space<vmem>> -> memref<8x128xi32, #tpu.memory_space<vmem>>
      %dma_start3A_386 = arith.constant 0 : i32
      %dma_start3A_387 = arith.constant 0 : i32
      %dma_start3A_388 = tpu.memref_slice %arg2[%run_scoped3A_42, %add3A, %dma_start3A_386, %dma_start3A_387] : memref<25x32x8x128xi32, #tpu.memory_space<hbm>> -> memref<1x1x8x128xi32, #tpu.memory_space<hbm>>
      %dma_start3A_389 = tpu.memref_squeeze %dma_start3A_388 : memref<1x1x8x128xi32, #tpu.memory_space<hbm>> -> memref<8x128xi32, #tpu.memory_space<hbm>>
      tpu.enqueue_dma source(%dma_start3A_389 : memref<8x128xi32, #tpu.memory_space<hbm>>) target(%dma_start3A_385 : memref<8x128xi32, #tpu.memory_space<vmem>>) target_semaphore(%run_scoped3A_373 : memref<!tpu.dma_semaphore, #tpu.memory_space<semaphore_mem>>)
      %dma_wait3A_390 = arith.constant 0 : i32
      %dma_wait3A_391 = arith.constant 0 : i32
      %dma_wait3A_392 = tpu.memref_slice %arg6[%run_scoped3A_43, %dma_wait3A_390, %dma_wait3A_391] : memref<25x8x128xi32, #tpu.memory_space<vmem>> -> memref<1x8x128xi32, #tpu.memory_space<vmem>>
      %dma_wait3A_393 = tpu.memref_squeeze %dma_wait3A_392 : memref<1x8x128xi32, #tpu.memory_space<vmem>> -> memref<8x128xi32, #tpu.memory_space<vmem>>
      %dma_wait3A_394 = arith.constant 0 : i32
      %dma_wait3A_395 = arith.constant 0 : i32
      %dma_wait3A_396 = tpu.memref_slice %arg2[%run_scoped3A_42, %add3A, %dma_wait3A_394, %dma_wait3A_395] : memref<25x32x8x128xi32, #tpu.memory_space<hbm>> -> memref<1x1x8x128xi32, #tpu.memory_space<hbm>>
      %dma_wait3A_397 = tpu.memref_squeeze %dma_wait3A_396 : memref<1x1x8x128xi32, #tpu.memory_space<hbm>> -> memref<8x128xi32, #tpu.memory_space<hbm>>
      %dma_wait3A_398 = arith.constant 0 : i32
      %dma_wait3A_399 = arith.constant 0 : i32
      %dma_wait3A_400 = tpu.memref_slice %arg6[%run_scoped3A_43, %dma_wait3A_398, %dma_wait3A_399] : memref<25x8x128xi32, #tpu.memory_space<vmem>> -> memref<1x8x128xi32, #tpu.memory_space<vmem>>
      %dma_wait3A_401 = tpu.memref_squeeze %dma_wait3A_400 : memref<1x8x128xi32, #tpu.memory_space<vmem>> -> memref<8x128xi32, #tpu.memory_space<vmem>>
      %dma_wait3A_402 = arith.constant 0 : i32
      %dma_wait3A_403 = arith.constant 0 : i32
      %dma_wait3A_404 = tpu.memref_slice %arg2[%run_scoped3A_42, %add3A, %dma_wait3A_402, %dma_wait3A_403] : memref<25x32x8x128xi32, #tpu.memory_space<hbm>> -> memref<1x1x8x128xi32, #tpu.memory_space<hbm>>
      %dma_wait3A_405 = tpu.memref_squeeze %dma_wait3A_404 : memref<1x1x8x128xi32, #tpu.memory_space<hbm>> -> memref<8x128xi32, #tpu.memory_space<hbm>>
      tpu.wait_dma2 semaphore(%run_scoped3A_373 : memref<!tpu.dma_semaphore, #tpu.memory_space<semaphore_mem>>) src(%dma_wait3A_405 : memref<8x128xi32, #tpu.memory_space<hbm>>) dst(%dma_wait3A_401 : memref<8x128xi32, #tpu.memory_space<vmem>>)
      tpu.yield
    }) : () -> ()
    %run_scoped3A_44 = arith.constant 22 : i32
    %run_scoped3A_45 = arith.constant 22 : i32
    "tpu.region"() ({
      %run_scoped3A_373 = tpu.sem_alloc : memref<!tpu.dma_semaphore, #tpu.memory_space<semaphore_mem>>
      %dma_start3A_374 = arith.constant 0 : i32
      %dma_start3A_375 = arith.constant 0 : i32
      %dma_start3A_376 = tpu.memref_slice %arg6[%run_scoped3A_45, %dma_start3A_374, %dma_start3A_375] : memref<25x8x128xi32, #tpu.memory_space<vmem>> -> memref<1x8x128xi32, #tpu.memory_space<vmem>>
      %dma_start3A_377 = tpu.memref_squeeze %dma_start3A_376 : memref<1x8x128xi32, #tpu.memory_space<vmem>> -> memref<8x128xi32, #tpu.memory_space<vmem>>
      %dma_start3A_378 = arith.constant 0 : i32
      %dma_start3A_379 = arith.constant 0 : i32
      %dma_start3A_380 = tpu.memref_slice %arg2[%run_scoped3A_44, %add3A, %dma_start3A_378, %dma_start3A_379] : memref<25x32x8x128xi32, #tpu.memory_space<hbm>> -> memref<1x1x8x128xi32, #tpu.memory_space<hbm>>
      %dma_start3A_381 = tpu.memref_squeeze %dma_start3A_380 : memref<1x1x8x128xi32, #tpu.memory_space<hbm>> -> memref<8x128xi32, #tpu.memory_space<hbm>>
      %dma_start3A_382 = arith.constant 0 : i32
      %dma_start3A_383 = arith.constant 0 : i32
      %dma_start3A_384 = tpu.memref_slice %arg6[%run_scoped3A_45, %dma_start3A_382, %dma_start3A_383] : memref<25x8x128xi32, #tpu.memory_space<vmem>> -> memref<1x8x128xi32, #tpu.memory_space<vmem>>
      %dma_start3A_385 = tpu.memref_squeeze %dma_start3A_384 : memref<1x8x128xi32, #tpu.memory_space<vmem>> -> memref<8x128xi32, #tpu.memory_space<vmem>>
      %dma_start3A_386 = arith.constant 0 : i32
      %dma_start3A_387 = arith.constant 0 : i32
      %dma_start3A_388 = tpu.memref_slice %arg2[%run_scoped3A_44, %add3A, %dma_start3A_386, %dma_start3A_387] : memref<25x32x8x128xi32, #tpu.memory_space<hbm>> -> memref<1x1x8x128xi32, #tpu.memory_space<hbm>>
      %dma_start3A_389 = tpu.memref_squeeze %dma_start3A_388 : memref<1x1x8x128xi32, #tpu.memory_space<hbm>> -> memref<8x128xi32, #tpu.memory_space<hbm>>
      tpu.enqueue_dma source(%dma_start3A_389 : memref<8x128xi32, #tpu.memory_space<hbm>>) target(%dma_start3A_385 : memref<8x128xi32, #tpu.memory_space<vmem>>) target_semaphore(%run_scoped3A_373 : memref<!tpu.dma_semaphore, #tpu.memory_space<semaphore_mem>>)
      %dma_wait3A_390 = arith.constant 0 : i32
      %dma_wait3A_391 = arith.constant 0 : i32
      %dma_wait3A_392 = tpu.memref_slice %arg6[%run_scoped3A_45, %dma_wait3A_390, %dma_wait3A_391] : memref<25x8x128xi32, #tpu.memory_space<vmem>> -> memref<1x8x128xi32, #tpu.memory_space<vmem>>
      %dma_wait3A_393 = tpu.memref_squeeze %dma_wait3A_392 : memref<1x8x128xi32, #tpu.memory_space<vmem>> -> memref<8x128xi32, #tpu.memory_space<vmem>>
      %dma_wait3A_394 = arith.constant 0 : i32
      %dma_wait3A_395 = arith.constant 0 : i32
      %dma_wait3A_396 = tpu.memref_slice %arg2[%run_scoped3A_44, %add3A, %dma_wait3A_394, %dma_wait3A_395] : memref<25x32x8x128xi32, #tpu.memory_space<hbm>> -> memref<1x1x8x128xi32, #tpu.memory_space<hbm>>
      %dma_wait3A_397 = tpu.memref_squeeze %dma_wait3A_396 : memref<1x1x8x128xi32, #tpu.memory_space<hbm>> -> memref<8x128xi32, #tpu.memory_space<hbm>>
      %dma_wait3A_398 = arith.constant 0 : i32
      %dma_wait3A_399 = arith.constant 0 : i32
      %dma_wait3A_400 = tpu.memref_slice %arg6[%run_scoped3A_45, %dma_wait3A_398, %dma_wait3A_399] : memref<25x8x128xi32, #tpu.memory_space<vmem>> -> memref<1x8x128xi32, #tpu.memory_space<vmem>>
      %dma_wait3A_401 = tpu.memref_squeeze %dma_wait3A_400 : memref<1x8x128xi32, #tpu.memory_space<vmem>> -> memref<8x128xi32, #tpu.memory_space<vmem>>
      %dma_wait3A_402 = arith.constant 0 : i32
      %dma_wait3A_403 = arith.constant 0 : i32
      %dma_wait3A_404 = tpu.memref_slice %arg2[%run_scoped3A_44, %add3A, %dma_wait3A_402, %dma_wait3A_403] : memref<25x32x8x128xi32, #tpu.memory_space<hbm>> -> memref<1x1x8x128xi32, #tpu.memory_space<hbm>>
      %dma_wait3A_405 = tpu.memref_squeeze %dma_wait3A_404 : memref<1x1x8x128xi32, #tpu.memory_space<hbm>> -> memref<8x128xi32, #tpu.memory_space<hbm>>
      tpu.wait_dma2 semaphore(%run_scoped3A_373 : memref<!tpu.dma_semaphore, #tpu.memory_space<semaphore_mem>>) src(%dma_wait3A_405 : memref<8x128xi32, #tpu.memory_space<hbm>>) dst(%dma_wait3A_401 : memref<8x128xi32, #tpu.memory_space<vmem>>)
      tpu.yield
    }) : () -> ()
    %run_scoped3A_46 = arith.constant 23 : i32
    %run_scoped3A_47 = arith.constant 23 : i32
    "tpu.region"() ({
      %run_scoped3A_373 = tpu.sem_alloc : memref<!tpu.dma_semaphore, #tpu.memory_space<semaphore_mem>>
      %dma_start3A_374 = arith.constant 0 : i32
      %dma_start3A_375 = arith.constant 0 : i32
      %dma_start3A_376 = tpu.memref_slice %arg6[%run_scoped3A_47, %dma_start3A_374, %dma_start3A_375] : memref<25x8x128xi32, #tpu.memory_space<vmem>> -> memref<1x8x128xi32, #tpu.memory_space<vmem>>
      %dma_start3A_377 = tpu.memref_squeeze %dma_start3A_376 : memref<1x8x128xi32, #tpu.memory_space<vmem>> -> memref<8x128xi32, #tpu.memory_space<vmem>>
      %dma_start3A_378 = arith.constant 0 : i32
      %dma_start3A_379 = arith.constant 0 : i32
      %dma_start3A_380 = tpu.memref_slice %arg2[%run_scoped3A_46, %add3A, %dma_start3A_378, %dma_start3A_379] : memref<25x32x8x128xi32, #tpu.memory_space<hbm>> -> memref<1x1x8x128xi32, #tpu.memory_space<hbm>>
      %dma_start3A_381 = tpu.memref_squeeze %dma_start3A_380 : memref<1x1x8x128xi32, #tpu.memory_space<hbm>> -> memref<8x128xi32, #tpu.memory_space<hbm>>
      %dma_start3A_382 = arith.constant 0 : i32
      %dma_start3A_383 = arith.constant 0 : i32
      %dma_start3A_384 = tpu.memref_slice %arg6[%run_scoped3A_47, %dma_start3A_382, %dma_start3A_383] : memref<25x8x128xi32, #tpu.memory_space<vmem>> -> memref<1x8x128xi32, #tpu.memory_space<vmem>>
      %dma_start3A_385 = tpu.memref_squeeze %dma_start3A_384 : memref<1x8x128xi32, #tpu.memory_space<vmem>> -> memref<8x128xi32, #tpu.memory_space<vmem>>
      %dma_start3A_386 = arith.constant 0 : i32
      %dma_start3A_387 = arith.constant 0 : i32
      %dma_start3A_388 = tpu.memref_slice %arg2[%run_scoped3A_46, %add3A, %dma_start3A_386, %dma_start3A_387] : memref<25x32x8x128xi32, #tpu.memory_space<hbm>> -> memref<1x1x8x128xi32, #tpu.memory_space<hbm>>
      %dma_start3A_389 = tpu.memref_squeeze %dma_start3A_388 : memref<1x1x8x128xi32, #tpu.memory_space<hbm>> -> memref<8x128xi32, #tpu.memory_space<hbm>>
      tpu.enqueue_dma source(%dma_start3A_389 : memref<8x128xi32, #tpu.memory_space<hbm>>) target(%dma_start3A_385 : memref<8x128xi32, #tpu.memory_space<vmem>>) target_semaphore(%run_scoped3A_373 : memref<!tpu.dma_semaphore, #tpu.memory_space<semaphore_mem>>)
      %dma_wait3A_390 = arith.constant 0 : i32
      %dma_wait3A_391 = arith.constant 0 : i32
      %dma_wait3A_392 = tpu.memref_slice %arg6[%run_scoped3A_47, %dma_wait3A_390, %dma_wait3A_391] : memref<25x8x128xi32, #tpu.memory_space<vmem>> -> memref<1x8x128xi32, #tpu.memory_space<vmem>>
      %dma_wait3A_393 = tpu.memref_squeeze %dma_wait3A_392 : memref<1x8x128xi32, #tpu.memory_space<vmem>> -> memref<8x128xi32, #tpu.memory_space<vmem>>
      %dma_wait3A_394 = arith.constant 0 : i32
      %dma_wait3A_395 = arith.constant 0 : i32
      %dma_wait3A_396 = tpu.memref_slice %arg2[%run_scoped3A_46, %add3A, %dma_wait3A_394, %dma_wait3A_395] : memref<25x32x8x128xi32, #tpu.memory_space<hbm>> -> memref<1x1x8x128xi32, #tpu.memory_space<hbm>>
      %dma_wait3A_397 = tpu.memref_squeeze %dma_wait3A_396 : memref<1x1x8x128xi32, #tpu.memory_space<hbm>> -> memref<8x128xi32, #tpu.memory_space<hbm>>
      %dma_wait3A_398 = arith.constant 0 : i32
      %dma_wait3A_399 = arith.constant 0 : i32
      %dma_wait3A_400 = tpu.memref_slice %arg6[%run_scoped3A_47, %dma_wait3A_398, %dma_wait3A_399] : memref<25x8x128xi32, #tpu.memory_space<vmem>> -> memref<1x8x128xi32, #tpu.memory_space<vmem>>
      %dma_wait3A_401 = tpu.memref_squeeze %dma_wait3A_400 : memref<1x8x128xi32, #tpu.memory_space<vmem>> -> memref<8x128xi32, #tpu.memory_space<vmem>>
      %dma_wait3A_402 = arith.constant 0 : i32
      %dma_wait3A_403 = arith.constant 0 : i32
      %dma_wait3A_404 = tpu.memref_slice %arg2[%run_scoped3A_46, %add3A, %dma_wait3A_402, %dma_wait3A_403] : memref<25x32x8x128xi32, #tpu.memory_space<hbm>> -> memref<1x1x8x128xi32, #tpu.memory_space<hbm>>
      %dma_wait3A_405 = tpu.memref_squeeze %dma_wait3A_404 : memref<1x1x8x128xi32, #tpu.memory_space<hbm>> -> memref<8x128xi32, #tpu.memory_space<hbm>>
      tpu.wait_dma2 semaphore(%run_scoped3A_373 : memref<!tpu.dma_semaphore, #tpu.memory_space<semaphore_mem>>) src(%dma_wait3A_405 : memref<8x128xi32, #tpu.memory_space<hbm>>) dst(%dma_wait3A_401 : memref<8x128xi32, #tpu.memory_space<vmem>>)
      tpu.yield
    }) : () -> ()
    %run_scoped3A_48 = arith.constant 24 : i32
    %run_scoped3A_49 = arith.constant 24 : i32
    "tpu.region"() ({
      %run_scoped3A_373 = tpu.sem_alloc : memref<!tpu.dma_semaphore, #tpu.memory_space<semaphore_mem>>
      %dma_start3A_374 = arith.constant 0 : i32
      %dma_start3A_375 = arith.constant 0 : i32
      %dma_start3A_376 = tpu.memref_slice %arg6[%run_scoped3A_49, %dma_start3A_374, %dma_start3A_375] : memref<25x8x128xi32, #tpu.memory_space<vmem>> -> memref<1x8x128xi32, #tpu.memory_space<vmem>>
      %dma_start3A_377 = tpu.memref_squeeze %dma_start3A_376 : memref<1x8x128xi32, #tpu.memory_space<vmem>> -> memref<8x128xi32, #tpu.memory_space<vmem>>
      %dma_start3A_378 = arith.constant 0 : i32
      %dma_start3A_379 = arith.constant 0 : i32
      %dma_start3A_380 = tpu.memref_slice %arg2[%run_scoped3A_48, %add3A, %dma_start3A_378, %dma_start3A_379] : memref<25x32x8x128xi32, #tpu.memory_space<hbm>> -> memref<1x1x8x128xi32, #tpu.memory_space<hbm>>
      %dma_start3A_381 = tpu.memref_squeeze %dma_start3A_380 : memref<1x1x8x128xi32, #tpu.memory_space<hbm>> -> memref<8x128xi32, #tpu.memory_space<hbm>>
      %dma_start3A_382 = arith.constant 0 : i32
      %dma_start3A_383 = arith.constant 0 : i32
      %dma_start3A_384 = tpu.memref_slice %arg6[%run_scoped3A_49, %dma_start3A_382, %dma_start3A_383] : memref<25x8x128xi32, #tpu.memory_space<vmem>> -> memref<1x8x128xi32, #tpu.memory_space<vmem>>
      %dma_start3A_385 = tpu.memref_squeeze %dma_start3A_384 : memref<1x8x128xi32, #tpu.memory_space<vmem>> -> memref<8x128xi32, #tpu.memory_space<vmem>>
      %dma_start3A_386 = arith.constant 0 : i32
      %dma_start3A_387 = arith.constant 0 : i32
      %dma_start3A_388 = tpu.memref_slice %arg2[%run_scoped3A_48, %add3A, %dma_start3A_386, %dma_start3A_387] : memref<25x32x8x128xi32, #tpu.memory_space<hbm>> -> memref<1x1x8x128xi32, #tpu.memory_space<hbm>>
      %dma_start3A_389 = tpu.memref_squeeze %dma_start3A_388 : memref<1x1x8x128xi32, #tpu.memory_space<hbm>> -> memref<8x128xi32, #tpu.memory_space<hbm>>
      tpu.enqueue_dma source(%dma_start3A_389 : memref<8x128xi32, #tpu.memory_space<hbm>>) target(%dma_start3A_385 : memref<8x128xi32, #tpu.memory_space<vmem>>) target_semaphore(%run_scoped3A_373 : memref<!tpu.dma_semaphore, #tpu.memory_space<semaphore_mem>>)
      %dma_wait3A_390 = arith.constant 0 : i32
      %dma_wait3A_391 = arith.constant 0 : i32
      %dma_wait3A_392 = tpu.memref_slice %arg6[%run_scoped3A_49, %dma_wait3A_390, %dma_wait3A_391] : memref<25x8x128xi32, #tpu.memory_space<vmem>> -> memref<1x8x128xi32, #tpu.memory_space<vmem>>
      %dma_wait3A_393 = tpu.memref_squeeze %dma_wait3A_392 : memref<1x8x128xi32, #tpu.memory_space<vmem>> -> memref<8x128xi32, #tpu.memory_space<vmem>>
      %dma_wait3A_394 = arith.constant 0 : i32
      %dma_wait3A_395 = arith.constant 0 : i32
      %dma_wait3A_396 = tpu.memref_slice %arg2[%run_scoped3A_48, %add3A, %dma_wait3A_394, %dma_wait3A_395] : memref<25x32x8x128xi32, #tpu.memory_space<hbm>> -> memref<1x1x8x128xi32, #tpu.memory_space<hbm>>
      %dma_wait3A_397 = tpu.memref_squeeze %dma_wait3A_396 : memref<1x1x8x128xi32, #tpu.memory_space<hbm>> -> memref<8x128xi32, #tpu.memory_space<hbm>>
      %dma_wait3A_398 = arith.constant 0 : i32
      %dma_wait3A_399 = arith.constant 0 : i32
      %dma_wait3A_400 = tpu.memref_slice %arg6[%run_scoped3A_49, %dma_wait3A_398, %dma_wait3A_399] : memref<25x8x128xi32, #tpu.memory_space<vmem>> -> memref<1x8x128xi32, #tpu.memory_space<vmem>>
      %dma_wait3A_401 = tpu.memref_squeeze %dma_wait3A_400 : memref<1x8x128xi32, #tpu.memory_space<vmem>> -> memref<8x128xi32, #tpu.memory_space<vmem>>
      %dma_wait3A_402 = arith.constant 0 : i32
      %dma_wait3A_403 = arith.constant 0 : i32
      %dma_wait3A_404 = tpu.memref_slice %arg2[%run_scoped3A_48, %add3A, %dma_wait3A_402, %dma_wait3A_403] : memref<25x32x8x128xi32, #tpu.memory_space<hbm>> -> memref<1x1x8x128xi32, #tpu.memory_space<hbm>>
      %dma_wait3A_405 = tpu.memref_squeeze %dma_wait3A_404 : memref<1x1x8x128xi32, #tpu.memory_space<hbm>> -> memref<8x128xi32, #tpu.memory_space<hbm>>
      tpu.wait_dma2 semaphore(%run_scoped3A_373 : memref<!tpu.dma_semaphore, #tpu.memory_space<semaphore_mem>>) src(%dma_wait3A_405 : memref<8x128xi32, #tpu.memory_space<hbm>>) dst(%dma_wait3A_401 : memref<8x128xi32, #tpu.memory_space<vmem>>)
      tpu.yield
    }) : () -> ()
    %iota3A = tpu.iota {dimensions = array<i32: 0>} : vector<16xi32>
    %div3A = arith.constant 0 : i32
    %div3A_50 = arith.constant 8 : i32
    %div3A_51 = arith.divsi %div3A, %div3A_50 : i32
    %rem3A = arith.constant 0 : i32
    %rem3A_52 = arith.constant 8 : i32
    %rem3A_53 = arith.remsi %rem3A, %rem3A_52 : i32
    %parallel_loop3A = arith.constant 0 : i32
    %parallel_loop3A_54 = arith.constant 8 : i32
    %parallel_loop3A_55 = arith.constant 1 : i32
    scf.for %parallel_loop3A_373 = %parallel_loop3A to %parallel_loop3A_54 step %parallel_loop3A_55  : i32 {
      %parallel_loop3A_374 = arith.constant 16 : i32
      %parallel_loop3A_375 = arith.muli %parallel_loop3A_373, %parallel_loop3A_374 : i32
      %parallel_loop3A_376 = arith.index_cast %div3A_51 : i32 to index
      %parallel_loop3A_377 = arith.index_cast %rem3A_53 : i32 to index
      %parallel_loop3A_378 = arith.index_cast %parallel_loop3A_375 : i32 to index
      %parallel_loop3A_379 = tpu.vector_load %arg6[%parallel_loop3A_376, %parallel_loop3A_377, %parallel_loop3A_378] {strides = array<i32>} : memref<25x8x128xi32, #tpu.memory_space<vmem>>, vector<16xi32>,
      %parallel_loop3A_380 = arith.addi %parallel_loop3A_379, %parallel_loop3A_379 : vector<16xi32>
      %parallel_loop3A_381 = arith.constant 16 : i32
      %parallel_loop3A_382 = arith.muli %parallel_loop3A_373, %parallel_loop3A_381 : i32
      %parallel_loop3A_383 = arith.constant 0 : i32
      %parallel_loop3A_384 = arith.index_cast %parallel_loop3A_383 : i32 to index
      %parallel_loop3A_385 = arith.index_cast %parallel_loop3A_382 : i32 to index
      %parallel_loop3A_386 = tpu.vector_load %arg7[%parallel_loop3A_384, %parallel_loop3A_385] {strides = array<i32>} : memref<2x128xi32, #tpu.memory_space<vmem>>, vector<16xi32>,
      tpu.vector_store %arg7[%parallel_loop3A_384, %parallel_loop3A_385], %parallel_loop3A_380 {strides = array<i32>} : memref<2x128xi32, #tpu.memory_space<vmem>>, vector<16xi32>,
    } {sc.loop_unroll_factor = 1 : i64, sc.parallel_access}
    %dma_start3A = arith.constant 0 : i32
    %dma_start3A_56 = arith.constant 0 : i32
    %dma_start3A_57 = arith.constant 0 : i32
    %dma_start3A_58 = tpu.memref_slice %arg7[%dma_start3A, %dma_start3A_57] : memref<2x128xi32, #tpu.memory_space<vmem>> -> memref<1x128xi32, #tpu.memory_space<vmem>>
    %dma_start3A_59 = tpu.memref_squeeze %dma_start3A_58 : memref<1x128xi32, #tpu.memory_space<vmem>> -> memref<128xi32, #tpu.memory_space<vmem>>
    %dma_start3A_60 = arith.constant 0 : i32
    %dma_start3A_61 = arith.constant 0 : i32
    %dma_start3A_62 = tpu.memref_slice %arg3[%dma_start3A_60, %dma_start3A_61] : memref<2000000x64xf32, #tpu.memory_space<hbm>> -> memref<2000000x64xf32, #tpu.memory_space<hbm>>
    %dma_start3A_63 = tpu.memref_slice %arg14[%dma_start3A_56] : memref<2x!tpu.dma_semaphore, #tpu.memory_space<semaphore_mem>> -> memref<1x!tpu.dma_semaphore, #tpu.memory_space<semaphore_mem>>
    %dma_start3A_64 = tpu.memref_squeeze %dma_start3A_63 : memref<1x!tpu.dma_semaphore, #tpu.memory_space<semaphore_mem>> -> memref<!tpu.dma_semaphore, #tpu.memory_space<semaphore_mem>>
    tpu.enqueue_indirect_dma source(%dma_start3A_62 : memref<2000000x64xf32, #tpu.memory_space<hbm>>) target(%arg8 : memref<128x64xf32, #tpu.memory_space<vmem>>) offsets(%dma_start3A_59 : memref<128xi32, #tpu.memory_space<vmem>>) semaphore(%dma_start3A_64 : memref<!tpu.dma_semaphore, #tpu.memory_space<semaphore_mem>>)
    %scan3A = arith.constant 0 : i32
    %scan3A_65 = arith.constant 0 : i32
    %scan3A_66 = arith.constant 100 : i32
    %scan3A_67 = arith.addi %scan3A_65, %scan3A_66 : i32
    %scan3A_68 = arith.constant 1 : i32
    scf.for %scan3A_373 = %scan3A_65 to %scan3A_67 step %scan3A_68  : i32 {
      %mul3A_374 = arith.constant 2 : i32
      %mul3A_375 = arith.muli %scan3A_373, %mul3A_374 : i32
      %add3A_376 = arith.constant 1 : i32
      %add3A_377 = arith.addi %mul3A_375, %add3A_376 : i32
      %div3A_378 = arith.constant 8 : i32
      %div3A_379 = arith.divsi %add3A_377, %div3A_378 : i32
      %rem3A_380 = arith.constant 8 : i32
      %rem3A_381 = arith.remsi %add3A_377, %rem3A_380 : i32
      %parallel_loop3A_382 = arith.constant 0 : i32
      %parallel_loop3A_383 = arith.constant 8 : i32
      %parallel_loop3A_384 = arith.constant 1 : i32
      scf.for %parallel_loop3A_1010 = %parallel_loop3A_382 to %parallel_loop3A_383 step %parallel_loop3A_384  : i32 {
        %parallel_loop3A_1011 = arith.constant 16 : i32
        %parallel_loop3A_1012 = arith.muli %parallel_loop3A_1010, %parallel_loop3A_1011 : i32
        %parallel_loop3A_1013 = arith.index_cast %div3A_379 : i32 to index
        %parallel_loop3A_1014 = arith.index_cast %rem3A_381 : i32 to index
        %parallel_loop3A_1015 = arith.index_cast %parallel_loop3A_1012 : i32 to index
        %parallel_loop3A_1016 = tpu.vector_load %arg6[%parallel_loop3A_1013, %parallel_loop3A_1014, %parallel_loop3A_1015] {strides = array<i32>} : memref<25x8x128xi32, #tpu.memory_space<vmem>>, vector<16xi32>,
        %parallel_loop3A_1017 = arith.addi %parallel_loop3A_1016, %parallel_loop3A_1016 : vector<16xi32>
        %parallel_loop3A_1018 = arith.constant 16 : i32
        %parallel_loop3A_1019 = arith.muli %parallel_loop3A_1010, %parallel_loop3A_1018 : i32
        %parallel_loop3A_1020 = arith.constant 1 : i32
        %parallel_loop3A_1021 = arith.index_cast %parallel_loop3A_1020 : i32 to index
        %parallel_loop3A_1022 = arith.index_cast %parallel_loop3A_1019 : i32 to index
        %parallel_loop3A_1023 = tpu.vector_load %arg7[%parallel_loop3A_1021, %parallel_loop3A_1022] {strides = array<i32>} : memref<2x128xi32, #tpu.memory_space<vmem>>, vector<16xi32>,
        tpu.vector_store %arg7[%parallel_loop3A_1021, %parallel_loop3A_1022], %parallel_loop3A_1017 {strides = array<i32>} : memref<2x128xi32, #tpu.memory_space<vmem>>, vector<16xi32>,
      } {sc.loop_unroll_factor = 1 : i64, sc.parallel_access}
      %dma_start3A_385 = arith.constant 1 : i32
      %dma_start3A_386 = arith.constant 1 : i32
      %dma_start3A_387 = arith.constant 0 : i32
      %dma_start3A_388 = tpu.memref_slice %arg7[%dma_start3A_385, %dma_start3A_387] : memref<2x128xi32, #tpu.memory_space<vmem>> -> memref<1x128xi32, #tpu.memory_space<vmem>>
      %dma_start3A_389 = tpu.memref_squeeze %dma_start3A_388 : memref<1x128xi32, #tpu.memory_space<vmem>> -> memref<128xi32, #tpu.memory_space<vmem>>
      %dma_start3A_390 = arith.constant 0 : i32
      %dma_start3A_391 = arith.constant 0 : i32
      %dma_start3A_392 = tpu.memref_slice %arg3[%dma_start3A_390, %dma_start3A_391] : memref<2000000x64xf32, #tpu.memory_space<hbm>> -> memref<2000000x64xf32, #tpu.memory_space<hbm>>
      %dma_start3A_393 = tpu.memref_slice %arg14[%dma_start3A_386] : memref<2x!tpu.dma_semaphore, #tpu.memory_space<semaphore_mem>> -> memref<1x!tpu.dma_semaphore, #tpu.memory_space<semaphore_mem>>
      %dma_start3A_394 = tpu.memref_squeeze %dma_start3A_393 : memref<1x!tpu.dma_semaphore, #tpu.memory_space<semaphore_mem>> -> memref<!tpu.dma_semaphore, #tpu.memory_space<semaphore_mem>>
      tpu.enqueue_indirect_dma source(%dma_start3A_392 : memref<2000000x64xf32, #tpu.memory_space<hbm>>) target(%arg9 : memref<128x64xf32, #tpu.memory_space<vmem>>) offsets(%dma_start3A_389 : memref<128xi32, #tpu.memory_space<vmem>>) semaphore(%dma_start3A_394 : memref<!tpu.dma_semaphore, #tpu.memory_space<semaphore_mem>>)
      %gt3A = arith.constant 0 : i32
      %gt3A_395 = arith.cmpi sgt, %scan3A_373, %gt3A : i32
      %convert_element_type3A = arith.extui %gt3A_395 : i1 to i32
      %cond3A = arith.constant 0 : i32
      %cond3A_396 = arith.cmpi ne, %convert_element_type3A, %cond3A : i32
      scf.if %cond3A_396 {
        %sub3A = arith.constant 2 : i32
        %sub3A_1010 = arith.subi %mul3A_375, %sub3A : i32
        %dma_wait3A_1011 = arith.constant 0 : i32
        %dma_wait3A_1012 = arith.constant 0 : i32
        %dma_wait3A_1013 = arith.constant 0 : i32
        %dma_wait3A_1014 = arith.constant 0 : i32
        %dma_wait3A_1015 = tpu.memref_slice %arg10[%dma_wait3A_1013, %dma_wait3A_1014] : memref<64x129xf32, #tpu.memory_space<vmem>> -> memref<8x128xf32, #tpu.memory_space<vmem>>
        %dma_wait3A_1016 = arith.constant 0 : i32
        %dma_wait3A_1017 = arith.constant 0 : i32
        %dma_wait3A_1018 = tpu.memref_slice %arg5[%sub3A_1010, %dma_wait3A_1011, %add3A, %dma_wait3A_1016, %dma_wait3A_1017] : memref<200x8x32x8x128xf32, #tpu.memory_space<hbm>> -> memref<1x1x1x8x128xf32, #tpu.memory_space<hbm>>
        %dma_wait3A_1019 = tpu.memref_squeeze %dma_wait3A_1018 : memref<1x1x1x8x128xf32, #tpu.memory_space<hbm>> -> memref<8x128xf32, #tpu.memory_space<hbm>>
        %dma_wait3A_1020 = tpu.memref_slice %arg15[%dma_wait3A_1012] : memref<2x!tpu.dma_semaphore, #tpu.memory_space<semaphore_mem>> -> memref<1x!tpu.dma_semaphore, #tpu.memory_space<semaphore_mem>>
        %dma_wait3A_1021 = tpu.memref_squeeze %dma_wait3A_1020 : memref<1x!tpu.dma_semaphore, #tpu.memory_space<semaphore_mem>> -> memref<!tpu.dma_semaphore, #tpu.memory_space<semaphore_mem>>
        %dma_wait3A_1022 = arith.constant 0 : i32
        %dma_wait3A_1023 = arith.constant 0 : i32
        %dma_wait3A_1024 = tpu.memref_slice %arg5[%sub3A_1010, %dma_wait3A_1011, %add3A, %dma_wait3A_1022, %dma_wait3A_1023] : memref<200x8x32x8x128xf32, #tpu.memory_space<hbm>> -> memref<1x1x1x8x128xf32, #tpu.memory_space<hbm>>
        %dma_wait3A_1025 = tpu.memref_squeeze %dma_wait3A_1024 : memref<1x1x1x8x128xf32, #tpu.memory_space<hbm>> -> memref<8x128xf32, #tpu.memory_space<hbm>>
        %dma_wait3A_1026 = arith.constant 0 : i32
        %dma_wait3A_1027 = arith.constant 0 : i32
        %dma_wait3A_1028 = tpu.memref_slice %arg10[%dma_wait3A_1026, %dma_wait3A_1027] : memref<64x129xf32, #tpu.memory_space<vmem>> -> memref<8x128xf32, #tpu.memory_space<vmem>>
        tpu.wait_dma2 semaphore(%dma_wait3A_1021 : memref<!tpu.dma_semaphore, #tpu.memory_space<semaphore_mem>>) src(%dma_wait3A_1028 : memref<8x128xf32, #tpu.memory_space<vmem>>) dst(%dma_wait3A_1025 : memref<8x128xf32, #tpu.memory_space<hbm>>)
        %dma_wait3A_1029 = arith.constant 1 : i32
        %dma_wait3A_1030 = arith.constant 0 : i32
        %dma_wait3A_1031 = arith.constant 8 : i32
        %dma_wait3A_1032 = arith.constant 0 : i32
        %dma_wait3A_1033 = tpu.memref_slice %arg10[%dma_wait3A_1031, %dma_wait3A_1032] : memref<64x129xf32, #tpu.memory_space<vmem>> -> memref<8x128xf32, #tpu.memory_space<vmem>>
        %dma_wait3A_1034 = arith.constant 0 : i32
        %dma_wait3A_1035 = arith.constant 0 : i32
        %dma_wait3A_1036 = tpu.memref_slice %arg5[%sub3A_1010, %dma_wait3A_1029, %add3A, %dma_wait3A_1034, %dma_wait3A_1035] : memref<200x8x32x8x128xf32, #tpu.memory_space<hbm>> -> memref<1x1x1x8x128xf32, #tpu.memory_space<hbm>>
        %dma_wait3A_1037 = tpu.memref_squeeze %dma_wait3A_1036 : memref<1x1x1x8x128xf32, #tpu.memory_space<hbm>> -> memref<8x128xf32, #tpu.memory_space<hbm>>
        %dma_wait3A_1038 = tpu.memref_slice %arg15[%dma_wait3A_1030] : memref<2x!tpu.dma_semaphore, #tpu.memory_space<semaphore_mem>> -> memref<1x!tpu.dma_semaphore, #tpu.memory_space<semaphore_mem>>
        %dma_wait3A_1039 = tpu.memref_squeeze %dma_wait3A_1038 : memref<1x!tpu.dma_semaphore, #tpu.memory_space<semaphore_mem>> -> memref<!tpu.dma_semaphore, #tpu.memory_space<semaphore_mem>>
        %dma_wait3A_1040 = arith.constant 0 : i32
        %dma_wait3A_1041 = arith.constant 0 : i32
        %dma_wait3A_1042 = tpu.memref_slice %arg5[%sub3A_1010, %dma_wait3A_1029, %add3A, %dma_wait3A_1040, %dma_wait3A_1041] : memref<200x8x32x8x128xf32, #tpu.memory_space<hbm>> -> memref<1x1x1x8x128xf32, #tpu.memory_space<hbm>>
        %dma_wait3A_1043 = tpu.memref_squeeze %dma_wait3A_1042 : memref<1x1x1x8x128xf32, #tpu.memory_space<hbm>> -> memref<8x128xf32, #tpu.memory_space<hbm>>
        %dma_wait3A_1044 = arith.constant 8 : i32
        %dma_wait3A_1045 = arith.constant 0 : i32
        %dma_wait3A_1046 = tpu.memref_slice %arg10[%dma_wait3A_1044, %dma_wait3A_1045] : memref<64x129xf32, #tpu.memory_space<vmem>> -> memref<8x128xf32, #tpu.memory_space<vmem>>
        tpu.wait_dma2 semaphore(%dma_wait3A_1039 : memref<!tpu.dma_semaphore, #tpu.memory_space<semaphore_mem>>) src(%dma_wait3A_1046 : memref<8x128xf32, #tpu.memory_space<vmem>>) dst(%dma_wait3A_1043 : memref<8x128xf32, #tpu.memory_space<hbm>>)
        %dma_wait3A_1047 = arith.constant 2 : i32
        %dma_wait3A_1048 = arith.constant 0 : i32
        %dma_wait3A_1049 = arith.constant 16 : i32
        %dma_wait3A_1050 = arith.constant 0 : i32
        %dma_wait3A_1051 = tpu.memref_slice %arg10[%dma_wait3A_1049, %dma_wait3A_1050] : memref<64x129xf32, #tpu.memory_space<vmem>> -> memref<8x128xf32, #tpu.memory_space<vmem>>
        %dma_wait3A_1052 = arith.constant 0 : i32
        %dma_wait3A_1053 = arith.constant 0 : i32
        %dma_wait3A_1054 = tpu.memref_slice %arg5[%sub3A_1010, %dma_wait3A_1047, %add3A, %dma_wait3A_1052, %dma_wait3A_1053] : memref<200x8x32x8x128xf32, #tpu.memory_space<hbm>> -> memref<1x1x1x8x128xf32, #tpu.memory_space<hbm>>
        %dma_wait3A_1055 = tpu.memref_squeeze %dma_wait3A_1054 : memref<1x1x1x8x128xf32, #tpu.memory_space<hbm>> -> memref<8x128xf32, #tpu.memory_space<hbm>>
        %dma_wait3A_1056 = tpu.memref_slice %arg15[%dma_wait3A_1048] : memref<2x!tpu.dma_semaphore, #tpu.memory_space<semaphore_mem>> -> memref<1x!tpu.dma_semaphore, #tpu.memory_space<semaphore_mem>>
        %dma_wait3A_1057 = tpu.memref_squeeze %dma_wait3A_1056 : memref<1x!tpu.dma_semaphore, #tpu.memory_space<semaphore_mem>> -> memref<!tpu.dma_semaphore, #tpu.memory_space<semaphore_mem>>
        %dma_wait3A_1058 = arith.constant 0 : i32
        %dma_wait3A_1059 = arith.constant 0 : i32
        %dma_wait3A_1060 = tpu.memref_slice %arg5[%sub3A_1010, %dma_wait3A_1047, %add3A, %dma_wait3A_1058, %dma_wait3A_1059] : memref<200x8x32x8x128xf32, #tpu.memory_space<hbm>> -> memref<1x1x1x8x128xf32, #tpu.memory_space<hbm>>
        %dma_wait3A_1061 = tpu.memref_squeeze %dma_wait3A_1060 : memref<1x1x1x8x128xf32, #tpu.memory_space<hbm>> -> memref<8x128xf32, #tpu.memory_space<hbm>>
        %dma_wait3A_1062 = arith.constant 16 : i32
        %dma_wait3A_1063 = arith.constant 0 : i32
        %dma_wait3A_1064 = tpu.memref_slice %arg10[%dma_wait3A_1062, %dma_wait3A_1063] : memref<64x129xf32, #tpu.memory_space<vmem>> -> memref<8x128xf32, #tpu.memory_space<vmem>>
        tpu.wait_dma2 semaphore(%dma_wait3A_1057 : memref<!tpu.dma_semaphore, #tpu.memory_space<semaphore_mem>>) src(%dma_wait3A_1064 : memref<8x128xf32, #tpu.memory_space<vmem>>) dst(%dma_wait3A_1061 : memref<8x128xf32, #tpu.memory_space<hbm>>)
        %dma_wait3A_1065 = arith.constant 3 : i32
        %dma_wait3A_1066 = arith.constant 0 : i32
        %dma_wait3A_1067 = arith.constant 24 : i32
        %dma_wait3A_1068 = arith.constant 0 : i32
        %dma_wait3A_1069 = tpu.memref_slice %arg10[%dma_wait3A_1067, %dma_wait3A_1068] : memref<64x129xf32, #tpu.memory_space<vmem>> -> memref<8x128xf32, #tpu.memory_space<vmem>>
        %dma_wait3A_1070 = arith.constant 0 : i32
        %dma_wait3A_1071 = arith.constant 0 : i32
        %dma_wait3A_1072 = tpu.memref_slice %arg5[%sub3A_1010, %dma_wait3A_1065, %add3A, %dma_wait3A_1070, %dma_wait3A_1071] : memref<200x8x32x8x128xf32, #tpu.memory_space<hbm>> -> memref<1x1x1x8x128xf32, #tpu.memory_space<hbm>>
        %dma_wait3A_1073 = tpu.memref_squeeze %dma_wait3A_1072 : memref<1x1x1x8x128xf32, #tpu.memory_space<hbm>> -> memref<8x128xf32, #tpu.memory_space<hbm>>
        %dma_wait3A_1074 = tpu.memref_slice %arg15[%dma_wait3A_1066] : memref<2x!tpu.dma_semaphore, #tpu.memory_space<semaphore_mem>> -> memref<1x!tpu.dma_semaphore, #tpu.memory_space<semaphore_mem>>
        %dma_wait3A_1075 = tpu.memref_squeeze %dma_wait3A_1074 : memref<1x!tpu.dma_semaphore, #tpu.memory_space<semaphore_mem>> -> memref<!tpu.dma_semaphore, #tpu.memory_space<semaphore_mem>>
        %dma_wait3A_1076 = arith.constant 0 : i32
        %dma_wait3A_1077 = arith.constant 0 : i32
        %dma_wait3A_1078 = tpu.memref_slice %arg5[%sub3A_1010, %dma_wait3A_1065, %add3A, %dma_wait3A_1076, %dma_wait3A_1077] : memref<200x8x32x8x128xf32, #tpu.memory_space<hbm>> -> memref<1x1x1x8x128xf32, #tpu.memory_space<hbm>>
        %dma_wait3A_1079 = tpu.memref_squeeze %dma_wait3A_1078 : memref<1x1x1x8x128xf32, #tpu.memory_space<hbm>> -> memref<8x128xf32, #tpu.memory_space<hbm>>
        %dma_wait3A_1080 = arith.constant 24 : i32
        %dma_wait3A_1081 = arith.constant 0 : i32
        %dma_wait3A_1082 = tpu.memref_slice %arg10[%dma_wait3A_1080, %dma_wait3A_1081] : memref<64x129xf32, #tpu.memory_space<vmem>> -> memref<8x128xf32, #tpu.memory_space<vmem>>
        tpu.wait_dma2 semaphore(%dma_wait3A_1075 : memref<!tpu.dma_semaphore, #tpu.memory_space<semaphore_mem>>) src(%dma_wait3A_1082 : memref<8x128xf32, #tpu.memory_space<vmem>>) dst(%dma_wait3A_1079 : memref<8x128xf32, #tpu.memory_space<hbm>>)
        %dma_wait3A_1083 = arith.constant 4 : i32
        %dma_wait3A_1084 = arith.constant 0 : i32
        %dma_wait3A_1085 = arith.constant 32 : i32
        %dma_wait3A_1086 = arith.constant 0 : i32
        %dma_wait3A_1087 = tpu.memref_slice %arg10[%dma_wait3A_1085, %dma_wait3A_1086] : memref<64x129xf32, #tpu.memory_space<vmem>> -> memref<8x128xf32, #tpu.memory_space<vmem>>
        %dma_wait3A_1088 = arith.constant 0 : i32
        %dma_wait3A_1089 = arith.constant 0 : i32
        %dma_wait3A_1090 = tpu.memref_slice %arg5[%sub3A_1010, %dma_wait3A_1083, %add3A, %dma_wait3A_1088, %dma_wait3A_1089] : memref<200x8x32x8x128xf32, #tpu.memory_space<hbm>> -> memref<1x1x1x8x128xf32, #tpu.memory_space<hbm>>
        %dma_wait3A_1091 = tpu.memref_squeeze %dma_wait3A_1090 : memref<1x1x1x8x128xf32, #tpu.memory_space<hbm>> -> memref<8x128xf32, #tpu.memory_space<hbm>>
        %dma_wait3A_1092 = tpu.memref_slice %arg15[%dma_wait3A_1084] : memref<2x!tpu.dma_semaphore, #tpu.memory_space<semaphore_mem>> -> memref<1x!tpu.dma_semaphore, #tpu.memory_space<semaphore_mem>>
        %dma_wait3A_1093 = tpu.memref_squeeze %dma_wait3A_1092 : memref<1x!tpu.dma_semaphore, #tpu.memory_space<semaphore_mem>> -> memref<!tpu.dma_semaphore, #tpu.memory_space<semaphore_mem>>
        %dma_wait3A_1094 = arith.constant 0 : i32
        %dma_wait3A_1095 = arith.constant 0 : i32
        %dma_wait3A_1096 = tpu.memref_slice %arg5[%sub3A_1010, %dma_wait3A_1083, %add3A, %dma_wait3A_1094, %dma_wait3A_1095] : memref<200x8x32x8x128xf32, #tpu.memory_space<hbm>> -> memref<1x1x1x8x128xf32, #tpu.memory_space<hbm>>
        %dma_wait3A_1097 = tpu.memref_squeeze %dma_wait3A_1096 : memref<1x1x1x8x128xf32, #tpu.memory_space<hbm>> -> memref<8x128xf32, #tpu.memory_space<hbm>>
        %dma_wait3A_1098 = arith.constant 32 : i32
        %dma_wait3A_1099 = arith.constant 0 : i32
        %dma_wait3A_1100 = tpu.memref_slice %arg10[%dma_wait3A_1098, %dma_wait3A_1099] : memref<64x129xf32, #tpu.memory_space<vmem>> -> memref<8x128xf32, #tpu.memory_space<vmem>>
        tpu.wait_dma2 semaphore(%dma_wait3A_1093 : memref<!tpu.dma_semaphore, #tpu.memory_space<semaphore_mem>>) src(%dma_wait3A_1100 : memref<8x128xf32, #tpu.memory_space<vmem>>) dst(%dma_wait3A_1097 : memref<8x128xf32, #tpu.memory_space<hbm>>)
        %dma_wait3A_1101 = arith.constant 5 : i32
        %dma_wait3A_1102 = arith.constant 0 : i32
        %dma_wait3A_1103 = arith.constant 40 : i32
        %dma_wait3A_1104 = arith.constant 0 : i32
        %dma_wait3A_1105 = tpu.memref_slice %arg10[%dma_wait3A_1103, %dma_wait3A_1104] : memref<64x129xf32, #tpu.memory_space<vmem>> -> memref<8x128xf32, #tpu.memory_space<vmem>>
        %dma_wait3A_1106 = arith.constant 0 : i32
        %dma_wait3A_1107 = arith.constant 0 : i32
        %dma_wait3A_1108 = tpu.memref_slice %arg5[%sub3A_1010, %dma_wait3A_1101, %add3A, %dma_wait3A_1106, %dma_wait3A_1107] : memref<200x8x32x8x128xf32, #tpu.memory_space<hbm>> -> memref<1x1x1x8x128xf32, #tpu.memory_space<hbm>>
        %dma_wait3A_1109 = tpu.memref_squeeze %dma_wait3A_1108 : memref<1x1x1x8x128xf32, #tpu.memory_space<hbm>> -> memref<8x128xf32, #tpu.memory_space<hbm>>
        %dma_wait3A_1110 = tpu.memref_slice %arg15[%dma_wait3A_1102] : memref<2x!tpu.dma_semaphore, #tpu.memory_space<semaphore_mem>> -> memref<1x!tpu.dma_semaphore, #tpu.memory_space<semaphore_mem>>
        %dma_wait3A_1111 = tpu.memref_squeeze %dma_wait3A_1110 : memref<1x!tpu.dma_semaphore, #tpu.memory_space<semaphore_mem>> -> memref<!tpu.dma_semaphore, #tpu.memory_space<semaphore_mem>>
        %dma_wait3A_1112 = arith.constant 0 : i32
        %dma_wait3A_1113 = arith.constant 0 : i32
        %dma_wait3A_1114 = tpu.memref_slice %arg5[%sub3A_1010, %dma_wait3A_1101, %add3A, %dma_wait3A_1112, %dma_wait3A_1113] : memref<200x8x32x8x128xf32, #tpu.memory_space<hbm>> -> memref<1x1x1x8x128xf32, #tpu.memory_space<hbm>>
        %dma_wait3A_1115 = tpu.memref_squeeze %dma_wait3A_1114 : memref<1x1x1x8x128xf32, #tpu.memory_space<hbm>> -> memref<8x128xf32, #tpu.memory_space<hbm>>
        %dma_wait3A_1116 = arith.constant 40 : i32
        %dma_wait3A_1117 = arith.constant 0 : i32
        %dma_wait3A_1118 = tpu.memref_slice %arg10[%dma_wait3A_1116, %dma_wait3A_1117] : memref<64x129xf32, #tpu.memory_space<vmem>> -> memref<8x128xf32, #tpu.memory_space<vmem>>
        tpu.wait_dma2 semaphore(%dma_wait3A_1111 : memref<!tpu.dma_semaphore, #tpu.memory_space<semaphore_mem>>) src(%dma_wait3A_1118 : memref<8x128xf32, #tpu.memory_space<vmem>>) dst(%dma_wait3A_1115 : memref<8x128xf32, #tpu.memory_space<hbm>>)
        %dma_wait3A_1119 = arith.constant 6 : i32
        %dma_wait3A_1120 = arith.constant 0 : i32
        %dma_wait3A_1121 = arith.constant 48 : i32
        %dma_wait3A_1122 = arith.constant 0 : i32
        %dma_wait3A_1123 = tpu.memref_slice %arg10[%dma_wait3A_1121, %dma_wait3A_1122] : memref<64x129xf32, #tpu.memory_space<vmem>> -> memref<8x128xf32, #tpu.memory_space<vmem>>
        %dma_wait3A_1124 = arith.constant 0 : i32
        %dma_wait3A_1125 = arith.constant 0 : i32
        %dma_wait3A_1126 = tpu.memref_slice %arg5[%sub3A_1010, %dma_wait3A_1119, %add3A, %dma_wait3A_1124, %dma_wait3A_1125] : memref<200x8x32x8x128xf32, #tpu.memory_space<hbm>> -> memref<1x1x1x8x128xf32, #tpu.memory_space<hbm>>
        %dma_wait3A_1127 = tpu.memref_squeeze %dma_wait3A_1126 : memref<1x1x1x8x128xf32, #tpu.memory_space<hbm>> -> memref<8x128xf32, #tpu.memory_space<hbm>>
        %dma_wait3A_1128 = tpu.memref_slice %arg15[%dma_wait3A_1120] : memref<2x!tpu.dma_semaphore, #tpu.memory_space<semaphore_mem>> -> memref<1x!tpu.dma_semaphore, #tpu.memory_space<semaphore_mem>>
        %dma_wait3A_1129 = tpu.memref_squeeze %dma_wait3A_1128 : memref<1x!tpu.dma_semaphore, #tpu.memory_space<semaphore_mem>> -> memref<!tpu.dma_semaphore, #tpu.memory_space<semaphore_mem>>
        %dma_wait3A_1130 = arith.constant 0 : i32
        %dma_wait3A_1131 = arith.constant 0 : i32
        %dma_wait3A_1132 = tpu.memref_slice %arg5[%sub3A_1010, %dma_wait3A_1119, %add3A, %dma_wait3A_1130, %dma_wait3A_1131] : memref<200x8x32x8x128xf32, #tpu.memory_space<hbm>> -> memref<1x1x1x8x128xf32, #tpu.memory_space<hbm>>
        %dma_wait3A_1133 = tpu.memref_squeeze %dma_wait3A_1132 : memref<1x1x1x8x128xf32, #tpu.memory_space<hbm>> -> memref<8x128xf32, #tpu.memory_space<hbm>>
        %dma_wait3A_1134 = arith.constant 48 : i32
        %dma_wait3A_1135 = arith.constant 0 : i32
        %dma_wait3A_1136 = tpu.memref_slice %arg10[%dma_wait3A_1134, %dma_wait3A_1135] : memref<64x129xf32, #tpu.memory_space<vmem>> -> memref<8x128xf32, #tpu.memory_space<vmem>>
        tpu.wait_dma2 semaphore(%dma_wait3A_1129 : memref<!tpu.dma_semaphore, #tpu.memory_space<semaphore_mem>>) src(%dma_wait3A_1136 : memref<8x128xf32, #tpu.memory_space<vmem>>) dst(%dma_wait3A_1133 : memref<8x128xf32, #tpu.memory_space<hbm>>)
        %dma_wait3A_1137 = arith.constant 7 : i32
        %dma_wait3A_1138 = arith.constant 0 : i32
        %dma_wait3A_1139 = arith.constant 56 : i32
        %dma_wait3A_1140 = arith.constant 0 : i32
        %dma_wait3A_1141 = tpu.memref_slice %arg10[%dma_wait3A_1139, %dma_wait3A_1140] : memref<64x129xf32, #tpu.memory_space<vmem>> -> memref<8x128xf32, #tpu.memory_space<vmem>>
        %dma_wait3A_1142 = arith.constant 0 : i32
        %dma_wait3A_1143 = arith.constant 0 : i32
        %dma_wait3A_1144 = tpu.memref_slice %arg5[%sub3A_1010, %dma_wait3A_1137, %add3A, %dma_wait3A_1142, %dma_wait3A_1143] : memref<200x8x32x8x128xf32, #tpu.memory_space<hbm>> -> memref<1x1x1x8x128xf32, #tpu.memory_space<hbm>>
        %dma_wait3A_1145 = tpu.memref_squeeze %dma_wait3A_1144 : memref<1x1x1x8x128xf32, #tpu.memory_space<hbm>> -> memref<8x128xf32, #tpu.memory_space<hbm>>
        %dma_wait3A_1146 = tpu.memref_slice %arg15[%dma_wait3A_1138] : memref<2x!tpu.dma_semaphore, #tpu.memory_space<semaphore_mem>> -> memref<1x!tpu.dma_semaphore, #tpu.memory_space<semaphore_mem>>
        %dma_wait3A_1147 = tpu.memref_squeeze %dma_wait3A_1146 : memref<1x!tpu.dma_semaphore, #tpu.memory_space<semaphore_mem>> -> memref<!tpu.dma_semaphore, #tpu.memory_space<semaphore_mem>>
        %dma_wait3A_1148 = arith.constant 0 : i32
        %dma_wait3A_1149 = arith.constant 0 : i32
        %dma_wait3A_1150 = tpu.memref_slice %arg5[%sub3A_1010, %dma_wait3A_1137, %add3A, %dma_wait3A_1148, %dma_wait3A_1149] : memref<200x8x32x8x128xf32, #tpu.memory_space<hbm>> -> memref<1x1x1x8x128xf32, #tpu.memory_space<hbm>>
        %dma_wait3A_1151 = tpu.memref_squeeze %dma_wait3A_1150 : memref<1x1x1x8x128xf32, #tpu.memory_space<hbm>> -> memref<8x128xf32, #tpu.memory_space<hbm>>
        %dma_wait3A_1152 = arith.constant 56 : i32
        %dma_wait3A_1153 = arith.constant 0 : i32
        %dma_wait3A_1154 = tpu.memref_slice %arg10[%dma_wait3A_1152, %dma_wait3A_1153] : memref<64x129xf32, #tpu.memory_space<vmem>> -> memref<8x128xf32, #tpu.memory_space<vmem>>
        tpu.wait_dma2 semaphore(%dma_wait3A_1147 : memref<!tpu.dma_semaphore, #tpu.memory_space<semaphore_mem>>) src(%dma_wait3A_1154 : memref<8x128xf32, #tpu.memory_space<vmem>>) dst(%dma_wait3A_1151 : memref<8x128xf32, #tpu.memory_space<hbm>>)
      } else {
      }
      %div3A_397 = arith.constant 8 : i32
      %div3A_398 = arith.divsi %mul3A_375, %div3A_397 : i32
      %rem3A_399 = arith.constant 8 : i32
      %rem3A_400 = arith.remsi %mul3A_375, %rem3A_399 : i32
      %dma_wait3A_401 = arith.constant 0 : i32
      %dma_wait3A_402 = arith.constant 0 : i32
      %dma_wait3A_403 = arith.constant 0 : i32
      %dma_wait3A_404 = tpu.memref_slice %arg7[%dma_wait3A_401, %dma_wait3A_403] : memref<2x128xi32, #tpu.memory_space<vmem>> -> memref<1x128xi32, #tpu.memory_space<vmem>>
      %dma_wait3A_405 = tpu.memref_squeeze %dma_wait3A_404 : memref<1x128xi32, #tpu.memory_space<vmem>> -> memref<128xi32, #tpu.memory_space<vmem>>
      %dma_wait3A_406 = arith.constant 0 : i32
      %dma_wait3A_407 = arith.constant 0 : i32
      %dma_wait3A_408 = tpu.memref_slice %arg3[%dma_wait3A_406, %dma_wait3A_407] : memref<2000000x64xf32, #tpu.memory_space<hbm>> -> memref<2000000x64xf32, #tpu.memory_space<hbm>>
      %dma_wait3A_409 = tpu.memref_slice %arg14[%dma_wait3A_402] : memref<2x!tpu.dma_semaphore, #tpu.memory_space<semaphore_mem>> -> memref<1x!tpu.dma_semaphore, #tpu.memory_space<semaphore_mem>>
      %dma_wait3A_410 = tpu.memref_squeeze %dma_wait3A_409 : memref<1x!tpu.dma_semaphore, #tpu.memory_space<semaphore_mem>> -> memref<!tpu.dma_semaphore, #tpu.memory_space<semaphore_mem>>
      tpu.wait_indirect_dma semaphore(%dma_wait3A_410 : memref<!tpu.dma_semaphore, #tpu.memory_space<semaphore_mem>>) src(%dma_wait3A_408 : memref<2000000x64xf32, #tpu.memory_space<hbm>>) dst(%arg8 : memref<128x64xf32, #tpu.memory_space<vmem>>)
      %get3A = arith.index_cast %div3A_398 : i32 to index
      %get3A_411 = arith.index_cast %rem3A_400 : i32 to index
      %get3A_412 = arith.constant 0 : index
      %get3A_413 = tpu.vector_load %arg6[%get3A, %get3A_411, %get3A_412] {strides = array<i32>} : memref<25x8x128xi32, #tpu.memory_space<vmem>>, vector<16xi32>,
      %ne3A = arith.constant 0 : i32
      %ne3A_414 = vector.broadcast %ne3A : i32 to vector<16xi32>
      %ne3A_415 = arith.cmpi ne, %get3A_413, %ne3A_414 : vector<16xi32>
      %jit3A = arith.constant 1.000000e+00 : f32
      %jit3A_416 = arith.constant 0.000000e+00 : f32
      %broadcast_in_dim3A = vector.broadcast %jit3A : f32 to vector<16xf32>
      %broadcast_in_dim3A_417 = vector.broadcast %jit3A_416 : f32 to vector<16xf32>
      %select_n3A = arith.select %ne3A_415, %broadcast_in_dim3A, %broadcast_in_dim3A_417 : vector<16xi1>, vector<16xf32>
      %swap3A = arith.constant 0 : index
      %swap3A_418 = tpu.vector_load %arg13[%swap3A] {strides = array<i32>} : memref<128xf32, #tpu.memory_space<vmem>>, vector<16xf32>,
      tpu.vector_store %arg13[%swap3A], %select_n3A {strides = array<i32>} : memref<128xf32, #tpu.memory_space<vmem>>, vector<16xf32>,
      %get3A_419 = arith.index_cast %div3A_398 : i32 to index
      %get3A_420 = arith.index_cast %rem3A_400 : i32 to index
      %get3A_421 = arith.constant 16 : index
      %get3A_422 = tpu.vector_load %arg6[%get3A_419, %get3A_420, %get3A_421] {strides = array<i32>} : memref<25x8x128xi32, #tpu.memory_space<vmem>>, vector<16xi32>,
      %ne3A_423 = arith.constant 0 : i32
      %ne3A_424 = vector.broadcast %ne3A_423 : i32 to vector<16xi32>
      %ne3A_425 = arith.cmpi ne, %get3A_422, %ne3A_424 : vector<16xi32>
      %jit3A_426 = arith.constant 1.000000e+00 : f32
      %jit3A_427 = arith.constant 0.000000e+00 : f32
      %broadcast_in_dim3A_428 = vector.broadcast %jit3A_426 : f32 to vector<16xf32>
      %broadcast_in_dim3A_429 = vector.broadcast %jit3A_427 : f32 to vector<16xf32>
      %select_n3A_430 = arith.select %ne3A_425, %broadcast_in_dim3A_428, %broadcast_in_dim3A_429 : vector<16xi1>, vector<16xf32>
      %swap3A_431 = arith.constant 16 : index
      %swap3A_432 = tpu.vector_load %arg13[%swap3A_431] {strides = array<i32>} : memref<128xf32, #tpu.memory_space<vmem>>, vector<16xf32>,
      tpu.vector_store %arg13[%swap3A_431], %select_n3A_430 {strides = array<i32>} : memref<128xf32, #tpu.memory_space<vmem>>, vector<16xf32>,
      %get3A_433 = arith.index_cast %div3A_398 : i32 to index
      %get3A_434 = arith.index_cast %rem3A_400 : i32 to index
      %get3A_435 = arith.constant 32 : index
      %get3A_436 = tpu.vector_load %arg6[%get3A_433, %get3A_434, %get3A_435] {strides = array<i32>} : memref<25x8x128xi32, #tpu.memory_space<vmem>>, vector<16xi32>,
      %ne3A_437 = arith.constant 0 : i32
      %ne3A_438 = vector.broadcast %ne3A_437 : i32 to vector<16xi32>
      %ne3A_439 = arith.cmpi ne, %get3A_436, %ne3A_438 : vector<16xi32>
      %jit3A_440 = arith.constant 1.000000e+00 : f32
      %jit3A_441 = arith.constant 0.000000e+00 : f32
      %broadcast_in_dim3A_442 = vector.broadcast %jit3A_440 : f32 to vector<16xf32>
      %broadcast_in_dim3A_443 = vector.broadcast %jit3A_441 : f32 to vector<16xf32>
      %select_n3A_444 = arith.select %ne3A_439, %broadcast_in_dim3A_442, %broadcast_in_dim3A_443 : vector<16xi1>, vector<16xf32>
      %swap3A_445 = arith.constant 32 : index
      %swap3A_446 = tpu.vector_load %arg13[%swap3A_445] {strides = array<i32>} : memref<128xf32, #tpu.memory_space<vmem>>, vector<16xf32>,
      tpu.vector_store %arg13[%swap3A_445], %select_n3A_444 {strides = array<i32>} : memref<128xf32, #tpu.memory_space<vmem>>, vector<16xf32>,
      %get3A_447 = arith.index_cast %div3A_398 : i32 to index
      %get3A_448 = arith.index_cast %rem3A_400 : i32 to index
      %get3A_449 = arith.constant 48 : index
      %get3A_450 = tpu.vector_load %arg6[%get3A_447, %get3A_448, %get3A_449] {strides = array<i32>} : memref<25x8x128xi32, #tpu.memory_space<vmem>>, vector<16xi32>,
      %ne3A_451 = arith.constant 0 : i32
      %ne3A_452 = vector.broadcast %ne3A_451 : i32 to vector<16xi32>
      %ne3A_453 = arith.cmpi ne, %get3A_450, %ne3A_452 : vector<16xi32>
      %jit3A_454 = arith.constant 1.000000e+00 : f32
      %jit3A_455 = arith.constant 0.000000e+00 : f32
      %broadcast_in_dim3A_456 = vector.broadcast %jit3A_454 : f32 to vector<16xf32>
      %broadcast_in_dim3A_457 = vector.broadcast %jit3A_455 : f32 to vector<16xf32>
      %select_n3A_458 = arith.select %ne3A_453, %broadcast_in_dim3A_456, %broadcast_in_dim3A_457 : vector<16xi1>, vector<16xf32>
      %swap3A_459 = arith.constant 48 : index
      %swap3A_460 = tpu.vector_load %arg13[%swap3A_459] {strides = array<i32>} : memref<128xf32, #tpu.memory_space<vmem>>, vector<16xf32>,
      tpu.vector_store %arg13[%swap3A_459], %select_n3A_458 {strides = array<i32>} : memref<128xf32, #tpu.memory_space<vmem>>, vector<16xf32>,
      %get3A_461 = arith.index_cast %div3A_398 : i32 to index
      %get3A_462 = arith.index_cast %rem3A_400 : i32 to index
      %get3A_463 = arith.constant 64 : index
      %get3A_464 = tpu.vector_load %arg6[%get3A_461, %get3A_462, %get3A_463] {strides = array<i32>} : memref<25x8x128xi32, #tpu.memory_space<vmem>>, vector<16xi32>,
      %ne3A_465 = arith.constant 0 : i32
      %ne3A_466 = vector.broadcast %ne3A_465 : i32 to vector<16xi32>
      %ne3A_467 = arith.cmpi ne, %get3A_464, %ne3A_466 : vector<16xi32>
      %jit3A_468 = arith.constant 1.000000e+00 : f32
      %jit3A_469 = arith.constant 0.000000e+00 : f32
      %broadcast_in_dim3A_470 = vector.broadcast %jit3A_468 : f32 to vector<16xf32>
      %broadcast_in_dim3A_471 = vector.broadcast %jit3A_469 : f32 to vector<16xf32>
      %select_n3A_472 = arith.select %ne3A_467, %broadcast_in_dim3A_470, %broadcast_in_dim3A_471 : vector<16xi1>, vector<16xf32>
      %swap3A_473 = arith.constant 64 : index
      %swap3A_474 = tpu.vector_load %arg13[%swap3A_473] {strides = array<i32>} : memref<128xf32, #tpu.memory_space<vmem>>, vector<16xf32>,
      tpu.vector_store %arg13[%swap3A_473], %select_n3A_472 {strides = array<i32>} : memref<128xf32, #tpu.memory_space<vmem>>, vector<16xf32>,
      %get3A_475 = arith.index_cast %div3A_398 : i32 to index
      %get3A_476 = arith.index_cast %rem3A_400 : i32 to index
      %get3A_477 = arith.constant 80 : index
      %get3A_478 = tpu.vector_load %arg6[%get3A_475, %get3A_476, %get3A_477] {strides = array<i32>} : memref<25x8x128xi32, #tpu.memory_space<vmem>>, vector<16xi32>,
      %ne3A_479 = arith.constant 0 : i32
      %ne3A_480 = vector.broadcast %ne3A_479 : i32 to vector<16xi32>
      %ne3A_481 = arith.cmpi ne, %get3A_478, %ne3A_480 : vector<16xi32>
      %jit3A_482 = arith.constant 1.000000e+00 : f32
      %jit3A_483 = arith.constant 0.000000e+00 : f32
      %broadcast_in_dim3A_484 = vector.broadcast %jit3A_482 : f32 to vector<16xf32>
      %broadcast_in_dim3A_485 = vector.broadcast %jit3A_483 : f32 to vector<16xf32>
      %select_n3A_486 = arith.select %ne3A_481, %broadcast_in_dim3A_484, %broadcast_in_dim3A_485 : vector<16xi1>, vector<16xf32>
      %swap3A_487 = arith.constant 80 : index
      %swap3A_488 = tpu.vector_load %arg13[%swap3A_487] {strides = array<i32>} : memref<128xf32, #tpu.memory_space<vmem>>, vector<16xf32>,
      tpu.vector_store %arg13[%swap3A_487], %select_n3A_486 {strides = array<i32>} : memref<128xf32, #tpu.memory_space<vmem>>, vector<16xf32>,
      %get3A_489 = arith.index_cast %div3A_398 : i32 to index
      %get3A_490 = arith.index_cast %rem3A_400 : i32 to index
      %get3A_491 = arith.constant 96 : index
      %get3A_492 = tpu.vector_load %arg6[%get3A_489, %get3A_490, %get3A_491] {strides = array<i32>} : memref<25x8x128xi32, #tpu.memory_space<vmem>>, vector<16xi32>,
      %ne3A_493 = arith.constant 0 : i32
      %ne3A_494 = vector.broadcast %ne3A_493 : i32 to vector<16xi32>
      %ne3A_495 = arith.cmpi ne, %get3A_492, %ne3A_494 : vector<16xi32>
      %jit3A_496 = arith.constant 1.000000e+00 : f32
      %jit3A_497 = arith.constant 0.000000e+00 : f32
      %broadcast_in_dim3A_498 = vector.broadcast %jit3A_496 : f32 to vector<16xf32>
      %broadcast_in_dim3A_499 = vector.broadcast %jit3A_497 : f32 to vector<16xf32>
      %select_n3A_500 = arith.select %ne3A_495, %broadcast_in_dim3A_498, %broadcast_in_dim3A_499 : vector<16xi1>, vector<16xf32>
      %swap3A_501 = arith.constant 96 : index
      %swap3A_502 = tpu.vector_load %arg13[%swap3A_501] {strides = array<i32>} : memref<128xf32, #tpu.memory_space<vmem>>, vector<16xf32>,
      tpu.vector_store %arg13[%swap3A_501], %select_n3A_500 {strides = array<i32>} : memref<128xf32, #tpu.memory_space<vmem>>, vector<16xf32>,
      %get3A_503 = arith.index_cast %div3A_398 : i32 to index
      %get3A_504 = arith.index_cast %rem3A_400 : i32 to index
      %get3A_505 = arith.constant 112 : index
      %get3A_506 = tpu.vector_load %arg6[%get3A_503, %get3A_504, %get3A_505] {strides = array<i32>} : memref<25x8x128xi32, #tpu.memory_space<vmem>>, vector<16xi32>,
      %ne3A_507 = arith.constant 0 : i32
      %ne3A_508 = vector.broadcast %ne3A_507 : i32 to vector<16xi32>
      %ne3A_509 = arith.cmpi ne, %get3A_506, %ne3A_508 : vector<16xi32>
      %jit3A_510 = arith.constant 1.000000e+00 : f32
      %jit3A_511 = arith.constant 0.000000e+00 : f32
      %broadcast_in_dim3A_512 = vector.broadcast %jit3A_510 : f32 to vector<16xf32>
      %broadcast_in_dim3A_513 = vector.broadcast %jit3A_511 : f32 to vector<16xf32>
      %select_n3A_514 = arith.select %ne3A_509, %broadcast_in_dim3A_512, %broadcast_in_dim3A_513 : vector<16xi1>, vector<16xf32>
      %swap3A_515 = arith.constant 112 : index
      %swap3A_516 = tpu.vector_load %arg13[%swap3A_515] {strides = array<i32>} : memref<128xf32, #tpu.memory_space<vmem>>, vector<16xf32>,
      tpu.vector_store %arg13[%swap3A_515], %select_n3A_514 {strides = array<i32>} : memref<128xf32, #tpu.memory_space<vmem>>, vector<16xf32>,
      %mul3A_517 = arith.constant 64 : i32
      %mul3A_518 = arith.muli %mul3A_375, %mul3A_517 : i32
      %add3A_519 = arith.constant 0 : i32
      %add3A_520 = arith.addi %mul3A_518, %add3A_519 : i32
      %get3A_521 = arith.index_cast %add3A_520 : i32 to index
      %get3A_522 = tpu.vector_load %arg12[%get3A_521] {strides = array<i32>} : memref<12800xf32, #tpu.memory_space<vmem>>, vector<16xf32>,
      %add3A_523 = arith.constant 16 : i32
      %add3A_524 = arith.addi %mul3A_518, %add3A_523 : i32
      %get3A_525 = arith.index_cast %add3A_524 : i32 to index
      %get3A_526 = tpu.vector_load %arg12[%get3A_525] {strides = array<i32>} : memref<12800xf32, #tpu.memory_space<vmem>>, vector<16xf32>,
      %add3A_527 = arith.constant 32 : i32
      %add3A_528 = arith.addi %mul3A_518, %add3A_527 : i32
      %get3A_529 = arith.index_cast %add3A_528 : i32 to index
      %get3A_530 = tpu.vector_load %arg12[%get3A_529] {strides = array<i32>} : memref<12800xf32, #tpu.memory_space<vmem>>, vector<16xf32>,
      %add3A_531 = arith.constant 48 : i32
      %add3A_532 = arith.addi %mul3A_518, %add3A_531 : i32
      %get3A_533 = arith.index_cast %add3A_532 : i32 to index
      %get3A_534 = tpu.vector_load %arg12[%get3A_533] {strides = array<i32>} : memref<12800xf32, #tpu.memory_space<vmem>>, vector<16xf32>,
      %add3A_535 = arith.constant 0 : i32
      %add3A_536 = vector.broadcast %add3A_535 : i32 to vector<16xi32>
      %add3A_537 = arith.addi %iota3A, %add3A_536 : vector<16xi32>
      %add3A_538 = arith.constant 16 : i32
      %add3A_539 = vector.broadcast %add3A_538 : i32 to vector<16xi32>
      %add3A_540 = arith.addi %iota3A, %add3A_539 : vector<16xi32>
      %add3A_541 = arith.constant 32 : i32
      %add3A_542 = vector.broadcast %add3A_541 : i32 to vector<16xi32>
      %add3A_543 = arith.addi %iota3A, %add3A_542 : vector<16xi32>
      %add3A_544 = arith.constant 48 : i32
      %add3A_545 = vector.broadcast %add3A_544 : i32 to vector<16xi32>
      %add3A_546 = arith.addi %iota3A, %add3A_545 : vector<16xi32>
      %parallel_loop3A_547 = arith.constant 0 : i32
      %parallel_loop3A_548 = arith.constant 128 : i32
      %parallel_loop3A_549 = arith.constant 1 : i32
      scf.for %parallel_loop3A_1010 = %parallel_loop3A_547 to %parallel_loop3A_548 step %parallel_loop3A_549  : i32 {
        %parallel_loop3A_1011 = vector.broadcast %parallel_loop3A_1010 : i32 to vector<16xi32>
        %parallel_loop3A_1012 = tpu.vector_load_idx %arg13[%parallel_loop3A_1011] : memref<128xf32, #tpu.memory_space<vmem>>[vector<16xi32>], vector<16xf32>,
        %parallel_loop3A_1013 = vector.broadcast %parallel_loop3A_1010 : i32 to vector<16xi32>
        %parallel_loop3A_1014 = arith.index_cast %parallel_loop3A_1010 : i32 to index
        %parallel_loop3A_1015 = arith.constant 0 : index
        %parallel_loop3A_1016 = tpu.vector_load %arg8[%parallel_loop3A_1014, %parallel_loop3A_1015] {strides = array<i32>} : memref<128x64xf32, #tpu.memory_space<vmem>>, vector<16xf32>,
        %parallel_loop3A_1017 = arith.constant 8.000000e+00 : f32
        %parallel_loop3A_1018 = vector.broadcast %parallel_loop3A_1017 : f32 to vector<16xf32>
        %parallel_loop3A_1019 = arith.mulf %parallel_loop3A_1016, %parallel_loop3A_1018 : vector<16xf32>
        %parallel_loop3A_1020 = arith.addf %parallel_loop3A_1019, %get3A_522 : vector<16xf32>
        %parallel_loop3A_1021 = arith.mulf %parallel_loop3A_1020, %parallel_loop3A_1012 : vector<16xf32>
        tpu.vector_store_idx %arg10[%add3A_537, %parallel_loop3A_1013], %parallel_loop3A_1021 : memref<64x129xf32, #tpu.memory_space<vmem>>[vector<16xi32>, vector<16xi32>], vector<16xf32>,
        %parallel_loop3A_1022 = arith.index_cast %parallel_loop3A_1010 : i32 to index
        %parallel_loop3A_1023 = arith.constant 16 : index
        %parallel_loop3A_1024 = tpu.vector_load %arg8[%parallel_loop3A_1022, %parallel_loop3A_1023] {strides = array<i32>} : memref<128x64xf32, #tpu.memory_space<vmem>>, vector<16xf32>,
        %parallel_loop3A_1025 = arith.constant 8.000000e+00 : f32
        %parallel_loop3A_1026 = vector.broadcast %parallel_loop3A_1025 : f32 to vector<16xf32>
        %parallel_loop3A_1027 = arith.mulf %parallel_loop3A_1024, %parallel_loop3A_1026 : vector<16xf32>
        %parallel_loop3A_1028 = arith.addf %parallel_loop3A_1027, %get3A_526 : vector<16xf32>
        %parallel_loop3A_1029 = arith.mulf %parallel_loop3A_1028, %parallel_loop3A_1012 : vector<16xf32>
        tpu.vector_store_idx %arg10[%add3A_540, %parallel_loop3A_1013], %parallel_loop3A_1029 : memref<64x129xf32, #tpu.memory_space<vmem>>[vector<16xi32>, vector<16xi32>], vector<16xf32>,
        %parallel_loop3A_1030 = arith.index_cast %parallel_loop3A_1010 : i32 to index
        %parallel_loop3A_1031 = arith.constant 32 : index
        %parallel_loop3A_1032 = tpu.vector_load %arg8[%parallel_loop3A_1030, %parallel_loop3A_1031] {strides = array<i32>} : memref<128x64xf32, #tpu.memory_space<vmem>>, vector<16xf32>,
        %parallel_loop3A_1033 = arith.constant 8.000000e+00 : f32
        %parallel_loop3A_1034 = vector.broadcast %parallel_loop3A_1033 : f32 to vector<16xf32>
        %parallel_loop3A_1035 = arith.mulf %parallel_loop3A_1032, %parallel_loop3A_1034 : vector<16xf32>
        %parallel_loop3A_1036 = arith.addf %parallel_loop3A_1035, %get3A_530 : vector<16xf32>
        %parallel_loop3A_1037 = arith.mulf %parallel_loop3A_1036, %parallel_loop3A_1012 : vector<16xf32>
        tpu.vector_store_idx %arg10[%add3A_543, %parallel_loop3A_1013], %parallel_loop3A_1037 : memref<64x129xf32, #tpu.memory_space<vmem>>[vector<16xi32>, vector<16xi32>], vector<16xf32>,
        %parallel_loop3A_1038 = arith.index_cast %parallel_loop3A_1010 : i32 to index
        %parallel_loop3A_1039 = arith.constant 48 : index
        %parallel_loop3A_1040 = tpu.vector_load %arg8[%parallel_loop3A_1038, %parallel_loop3A_1039] {strides = array<i32>} : memref<128x64xf32, #tpu.memory_space<vmem>>, vector<16xf32>,
        %parallel_loop3A_1041 = arith.constant 8.000000e+00 : f32
        %parallel_loop3A_1042 = vector.broadcast %parallel_loop3A_1041 : f32 to vector<16xf32>
        %parallel_loop3A_1043 = arith.mulf %parallel_loop3A_1040, %parallel_loop3A_1042 : vector<16xf32>
        %parallel_loop3A_1044 = arith.addf %parallel_loop3A_1043, %get3A_534 : vector<16xf32>
        %parallel_loop3A_1045 = arith.mulf %parallel_loop3A_1044, %parallel_loop3A_1012 : vector<16xf32>
        tpu.vector_store_idx %arg10[%add3A_546, %parallel_loop3A_1013], %parallel_loop3A_1045 : memref<64x129xf32, #tpu.memory_space<vmem>>[vector<16xi32>, vector<16xi32>], vector<16xf32>,
      } {sc.loop_unroll_factor = 4 : i64, sc.parallel_access}
      %dma_start3A_550 = arith.constant 0 : i32
      %dma_start3A_551 = arith.constant 0 : i32
      %dma_start3A_552 = arith.constant 0 : i32
      %dma_start3A_553 = arith.constant 0 : i32
      %dma_start3A_554 = tpu.memref_slice %arg10[%dma_start3A_552, %dma_start3A_553] : memref<64x129xf32, #tpu.memory_space<vmem>> -> memref<8x128xf32, #tpu.memory_space<vmem>>
      %dma_start3A_555 = arith.constant 0 : i32
      %dma_start3A_556 = arith.constant 0 : i32
      %dma_start3A_557 = tpu.memref_slice %arg5[%mul3A_375, %dma_start3A_550, %add3A, %dma_start3A_555, %dma_start3A_556] : memref<200x8x32x8x128xf32, #tpu.memory_space<hbm>> -> memref<1x1x1x8x128xf32, #tpu.memory_space<hbm>>
      %dma_start3A_558 = tpu.memref_squeeze %dma_start3A_557 : memref<1x1x1x8x128xf32, #tpu.memory_space<hbm>> -> memref<8x128xf32, #tpu.memory_space<hbm>>
      %dma_start3A_559 = tpu.memref_slice %arg15[%dma_start3A_551] : memref<2x!tpu.dma_semaphore, #tpu.memory_space<semaphore_mem>> -> memref<1x!tpu.dma_semaphore, #tpu.memory_space<semaphore_mem>>
      %dma_start3A_560 = tpu.memref_squeeze %dma_start3A_559 : memref<1x!tpu.dma_semaphore, #tpu.memory_space<semaphore_mem>> -> memref<!tpu.dma_semaphore, #tpu.memory_space<semaphore_mem>>
      %dma_start3A_561 = arith.constant 0 : i32
      %dma_start3A_562 = arith.constant 0 : i32
      %dma_start3A_563 = tpu.memref_slice %arg5[%mul3A_375, %dma_start3A_550, %add3A, %dma_start3A_561, %dma_start3A_562] : memref<200x8x32x8x128xf32, #tpu.memory_space<hbm>> -> memref<1x1x1x8x128xf32, #tpu.memory_space<hbm>>
      %dma_start3A_564 = tpu.memref_squeeze %dma_start3A_563 : memref<1x1x1x8x128xf32, #tpu.memory_space<hbm>> -> memref<8x128xf32, #tpu.memory_space<hbm>>
      %dma_start3A_565 = arith.constant 0 : i32
      %dma_start3A_566 = arith.constant 0 : i32
      %dma_start3A_567 = tpu.memref_slice %arg10[%dma_start3A_565, %dma_start3A_566] : memref<64x129xf32, #tpu.memory_space<vmem>> -> memref<8x128xf32, #tpu.memory_space<vmem>>
      tpu.enqueue_dma source(%dma_start3A_567 : memref<8x128xf32, #tpu.memory_space<vmem>>) target(%dma_start3A_564 : memref<8x128xf32, #tpu.memory_space<hbm>>) target_semaphore(%dma_start3A_560 : memref<!tpu.dma_semaphore, #tpu.memory_space<semaphore_mem>>)
      %dma_start3A_568 = arith.constant 1 : i32
      %dma_start3A_569 = arith.constant 0 : i32
      %dma_start3A_570 = arith.constant 8 : i32
      %dma_start3A_571 = arith.constant 0 : i32
      %dma_start3A_572 = tpu.memref_slice %arg10[%dma_start3A_570, %dma_start3A_571] : memref<64x129xf32, #tpu.memory_space<vmem>> -> memref<8x128xf32, #tpu.memory_space<vmem>>
      %dma_start3A_573 = arith.constant 0 : i32
      %dma_start3A_574 = arith.constant 0 : i32
      %dma_start3A_575 = tpu.memref_slice %arg5[%mul3A_375, %dma_start3A_568, %add3A, %dma_start3A_573, %dma_start3A_574] : memref<200x8x32x8x128xf32, #tpu.memory_space<hbm>> -> memref<1x1x1x8x128xf32, #tpu.memory_space<hbm>>
      %dma_start3A_576 = tpu.memref_squeeze %dma_start3A_575 : memref<1x1x1x8x128xf32, #tpu.memory_space<hbm>> -> memref<8x128xf32, #tpu.memory_space<hbm>>
      %dma_start3A_577 = tpu.memref_slice %arg15[%dma_start3A_569] : memref<2x!tpu.dma_semaphore, #tpu.memory_space<semaphore_mem>> -> memref<1x!tpu.dma_semaphore, #tpu.memory_space<semaphore_mem>>
      %dma_start3A_578 = tpu.memref_squeeze %dma_start3A_577 : memref<1x!tpu.dma_semaphore, #tpu.memory_space<semaphore_mem>> -> memref<!tpu.dma_semaphore, #tpu.memory_space<semaphore_mem>>
      %dma_start3A_579 = arith.constant 0 : i32
      %dma_start3A_580 = arith.constant 0 : i32
      %dma_start3A_581 = tpu.memref_slice %arg5[%mul3A_375, %dma_start3A_568, %add3A, %dma_start3A_579, %dma_start3A_580] : memref<200x8x32x8x128xf32, #tpu.memory_space<hbm>> -> memref<1x1x1x8x128xf32, #tpu.memory_space<hbm>>
      %dma_start3A_582 = tpu.memref_squeeze %dma_start3A_581 : memref<1x1x1x8x128xf32, #tpu.memory_space<hbm>> -> memref<8x128xf32, #tpu.memory_space<hbm>>
      %dma_start3A_583 = arith.constant 8 : i32
      %dma_start3A_584 = arith.constant 0 : i32
      %dma_start3A_585 = tpu.memref_slice %arg10[%dma_start3A_583, %dma_start3A_584] : memref<64x129xf32, #tpu.memory_space<vmem>> -> memref<8x128xf32, #tpu.memory_space<vmem>>
      tpu.enqueue_dma source(%dma_start3A_585 : memref<8x128xf32, #tpu.memory_space<vmem>>) target(%dma_start3A_582 : memref<8x128xf32, #tpu.memory_space<hbm>>) target_semaphore(%dma_start3A_578 : memref<!tpu.dma_semaphore, #tpu.memory_space<semaphore_mem>>)
      %dma_start3A_586 = arith.constant 2 : i32
      %dma_start3A_587 = arith.constant 0 : i32
      %dma_start3A_588 = arith.constant 16 : i32
      %dma_start3A_589 = arith.constant 0 : i32
      %dma_start3A_590 = tpu.memref_slice %arg10[%dma_start3A_588, %dma_start3A_589] : memref<64x129xf32, #tpu.memory_space<vmem>> -> memref<8x128xf32, #tpu.memory_space<vmem>>
      %dma_start3A_591 = arith.constant 0 : i32
      %dma_start3A_592 = arith.constant 0 : i32
      %dma_start3A_593 = tpu.memref_slice %arg5[%mul3A_375, %dma_start3A_586, %add3A, %dma_start3A_591, %dma_start3A_592] : memref<200x8x32x8x128xf32, #tpu.memory_space<hbm>> -> memref<1x1x1x8x128xf32, #tpu.memory_space<hbm>>
      %dma_start3A_594 = tpu.memref_squeeze %dma_start3A_593 : memref<1x1x1x8x128xf32, #tpu.memory_space<hbm>> -> memref<8x128xf32, #tpu.memory_space<hbm>>
      %dma_start3A_595 = tpu.memref_slice %arg15[%dma_start3A_587] : memref<2x!tpu.dma_semaphore, #tpu.memory_space<semaphore_mem>> -> memref<1x!tpu.dma_semaphore, #tpu.memory_space<semaphore_mem>>
      %dma_start3A_596 = tpu.memref_squeeze %dma_start3A_595 : memref<1x!tpu.dma_semaphore, #tpu.memory_space<semaphore_mem>> -> memref<!tpu.dma_semaphore, #tpu.memory_space<semaphore_mem>>
      %dma_start3A_597 = arith.constant 0 : i32
      %dma_start3A_598 = arith.constant 0 : i32
      %dma_start3A_599 = tpu.memref_slice %arg5[%mul3A_375, %dma_start3A_586, %add3A, %dma_start3A_597, %dma_start3A_598] : memref<200x8x32x8x128xf32, #tpu.memory_space<hbm>> -> memref<1x1x1x8x128xf32, #tpu.memory_space<hbm>>
      %dma_start3A_600 = tpu.memref_squeeze %dma_start3A_599 : memref<1x1x1x8x128xf32, #tpu.memory_space<hbm>> -> memref<8x128xf32, #tpu.memory_space<hbm>>
      %dma_start3A_601 = arith.constant 16 : i32
      %dma_start3A_602 = arith.constant 0 : i32
      %dma_start3A_603 = tpu.memref_slice %arg10[%dma_start3A_601, %dma_start3A_602] : memref<64x129xf32, #tpu.memory_space<vmem>> -> memref<8x128xf32, #tpu.memory_space<vmem>>
      tpu.enqueue_dma source(%dma_start3A_603 : memref<8x128xf32, #tpu.memory_space<vmem>>) target(%dma_start3A_600 : memref<8x128xf32, #tpu.memory_space<hbm>>) target_semaphore(%dma_start3A_596 : memref<!tpu.dma_semaphore, #tpu.memory_space<semaphore_mem>>)
      %dma_start3A_604 = arith.constant 3 : i32
      %dma_start3A_605 = arith.constant 0 : i32
      %dma_start3A_606 = arith.constant 24 : i32
      %dma_start3A_607 = arith.constant 0 : i32
      %dma_start3A_608 = tpu.memref_slice %arg10[%dma_start3A_606, %dma_start3A_607] : memref<64x129xf32, #tpu.memory_space<vmem>> -> memref<8x128xf32, #tpu.memory_space<vmem>>
      %dma_start3A_609 = arith.constant 0 : i32
      %dma_start3A_610 = arith.constant 0 : i32
      %dma_start3A_611 = tpu.memref_slice %arg5[%mul3A_375, %dma_start3A_604, %add3A, %dma_start3A_609, %dma_start3A_610] : memref<200x8x32x8x128xf32, #tpu.memory_space<hbm>> -> memref<1x1x1x8x128xf32, #tpu.memory_space<hbm>>
      %dma_start3A_612 = tpu.memref_squeeze %dma_start3A_611 : memref<1x1x1x8x128xf32, #tpu.memory_space<hbm>> -> memref<8x128xf32, #tpu.memory_space<hbm>>
      %dma_start3A_613 = tpu.memref_slice %arg15[%dma_start3A_605] : memref<2x!tpu.dma_semaphore, #tpu.memory_space<semaphore_mem>> -> memref<1x!tpu.dma_semaphore, #tpu.memory_space<semaphore_mem>>
      %dma_start3A_614 = tpu.memref_squeeze %dma_start3A_613 : memref<1x!tpu.dma_semaphore, #tpu.memory_space<semaphore_mem>> -> memref<!tpu.dma_semaphore, #tpu.memory_space<semaphore_mem>>
      %dma_start3A_615 = arith.constant 0 : i32
      %dma_start3A_616 = arith.constant 0 : i32
      %dma_start3A_617 = tpu.memref_slice %arg5[%mul3A_375, %dma_start3A_604, %add3A, %dma_start3A_615, %dma_start3A_616] : memref<200x8x32x8x128xf32, #tpu.memory_space<hbm>> -> memref<1x1x1x8x128xf32, #tpu.memory_space<hbm>>
      %dma_start3A_618 = tpu.memref_squeeze %dma_start3A_617 : memref<1x1x1x8x128xf32, #tpu.memory_space<hbm>> -> memref<8x128xf32, #tpu.memory_space<hbm>>
      %dma_start3A_619 = arith.constant 24 : i32
      %dma_start3A_620 = arith.constant 0 : i32
      %dma_start3A_621 = tpu.memref_slice %arg10[%dma_start3A_619, %dma_start3A_620] : memref<64x129xf32, #tpu.memory_space<vmem>> -> memref<8x128xf32, #tpu.memory_space<vmem>>
      tpu.enqueue_dma source(%dma_start3A_621 : memref<8x128xf32, #tpu.memory_space<vmem>>) target(%dma_start3A_618 : memref<8x128xf32, #tpu.memory_space<hbm>>) target_semaphore(%dma_start3A_614 : memref<!tpu.dma_semaphore, #tpu.memory_space<semaphore_mem>>)
      %dma_start3A_622 = arith.constant 4 : i32
      %dma_start3A_623 = arith.constant 0 : i32
      %dma_start3A_624 = arith.constant 32 : i32
      %dma_start3A_625 = arith.constant 0 : i32
      %dma_start3A_626 = tpu.memref_slice %arg10[%dma_start3A_624, %dma_start3A_625] : memref<64x129xf32, #tpu.memory_space<vmem>> -> memref<8x128xf32, #tpu.memory_space<vmem>>
      %dma_start3A_627 = arith.constant 0 : i32
      %dma_start3A_628 = arith.constant 0 : i32
      %dma_start3A_629 = tpu.memref_slice %arg5[%mul3A_375, %dma_start3A_622, %add3A, %dma_start3A_627, %dma_start3A_628] : memref<200x8x32x8x128xf32, #tpu.memory_space<hbm>> -> memref<1x1x1x8x128xf32, #tpu.memory_space<hbm>>
      %dma_start3A_630 = tpu.memref_squeeze %dma_start3A_629 : memref<1x1x1x8x128xf32, #tpu.memory_space<hbm>> -> memref<8x128xf32, #tpu.memory_space<hbm>>
      %dma_start3A_631 = tpu.memref_slice %arg15[%dma_start3A_623] : memref<2x!tpu.dma_semaphore, #tpu.memory_space<semaphore_mem>> -> memref<1x!tpu.dma_semaphore, #tpu.memory_space<semaphore_mem>>
      %dma_start3A_632 = tpu.memref_squeeze %dma_start3A_631 : memref<1x!tpu.dma_semaphore, #tpu.memory_space<semaphore_mem>> -> memref<!tpu.dma_semaphore, #tpu.memory_space<semaphore_mem>>
      %dma_start3A_633 = arith.constant 0 : i32
      %dma_start3A_634 = arith.constant 0 : i32
      %dma_start3A_635 = tpu.memref_slice %arg5[%mul3A_375, %dma_start3A_622, %add3A, %dma_start3A_633, %dma_start3A_634] : memref<200x8x32x8x128xf32, #tpu.memory_space<hbm>> -> memref<1x1x1x8x128xf32, #tpu.memory_space<hbm>>
      %dma_start3A_636 = tpu.memref_squeeze %dma_start3A_635 : memref<1x1x1x8x128xf32, #tpu.memory_space<hbm>> -> memref<8x128xf32, #tpu.memory_space<hbm>>
      %dma_start3A_637 = arith.constant 32 : i32
      %dma_start3A_638 = arith.constant 0 : i32
      %dma_start3A_639 = tpu.memref_slice %arg10[%dma_start3A_637, %dma_start3A_638] : memref<64x129xf32, #tpu.memory_space<vmem>> -> memref<8x128xf32, #tpu.memory_space<vmem>>
      tpu.enqueue_dma source(%dma_start3A_639 : memref<8x128xf32, #tpu.memory_space<vmem>>) target(%dma_start3A_636 : memref<8x128xf32, #tpu.memory_space<hbm>>) target_semaphore(%dma_start3A_632 : memref<!tpu.dma_semaphore, #tpu.memory_space<semaphore_mem>>)
      %dma_start3A_640 = arith.constant 5 : i32
      %dma_start3A_641 = arith.constant 0 : i32
      %dma_start3A_642 = arith.constant 40 : i32
      %dma_start3A_643 = arith.constant 0 : i32
      %dma_start3A_644 = tpu.memref_slice %arg10[%dma_start3A_642, %dma_start3A_643] : memref<64x129xf32, #tpu.memory_space<vmem>> -> memref<8x128xf32, #tpu.memory_space<vmem>>
      %dma_start3A_645 = arith.constant 0 : i32
      %dma_start3A_646 = arith.constant 0 : i32
      %dma_start3A_647 = tpu.memref_slice %arg5[%mul3A_375, %dma_start3A_640, %add3A, %dma_start3A_645, %dma_start3A_646] : memref<200x8x32x8x128xf32, #tpu.memory_space<hbm>> -> memref<1x1x1x8x128xf32, #tpu.memory_space<hbm>>
      %dma_start3A_648 = tpu.memref_squeeze %dma_start3A_647 : memref<1x1x1x8x128xf32, #tpu.memory_space<hbm>> -> memref<8x128xf32, #tpu.memory_space<hbm>>
      %dma_start3A_649 = tpu.memref_slice %arg15[%dma_start3A_641] : memref<2x!tpu.dma_semaphore, #tpu.memory_space<semaphore_mem>> -> memref<1x!tpu.dma_semaphore, #tpu.memory_space<semaphore_mem>>
      %dma_start3A_650 = tpu.memref_squeeze %dma_start3A_649 : memref<1x!tpu.dma_semaphore, #tpu.memory_space<semaphore_mem>> -> memref<!tpu.dma_semaphore, #tpu.memory_space<semaphore_mem>>
      %dma_start3A_651 = arith.constant 0 : i32
      %dma_start3A_652 = arith.constant 0 : i32
      %dma_start3A_653 = tpu.memref_slice %arg5[%mul3A_375, %dma_start3A_640, %add3A, %dma_start3A_651, %dma_start3A_652] : memref<200x8x32x8x128xf32, #tpu.memory_space<hbm>> -> memref<1x1x1x8x128xf32, #tpu.memory_space<hbm>>
      %dma_start3A_654 = tpu.memref_squeeze %dma_start3A_653 : memref<1x1x1x8x128xf32, #tpu.memory_space<hbm>> -> memref<8x128xf32, #tpu.memory_space<hbm>>
      %dma_start3A_655 = arith.constant 40 : i32
      %dma_start3A_656 = arith.constant 0 : i32
      %dma_start3A_657 = tpu.memref_slice %arg10[%dma_start3A_655, %dma_start3A_656] : memref<64x129xf32, #tpu.memory_space<vmem>> -> memref<8x128xf32, #tpu.memory_space<vmem>>
      tpu.enqueue_dma source(%dma_start3A_657 : memref<8x128xf32, #tpu.memory_space<vmem>>) target(%dma_start3A_654 : memref<8x128xf32, #tpu.memory_space<hbm>>) target_semaphore(%dma_start3A_650 : memref<!tpu.dma_semaphore, #tpu.memory_space<semaphore_mem>>)
      %dma_start3A_658 = arith.constant 6 : i32
      %dma_start3A_659 = arith.constant 0 : i32
      %dma_start3A_660 = arith.constant 48 : i32
      %dma_start3A_661 = arith.constant 0 : i32
      %dma_start3A_662 = tpu.memref_slice %arg10[%dma_start3A_660, %dma_start3A_661] : memref<64x129xf32, #tpu.memory_space<vmem>> -> memref<8x128xf32, #tpu.memory_space<vmem>>
      %dma_start3A_663 = arith.constant 0 : i32
      %dma_start3A_664 = arith.constant 0 : i32
      %dma_start3A_665 = tpu.memref_slice %arg5[%mul3A_375, %dma_start3A_658, %add3A, %dma_start3A_663, %dma_start3A_664] : memref<200x8x32x8x128xf32, #tpu.memory_space<hbm>> -> memref<1x1x1x8x128xf32, #tpu.memory_space<hbm>>
      %dma_start3A_666 = tpu.memref_squeeze %dma_start3A_665 : memref<1x1x1x8x128xf32, #tpu.memory_space<hbm>> -> memref<8x128xf32, #tpu.memory_space<hbm>>
      %dma_start3A_667 = tpu.memref_slice %arg15[%dma_start3A_659] : memref<2x!tpu.dma_semaphore, #tpu.memory_space<semaphore_mem>> -> memref<1x!tpu.dma_semaphore, #tpu.memory_space<semaphore_mem>>
      %dma_start3A_668 = tpu.memref_squeeze %dma_start3A_667 : memref<1x!tpu.dma_semaphore, #tpu.memory_space<semaphore_mem>> -> memref<!tpu.dma_semaphore, #tpu.memory_space<semaphore_mem>>
      %dma_start3A_669 = arith.constant 0 : i32
      %dma_start3A_670 = arith.constant 0 : i32
      %dma_start3A_671 = tpu.memref_slice %arg5[%mul3A_375, %dma_start3A_658, %add3A, %dma_start3A_669, %dma_start3A_670] : memref<200x8x32x8x128xf32, #tpu.memory_space<hbm>> -> memref<1x1x1x8x128xf32, #tpu.memory_space<hbm>>
      %dma_start3A_672 = tpu.memref_squeeze %dma_start3A_671 : memref<1x1x1x8x128xf32, #tpu.memory_space<hbm>> -> memref<8x128xf32, #tpu.memory_space<hbm>>
      %dma_start3A_673 = arith.constant 48 : i32
      %dma_start3A_674 = arith.constant 0 : i32
      %dma_start3A_675 = tpu.memref_slice %arg10[%dma_start3A_673, %dma_start3A_674] : memref<64x129xf32, #tpu.memory_space<vmem>> -> memref<8x128xf32, #tpu.memory_space<vmem>>
      tpu.enqueue_dma source(%dma_start3A_675 : memref<8x128xf32, #tpu.memory_space<vmem>>) target(%dma_start3A_672 : memref<8x128xf32, #tpu.memory_space<hbm>>) target_semaphore(%dma_start3A_668 : memref<!tpu.dma_semaphore, #tpu.memory_space<semaphore_mem>>)
      %dma_start3A_676 = arith.constant 7 : i32
      %dma_start3A_677 = arith.constant 0 : i32
      %dma_start3A_678 = arith.constant 56 : i32
      %dma_start3A_679 = arith.constant 0 : i32
      %dma_start3A_680 = tpu.memref_slice %arg10[%dma_start3A_678, %dma_start3A_679] : memref<64x129xf32, #tpu.memory_space<vmem>> -> memref<8x128xf32, #tpu.memory_space<vmem>>
      %dma_start3A_681 = arith.constant 0 : i32
      %dma_start3A_682 = arith.constant 0 : i32
      %dma_start3A_683 = tpu.memref_slice %arg5[%mul3A_375, %dma_start3A_676, %add3A, %dma_start3A_681, %dma_start3A_682] : memref<200x8x32x8x128xf32, #tpu.memory_space<hbm>> -> memref<1x1x1x8x128xf32, #tpu.memory_space<hbm>>
      %dma_start3A_684 = tpu.memref_squeeze %dma_start3A_683 : memref<1x1x1x8x128xf32, #tpu.memory_space<hbm>> -> memref<8x128xf32, #tpu.memory_space<hbm>>
      %dma_start3A_685 = tpu.memref_slice %arg15[%dma_start3A_677] : memref<2x!tpu.dma_semaphore, #tpu.memory_space<semaphore_mem>> -> memref<1x!tpu.dma_semaphore, #tpu.memory_space<semaphore_mem>>
      %dma_start3A_686 = tpu.memref_squeeze %dma_start3A_685 : memref<1x!tpu.dma_semaphore, #tpu.memory_space<semaphore_mem>> -> memref<!tpu.dma_semaphore, #tpu.memory_space<semaphore_mem>>
      %dma_start3A_687 = arith.constant 0 : i32
      %dma_start3A_688 = arith.constant 0 : i32
      %dma_start3A_689 = tpu.memref_slice %arg5[%mul3A_375, %dma_start3A_676, %add3A, %dma_start3A_687, %dma_start3A_688] : memref<200x8x32x8x128xf32, #tpu.memory_space<hbm>> -> memref<1x1x1x8x128xf32, #tpu.memory_space<hbm>>
      %dma_start3A_690 = tpu.memref_squeeze %dma_start3A_689 : memref<1x1x1x8x128xf32, #tpu.memory_space<hbm>> -> memref<8x128xf32, #tpu.memory_space<hbm>>
      %dma_start3A_691 = arith.constant 56 : i32
      %dma_start3A_692 = arith.constant 0 : i32
      %dma_start3A_693 = tpu.memref_slice %arg10[%dma_start3A_691, %dma_start3A_692] : memref<64x129xf32, #tpu.memory_space<vmem>> -> memref<8x128xf32, #tpu.memory_space<vmem>>
      tpu.enqueue_dma source(%dma_start3A_693 : memref<8x128xf32, #tpu.memory_space<vmem>>) target(%dma_start3A_690 : memref<8x128xf32, #tpu.memory_space<hbm>>) target_semaphore(%dma_start3A_686 : memref<!tpu.dma_semaphore, #tpu.memory_space<semaphore_mem>>)
      %lt3A = arith.constant 99 : i32
      %lt3A_694 = arith.cmpi slt, %scan3A_373, %lt3A : i32
      %convert_element_type3A_695 = arith.extui %lt3A_694 : i1 to i32
      %cond3A_696 = arith.constant 0 : i32
      %cond3A_697 = arith.cmpi ne, %convert_element_type3A_695, %cond3A_696 : i32
      scf.if %cond3A_697 {
        %add3A_1010 = arith.constant 2 : i32
        %add3A_1011 = arith.addi %mul3A_375, %add3A_1010 : i32
        %div3A_1012 = arith.constant 8 : i32
        %div3A_1013 = arith.divsi %add3A_1011, %div3A_1012 : i32
        %rem3A_1014 = arith.constant 8 : i32
        %rem3A_1015 = arith.remsi %add3A_1011, %rem3A_1014 : i32
        %parallel_loop3A_1016 = arith.constant 0 : i32
        %parallel_loop3A_1017 = arith.constant 8 : i32
        %parallel_loop3A_1018 = arith.constant 1 : i32
        scf.for %parallel_loop3A_1029 = %parallel_loop3A_1016 to %parallel_loop3A_1017 step %parallel_loop3A_1018  : i32 {
          %parallel_loop3A_1030 = arith.constant 16 : i32
          %parallel_loop3A_1031 = arith.muli %parallel_loop3A_1029, %parallel_loop3A_1030 : i32
          %parallel_loop3A_1032 = arith.index_cast %div3A_1013 : i32 to index
          %parallel_loop3A_1033 = arith.index_cast %rem3A_1015 : i32 to index
          %parallel_loop3A_1034 = arith.index_cast %parallel_loop3A_1031 : i32 to index
          %parallel_loop3A_1035 = tpu.vector_load %arg6[%parallel_loop3A_1032, %parallel_loop3A_1033, %parallel_loop3A_1034] {strides = array<i32>} : memref<25x8x128xi32, #tpu.memory_space<vmem>>, vector<16xi32>,
          %parallel_loop3A_1036 = arith.addi %parallel_loop3A_1035, %parallel_loop3A_1035 : vector<16xi32>
          %parallel_loop3A_1037 = arith.constant 16 : i32
          %parallel_loop3A_1038 = arith.muli %parallel_loop3A_1029, %parallel_loop3A_1037 : i32
          %parallel_loop3A_1039 = arith.constant 0 : i32
          %parallel_loop3A_1040 = arith.index_cast %parallel_loop3A_1039 : i32 to index
          %parallel_loop3A_1041 = arith.index_cast %parallel_loop3A_1038 : i32 to index
          %parallel_loop3A_1042 = tpu.vector_load %arg7[%parallel_loop3A_1040, %parallel_loop3A_1041] {strides = array<i32>} : memref<2x128xi32, #tpu.memory_space<vmem>>, vector<16xi32>,
          tpu.vector_store %arg7[%parallel_loop3A_1040, %parallel_loop3A_1041], %parallel_loop3A_1036 {strides = array<i32>} : memref<2x128xi32, #tpu.memory_space<vmem>>, vector<16xi32>,
        } {sc.loop_unroll_factor = 1 : i64, sc.parallel_access}
        %dma_start3A_1019 = arith.constant 0 : i32
        %dma_start3A_1020 = arith.constant 0 : i32
        %dma_start3A_1021 = arith.constant 0 : i32
        %dma_start3A_1022 = tpu.memref_slice %arg7[%dma_start3A_1019, %dma_start3A_1021] : memref<2x128xi32, #tpu.memory_space<vmem>> -> memref<1x128xi32, #tpu.memory_space<vmem>>
        %dma_start3A_1023 = tpu.memref_squeeze %dma_start3A_1022 : memref<1x128xi32, #tpu.memory_space<vmem>> -> memref<128xi32, #tpu.memory_space<vmem>>
        %dma_start3A_1024 = arith.constant 0 : i32
        %dma_start3A_1025 = arith.constant 0 : i32
        %dma_start3A_1026 = tpu.memref_slice %arg3[%dma_start3A_1024, %dma_start3A_1025] : memref<2000000x64xf32, #tpu.memory_space<hbm>> -> memref<2000000x64xf32, #tpu.memory_space<hbm>>
        %dma_start3A_1027 = tpu.memref_slice %arg14[%dma_start3A_1020] : memref<2x!tpu.dma_semaphore, #tpu.memory_space<semaphore_mem>> -> memref<1x!tpu.dma_semaphore, #tpu.memory_space<semaphore_mem>>
        %dma_start3A_1028 = tpu.memref_squeeze %dma_start3A_1027 : memref<1x!tpu.dma_semaphore, #tpu.memory_space<semaphore_mem>> -> memref<!tpu.dma_semaphore, #tpu.memory_space<semaphore_mem>>
        tpu.enqueue_indirect_dma source(%dma_start3A_1026 : memref<2000000x64xf32, #tpu.memory_space<hbm>>) target(%arg8 : memref<128x64xf32, #tpu.memory_space<vmem>>) offsets(%dma_start3A_1023 : memref<128xi32, #tpu.memory_space<vmem>>) semaphore(%dma_start3A_1028 : memref<!tpu.dma_semaphore, #tpu.memory_space<semaphore_mem>>)
      } else {
      }
      %gt3A_698 = arith.constant 0 : i32
      %gt3A_699 = arith.cmpi sgt, %scan3A_373, %gt3A_698 : i32
      %convert_element_type3A_700 = arith.extui %gt3A_699 : i1 to i32
      %cond3A_701 = arith.constant 0 : i32
      %cond3A_702 = arith.cmpi ne, %convert_element_type3A_700, %cond3A_701 : i32
      scf.if %cond3A_702 {
        %sub3A = arith.constant 1 : i32
        %sub3A_1010 = arith.subi %mul3A_375, %sub3A : i32
        %dma_wait3A_1011 = arith.constant 0 : i32
        %dma_wait3A_1012 = arith.constant 1 : i32
        %dma_wait3A_1013 = arith.constant 0 : i32
        %dma_wait3A_1014 = arith.constant 0 : i32
        %dma_wait3A_1015 = tpu.memref_slice %arg11[%dma_wait3A_1013, %dma_wait3A_1014] : memref<64x129xf32, #tpu.memory_space<vmem>> -> memref<8x128xf32, #tpu.memory_space<vmem>>
        %dma_wait3A_1016 = arith.constant 0 : i32
        %dma_wait3A_1017 = arith.constant 0 : i32
        %dma_wait3A_1018 = tpu.memref_slice %arg5[%sub3A_1010, %dma_wait3A_1011, %add3A, %dma_wait3A_1016, %dma_wait3A_1017] : memref<200x8x32x8x128xf32, #tpu.memory_space<hbm>> -> memref<1x1x1x8x128xf32, #tpu.memory_space<hbm>>
        %dma_wait3A_1019 = tpu.memref_squeeze %dma_wait3A_1018 : memref<1x1x1x8x128xf32, #tpu.memory_space<hbm>> -> memref<8x128xf32, #tpu.memory_space<hbm>>
        %dma_wait3A_1020 = tpu.memref_slice %arg15[%dma_wait3A_1012] : memref<2x!tpu.dma_semaphore, #tpu.memory_space<semaphore_mem>> -> memref<1x!tpu.dma_semaphore, #tpu.memory_space<semaphore_mem>>
        %dma_wait3A_1021 = tpu.memref_squeeze %dma_wait3A_1020 : memref<1x!tpu.dma_semaphore, #tpu.memory_space<semaphore_mem>> -> memref<!tpu.dma_semaphore, #tpu.memory_space<semaphore_mem>>
        %dma_wait3A_1022 = arith.constant 0 : i32
        %dma_wait3A_1023 = arith.constant 0 : i32
        %dma_wait3A_1024 = tpu.memref_slice %arg5[%sub3A_1010, %dma_wait3A_1011, %add3A, %dma_wait3A_1022, %dma_wait3A_1023] : memref<200x8x32x8x128xf32, #tpu.memory_space<hbm>> -> memref<1x1x1x8x128xf32, #tpu.memory_space<hbm>>
        %dma_wait3A_1025 = tpu.memref_squeeze %dma_wait3A_1024 : memref<1x1x1x8x128xf32, #tpu.memory_space<hbm>> -> memref<8x128xf32, #tpu.memory_space<hbm>>
        %dma_wait3A_1026 = arith.constant 0 : i32
        %dma_wait3A_1027 = arith.constant 0 : i32
        %dma_wait3A_1028 = tpu.memref_slice %arg11[%dma_wait3A_1026, %dma_wait3A_1027] : memref<64x129xf32, #tpu.memory_space<vmem>> -> memref<8x128xf32, #tpu.memory_space<vmem>>
        tpu.wait_dma2 semaphore(%dma_wait3A_1021 : memref<!tpu.dma_semaphore, #tpu.memory_space<semaphore_mem>>) src(%dma_wait3A_1028 : memref<8x128xf32, #tpu.memory_space<vmem>>) dst(%dma_wait3A_1025 : memref<8x128xf32, #tpu.memory_space<hbm>>)
        %dma_wait3A_1029 = arith.constant 1 : i32
        %dma_wait3A_1030 = arith.constant 1 : i32
        %dma_wait3A_1031 = arith.constant 8 : i32
        %dma_wait3A_1032 = arith.constant 0 : i32
        %dma_wait3A_1033 = tpu.memref_slice %arg11[%dma_wait3A_1031, %dma_wait3A_1032] : memref<64x129xf32, #tpu.memory_space<vmem>> -> memref<8x128xf32, #tpu.memory_space<vmem>>
        %dma_wait3A_1034 = arith.constant 0 : i32
        %dma_wait3A_1035 = arith.constant 0 : i32
        %dma_wait3A_1036 = tpu.memref_slice %arg5[%sub3A_1010, %dma_wait3A_1029, %add3A, %dma_wait3A_1034, %dma_wait3A_1035] : memref<200x8x32x8x128xf32, #tpu.memory_space<hbm>> -> memref<1x1x1x8x128xf32, #tpu.memory_space<hbm>>
        %dma_wait3A_1037 = tpu.memref_squeeze %dma_wait3A_1036 : memref<1x1x1x8x128xf32, #tpu.memory_space<hbm>> -> memref<8x128xf32, #tpu.memory_space<hbm>>
        %dma_wait3A_1038 = tpu.memref_slice %arg15[%dma_wait3A_1030] : memref<2x!tpu.dma_semaphore, #tpu.memory_space<semaphore_mem>> -> memref<1x!tpu.dma_semaphore, #tpu.memory_space<semaphore_mem>>
        %dma_wait3A_1039 = tpu.memref_squeeze %dma_wait3A_1038 : memref<1x!tpu.dma_semaphore, #tpu.memory_space<semaphore_mem>> -> memref<!tpu.dma_semaphore, #tpu.memory_space<semaphore_mem>>
        %dma_wait3A_1040 = arith.constant 0 : i32
        %dma_wait3A_1041 = arith.constant 0 : i32
        %dma_wait3A_1042 = tpu.memref_slice %arg5[%sub3A_1010, %dma_wait3A_1029, %add3A, %dma_wait3A_1040, %dma_wait3A_1041] : memref<200x8x32x8x128xf32, #tpu.memory_space<hbm>> -> memref<1x1x1x8x128xf32, #tpu.memory_space<hbm>>
        %dma_wait3A_1043 = tpu.memref_squeeze %dma_wait3A_1042 : memref<1x1x1x8x128xf32, #tpu.memory_space<hbm>> -> memref<8x128xf32, #tpu.memory_space<hbm>>
        %dma_wait3A_1044 = arith.constant 8 : i32
        %dma_wait3A_1045 = arith.constant 0 : i32
        %dma_wait3A_1046 = tpu.memref_slice %arg11[%dma_wait3A_1044, %dma_wait3A_1045] : memref<64x129xf32, #tpu.memory_space<vmem>> -> memref<8x128xf32, #tpu.memory_space<vmem>>
        tpu.wait_dma2 semaphore(%dma_wait3A_1039 : memref<!tpu.dma_semaphore, #tpu.memory_space<semaphore_mem>>) src(%dma_wait3A_1046 : memref<8x128xf32, #tpu.memory_space<vmem>>) dst(%dma_wait3A_1043 : memref<8x128xf32, #tpu.memory_space<hbm>>)
        %dma_wait3A_1047 = arith.constant 2 : i32
        %dma_wait3A_1048 = arith.constant 1 : i32
        %dma_wait3A_1049 = arith.constant 16 : i32
        %dma_wait3A_1050 = arith.constant 0 : i32
        %dma_wait3A_1051 = tpu.memref_slice %arg11[%dma_wait3A_1049, %dma_wait3A_1050] : memref<64x129xf32, #tpu.memory_space<vmem>> -> memref<8x128xf32, #tpu.memory_space<vmem>>
        %dma_wait3A_1052 = arith.constant 0 : i32
        %dma_wait3A_1053 = arith.constant 0 : i32
        %dma_wait3A_1054 = tpu.memref_slice %arg5[%sub3A_1010, %dma_wait3A_1047, %add3A, %dma_wait3A_1052, %dma_wait3A_1053] : memref<200x8x32x8x128xf32, #tpu.memory_space<hbm>> -> memref<1x1x1x8x128xf32, #tpu.memory_space<hbm>>
        %dma_wait3A_1055 = tpu.memref_squeeze %dma_wait3A_1054 : memref<1x1x1x8x128xf32, #tpu.memory_space<hbm>> -> memref<8x128xf32, #tpu.memory_space<hbm>>
        %dma_wait3A_1056 = tpu.memref_slice %arg15[%dma_wait3A_1048] : memref<2x!tpu.dma_semaphore, #tpu.memory_space<semaphore_mem>> -> memref<1x!tpu.dma_semaphore, #tpu.memory_space<semaphore_mem>>
        %dma_wait3A_1057 = tpu.memref_squeeze %dma_wait3A_1056 : memref<1x!tpu.dma_semaphore, #tpu.memory_space<semaphore_mem>> -> memref<!tpu.dma_semaphore, #tpu.memory_space<semaphore_mem>>
        %dma_wait3A_1058 = arith.constant 0 : i32
        %dma_wait3A_1059 = arith.constant 0 : i32
        %dma_wait3A_1060 = tpu.memref_slice %arg5[%sub3A_1010, %dma_wait3A_1047, %add3A, %dma_wait3A_1058, %dma_wait3A_1059] : memref<200x8x32x8x128xf32, #tpu.memory_space<hbm>> -> memref<1x1x1x8x128xf32, #tpu.memory_space<hbm>>
        %dma_wait3A_1061 = tpu.memref_squeeze %dma_wait3A_1060 : memref<1x1x1x8x128xf32, #tpu.memory_space<hbm>> -> memref<8x128xf32, #tpu.memory_space<hbm>>
        %dma_wait3A_1062 = arith.constant 16 : i32
        %dma_wait3A_1063 = arith.constant 0 : i32
        %dma_wait3A_1064 = tpu.memref_slice %arg11[%dma_wait3A_1062, %dma_wait3A_1063] : memref<64x129xf32, #tpu.memory_space<vmem>> -> memref<8x128xf32, #tpu.memory_space<vmem>>
        tpu.wait_dma2 semaphore(%dma_wait3A_1057 : memref<!tpu.dma_semaphore, #tpu.memory_space<semaphore_mem>>) src(%dma_wait3A_1064 : memref<8x128xf32, #tpu.memory_space<vmem>>) dst(%dma_wait3A_1061 : memref<8x128xf32, #tpu.memory_space<hbm>>)
        %dma_wait3A_1065 = arith.constant 3 : i32
        %dma_wait3A_1066 = arith.constant 1 : i32
        %dma_wait3A_1067 = arith.constant 24 : i32
        %dma_wait3A_1068 = arith.constant 0 : i32
        %dma_wait3A_1069 = tpu.memref_slice %arg11[%dma_wait3A_1067, %dma_wait3A_1068] : memref<64x129xf32, #tpu.memory_space<vmem>> -> memref<8x128xf32, #tpu.memory_space<vmem>>
        %dma_wait3A_1070 = arith.constant 0 : i32
        %dma_wait3A_1071 = arith.constant 0 : i32
        %dma_wait3A_1072 = tpu.memref_slice %arg5[%sub3A_1010, %dma_wait3A_1065, %add3A, %dma_wait3A_1070, %dma_wait3A_1071] : memref<200x8x32x8x128xf32, #tpu.memory_space<hbm>> -> memref<1x1x1x8x128xf32, #tpu.memory_space<hbm>>
        %dma_wait3A_1073 = tpu.memref_squeeze %dma_wait3A_1072 : memref<1x1x1x8x128xf32, #tpu.memory_space<hbm>> -> memref<8x128xf32, #tpu.memory_space<hbm>>
        %dma_wait3A_1074 = tpu.memref_slice %arg15[%dma_wait3A_1066] : memref<2x!tpu.dma_semaphore, #tpu.memory_space<semaphore_mem>> -> memref<1x!tpu.dma_semaphore, #tpu.memory_space<semaphore_mem>>
        %dma_wait3A_1075 = tpu.memref_squeeze %dma_wait3A_1074 : memref<1x!tpu.dma_semaphore, #tpu.memory_space<semaphore_mem>> -> memref<!tpu.dma_semaphore, #tpu.memory_space<semaphore_mem>>
        %dma_wait3A_1076 = arith.constant 0 : i32
        %dma_wait3A_1077 = arith.constant 0 : i32
        %dma_wait3A_1078 = tpu.memref_slice %arg5[%sub3A_1010, %dma_wait3A_1065, %add3A, %dma_wait3A_1076, %dma_wait3A_1077] : memref<200x8x32x8x128xf32, #tpu.memory_space<hbm>> -> memref<1x1x1x8x128xf32, #tpu.memory_space<hbm>>
        %dma_wait3A_1079 = tpu.memref_squeeze %dma_wait3A_1078 : memref<1x1x1x8x128xf32, #tpu.memory_space<hbm>> -> memref<8x128xf32, #tpu.memory_space<hbm>>
        %dma_wait3A_1080 = arith.constant 24 : i32
        %dma_wait3A_1081 = arith.constant 0 : i32
        %dma_wait3A_1082 = tpu.memref_slice %arg11[%dma_wait3A_1080, %dma_wait3A_1081] : memref<64x129xf32, #tpu.memory_space<vmem>> -> memref<8x128xf32, #tpu.memory_space<vmem>>
        tpu.wait_dma2 semaphore(%dma_wait3A_1075 : memref<!tpu.dma_semaphore, #tpu.memory_space<semaphore_mem>>) src(%dma_wait3A_1082 : memref<8x128xf32, #tpu.memory_space<vmem>>) dst(%dma_wait3A_1079 : memref<8x128xf32, #tpu.memory_space<hbm>>)
        %dma_wait3A_1083 = arith.constant 4 : i32
        %dma_wait3A_1084 = arith.constant 1 : i32
        %dma_wait3A_1085 = arith.constant 32 : i32
        %dma_wait3A_1086 = arith.constant 0 : i32
        %dma_wait3A_1087 = tpu.memref_slice %arg11[%dma_wait3A_1085, %dma_wait3A_1086] : memref<64x129xf32, #tpu.memory_space<vmem>> -> memref<8x128xf32, #tpu.memory_space<vmem>>
        %dma_wait3A_1088 = arith.constant 0 : i32
        %dma_wait3A_1089 = arith.constant 0 : i32
        %dma_wait3A_1090 = tpu.memref_slice %arg5[%sub3A_1010, %dma_wait3A_1083, %add3A, %dma_wait3A_1088, %dma_wait3A_1089] : memref<200x8x32x8x128xf32, #tpu.memory_space<hbm>> -> memref<1x1x1x8x128xf32, #tpu.memory_space<hbm>>
        %dma_wait3A_1091 = tpu.memref_squeeze %dma_wait3A_1090 : memref<1x1x1x8x128xf32, #tpu.memory_space<hbm>> -> memref<8x128xf32, #tpu.memory_space<hbm>>
        %dma_wait3A_1092 = tpu.memref_slice %arg15[%dma_wait3A_1084] : memref<2x!tpu.dma_semaphore, #tpu.memory_space<semaphore_mem>> -> memref<1x!tpu.dma_semaphore, #tpu.memory_space<semaphore_mem>>
        %dma_wait3A_1093 = tpu.memref_squeeze %dma_wait3A_1092 : memref<1x!tpu.dma_semaphore, #tpu.memory_space<semaphore_mem>> -> memref<!tpu.dma_semaphore, #tpu.memory_space<semaphore_mem>>
        %dma_wait3A_1094 = arith.constant 0 : i32
        %dma_wait3A_1095 = arith.constant 0 : i32
        %dma_wait3A_1096 = tpu.memref_slice %arg5[%sub3A_1010, %dma_wait3A_1083, %add3A, %dma_wait3A_1094, %dma_wait3A_1095] : memref<200x8x32x8x128xf32, #tpu.memory_space<hbm>> -> memref<1x1x1x8x128xf32, #tpu.memory_space<hbm>>
        %dma_wait3A_1097 = tpu.memref_squeeze %dma_wait3A_1096 : memref<1x1x1x8x128xf32, #tpu.memory_space<hbm>> -> memref<8x128xf32, #tpu.memory_space<hbm>>
        %dma_wait3A_1098 = arith.constant 32 : i32
        %dma_wait3A_1099 = arith.constant 0 : i32
        %dma_wait3A_1100 = tpu.memref_slice %arg11[%dma_wait3A_1098, %dma_wait3A_1099] : memref<64x129xf32, #tpu.memory_space<vmem>> -> memref<8x128xf32, #tpu.memory_space<vmem>>
        tpu.wait_dma2 semaphore(%dma_wait3A_1093 : memref<!tpu.dma_semaphore, #tpu.memory_space<semaphore_mem>>) src(%dma_wait3A_1100 : memref<8x128xf32, #tpu.memory_space<vmem>>) dst(%dma_wait3A_1097 : memref<8x128xf32, #tpu.memory_space<hbm>>)
        %dma_wait3A_1101 = arith.constant 5 : i32
        %dma_wait3A_1102 = arith.constant 1 : i32
        %dma_wait3A_1103 = arith.constant 40 : i32
        %dma_wait3A_1104 = arith.constant 0 : i32
        %dma_wait3A_1105 = tpu.memref_slice %arg11[%dma_wait3A_1103, %dma_wait3A_1104] : memref<64x129xf32, #tpu.memory_space<vmem>> -> memref<8x128xf32, #tpu.memory_space<vmem>>
        %dma_wait3A_1106 = arith.constant 0 : i32
        %dma_wait3A_1107 = arith.constant 0 : i32
        %dma_wait3A_1108 = tpu.memref_slice %arg5[%sub3A_1010, %dma_wait3A_1101, %add3A, %dma_wait3A_1106, %dma_wait3A_1107] : memref<200x8x32x8x128xf32, #tpu.memory_space<hbm>> -> memref<1x1x1x8x128xf32, #tpu.memory_space<hbm>>
        %dma_wait3A_1109 = tpu.memref_squeeze %dma_wait3A_1108 : memref<1x1x1x8x128xf32, #tpu.memory_space<hbm>> -> memref<8x128xf32, #tpu.memory_space<hbm>>
        %dma_wait3A_1110 = tpu.memref_slice %arg15[%dma_wait3A_1102] : memref<2x!tpu.dma_semaphore, #tpu.memory_space<semaphore_mem>> -> memref<1x!tpu.dma_semaphore, #tpu.memory_space<semaphore_mem>>
        %dma_wait3A_1111 = tpu.memref_squeeze %dma_wait3A_1110 : memref<1x!tpu.dma_semaphore, #tpu.memory_space<semaphore_mem>> -> memref<!tpu.dma_semaphore, #tpu.memory_space<semaphore_mem>>
        %dma_wait3A_1112 = arith.constant 0 : i32
        %dma_wait3A_1113 = arith.constant 0 : i32
        %dma_wait3A_1114 = tpu.memref_slice %arg5[%sub3A_1010, %dma_wait3A_1101, %add3A, %dma_wait3A_1112, %dma_wait3A_1113] : memref<200x8x32x8x128xf32, #tpu.memory_space<hbm>> -> memref<1x1x1x8x128xf32, #tpu.memory_space<hbm>>
        %dma_wait3A_1115 = tpu.memref_squeeze %dma_wait3A_1114 : memref<1x1x1x8x128xf32, #tpu.memory_space<hbm>> -> memref<8x128xf32, #tpu.memory_space<hbm>>
        %dma_wait3A_1116 = arith.constant 40 : i32
        %dma_wait3A_1117 = arith.constant 0 : i32
        %dma_wait3A_1118 = tpu.memref_slice %arg11[%dma_wait3A_1116, %dma_wait3A_1117] : memref<64x129xf32, #tpu.memory_space<vmem>> -> memref<8x128xf32, #tpu.memory_space<vmem>>
        tpu.wait_dma2 semaphore(%dma_wait3A_1111 : memref<!tpu.dma_semaphore, #tpu.memory_space<semaphore_mem>>) src(%dma_wait3A_1118 : memref<8x128xf32, #tpu.memory_space<vmem>>) dst(%dma_wait3A_1115 : memref<8x128xf32, #tpu.memory_space<hbm>>)
        %dma_wait3A_1119 = arith.constant 6 : i32
        %dma_wait3A_1120 = arith.constant 1 : i32
        %dma_wait3A_1121 = arith.constant 48 : i32
        %dma_wait3A_1122 = arith.constant 0 : i32
        %dma_wait3A_1123 = tpu.memref_slice %arg11[%dma_wait3A_1121, %dma_wait3A_1122] : memref<64x129xf32, #tpu.memory_space<vmem>> -> memref<8x128xf32, #tpu.memory_space<vmem>>
        %dma_wait3A_1124 = arith.constant 0 : i32
        %dma_wait3A_1125 = arith.constant 0 : i32
        %dma_wait3A_1126 = tpu.memref_slice %arg5[%sub3A_1010, %dma_wait3A_1119, %add3A, %dma_wait3A_1124, %dma_wait3A_1125] : memref<200x8x32x8x128xf32, #tpu.memory_space<hbm>> -> memref<1x1x1x8x128xf32, #tpu.memory_space<hbm>>
        %dma_wait3A_1127 = tpu.memref_squeeze %dma_wait3A_1126 : memref<1x1x1x8x128xf32, #tpu.memory_space<hbm>> -> memref<8x128xf32, #tpu.memory_space<hbm>>
        %dma_wait3A_1128 = tpu.memref_slice %arg15[%dma_wait3A_1120] : memref<2x!tpu.dma_semaphore, #tpu.memory_space<semaphore_mem>> -> memref<1x!tpu.dma_semaphore, #tpu.memory_space<semaphore_mem>>
        %dma_wait3A_1129 = tpu.memref_squeeze %dma_wait3A_1128 : memref<1x!tpu.dma_semaphore, #tpu.memory_space<semaphore_mem>> -> memref<!tpu.dma_semaphore, #tpu.memory_space<semaphore_mem>>
        %dma_wait3A_1130 = arith.constant 0 : i32
        %dma_wait3A_1131 = arith.constant 0 : i32
        %dma_wait3A_1132 = tpu.memref_slice %arg5[%sub3A_1010, %dma_wait3A_1119, %add3A, %dma_wait3A_1130, %dma_wait3A_1131] : memref<200x8x32x8x128xf32, #tpu.memory_space<hbm>> -> memref<1x1x1x8x128xf32, #tpu.memory_space<hbm>>
        %dma_wait3A_1133 = tpu.memref_squeeze %dma_wait3A_1132 : memref<1x1x1x8x128xf32, #tpu.memory_space<hbm>> -> memref<8x128xf32, #tpu.memory_space<hbm>>
        %dma_wait3A_1134 = arith.constant 48 : i32
        %dma_wait3A_1135 = arith.constant 0 : i32
        %dma_wait3A_1136 = tpu.memref_slice %arg11[%dma_wait3A_1134, %dma_wait3A_1135] : memref<64x129xf32, #tpu.memory_space<vmem>> -> memref<8x128xf32, #tpu.memory_space<vmem>>
        tpu.wait_dma2 semaphore(%dma_wait3A_1129 : memref<!tpu.dma_semaphore, #tpu.memory_space<semaphore_mem>>) src(%dma_wait3A_1136 : memref<8x128xf32, #tpu.memory_space<vmem>>) dst(%dma_wait3A_1133 : memref<8x128xf32, #tpu.memory_space<hbm>>)
        %dma_wait3A_1137 = arith.constant 7 : i32
        %dma_wait3A_1138 = arith.constant 1 : i32
        %dma_wait3A_1139 = arith.constant 56 : i32
        %dma_wait3A_1140 = arith.constant 0 : i32
        %dma_wait3A_1141 = tpu.memref_slice %arg11[%dma_wait3A_1139, %dma_wait3A_1140] : memref<64x129xf32, #tpu.memory_space<vmem>> -> memref<8x128xf32, #tpu.memory_space<vmem>>
        %dma_wait3A_1142 = arith.constant 0 : i32
        %dma_wait3A_1143 = arith.constant 0 : i32
        %dma_wait3A_1144 = tpu.memref_slice %arg5[%sub3A_1010, %dma_wait3A_1137, %add3A, %dma_wait3A_1142, %dma_wait3A_1143] : memref<200x8x32x8x128xf32, #tpu.memory_space<hbm>> -> memref<1x1x1x8x128xf32, #tpu.memory_space<hbm>>
        %dma_wait3A_1145 = tpu.memref_squeeze %dma_wait3A_1144 : memref<1x1x1x8x128xf32, #tpu.memory_space<hbm>> -> memref<8x128xf32, #tpu.memory_space<hbm>>
        %dma_wait3A_1146 = tpu.memref_slice %arg15[%dma_wait3A_1138] : memref<2x!tpu.dma_semaphore, #tpu.memory_space<semaphore_mem>> -> memref<1x!tpu.dma_semaphore, #tpu.memory_space<semaphore_mem>>
        %dma_wait3A_1147 = tpu.memref_squeeze %dma_wait3A_1146 : memref<1x!tpu.dma_semaphore, #tpu.memory_space<semaphore_mem>> -> memref<!tpu.dma_semaphore, #tpu.memory_space<semaphore_mem>>
        %dma_wait3A_1148 = arith.constant 0 : i32
        %dma_wait3A_1149 = arith.constant 0 : i32
        %dma_wait3A_1150 = tpu.memref_slice %arg5[%sub3A_1010, %dma_wait3A_1137, %add3A, %dma_wait3A_1148, %dma_wait3A_1149] : memref<200x8x32x8x128xf32, #tpu.memory_space<hbm>> -> memref<1x1x1x8x128xf32, #tpu.memory_space<hbm>>
        %dma_wait3A_1151 = tpu.memref_squeeze %dma_wait3A_1150 : memref<1x1x1x8x128xf32, #tpu.memory_space<hbm>> -> memref<8x128xf32, #tpu.memory_space<hbm>>
        %dma_wait3A_1152 = arith.constant 56 : i32
        %dma_wait3A_1153 = arith.constant 0 : i32
        %dma_wait3A_1154 = tpu.memref_slice %arg11[%dma_wait3A_1152, %dma_wait3A_1153] : memref<64x129xf32, #tpu.memory_space<vmem>> -> memref<8x128xf32, #tpu.memory_space<vmem>>
        tpu.wait_dma2 semaphore(%dma_wait3A_1147 : memref<!tpu.dma_semaphore, #tpu.memory_space<semaphore_mem>>) src(%dma_wait3A_1154 : memref<8x128xf32, #tpu.memory_space<vmem>>) dst(%dma_wait3A_1151 : memref<8x128xf32, #tpu.memory_space<hbm>>)
      } else {
      }
      %add3A_703 = arith.constant 1 : i32
      %add3A_704 = arith.addi %mul3A_375, %add3A_703 : i32
      %div3A_705 = arith.constant 8 : i32
      %div3A_706 = arith.divsi %add3A_704, %div3A_705 : i32
      %rem3A_707 = arith.constant 8 : i32
      %rem3A_708 = arith.remsi %add3A_704, %rem3A_707 : i32
      %dma_wait3A_709 = arith.constant 1 : i32
      %dma_wait3A_710 = arith.constant 1 : i32
      %dma_wait3A_711 = arith.constant 0 : i32
      %dma_wait3A_712 = tpu.memref_slice %arg7[%dma_wait3A_709, %dma_wait3A_711] : memref<2x128xi32, #tpu.memory_space<vmem>> -> memref<1x128xi32, #tpu.memory_space<vmem>>
      %dma_wait3A_713 = tpu.memref_squeeze %dma_wait3A_712 : memref<1x128xi32, #tpu.memory_space<vmem>> -> memref<128xi32, #tpu.memory_space<vmem>>
      %dma_wait3A_714 = arith.constant 0 : i32
      %dma_wait3A_715 = arith.constant 0 : i32
      %dma_wait3A_716 = tpu.memref_slice %arg3[%dma_wait3A_714, %dma_wait3A_715] : memref<2000000x64xf32, #tpu.memory_space<hbm>> -> memref<2000000x64xf32, #tpu.memory_space<hbm>>
      %dma_wait3A_717 = tpu.memref_slice %arg14[%dma_wait3A_710] : memref<2x!tpu.dma_semaphore, #tpu.memory_space<semaphore_mem>> -> memref<1x!tpu.dma_semaphore, #tpu.memory_space<semaphore_mem>>
      %dma_wait3A_718 = tpu.memref_squeeze %dma_wait3A_717 : memref<1x!tpu.dma_semaphore, #tpu.memory_space<semaphore_mem>> -> memref<!tpu.dma_semaphore, #tpu.memory_space<semaphore_mem>>
      tpu.wait_indirect_dma semaphore(%dma_wait3A_718 : memref<!tpu.dma_semaphore, #tpu.memory_space<semaphore_mem>>) src(%dma_wait3A_716 : memref<2000000x64xf32, #tpu.memory_space<hbm>>) dst(%arg9 : memref<128x64xf32, #tpu.memory_space<vmem>>)
      %get3A_719 = arith.index_cast %div3A_706 : i32 to index
      %get3A_720 = arith.index_cast %rem3A_708 : i32 to index
      %get3A_721 = arith.constant 0 : index
      %get3A_722 = tpu.vector_load %arg6[%get3A_719, %get3A_720, %get3A_721] {strides = array<i32>} : memref<25x8x128xi32, #tpu.memory_space<vmem>>, vector<16xi32>,
      %ne3A_723 = arith.constant 0 : i32
      %ne3A_724 = vector.broadcast %ne3A_723 : i32 to vector<16xi32>
      %ne3A_725 = arith.cmpi ne, %get3A_722, %ne3A_724 : vector<16xi32>
      %jit3A_726 = arith.constant 1.000000e+00 : f32
      %jit3A_727 = arith.constant 0.000000e+00 : f32
      %broadcast_in_dim3A_728 = vector.broadcast %jit3A_726 : f32 to vector<16xf32>
      %broadcast_in_dim3A_729 = vector.broadcast %jit3A_727 : f32 to vector<16xf32>
      %select_n3A_730 = arith.select %ne3A_725, %broadcast_in_dim3A_728, %broadcast_in_dim3A_729 : vector<16xi1>, vector<16xf32>
      %swap3A_731 = arith.constant 0 : index
      %swap3A_732 = tpu.vector_load %arg13[%swap3A_731] {strides = array<i32>} : memref<128xf32, #tpu.memory_space<vmem>>, vector<16xf32>,
      tpu.vector_store %arg13[%swap3A_731], %select_n3A_730 {strides = array<i32>} : memref<128xf32, #tpu.memory_space<vmem>>, vector<16xf32>,
      %get3A_733 = arith.index_cast %div3A_706 : i32 to index
      %get3A_734 = arith.index_cast %rem3A_708 : i32 to index
      %get3A_735 = arith.constant 16 : index
      %get3A_736 = tpu.vector_load %arg6[%get3A_733, %get3A_734, %get3A_735] {strides = array<i32>} : memref<25x8x128xi32, #tpu.memory_space<vmem>>, vector<16xi32>,
      %ne3A_737 = arith.constant 0 : i32
      %ne3A_738 = vector.broadcast %ne3A_737 : i32 to vector<16xi32>
      %ne3A_739 = arith.cmpi ne, %get3A_736, %ne3A_738 : vector<16xi32>
      %jit3A_740 = arith.constant 1.000000e+00 : f32
      %jit3A_741 = arith.constant 0.000000e+00 : f32
      %broadcast_in_dim3A_742 = vector.broadcast %jit3A_740 : f32 to vector<16xf32>
      %broadcast_in_dim3A_743 = vector.broadcast %jit3A_741 : f32 to vector<16xf32>
      %select_n3A_744 = arith.select %ne3A_739, %broadcast_in_dim3A_742, %broadcast_in_dim3A_743 : vector<16xi1>, vector<16xf32>
      %swap3A_745 = arith.constant 16 : index
      %swap3A_746 = tpu.vector_load %arg13[%swap3A_745] {strides = array<i32>} : memref<128xf32, #tpu.memory_space<vmem>>, vector<16xf32>,
      tpu.vector_store %arg13[%swap3A_745], %select_n3A_744 {strides = array<i32>} : memref<128xf32, #tpu.memory_space<vmem>>, vector<16xf32>,
      %get3A_747 = arith.index_cast %div3A_706 : i32 to index
      %get3A_748 = arith.index_cast %rem3A_708 : i32 to index
      %get3A_749 = arith.constant 32 : index
      %get3A_750 = tpu.vector_load %arg6[%get3A_747, %get3A_748, %get3A_749] {strides = array<i32>} : memref<25x8x128xi32, #tpu.memory_space<vmem>>, vector<16xi32>,
      %ne3A_751 = arith.constant 0 : i32
      %ne3A_752 = vector.broadcast %ne3A_751 : i32 to vector<16xi32>
      %ne3A_753 = arith.cmpi ne, %get3A_750, %ne3A_752 : vector<16xi32>
      %jit3A_754 = arith.constant 1.000000e+00 : f32
      %jit3A_755 = arith.constant 0.000000e+00 : f32
      %broadcast_in_dim3A_756 = vector.broadcast %jit3A_754 : f32 to vector<16xf32>
      %broadcast_in_dim3A_757 = vector.broadcast %jit3A_755 : f32 to vector<16xf32>
      %select_n3A_758 = arith.select %ne3A_753, %broadcast_in_dim3A_756, %broadcast_in_dim3A_757 : vector<16xi1>, vector<16xf32>
      %swap3A_759 = arith.constant 32 : index
      %swap3A_760 = tpu.vector_load %arg13[%swap3A_759] {strides = array<i32>} : memref<128xf32, #tpu.memory_space<vmem>>, vector<16xf32>,
      tpu.vector_store %arg13[%swap3A_759], %select_n3A_758 {strides = array<i32>} : memref<128xf32, #tpu.memory_space<vmem>>, vector<16xf32>,
      %get3A_761 = arith.index_cast %div3A_706 : i32 to index
      %get3A_762 = arith.index_cast %rem3A_708 : i32 to index
      %get3A_763 = arith.constant 48 : index
      %get3A_764 = tpu.vector_load %arg6[%get3A_761, %get3A_762, %get3A_763] {strides = array<i32>} : memref<25x8x128xi32, #tpu.memory_space<vmem>>, vector<16xi32>,
      %ne3A_765 = arith.constant 0 : i32
      %ne3A_766 = vector.broadcast %ne3A_765 : i32 to vector<16xi32>
      %ne3A_767 = arith.cmpi ne, %get3A_764, %ne3A_766 : vector<16xi32>
      %jit3A_768 = arith.constant 1.000000e+00 : f32
      %jit3A_769 = arith.constant 0.000000e+00 : f32
      %broadcast_in_dim3A_770 = vector.broadcast %jit3A_768 : f32 to vector<16xf32>
      %broadcast_in_dim3A_771 = vector.broadcast %jit3A_769 : f32 to vector<16xf32>
      %select_n3A_772 = arith.select %ne3A_767, %broadcast_in_dim3A_770, %broadcast_in_dim3A_771 : vector<16xi1>, vector<16xf32>
      %swap3A_773 = arith.constant 48 : index
      %swap3A_774 = tpu.vector_load %arg13[%swap3A_773] {strides = array<i32>} : memref<128xf32, #tpu.memory_space<vmem>>, vector<16xf32>,
      tpu.vector_store %arg13[%swap3A_773], %select_n3A_772 {strides = array<i32>} : memref<128xf32, #tpu.memory_space<vmem>>, vector<16xf32>,
      %get3A_775 = arith.index_cast %div3A_706 : i32 to index
      %get3A_776 = arith.index_cast %rem3A_708 : i32 to index
      %get3A_777 = arith.constant 64 : index
      %get3A_778 = tpu.vector_load %arg6[%get3A_775, %get3A_776, %get3A_777] {strides = array<i32>} : memref<25x8x128xi32, #tpu.memory_space<vmem>>, vector<16xi32>,
      %ne3A_779 = arith.constant 0 : i32
      %ne3A_780 = vector.broadcast %ne3A_779 : i32 to vector<16xi32>
      %ne3A_781 = arith.cmpi ne, %get3A_778, %ne3A_780 : vector<16xi32>
      %jit3A_782 = arith.constant 1.000000e+00 : f32
      %jit3A_783 = arith.constant 0.000000e+00 : f32
      %broadcast_in_dim3A_784 = vector.broadcast %jit3A_782 : f32 to vector<16xf32>
      %broadcast_in_dim3A_785 = vector.broadcast %jit3A_783 : f32 to vector<16xf32>
      %select_n3A_786 = arith.select %ne3A_781, %broadcast_in_dim3A_784, %broadcast_in_dim3A_785 : vector<16xi1>, vector<16xf32>
      %swap3A_787 = arith.constant 64 : index
      %swap3A_788 = tpu.vector_load %arg13[%swap3A_787] {strides = array<i32>} : memref<128xf32, #tpu.memory_space<vmem>>, vector<16xf32>,
      tpu.vector_store %arg13[%swap3A_787], %select_n3A_786 {strides = array<i32>} : memref<128xf32, #tpu.memory_space<vmem>>, vector<16xf32>,
      %get3A_789 = arith.index_cast %div3A_706 : i32 to index
      %get3A_790 = arith.index_cast %rem3A_708 : i32 to index
      %get3A_791 = arith.constant 80 : index
      %get3A_792 = tpu.vector_load %arg6[%get3A_789, %get3A_790, %get3A_791] {strides = array<i32>} : memref<25x8x128xi32, #tpu.memory_space<vmem>>, vector<16xi32>,
      %ne3A_793 = arith.constant 0 : i32
      %ne3A_794 = vector.broadcast %ne3A_793 : i32 to vector<16xi32>
      %ne3A_795 = arith.cmpi ne, %get3A_792, %ne3A_794 : vector<16xi32>
      %jit3A_796 = arith.constant 1.000000e+00 : f32
      %jit3A_797 = arith.constant 0.000000e+00 : f32
      %broadcast_in_dim3A_798 = vector.broadcast %jit3A_796 : f32 to vector<16xf32>
      %broadcast_in_dim3A_799 = vector.broadcast %jit3A_797 : f32 to vector<16xf32>
      %select_n3A_800 = arith.select %ne3A_795, %broadcast_in_dim3A_798, %broadcast_in_dim3A_799 : vector<16xi1>, vector<16xf32>
      %swap3A_801 = arith.constant 80 : index
      %swap3A_802 = tpu.vector_load %arg13[%swap3A_801] {strides = array<i32>} : memref<128xf32, #tpu.memory_space<vmem>>, vector<16xf32>,
      tpu.vector_store %arg13[%swap3A_801], %select_n3A_800 {strides = array<i32>} : memref<128xf32, #tpu.memory_space<vmem>>, vector<16xf32>,
      %get3A_803 = arith.index_cast %div3A_706 : i32 to index
      %get3A_804 = arith.index_cast %rem3A_708 : i32 to index
      %get3A_805 = arith.constant 96 : index
      %get3A_806 = tpu.vector_load %arg6[%get3A_803, %get3A_804, %get3A_805] {strides = array<i32>} : memref<25x8x128xi32, #tpu.memory_space<vmem>>, vector<16xi32>,
      %ne3A_807 = arith.constant 0 : i32
      %ne3A_808 = vector.broadcast %ne3A_807 : i32 to vector<16xi32>
      %ne3A_809 = arith.cmpi ne, %get3A_806, %ne3A_808 : vector<16xi32>
      %jit3A_810 = arith.constant 1.000000e+00 : f32
      %jit3A_811 = arith.constant 0.000000e+00 : f32
      %broadcast_in_dim3A_812 = vector.broadcast %jit3A_810 : f32 to vector<16xf32>
      %broadcast_in_dim3A_813 = vector.broadcast %jit3A_811 : f32 to vector<16xf32>
      %select_n3A_814 = arith.select %ne3A_809, %broadcast_in_dim3A_812, %broadcast_in_dim3A_813 : vector<16xi1>, vector<16xf32>
      %swap3A_815 = arith.constant 96 : index
      %swap3A_816 = tpu.vector_load %arg13[%swap3A_815] {strides = array<i32>} : memref<128xf32, #tpu.memory_space<vmem>>, vector<16xf32>,
      tpu.vector_store %arg13[%swap3A_815], %select_n3A_814 {strides = array<i32>} : memref<128xf32, #tpu.memory_space<vmem>>, vector<16xf32>,
      %get3A_817 = arith.index_cast %div3A_706 : i32 to index
      %get3A_818 = arith.index_cast %rem3A_708 : i32 to index
      %get3A_819 = arith.constant 112 : index
      %get3A_820 = tpu.vector_load %arg6[%get3A_817, %get3A_818, %get3A_819] {strides = array<i32>} : memref<25x8x128xi32, #tpu.memory_space<vmem>>, vector<16xi32>,
      %ne3A_821 = arith.constant 0 : i32
      %ne3A_822 = vector.broadcast %ne3A_821 : i32 to vector<16xi32>
      %ne3A_823 = arith.cmpi ne, %get3A_820, %ne3A_822 : vector<16xi32>
      %jit3A_824 = arith.constant 1.000000e+00 : f32
      %jit3A_825 = arith.constant 0.000000e+00 : f32
      %broadcast_in_dim3A_826 = vector.broadcast %jit3A_824 : f32 to vector<16xf32>
      %broadcast_in_dim3A_827 = vector.broadcast %jit3A_825 : f32 to vector<16xf32>
      %select_n3A_828 = arith.select %ne3A_823, %broadcast_in_dim3A_826, %broadcast_in_dim3A_827 : vector<16xi1>, vector<16xf32>
      %swap3A_829 = arith.constant 112 : index
      %swap3A_830 = tpu.vector_load %arg13[%swap3A_829] {strides = array<i32>} : memref<128xf32, #tpu.memory_space<vmem>>, vector<16xf32>,
      tpu.vector_store %arg13[%swap3A_829], %select_n3A_828 {strides = array<i32>} : memref<128xf32, #tpu.memory_space<vmem>>, vector<16xf32>,
      %mul3A_831 = arith.constant 64 : i32
      %mul3A_832 = arith.muli %add3A_704, %mul3A_831 : i32
      %add3A_833 = arith.constant 0 : i32
      %add3A_834 = arith.addi %mul3A_832, %add3A_833 : i32
      %get3A_835 = arith.index_cast %add3A_834 : i32 to index
      %get3A_836 = tpu.vector_load %arg12[%get3A_835] {strides = array<i32>} : memref<12800xf32, #tpu.memory_space<vmem>>, vector<16xf32>,
      %add3A_837 = arith.constant 16 : i32
      %add3A_838 = arith.addi %mul3A_832, %add3A_837 : i32
      %get3A_839 = arith.index_cast %add3A_838 : i32 to index
      %get3A_840 = tpu.vector_load %arg12[%get3A_839] {strides = array<i32>} : memref<12800xf32, #tpu.memory_space<vmem>>, vector<16xf32>,
      %add3A_841 = arith.constant 32 : i32
      %add3A_842 = arith.addi %mul3A_832, %add3A_841 : i32
      %get3A_843 = arith.index_cast %add3A_842 : i32 to index
      %get3A_844 = tpu.vector_load %arg12[%get3A_843] {strides = array<i32>} : memref<12800xf32, #tpu.memory_space<vmem>>, vector<16xf32>,
      %add3A_845 = arith.constant 48 : i32
      %add3A_846 = arith.addi %mul3A_832, %add3A_845 : i32
      %get3A_847 = arith.index_cast %add3A_846 : i32 to index
      %get3A_848 = tpu.vector_load %arg12[%get3A_847] {strides = array<i32>} : memref<12800xf32, #tpu.memory_space<vmem>>, vector<16xf32>,
      %add3A_849 = arith.constant 0 : i32
      %add3A_850 = vector.broadcast %add3A_849 : i32 to vector<16xi32>
      %add3A_851 = arith.addi %iota3A, %add3A_850 : vector<16xi32>
      %add3A_852 = arith.constant 16 : i32
      %add3A_853 = vector.broadcast %add3A_852 : i32 to vector<16xi32>
      %add3A_854 = arith.addi %iota3A, %add3A_853 : vector<16xi32>
      %add3A_855 = arith.constant 32 : i32
      %add3A_856 = vector.broadcast %add3A_855 : i32 to vector<16xi32>
      %add3A_857 = arith.addi %iota3A, %add3A_856 : vector<16xi32>
      %add3A_858 = arith.constant 48 : i32
      %add3A_859 = vector.broadcast %add3A_858 : i32 to vector<16xi32>
      %add3A_860 = arith.addi %iota3A, %add3A_859 : vector<16xi32>
      %parallel_loop3A_861 = arith.constant 0 : i32
      %parallel_loop3A_862 = arith.constant 128 : i32
      %parallel_loop3A_863 = arith.constant 1 : i32
      scf.for %parallel_loop3A_1010 = %parallel_loop3A_861 to %parallel_loop3A_862 step %parallel_loop3A_863  : i32 {
        %parallel_loop3A_1011 = vector.broadcast %parallel_loop3A_1010 : i32 to vector<16xi32>
        %parallel_loop3A_1012 = tpu.vector_load_idx %arg13[%parallel_loop3A_1011] : memref<128xf32, #tpu.memory_space<vmem>>[vector<16xi32>], vector<16xf32>,
        %parallel_loop3A_1013 = vector.broadcast %parallel_loop3A_1010 : i32 to vector<16xi32>
        %parallel_loop3A_1014 = arith.index_cast %parallel_loop3A_1010 : i32 to index
        %parallel_loop3A_1015 = arith.constant 0 : index
        %parallel_loop3A_1016 = tpu.vector_load %arg9[%parallel_loop3A_1014, %parallel_loop3A_1015] {strides = array<i32>} : memref<128x64xf32, #tpu.memory_space<vmem>>, vector<16xf32>,
        %parallel_loop3A_1017 = arith.constant 8.000000e+00 : f32
        %parallel_loop3A_1018 = vector.broadcast %parallel_loop3A_1017 : f32 to vector<16xf32>
        %parallel_loop3A_1019 = arith.mulf %parallel_loop3A_1016, %parallel_loop3A_1018 : vector<16xf32>
        %parallel_loop3A_1020 = arith.addf %parallel_loop3A_1019, %get3A_836 : vector<16xf32>
        %parallel_loop3A_1021 = arith.mulf %parallel_loop3A_1020, %parallel_loop3A_1012 : vector<16xf32>
        tpu.vector_store_idx %arg11[%add3A_851, %parallel_loop3A_1013], %parallel_loop3A_1021 : memref<64x129xf32, #tpu.memory_space<vmem>>[vector<16xi32>, vector<16xi32>], vector<16xf32>,
        %parallel_loop3A_1022 = arith.index_cast %parallel_loop3A_1010 : i32 to index
        %parallel_loop3A_1023 = arith.constant 16 : index
        %parallel_loop3A_1024 = tpu.vector_load %arg9[%parallel_loop3A_1022, %parallel_loop3A_1023] {strides = array<i32>} : memref<128x64xf32, #tpu.memory_space<vmem>>, vector<16xf32>,
        %parallel_loop3A_1025 = arith.constant 8.000000e+00 : f32
        %parallel_loop3A_1026 = vector.broadcast %parallel_loop3A_1025 : f32 to vector<16xf32>
        %parallel_loop3A_1027 = arith.mulf %parallel_loop3A_1024, %parallel_loop3A_1026 : vector<16xf32>
        %parallel_loop3A_1028 = arith.addf %parallel_loop3A_1027, %get3A_840 : vector<16xf32>
        %parallel_loop3A_1029 = arith.mulf %parallel_loop3A_1028, %parallel_loop3A_1012 : vector<16xf32>
        tpu.vector_store_idx %arg11[%add3A_854, %parallel_loop3A_1013], %parallel_loop3A_1029 : memref<64x129xf32, #tpu.memory_space<vmem>>[vector<16xi32>, vector<16xi32>], vector<16xf32>,
        %parallel_loop3A_1030 = arith.index_cast %parallel_loop3A_1010 : i32 to index
        %parallel_loop3A_1031 = arith.constant 32 : index
        %parallel_loop3A_1032 = tpu.vector_load %arg9[%parallel_loop3A_1030, %parallel_loop3A_1031] {strides = array<i32>} : memref<128x64xf32, #tpu.memory_space<vmem>>, vector<16xf32>,
        %parallel_loop3A_1033 = arith.constant 8.000000e+00 : f32
        %parallel_loop3A_1034 = vector.broadcast %parallel_loop3A_1033 : f32 to vector<16xf32>
        %parallel_loop3A_1035 = arith.mulf %parallel_loop3A_1032, %parallel_loop3A_1034 : vector<16xf32>
        %parallel_loop3A_1036 = arith.addf %parallel_loop3A_1035, %get3A_844 : vector<16xf32>
        %parallel_loop3A_1037 = arith.mulf %parallel_loop3A_1036, %parallel_loop3A_1012 : vector<16xf32>
        tpu.vector_store_idx %arg11[%add3A_857, %parallel_loop3A_1013], %parallel_loop3A_1037 : memref<64x129xf32, #tpu.memory_space<vmem>>[vector<16xi32>, vector<16xi32>], vector<16xf32>,
        %parallel_loop3A_1038 = arith.index_cast %parallel_loop3A_1010 : i32 to index
        %parallel_loop3A_1039 = arith.constant 48 : index
        %parallel_loop3A_1040 = tpu.vector_load %arg9[%parallel_loop3A_1038, %parallel_loop3A_1039] {strides = array<i32>} : memref<128x64xf32, #tpu.memory_space<vmem>>, vector<16xf32>,
        %parallel_loop3A_1041 = arith.constant 8.000000e+00 : f32
        %parallel_loop3A_1042 = vector.broadcast %parallel_loop3A_1041 : f32 to vector<16xf32>
        %parallel_loop3A_1043 = arith.mulf %parallel_loop3A_1040, %parallel_loop3A_1042 : vector<16xf32>
        %parallel_loop3A_1044 = arith.addf %parallel_loop3A_1043, %get3A_848 : vector<16xf32>
        %parallel_loop3A_1045 = arith.mulf %parallel_loop3A_1044, %parallel_loop3A_1012 : vector<16xf32>
        tpu.vector_store_idx %arg11[%add3A_860, %parallel_loop3A_1013], %parallel_loop3A_1045 : memref<64x129xf32, #tpu.memory_space<vmem>>[vector<16xi32>, vector<16xi32>], vector<16xf32>,
      } {sc.loop_unroll_factor = 4 : i64, sc.parallel_access}
      %add3A_864 = arith.constant 1 : i32
      %add3A_865 = arith.addi %mul3A_375, %add3A_864 : i32
      %dma_start3A_866 = arith.constant 0 : i32
      %dma_start3A_867 = arith.constant 1 : i32
      %dma_start3A_868 = arith.constant 0 : i32
      %dma_start3A_869 = arith.constant 0 : i32
      %dma_start3A_870 = tpu.memref_slice %arg11[%dma_start3A_868, %dma_start3A_869] : memref<64x129xf32, #tpu.memory_space<vmem>> -> memref<8x128xf32, #tpu.memory_space<vmem>>
      %dma_start3A_871 = arith.constant 0 : i32
      %dma_start3A_872 = arith.constant 0 : i32
      %dma_start3A_873 = tpu.memref_slice %arg5[%add3A_865, %dma_start3A_866, %add3A, %dma_start3A_871, %dma_start3A_872] : memref<200x8x32x8x128xf32, #tpu.memory_space<hbm>> -> memref<1x1x1x8x128xf32, #tpu.memory_space<hbm>>
      %dma_start3A_874 = tpu.memref_squeeze %dma_start3A_873 : memref<1x1x1x8x128xf32, #tpu.memory_space<hbm>> -> memref<8x128xf32, #tpu.memory_space<hbm>>
      %dma_start3A_875 = tpu.memref_slice %arg15[%dma_start3A_867] : memref<2x!tpu.dma_semaphore, #tpu.memory_space<semaphore_mem>> -> memref<1x!tpu.dma_semaphore, #tpu.memory_space<semaphore_mem>>
      %dma_start3A_876 = tpu.memref_squeeze %dma_start3A_875 : memref<1x!tpu.dma_semaphore, #tpu.memory_space<semaphore_mem>> -> memref<!tpu.dma_semaphore, #tpu.memory_space<semaphore_mem>>
      %dma_start3A_877 = arith.constant 0 : i32
      %dma_start3A_878 = arith.constant 0 : i32
      %dma_start3A_879 = tpu.memref_slice %arg5[%add3A_865, %dma_start3A_866, %add3A, %dma_start3A_877, %dma_start3A_878] : memref<200x8x32x8x128xf32, #tpu.memory_space<hbm>> -> memref<1x1x1x8x128xf32, #tpu.memory_space<hbm>>
      %dma_start3A_880 = tpu.memref_squeeze %dma_start3A_879 : memref<1x1x1x8x128xf32, #tpu.memory_space<hbm>> -> memref<8x128xf32, #tpu.memory_space<hbm>>
      %dma_start3A_881 = arith.constant 0 : i32
      %dma_start3A_882 = arith.constant 0 : i32
      %dma_start3A_883 = tpu.memref_slice %arg11[%dma_start3A_881, %dma_start3A_882] : memref<64x129xf32, #tpu.memory_space<vmem>> -> memref<8x128xf32, #tpu.memory_space<vmem>>
      tpu.enqueue_dma source(%dma_start3A_883 : memref<8x128xf32, #tpu.memory_space<vmem>>) target(%dma_start3A_880 : memref<8x128xf32, #tpu.memory_space<hbm>>) target_semaphore(%dma_start3A_876 : memref<!tpu.dma_semaphore, #tpu.memory_space<semaphore_mem>>)
      %dma_start3A_884 = arith.constant 1 : i32
      %dma_start3A_885 = arith.constant 1 : i32
      %dma_start3A_886 = arith.constant 8 : i32
      %dma_start3A_887 = arith.constant 0 : i32
      %dma_start3A_888 = tpu.memref_slice %arg11[%dma_start3A_886, %dma_start3A_887] : memref<64x129xf32, #tpu.memory_space<vmem>> -> memref<8x128xf32, #tpu.memory_space<vmem>>
      %dma_start3A_889 = arith.constant 0 : i32
      %dma_start3A_890 = arith.constant 0 : i32
      %dma_start3A_891 = tpu.memref_slice %arg5[%add3A_865, %dma_start3A_884, %add3A, %dma_start3A_889, %dma_start3A_890] : memref<200x8x32x8x128xf32, #tpu.memory_space<hbm>> -> memref<1x1x1x8x128xf32, #tpu.memory_space<hbm>>
      %dma_start3A_892 = tpu.memref_squeeze %dma_start3A_891 : memref<1x1x1x8x128xf32, #tpu.memory_space<hbm>> -> memref<8x128xf32, #tpu.memory_space<hbm>>
      %dma_start3A_893 = tpu.memref_slice %arg15[%dma_start3A_885] : memref<2x!tpu.dma_semaphore, #tpu.memory_space<semaphore_mem>> -> memref<1x!tpu.dma_semaphore, #tpu.memory_space<semaphore_mem>>
      %dma_start3A_894 = tpu.memref_squeeze %dma_start3A_893 : memref<1x!tpu.dma_semaphore, #tpu.memory_space<semaphore_mem>> -> memref<!tpu.dma_semaphore, #tpu.memory_space<semaphore_mem>>
      %dma_start3A_895 = arith.constant 0 : i32
      %dma_start3A_896 = arith.constant 0 : i32
      %dma_start3A_897 = tpu.memref_slice %arg5[%add3A_865, %dma_start3A_884, %add3A, %dma_start3A_895, %dma_start3A_896] : memref<200x8x32x8x128xf32, #tpu.memory_space<hbm>> -> memref<1x1x1x8x128xf32, #tpu.memory_space<hbm>>
      %dma_start3A_898 = tpu.memref_squeeze %dma_start3A_897 : memref<1x1x1x8x128xf32, #tpu.memory_space<hbm>> -> memref<8x128xf32, #tpu.memory_space<hbm>>
      %dma_start3A_899 = arith.constant 8 : i32
      %dma_start3A_900 = arith.constant 0 : i32
      %dma_start3A_901 = tpu.memref_slice %arg11[%dma_start3A_899, %dma_start3A_900] : memref<64x129xf32, #tpu.memory_space<vmem>> -> memref<8x128xf32, #tpu.memory_space<vmem>>
      tpu.enqueue_dma source(%dma_start3A_901 : memref<8x128xf32, #tpu.memory_space<vmem>>) target(%dma_start3A_898 : memref<8x128xf32, #tpu.memory_space<hbm>>) target_semaphore(%dma_start3A_894 : memref<!tpu.dma_semaphore, #tpu.memory_space<semaphore_mem>>)
      %dma_start3A_902 = arith.constant 2 : i32
      %dma_start3A_903 = arith.constant 1 : i32
      %dma_start3A_904 = arith.constant 16 : i32
      %dma_start3A_905 = arith.constant 0 : i32
      %dma_start3A_906 = tpu.memref_slice %arg11[%dma_start3A_904, %dma_start3A_905] : memref<64x129xf32, #tpu.memory_space<vmem>> -> memref<8x128xf32, #tpu.memory_space<vmem>>
      %dma_start3A_907 = arith.constant 0 : i32
      %dma_start3A_908 = arith.constant 0 : i32
      %dma_start3A_909 = tpu.memref_slice %arg5[%add3A_865, %dma_start3A_902, %add3A, %dma_start3A_907, %dma_start3A_908] : memref<200x8x32x8x128xf32, #tpu.memory_space<hbm>> -> memref<1x1x1x8x128xf32, #tpu.memory_space<hbm>>
      %dma_start3A_910 = tpu.memref_squeeze %dma_start3A_909 : memref<1x1x1x8x128xf32, #tpu.memory_space<hbm>> -> memref<8x128xf32, #tpu.memory_space<hbm>>
      %dma_start3A_911 = tpu.memref_slice %arg15[%dma_start3A_903] : memref<2x!tpu.dma_semaphore, #tpu.memory_space<semaphore_mem>> -> memref<1x!tpu.dma_semaphore, #tpu.memory_space<semaphore_mem>>
      %dma_start3A_912 = tpu.memref_squeeze %dma_start3A_911 : memref<1x!tpu.dma_semaphore, #tpu.memory_space<semaphore_mem>> -> memref<!tpu.dma_semaphore, #tpu.memory_space<semaphore_mem>>
      %dma_start3A_913 = arith.constant 0 : i32
      %dma_start3A_914 = arith.constant 0 : i32
      %dma_start3A_915 = tpu.memref_slice %arg5[%add3A_865, %dma_start3A_902, %add3A, %dma_start3A_913, %dma_start3A_914] : memref<200x8x32x8x128xf32, #tpu.memory_space<hbm>> -> memref<1x1x1x8x128xf32, #tpu.memory_space<hbm>>
      %dma_start3A_916 = tpu.memref_squeeze %dma_start3A_915 : memref<1x1x1x8x128xf32, #tpu.memory_space<hbm>> -> memref<8x128xf32, #tpu.memory_space<hbm>>
      %dma_start3A_917 = arith.constant 16 : i32
      %dma_start3A_918 = arith.constant 0 : i32
      %dma_start3A_919 = tpu.memref_slice %arg11[%dma_start3A_917, %dma_start3A_918] : memref<64x129xf32, #tpu.memory_space<vmem>> -> memref<8x128xf32, #tpu.memory_space<vmem>>
      tpu.enqueue_dma source(%dma_start3A_919 : memref<8x128xf32, #tpu.memory_space<vmem>>) target(%dma_start3A_916 : memref<8x128xf32, #tpu.memory_space<hbm>>) target_semaphore(%dma_start3A_912 : memref<!tpu.dma_semaphore, #tpu.memory_space<semaphore_mem>>)
      %dma_start3A_920 = arith.constant 3 : i32
      %dma_start3A_921 = arith.constant 1 : i32
      %dma_start3A_922 = arith.constant 24 : i32
      %dma_start3A_923 = arith.constant 0 : i32
      %dma_start3A_924 = tpu.memref_slice %arg11[%dma_start3A_922, %dma_start3A_923] : memref<64x129xf32, #tpu.memory_space<vmem>> -> memref<8x128xf32, #tpu.memory_space<vmem>>
      %dma_start3A_925 = arith.constant 0 : i32
      %dma_start3A_926 = arith.constant 0 : i32
      %dma_start3A_927 = tpu.memref_slice %arg5[%add3A_865, %dma_start3A_920, %add3A, %dma_start3A_925, %dma_start3A_926] : memref<200x8x32x8x128xf32, #tpu.memory_space<hbm>> -> memref<1x1x1x8x128xf32, #tpu.memory_space<hbm>>
      %dma_start3A_928 = tpu.memref_squeeze %dma_start3A_927 : memref<1x1x1x8x128xf32, #tpu.memory_space<hbm>> -> memref<8x128xf32, #tpu.memory_space<hbm>>
      %dma_start3A_929 = tpu.memref_slice %arg15[%dma_start3A_921] : memref<2x!tpu.dma_semaphore, #tpu.memory_space<semaphore_mem>> -> memref<1x!tpu.dma_semaphore, #tpu.memory_space<semaphore_mem>>
      %dma_start3A_930 = tpu.memref_squeeze %dma_start3A_929 : memref<1x!tpu.dma_semaphore, #tpu.memory_space<semaphore_mem>> -> memref<!tpu.dma_semaphore, #tpu.memory_space<semaphore_mem>>
      %dma_start3A_931 = arith.constant 0 : i32
      %dma_start3A_932 = arith.constant 0 : i32
      %dma_start3A_933 = tpu.memref_slice %arg5[%add3A_865, %dma_start3A_920, %add3A, %dma_start3A_931, %dma_start3A_932] : memref<200x8x32x8x128xf32, #tpu.memory_space<hbm>> -> memref<1x1x1x8x128xf32, #tpu.memory_space<hbm>>
      %dma_start3A_934 = tpu.memref_squeeze %dma_start3A_933 : memref<1x1x1x8x128xf32, #tpu.memory_space<hbm>> -> memref<8x128xf32, #tpu.memory_space<hbm>>
      %dma_start3A_935 = arith.constant 24 : i32
      %dma_start3A_936 = arith.constant 0 : i32
      %dma_start3A_937 = tpu.memref_slice %arg11[%dma_start3A_935, %dma_start3A_936] : memref<64x129xf32, #tpu.memory_space<vmem>> -> memref<8x128xf32, #tpu.memory_space<vmem>>
      tpu.enqueue_dma source(%dma_start3A_937 : memref<8x128xf32, #tpu.memory_space<vmem>>) target(%dma_start3A_934 : memref<8x128xf32, #tpu.memory_space<hbm>>) target_semaphore(%dma_start3A_930 : memref<!tpu.dma_semaphore, #tpu.memory_space<semaphore_mem>>)
      %dma_start3A_938 = arith.constant 4 : i32
      %dma_start3A_939 = arith.constant 1 : i32
      %dma_start3A_940 = arith.constant 32 : i32
      %dma_start3A_941 = arith.constant 0 : i32
      %dma_start3A_942 = tpu.memref_slice %arg11[%dma_start3A_940, %dma_start3A_941] : memref<64x129xf32, #tpu.memory_space<vmem>> -> memref<8x128xf32, #tpu.memory_space<vmem>>
      %dma_start3A_943 = arith.constant 0 : i32
      %dma_start3A_944 = arith.constant 0 : i32
      %dma_start3A_945 = tpu.memref_slice %arg5[%add3A_865, %dma_start3A_938, %add3A, %dma_start3A_943, %dma_start3A_944] : memref<200x8x32x8x128xf32, #tpu.memory_space<hbm>> -> memref<1x1x1x8x128xf32, #tpu.memory_space<hbm>>
      %dma_start3A_946 = tpu.memref_squeeze %dma_start3A_945 : memref<1x1x1x8x128xf32, #tpu.memory_space<hbm>> -> memref<8x128xf32, #tpu.memory_space<hbm>>
      %dma_start3A_947 = tpu.memref_slice %arg15[%dma_start3A_939] : memref<2x!tpu.dma_semaphore, #tpu.memory_space<semaphore_mem>> -> memref<1x!tpu.dma_semaphore, #tpu.memory_space<semaphore_mem>>
      %dma_start3A_948 = tpu.memref_squeeze %dma_start3A_947 : memref<1x!tpu.dma_semaphore, #tpu.memory_space<semaphore_mem>> -> memref<!tpu.dma_semaphore, #tpu.memory_space<semaphore_mem>>
      %dma_start3A_949 = arith.constant 0 : i32
      %dma_start3A_950 = arith.constant 0 : i32
      %dma_start3A_951 = tpu.memref_slice %arg5[%add3A_865, %dma_start3A_938, %add3A, %dma_start3A_949, %dma_start3A_950] : memref<200x8x32x8x128xf32, #tpu.memory_space<hbm>> -> memref<1x1x1x8x128xf32, #tpu.memory_space<hbm>>
      %dma_start3A_952 = tpu.memref_squeeze %dma_start3A_951 : memref<1x1x1x8x128xf32, #tpu.memory_space<hbm>> -> memref<8x128xf32, #tpu.memory_space<hbm>>
      %dma_start3A_953 = arith.constant 32 : i32
      %dma_start3A_954 = arith.constant 0 : i32
      %dma_start3A_955 = tpu.memref_slice %arg11[%dma_start3A_953, %dma_start3A_954] : memref<64x129xf32, #tpu.memory_space<vmem>> -> memref<8x128xf32, #tpu.memory_space<vmem>>
      tpu.enqueue_dma source(%dma_start3A_955 : memref<8x128xf32, #tpu.memory_space<vmem>>) target(%dma_start3A_952 : memref<8x128xf32, #tpu.memory_space<hbm>>) target_semaphore(%dma_start3A_948 : memref<!tpu.dma_semaphore, #tpu.memory_space<semaphore_mem>>)
      %dma_start3A_956 = arith.constant 5 : i32
      %dma_start3A_957 = arith.constant 1 : i32
      %dma_start3A_958 = arith.constant 40 : i32
      %dma_start3A_959 = arith.constant 0 : i32
      %dma_start3A_960 = tpu.memref_slice %arg11[%dma_start3A_958, %dma_start3A_959] : memref<64x129xf32, #tpu.memory_space<vmem>> -> memref<8x128xf32, #tpu.memory_space<vmem>>
      %dma_start3A_961 = arith.constant 0 : i32
      %dma_start3A_962 = arith.constant 0 : i32
      %dma_start3A_963 = tpu.memref_slice %arg5[%add3A_865, %dma_start3A_956, %add3A, %dma_start3A_961, %dma_start3A_962] : memref<200x8x32x8x128xf32, #tpu.memory_space<hbm>> -> memref<1x1x1x8x128xf32, #tpu.memory_space<hbm>>
      %dma_start3A_964 = tpu.memref_squeeze %dma_start3A_963 : memref<1x1x1x8x128xf32, #tpu.memory_space<hbm>> -> memref<8x128xf32, #tpu.memory_space<hbm>>
      %dma_start3A_965 = tpu.memref_slice %arg15[%dma_start3A_957] : memref<2x!tpu.dma_semaphore, #tpu.memory_space<semaphore_mem>> -> memref<1x!tpu.dma_semaphore, #tpu.memory_space<semaphore_mem>>
      %dma_start3A_966 = tpu.memref_squeeze %dma_start3A_965 : memref<1x!tpu.dma_semaphore, #tpu.memory_space<semaphore_mem>> -> memref<!tpu.dma_semaphore, #tpu.memory_space<semaphore_mem>>
      %dma_start3A_967 = arith.constant 0 : i32
      %dma_start3A_968 = arith.constant 0 : i32
      %dma_start3A_969 = tpu.memref_slice %arg5[%add3A_865, %dma_start3A_956, %add3A, %dma_start3A_967, %dma_start3A_968] : memref<200x8x32x8x128xf32, #tpu.memory_space<hbm>> -> memref<1x1x1x8x128xf32, #tpu.memory_space<hbm>>
      %dma_start3A_970 = tpu.memref_squeeze %dma_start3A_969 : memref<1x1x1x8x128xf32, #tpu.memory_space<hbm>> -> memref<8x128xf32, #tpu.memory_space<hbm>>
      %dma_start3A_971 = arith.constant 40 : i32
      %dma_start3A_972 = arith.constant 0 : i32
      %dma_start3A_973 = tpu.memref_slice %arg11[%dma_start3A_971, %dma_start3A_972] : memref<64x129xf32, #tpu.memory_space<vmem>> -> memref<8x128xf32, #tpu.memory_space<vmem>>
      tpu.enqueue_dma source(%dma_start3A_973 : memref<8x128xf32, #tpu.memory_space<vmem>>) target(%dma_start3A_970 : memref<8x128xf32, #tpu.memory_space<hbm>>) target_semaphore(%dma_start3A_966 : memref<!tpu.dma_semaphore, #tpu.memory_space<semaphore_mem>>)
      %dma_start3A_974 = arith.constant 6 : i32
      %dma_start3A_975 = arith.constant 1 : i32
      %dma_start3A_976 = arith.constant 48 : i32
      %dma_start3A_977 = arith.constant 0 : i32
      %dma_start3A_978 = tpu.memref_slice %arg11[%dma_start3A_976, %dma_start3A_977] : memref<64x129xf32, #tpu.memory_space<vmem>> -> memref<8x128xf32, #tpu.memory_space<vmem>>
      %dma_start3A_979 = arith.constant 0 : i32
      %dma_start3A_980 = arith.constant 0 : i32
      %dma_start3A_981 = tpu.memref_slice %arg5[%add3A_865, %dma_start3A_974, %add3A, %dma_start3A_979, %dma_start3A_980] : memref<200x8x32x8x128xf32, #tpu.memory_space<hbm>> -> memref<1x1x1x8x128xf32, #tpu.memory_space<hbm>>
      %dma_start3A_982 = tpu.memref_squeeze %dma_start3A_981 : memref<1x1x1x8x128xf32, #tpu.memory_space<hbm>> -> memref<8x128xf32, #tpu.memory_space<hbm>>
      %dma_start3A_983 = tpu.memref_slice %arg15[%dma_start3A_975] : memref<2x!tpu.dma_semaphore, #tpu.memory_space<semaphore_mem>> -> memref<1x!tpu.dma_semaphore, #tpu.memory_space<semaphore_mem>>
      %dma_start3A_984 = tpu.memref_squeeze %dma_start3A_983 : memref<1x!tpu.dma_semaphore, #tpu.memory_space<semaphore_mem>> -> memref<!tpu.dma_semaphore, #tpu.memory_space<semaphore_mem>>
      %dma_start3A_985 = arith.constant 0 : i32
      %dma_start3A_986 = arith.constant 0 : i32
      %dma_start3A_987 = tpu.memref_slice %arg5[%add3A_865, %dma_start3A_974, %add3A, %dma_start3A_985, %dma_start3A_986] : memref<200x8x32x8x128xf32, #tpu.memory_space<hbm>> -> memref<1x1x1x8x128xf32, #tpu.memory_space<hbm>>
      %dma_start3A_988 = tpu.memref_squeeze %dma_start3A_987 : memref<1x1x1x8x128xf32, #tpu.memory_space<hbm>> -> memref<8x128xf32, #tpu.memory_space<hbm>>
      %dma_start3A_989 = arith.constant 48 : i32
      %dma_start3A_990 = arith.constant 0 : i32
      %dma_start3A_991 = tpu.memref_slice %arg11[%dma_start3A_989, %dma_start3A_990] : memref<64x129xf32, #tpu.memory_space<vmem>> -> memref<8x128xf32, #tpu.memory_space<vmem>>
      tpu.enqueue_dma source(%dma_start3A_991 : memref<8x128xf32, #tpu.memory_space<vmem>>) target(%dma_start3A_988 : memref<8x128xf32, #tpu.memory_space<hbm>>) target_semaphore(%dma_start3A_984 : memref<!tpu.dma_semaphore, #tpu.memory_space<semaphore_mem>>)
      %dma_start3A_992 = arith.constant 7 : i32
      %dma_start3A_993 = arith.constant 1 : i32
      %dma_start3A_994 = arith.constant 56 : i32
      %dma_start3A_995 = arith.constant 0 : i32
      %dma_start3A_996 = tpu.memref_slice %arg11[%dma_start3A_994, %dma_start3A_995] : memref<64x129xf32, #tpu.memory_space<vmem>> -> memref<8x128xf32, #tpu.memory_space<vmem>>
      %dma_start3A_997 = arith.constant 0 : i32
      %dma_start3A_998 = arith.constant 0 : i32
      %dma_start3A_999 = tpu.memref_slice %arg5[%add3A_865, %dma_start3A_992, %add3A, %dma_start3A_997, %dma_start3A_998] : memref<200x8x32x8x128xf32, #tpu.memory_space<hbm>> -> memref<1x1x1x8x128xf32, #tpu.memory_space<hbm>>
      %dma_start3A_1000 = tpu.memref_squeeze %dma_start3A_999 : memref<1x1x1x8x128xf32, #tpu.memory_space<hbm>> -> memref<8x128xf32, #tpu.memory_space<hbm>>
      %dma_start3A_1001 = tpu.memref_slice %arg15[%dma_start3A_993] : memref<2x!tpu.dma_semaphore, #tpu.memory_space<semaphore_mem>> -> memref<1x!tpu.dma_semaphore, #tpu.memory_space<semaphore_mem>>
      %dma_start3A_1002 = tpu.memref_squeeze %dma_start3A_1001 : memref<1x!tpu.dma_semaphore, #tpu.memory_space<semaphore_mem>> -> memref<!tpu.dma_semaphore, #tpu.memory_space<semaphore_mem>>
      %dma_start3A_1003 = arith.constant 0 : i32
      %dma_start3A_1004 = arith.constant 0 : i32
      %dma_start3A_1005 = tpu.memref_slice %arg5[%add3A_865, %dma_start3A_992, %add3A, %dma_start3A_1003, %dma_start3A_1004] : memref<200x8x32x8x128xf32, #tpu.memory_space<hbm>> -> memref<1x1x1x8x128xf32, #tpu.memory_space<hbm>>
      %dma_start3A_1006 = tpu.memref_squeeze %dma_start3A_1005 : memref<1x1x1x8x128xf32, #tpu.memory_space<hbm>> -> memref<8x128xf32, #tpu.memory_space<hbm>>
      %dma_start3A_1007 = arith.constant 56 : i32
      %dma_start3A_1008 = arith.constant 0 : i32
      %dma_start3A_1009 = tpu.memref_slice %arg11[%dma_start3A_1007, %dma_start3A_1008] : memref<64x129xf32, #tpu.memory_space<vmem>> -> memref<8x128xf32, #tpu.memory_space<vmem>>
      tpu.enqueue_dma source(%dma_start3A_1009 : memref<8x128xf32, #tpu.memory_space<vmem>>) target(%dma_start3A_1006 : memref<8x128xf32, #tpu.memory_space<hbm>>) target_semaphore(%dma_start3A_1002 : memref<!tpu.dma_semaphore, #tpu.memory_space<semaphore_mem>>)
    }
    %scan3A_69 = arith.constant 100 : i32
    %dma_wait3A = arith.constant 198 : i32
    %dma_wait3A_70 = arith.constant 0 : i32
    %dma_wait3A_71 = arith.constant 0 : i32
    %dma_wait3A_72 = arith.constant 0 : i32
    %dma_wait3A_73 = arith.constant 0 : i32
    %dma_wait3A_74 = tpu.memref_slice %arg10[%dma_wait3A_72, %dma_wait3A_73] : memref<64x129xf32, #tpu.memory_space<vmem>> -> memref<8x128xf32, #tpu.memory_space<vmem>>
    %dma_wait3A_75 = arith.constant 0 : i32
    %dma_wait3A_76 = arith.constant 0 : i32
    %dma_wait3A_77 = tpu.memref_slice %arg5[%dma_wait3A, %dma_wait3A_70, %add3A, %dma_wait3A_75, %dma_wait3A_76] : memref<200x8x32x8x128xf32, #tpu.memory_space<hbm>> -> memref<1x1x1x8x128xf32, #tpu.memory_space<hbm>>
    %dma_wait3A_78 = tpu.memref_squeeze %dma_wait3A_77 : memref<1x1x1x8x128xf32, #tpu.memory_space<hbm>> -> memref<8x128xf32, #tpu.memory_space<hbm>>
    %dma_wait3A_79 = tpu.memref_slice %arg15[%dma_wait3A_71] : memref<2x!tpu.dma_semaphore, #tpu.memory_space<semaphore_mem>> -> memref<1x!tpu.dma_semaphore, #tpu.memory_space<semaphore_mem>>
    %dma_wait3A_80 = tpu.memref_squeeze %dma_wait3A_79 : memref<1x!tpu.dma_semaphore, #tpu.memory_space<semaphore_mem>> -> memref<!tpu.dma_semaphore, #tpu.memory_space<semaphore_mem>>
    %dma_wait3A_81 = arith.constant 0 : i32
    %dma_wait3A_82 = arith.constant 0 : i32
    %dma_wait3A_83 = tpu.memref_slice %arg5[%dma_wait3A, %dma_wait3A_70, %add3A, %dma_wait3A_81, %dma_wait3A_82] : memref<200x8x32x8x128xf32, #tpu.memory_space<hbm>> -> memref<1x1x1x8x128xf32, #tpu.memory_space<hbm>>
    %dma_wait3A_84 = tpu.memref_squeeze %dma_wait3A_83 : memref<1x1x1x8x128xf32, #tpu.memory_space<hbm>> -> memref<8x128xf32, #tpu.memory_space<hbm>>
    %dma_wait3A_85 = arith.constant 0 : i32
    %dma_wait3A_86 = arith.constant 0 : i32
    %dma_wait3A_87 = tpu.memref_slice %arg10[%dma_wait3A_85, %dma_wait3A_86] : memref<64x129xf32, #tpu.memory_space<vmem>> -> memref<8x128xf32, #tpu.memory_space<vmem>>
    tpu.wait_dma2 semaphore(%dma_wait3A_80 : memref<!tpu.dma_semaphore, #tpu.memory_space<semaphore_mem>>) src(%dma_wait3A_87 : memref<8x128xf32, #tpu.memory_space<vmem>>) dst(%dma_wait3A_84 : memref<8x128xf32, #tpu.memory_space<hbm>>)
    %dma_wait3A_88 = arith.constant 198 : i32
    %dma_wait3A_89 = arith.constant 1 : i32
    %dma_wait3A_90 = arith.constant 0 : i32
    %dma_wait3A_91 = arith.constant 8 : i32
    %dma_wait3A_92 = arith.constant 0 : i32
    %dma_wait3A_93 = tpu.memref_slice %arg10[%dma_wait3A_91, %dma_wait3A_92] : memref<64x129xf32, #tpu.memory_space<vmem>> -> memref<8x128xf32, #tpu.memory_space<vmem>>
    %dma_wait3A_94 = arith.constant 0 : i32
    %dma_wait3A_95 = arith.constant 0 : i32
    %dma_wait3A_96 = tpu.memref_slice %arg5[%dma_wait3A_88, %dma_wait3A_89, %add3A, %dma_wait3A_94, %dma_wait3A_95] : memref<200x8x32x8x128xf32, #tpu.memory_space<hbm>> -> memref<1x1x1x8x128xf32, #tpu.memory_space<hbm>>
    %dma_wait3A_97 = tpu.memref_squeeze %dma_wait3A_96 : memref<1x1x1x8x128xf32, #tpu.memory_space<hbm>> -> memref<8x128xf32, #tpu.memory_space<hbm>>
    %dma_wait3A_98 = tpu.memref_slice %arg15[%dma_wait3A_90] : memref<2x!tpu.dma_semaphore, #tpu.memory_space<semaphore_mem>> -> memref<1x!tpu.dma_semaphore, #tpu.memory_space<semaphore_mem>>
    %dma_wait3A_99 = tpu.memref_squeeze %dma_wait3A_98 : memref<1x!tpu.dma_semaphore, #tpu.memory_space<semaphore_mem>> -> memref<!tpu.dma_semaphore, #tpu.memory_space<semaphore_mem>>
    %dma_wait3A_100 = arith.constant 0 : i32
    %dma_wait3A_101 = arith.constant 0 : i32
    %dma_wait3A_102 = tpu.memref_slice %arg5[%dma_wait3A_88, %dma_wait3A_89, %add3A, %dma_wait3A_100, %dma_wait3A_101] : memref<200x8x32x8x128xf32, #tpu.memory_space<hbm>> -> memref<1x1x1x8x128xf32, #tpu.memory_space<hbm>>
    %dma_wait3A_103 = tpu.memref_squeeze %dma_wait3A_102 : memref<1x1x1x8x128xf32, #tpu.memory_space<hbm>> -> memref<8x128xf32, #tpu.memory_space<hbm>>
    %dma_wait3A_104 = arith.constant 8 : i32
    %dma_wait3A_105 = arith.constant 0 : i32
    %dma_wait3A_106 = tpu.memref_slice %arg10[%dma_wait3A_104, %dma_wait3A_105] : memref<64x129xf32, #tpu.memory_space<vmem>> -> memref<8x128xf32, #tpu.memory_space<vmem>>
    tpu.wait_dma2 semaphore(%dma_wait3A_99 : memref<!tpu.dma_semaphore, #tpu.memory_space<semaphore_mem>>) src(%dma_wait3A_106 : memref<8x128xf32, #tpu.memory_space<vmem>>) dst(%dma_wait3A_103 : memref<8x128xf32, #tpu.memory_space<hbm>>)
    %dma_wait3A_107 = arith.constant 198 : i32
    %dma_wait3A_108 = arith.constant 2 : i32
    %dma_wait3A_109 = arith.constant 0 : i32
    %dma_wait3A_110 = arith.constant 16 : i32
    %dma_wait3A_111 = arith.constant 0 : i32
    %dma_wait3A_112 = tpu.memref_slice %arg10[%dma_wait3A_110, %dma_wait3A_111] : memref<64x129xf32, #tpu.memory_space<vmem>> -> memref<8x128xf32, #tpu.memory_space<vmem>>
    %dma_wait3A_113 = arith.constant 0 : i32
    %dma_wait3A_114 = arith.constant 0 : i32
    %dma_wait3A_115 = tpu.memref_slice %arg5[%dma_wait3A_107, %dma_wait3A_108, %add3A, %dma_wait3A_113, %dma_wait3A_114] : memref<200x8x32x8x128xf32, #tpu.memory_space<hbm>> -> memref<1x1x1x8x128xf32, #tpu.memory_space<hbm>>
    %dma_wait3A_116 = tpu.memref_squeeze %dma_wait3A_115 : memref<1x1x1x8x128xf32, #tpu.memory_space<hbm>> -> memref<8x128xf32, #tpu.memory_space<hbm>>
    %dma_wait3A_117 = tpu.memref_slice %arg15[%dma_wait3A_109] : memref<2x!tpu.dma_semaphore, #tpu.memory_space<semaphore_mem>> -> memref<1x!tpu.dma_semaphore, #tpu.memory_space<semaphore_mem>>
    %dma_wait3A_118 = tpu.memref_squeeze %dma_wait3A_117 : memref<1x!tpu.dma_semaphore, #tpu.memory_space<semaphore_mem>> -> memref<!tpu.dma_semaphore, #tpu.memory_space<semaphore_mem>>
    %dma_wait3A_119 = arith.constant 0 : i32
    %dma_wait3A_120 = arith.constant 0 : i32
    %dma_wait3A_121 = tpu.memref_slice %arg5[%dma_wait3A_107, %dma_wait3A_108, %add3A, %dma_wait3A_119, %dma_wait3A_120] : memref<200x8x32x8x128xf32, #tpu.memory_space<hbm>> -> memref<1x1x1x8x128xf32, #tpu.memory_space<hbm>>
    %dma_wait3A_122 = tpu.memref_squeeze %dma_wait3A_121 : memref<1x1x1x8x128xf32, #tpu.memory_space<hbm>> -> memref<8x128xf32, #tpu.memory_space<hbm>>
    %dma_wait3A_123 = arith.constant 16 : i32
    %dma_wait3A_124 = arith.constant 0 : i32
    %dma_wait3A_125 = tpu.memref_slice %arg10[%dma_wait3A_123, %dma_wait3A_124] : memref<64x129xf32, #tpu.memory_space<vmem>> -> memref<8x128xf32, #tpu.memory_space<vmem>>
    tpu.wait_dma2 semaphore(%dma_wait3A_118 : memref<!tpu.dma_semaphore, #tpu.memory_space<semaphore_mem>>) src(%dma_wait3A_125 : memref<8x128xf32, #tpu.memory_space<vmem>>) dst(%dma_wait3A_122 : memref<8x128xf32, #tpu.memory_space<hbm>>)
    %dma_wait3A_126 = arith.constant 198 : i32
    %dma_wait3A_127 = arith.constant 3 : i32
    %dma_wait3A_128 = arith.constant 0 : i32
    %dma_wait3A_129 = arith.constant 24 : i32
    %dma_wait3A_130 = arith.constant 0 : i32
    %dma_wait3A_131 = tpu.memref_slice %arg10[%dma_wait3A_129, %dma_wait3A_130] : memref<64x129xf32, #tpu.memory_space<vmem>> -> memref<8x128xf32, #tpu.memory_space<vmem>>
    %dma_wait3A_132 = arith.constant 0 : i32
    %dma_wait3A_133 = arith.constant 0 : i32
    %dma_wait3A_134 = tpu.memref_slice %arg5[%dma_wait3A_126, %dma_wait3A_127, %add3A, %dma_wait3A_132, %dma_wait3A_133] : memref<200x8x32x8x128xf32, #tpu.memory_space<hbm>> -> memref<1x1x1x8x128xf32, #tpu.memory_space<hbm>>
    %dma_wait3A_135 = tpu.memref_squeeze %dma_wait3A_134 : memref<1x1x1x8x128xf32, #tpu.memory_space<hbm>> -> memref<8x128xf32, #tpu.memory_space<hbm>>
    %dma_wait3A_136 = tpu.memref_slice %arg15[%dma_wait3A_128] : memref<2x!tpu.dma_semaphore, #tpu.memory_space<semaphore_mem>> -> memref<1x!tpu.dma_semaphore, #tpu.memory_space<semaphore_mem>>
    %dma_wait3A_137 = tpu.memref_squeeze %dma_wait3A_136 : memref<1x!tpu.dma_semaphore, #tpu.memory_space<semaphore_mem>> -> memref<!tpu.dma_semaphore, #tpu.memory_space<semaphore_mem>>
    %dma_wait3A_138 = arith.constant 0 : i32
    %dma_wait3A_139 = arith.constant 0 : i32
    %dma_wait3A_140 = tpu.memref_slice %arg5[%dma_wait3A_126, %dma_wait3A_127, %add3A, %dma_wait3A_138, %dma_wait3A_139] : memref<200x8x32x8x128xf32, #tpu.memory_space<hbm>> -> memref<1x1x1x8x128xf32, #tpu.memory_space<hbm>>
    %dma_wait3A_141 = tpu.memref_squeeze %dma_wait3A_140 : memref<1x1x1x8x128xf32, #tpu.memory_space<hbm>> -> memref<8x128xf32, #tpu.memory_space<hbm>>
    %dma_wait3A_142 = arith.constant 24 : i32
    %dma_wait3A_143 = arith.constant 0 : i32
    %dma_wait3A_144 = tpu.memref_slice %arg10[%dma_wait3A_142, %dma_wait3A_143] : memref<64x129xf32, #tpu.memory_space<vmem>> -> memref<8x128xf32, #tpu.memory_space<vmem>>
    tpu.wait_dma2 semaphore(%dma_wait3A_137 : memref<!tpu.dma_semaphore, #tpu.memory_space<semaphore_mem>>) src(%dma_wait3A_144 : memref<8x128xf32, #tpu.memory_space<vmem>>) dst(%dma_wait3A_141 : memref<8x128xf32, #tpu.memory_space<hbm>>)
    %dma_wait3A_145 = arith.constant 198 : i32
    %dma_wait3A_146 = arith.constant 4 : i32
    %dma_wait3A_147 = arith.constant 0 : i32
    %dma_wait3A_148 = arith.constant 32 : i32
    %dma_wait3A_149 = arith.constant 0 : i32
    %dma_wait3A_150 = tpu.memref_slice %arg10[%dma_wait3A_148, %dma_wait3A_149] : memref<64x129xf32, #tpu.memory_space<vmem>> -> memref<8x128xf32, #tpu.memory_space<vmem>>
    %dma_wait3A_151 = arith.constant 0 : i32
    %dma_wait3A_152 = arith.constant 0 : i32
    %dma_wait3A_153 = tpu.memref_slice %arg5[%dma_wait3A_145, %dma_wait3A_146, %add3A, %dma_wait3A_151, %dma_wait3A_152] : memref<200x8x32x8x128xf32, #tpu.memory_space<hbm>> -> memref<1x1x1x8x128xf32, #tpu.memory_space<hbm>>
    %dma_wait3A_154 = tpu.memref_squeeze %dma_wait3A_153 : memref<1x1x1x8x128xf32, #tpu.memory_space<hbm>> -> memref<8x128xf32, #tpu.memory_space<hbm>>
    %dma_wait3A_155 = tpu.memref_slice %arg15[%dma_wait3A_147] : memref<2x!tpu.dma_semaphore, #tpu.memory_space<semaphore_mem>> -> memref<1x!tpu.dma_semaphore, #tpu.memory_space<semaphore_mem>>
    %dma_wait3A_156 = tpu.memref_squeeze %dma_wait3A_155 : memref<1x!tpu.dma_semaphore, #tpu.memory_space<semaphore_mem>> -> memref<!tpu.dma_semaphore, #tpu.memory_space<semaphore_mem>>
    %dma_wait3A_157 = arith.constant 0 : i32
    %dma_wait3A_158 = arith.constant 0 : i32
    %dma_wait3A_159 = tpu.memref_slice %arg5[%dma_wait3A_145, %dma_wait3A_146, %add3A, %dma_wait3A_157, %dma_wait3A_158] : memref<200x8x32x8x128xf32, #tpu.memory_space<hbm>> -> memref<1x1x1x8x128xf32, #tpu.memory_space<hbm>>
    %dma_wait3A_160 = tpu.memref_squeeze %dma_wait3A_159 : memref<1x1x1x8x128xf32, #tpu.memory_space<hbm>> -> memref<8x128xf32, #tpu.memory_space<hbm>>
    %dma_wait3A_161 = arith.constant 32 : i32
    %dma_wait3A_162 = arith.constant 0 : i32
    %dma_wait3A_163 = tpu.memref_slice %arg10[%dma_wait3A_161, %dma_wait3A_162] : memref<64x129xf32, #tpu.memory_space<vmem>> -> memref<8x128xf32, #tpu.memory_space<vmem>>
    tpu.wait_dma2 semaphore(%dma_wait3A_156 : memref<!tpu.dma_semaphore, #tpu.memory_space<semaphore_mem>>) src(%dma_wait3A_163 : memref<8x128xf32, #tpu.memory_space<vmem>>) dst(%dma_wait3A_160 : memref<8x128xf32, #tpu.memory_space<hbm>>)
    %dma_wait3A_164 = arith.constant 198 : i32
    %dma_wait3A_165 = arith.constant 5 : i32
    %dma_wait3A_166 = arith.constant 0 : i32
    %dma_wait3A_167 = arith.constant 40 : i32
    %dma_wait3A_168 = arith.constant 0 : i32
    %dma_wait3A_169 = tpu.memref_slice %arg10[%dma_wait3A_167, %dma_wait3A_168] : memref<64x129xf32, #tpu.memory_space<vmem>> -> memref<8x128xf32, #tpu.memory_space<vmem>>
    %dma_wait3A_170 = arith.constant 0 : i32
    %dma_wait3A_171 = arith.constant 0 : i32
    %dma_wait3A_172 = tpu.memref_slice %arg5[%dma_wait3A_164, %dma_wait3A_165, %add3A, %dma_wait3A_170, %dma_wait3A_171] : memref<200x8x32x8x128xf32, #tpu.memory_space<hbm>> -> memref<1x1x1x8x128xf32, #tpu.memory_space<hbm>>
    %dma_wait3A_173 = tpu.memref_squeeze %dma_wait3A_172 : memref<1x1x1x8x128xf32, #tpu.memory_space<hbm>> -> memref<8x128xf32, #tpu.memory_space<hbm>>
    %dma_wait3A_174 = tpu.memref_slice %arg15[%dma_wait3A_166] : memref<2x!tpu.dma_semaphore, #tpu.memory_space<semaphore_mem>> -> memref<1x!tpu.dma_semaphore, #tpu.memory_space<semaphore_mem>>
    %dma_wait3A_175 = tpu.memref_squeeze %dma_wait3A_174 : memref<1x!tpu.dma_semaphore, #tpu.memory_space<semaphore_mem>> -> memref<!tpu.dma_semaphore, #tpu.memory_space<semaphore_mem>>
    %dma_wait3A_176 = arith.constant 0 : i32
    %dma_wait3A_177 = arith.constant 0 : i32
    %dma_wait3A_178 = tpu.memref_slice %arg5[%dma_wait3A_164, %dma_wait3A_165, %add3A, %dma_wait3A_176, %dma_wait3A_177] : memref<200x8x32x8x128xf32, #tpu.memory_space<hbm>> -> memref<1x1x1x8x128xf32, #tpu.memory_space<hbm>>
    %dma_wait3A_179 = tpu.memref_squeeze %dma_wait3A_178 : memref<1x1x1x8x128xf32, #tpu.memory_space<hbm>> -> memref<8x128xf32, #tpu.memory_space<hbm>>
    %dma_wait3A_180 = arith.constant 40 : i32
    %dma_wait3A_181 = arith.constant 0 : i32
    %dma_wait3A_182 = tpu.memref_slice %arg10[%dma_wait3A_180, %dma_wait3A_181] : memref<64x129xf32, #tpu.memory_space<vmem>> -> memref<8x128xf32, #tpu.memory_space<vmem>>
    tpu.wait_dma2 semaphore(%dma_wait3A_175 : memref<!tpu.dma_semaphore, #tpu.memory_space<semaphore_mem>>) src(%dma_wait3A_182 : memref<8x128xf32, #tpu.memory_space<vmem>>) dst(%dma_wait3A_179 : memref<8x128xf32, #tpu.memory_space<hbm>>)
    %dma_wait3A_183 = arith.constant 198 : i32
    %dma_wait3A_184 = arith.constant 6 : i32
    %dma_wait3A_185 = arith.constant 0 : i32
    %dma_wait3A_186 = arith.constant 48 : i32
    %dma_wait3A_187 = arith.constant 0 : i32
    %dma_wait3A_188 = tpu.memref_slice %arg10[%dma_wait3A_186, %dma_wait3A_187] : memref<64x129xf32, #tpu.memory_space<vmem>> -> memref<8x128xf32, #tpu.memory_space<vmem>>
    %dma_wait3A_189 = arith.constant 0 : i32
    %dma_wait3A_190 = arith.constant 0 : i32
    %dma_wait3A_191 = tpu.memref_slice %arg5[%dma_wait3A_183, %dma_wait3A_184, %add3A, %dma_wait3A_189, %dma_wait3A_190] : memref<200x8x32x8x128xf32, #tpu.memory_space<hbm>> -> memref<1x1x1x8x128xf32, #tpu.memory_space<hbm>>
    %dma_wait3A_192 = tpu.memref_squeeze %dma_wait3A_191 : memref<1x1x1x8x128xf32, #tpu.memory_space<hbm>> -> memref<8x128xf32, #tpu.memory_space<hbm>>
    %dma_wait3A_193 = tpu.memref_slice %arg15[%dma_wait3A_185] : memref<2x!tpu.dma_semaphore, #tpu.memory_space<semaphore_mem>> -> memref<1x!tpu.dma_semaphore, #tpu.memory_space<semaphore_mem>>
    %dma_wait3A_194 = tpu.memref_squeeze %dma_wait3A_193 : memref<1x!tpu.dma_semaphore, #tpu.memory_space<semaphore_mem>> -> memref<!tpu.dma_semaphore, #tpu.memory_space<semaphore_mem>>
    %dma_wait3A_195 = arith.constant 0 : i32
    %dma_wait3A_196 = arith.constant 0 : i32
    %dma_wait3A_197 = tpu.memref_slice %arg5[%dma_wait3A_183, %dma_wait3A_184, %add3A, %dma_wait3A_195, %dma_wait3A_196] : memref<200x8x32x8x128xf32, #tpu.memory_space<hbm>> -> memref<1x1x1x8x128xf32, #tpu.memory_space<hbm>>
    %dma_wait3A_198 = tpu.memref_squeeze %dma_wait3A_197 : memref<1x1x1x8x128xf32, #tpu.memory_space<hbm>> -> memref<8x128xf32, #tpu.memory_space<hbm>>
    %dma_wait3A_199 = arith.constant 48 : i32
    %dma_wait3A_200 = arith.constant 0 : i32
    %dma_wait3A_201 = tpu.memref_slice %arg10[%dma_wait3A_199, %dma_wait3A_200] : memref<64x129xf32, #tpu.memory_space<vmem>> -> memref<8x128xf32, #tpu.memory_space<vmem>>
    tpu.wait_dma2 semaphore(%dma_wait3A_194 : memref<!tpu.dma_semaphore, #tpu.memory_space<semaphore_mem>>) src(%dma_wait3A_201 : memref<8x128xf32, #tpu.memory_space<vmem>>) dst(%dma_wait3A_198 : memref<8x128xf32, #tpu.memory_space<hbm>>)
    %dma_wait3A_202 = arith.constant 198 : i32
    %dma_wait3A_203 = arith.constant 7 : i32
    %dma_wait3A_204 = arith.constant 0 : i32
    %dma_wait3A_205 = arith.constant 56 : i32
    %dma_wait3A_206 = arith.constant 0 : i32
    %dma_wait3A_207 = tpu.memref_slice %arg10[%dma_wait3A_205, %dma_wait3A_206] : memref<64x129xf32, #tpu.memory_space<vmem>> -> memref<8x128xf32, #tpu.memory_space<vmem>>
    %dma_wait3A_208 = arith.constant 0 : i32
    %dma_wait3A_209 = arith.constant 0 : i32
    %dma_wait3A_210 = tpu.memref_slice %arg5[%dma_wait3A_202, %dma_wait3A_203, %add3A, %dma_wait3A_208, %dma_wait3A_209] : memref<200x8x32x8x128xf32, #tpu.memory_space<hbm>> -> memref<1x1x1x8x128xf32, #tpu.memory_space<hbm>>
    %dma_wait3A_211 = tpu.memref_squeeze %dma_wait3A_210 : memref<1x1x1x8x128xf32, #tpu.memory_space<hbm>> -> memref<8x128xf32, #tpu.memory_space<hbm>>
    %dma_wait3A_212 = tpu.memref_slice %arg15[%dma_wait3A_204] : memref<2x!tpu.dma_semaphore, #tpu.memory_space<semaphore_mem>> -> memref<1x!tpu.dma_semaphore, #tpu.memory_space<semaphore_mem>>
    %dma_wait3A_213 = tpu.memref_squeeze %dma_wait3A_212 : memref<1x!tpu.dma_semaphore, #tpu.memory_space<semaphore_mem>> -> memref<!tpu.dma_semaphore, #tpu.memory_space<semaphore_mem>>
    %dma_wait3A_214 = arith.constant 0 : i32
    %dma_wait3A_215 = arith.constant 0 : i32
    %dma_wait3A_216 = tpu.memref_slice %arg5[%dma_wait3A_202, %dma_wait3A_203, %add3A, %dma_wait3A_214, %dma_wait3A_215] : memref<200x8x32x8x128xf32, #tpu.memory_space<hbm>> -> memref<1x1x1x8x128xf32, #tpu.memory_space<hbm>>
    %dma_wait3A_217 = tpu.memref_squeeze %dma_wait3A_216 : memref<1x1x1x8x128xf32, #tpu.memory_space<hbm>> -> memref<8x128xf32, #tpu.memory_space<hbm>>
    %dma_wait3A_218 = arith.constant 56 : i32
    %dma_wait3A_219 = arith.constant 0 : i32
    %dma_wait3A_220 = tpu.memref_slice %arg10[%dma_wait3A_218, %dma_wait3A_219] : memref<64x129xf32, #tpu.memory_space<vmem>> -> memref<8x128xf32, #tpu.memory_space<vmem>>
    tpu.wait_dma2 semaphore(%dma_wait3A_213 : memref<!tpu.dma_semaphore, #tpu.memory_space<semaphore_mem>>) src(%dma_wait3A_220 : memref<8x128xf32, #tpu.memory_space<vmem>>) dst(%dma_wait3A_217 : memref<8x128xf32, #tpu.memory_space<hbm>>)
    %dma_wait3A_221 = arith.constant 199 : i32
    %dma_wait3A_222 = arith.constant 0 : i32
    %dma_wait3A_223 = arith.constant 1 : i32
    %dma_wait3A_224 = arith.constant 0 : i32
    %dma_wait3A_225 = arith.constant 0 : i32
    %dma_wait3A_226 = tpu.memref_slice %arg11[%dma_wait3A_224, %dma_wait3A_225] : memref<64x129xf32, #tpu.memory_space<vmem>> -> memref<8x128xf32, #tpu.memory_space<vmem>>
    %dma_wait3A_227 = arith.constant 0 : i32
    %dma_wait3A_228 = arith.constant 0 : i32
    %dma_wait3A_229 = tpu.memref_slice %arg5[%dma_wait3A_221, %dma_wait3A_222, %add3A, %dma_wait3A_227, %dma_wait3A_228] : memref<200x8x32x8x128xf32, #tpu.memory_space<hbm>> -> memref<1x1x1x8x128xf32, #tpu.memory_space<hbm>>
    %dma_wait3A_230 = tpu.memref_squeeze %dma_wait3A_229 : memref<1x1x1x8x128xf32, #tpu.memory_space<hbm>> -> memref<8x128xf32, #tpu.memory_space<hbm>>
    %dma_wait3A_231 = tpu.memref_slice %arg15[%dma_wait3A_223] : memref<2x!tpu.dma_semaphore, #tpu.memory_space<semaphore_mem>> -> memref<1x!tpu.dma_semaphore, #tpu.memory_space<semaphore_mem>>
    %dma_wait3A_232 = tpu.memref_squeeze %dma_wait3A_231 : memref<1x!tpu.dma_semaphore, #tpu.memory_space<semaphore_mem>> -> memref<!tpu.dma_semaphore, #tpu.memory_space<semaphore_mem>>
    %dma_wait3A_233 = arith.constant 0 : i32
    %dma_wait3A_234 = arith.constant 0 : i32
    %dma_wait3A_235 = tpu.memref_slice %arg5[%dma_wait3A_221, %dma_wait3A_222, %add3A, %dma_wait3A_233, %dma_wait3A_234] : memref<200x8x32x8x128xf32, #tpu.memory_space<hbm>> -> memref<1x1x1x8x128xf32, #tpu.memory_space<hbm>>
    %dma_wait3A_236 = tpu.memref_squeeze %dma_wait3A_235 : memref<1x1x1x8x128xf32, #tpu.memory_space<hbm>> -> memref<8x128xf32, #tpu.memory_space<hbm>>
    %dma_wait3A_237 = arith.constant 0 : i32
    %dma_wait3A_238 = arith.constant 0 : i32
    %dma_wait3A_239 = tpu.memref_slice %arg11[%dma_wait3A_237, %dma_wait3A_238] : memref<64x129xf32, #tpu.memory_space<vmem>> -> memref<8x128xf32, #tpu.memory_space<vmem>>
    tpu.wait_dma2 semaphore(%dma_wait3A_232 : memref<!tpu.dma_semaphore, #tpu.memory_space<semaphore_mem>>) src(%dma_wait3A_239 : memref<8x128xf32, #tpu.memory_space<vmem>>) dst(%dma_wait3A_236 : memref<8x128xf32, #tpu.memory_space<hbm>>)
    %dma_wait3A_240 = arith.constant 199 : i32
    %dma_wait3A_241 = arith.constant 1 : i32
    %dma_wait3A_242 = arith.constant 1 : i32
    %dma_wait3A_243 = arith.constant 8 : i32
    %dma_wait3A_244 = arith.constant 0 : i32
    %dma_wait3A_245 = tpu.memref_slice %arg11[%dma_wait3A_243, %dma_wait3A_244] : memref<64x129xf32, #tpu.memory_space<vmem>> -> memref<8x128xf32, #tpu.memory_space<vmem>>
    %dma_wait3A_246 = arith.constant 0 : i32
    %dma_wait3A_247 = arith.constant 0 : i32
    %dma_wait3A_248 = tpu.memref_slice %arg5[%dma_wait3A_240, %dma_wait3A_241, %add3A, %dma_wait3A_246, %dma_wait3A_247] : memref<200x8x32x8x128xf32, #tpu.memory_space<hbm>> -> memref<1x1x1x8x128xf32, #tpu.memory_space<hbm>>
    %dma_wait3A_249 = tpu.memref_squeeze %dma_wait3A_248 : memref<1x1x1x8x128xf32, #tpu.memory_space<hbm>> -> memref<8x128xf32, #tpu.memory_space<hbm>>
    %dma_wait3A_250 = tpu.memref_slice %arg15[%dma_wait3A_242] : memref<2x!tpu.dma_semaphore, #tpu.memory_space<semaphore_mem>> -> memref<1x!tpu.dma_semaphore, #tpu.memory_space<semaphore_mem>>
    %dma_wait3A_251 = tpu.memref_squeeze %dma_wait3A_250 : memref<1x!tpu.dma_semaphore, #tpu.memory_space<semaphore_mem>> -> memref<!tpu.dma_semaphore, #tpu.memory_space<semaphore_mem>>
    %dma_wait3A_252 = arith.constant 0 : i32
    %dma_wait3A_253 = arith.constant 0 : i32
    %dma_wait3A_254 = tpu.memref_slice %arg5[%dma_wait3A_240, %dma_wait3A_241, %add3A, %dma_wait3A_252, %dma_wait3A_253] : memref<200x8x32x8x128xf32, #tpu.memory_space<hbm>> -> memref<1x1x1x8x128xf32, #tpu.memory_space<hbm>>
    %dma_wait3A_255 = tpu.memref_squeeze %dma_wait3A_254 : memref<1x1x1x8x128xf32, #tpu.memory_space<hbm>> -> memref<8x128xf32, #tpu.memory_space<hbm>>
    %dma_wait3A_256 = arith.constant 8 : i32
    %dma_wait3A_257 = arith.constant 0 : i32
    %dma_wait3A_258 = tpu.memref_slice %arg11[%dma_wait3A_256, %dma_wait3A_257] : memref<64x129xf32, #tpu.memory_space<vmem>> -> memref<8x128xf32, #tpu.memory_space<vmem>>
    tpu.wait_dma2 semaphore(%dma_wait3A_251 : memref<!tpu.dma_semaphore, #tpu.memory_space<semaphore_mem>>) src(%dma_wait3A_258 : memref<8x128xf32, #tpu.memory_space<vmem>>) dst(%dma_wait3A_255 : memref<8x128xf32, #tpu.memory_space<hbm>>)
    %dma_wait3A_259 = arith.constant 199 : i32
    %dma_wait3A_260 = arith.constant 2 : i32
    %dma_wait3A_261 = arith.constant 1 : i32
    %dma_wait3A_262 = arith.constant 16 : i32
    %dma_wait3A_263 = arith.constant 0 : i32
    %dma_wait3A_264 = tpu.memref_slice %arg11[%dma_wait3A_262, %dma_wait3A_263] : memref<64x129xf32, #tpu.memory_space<vmem>> -> memref<8x128xf32, #tpu.memory_space<vmem>>
    %dma_wait3A_265 = arith.constant 0 : i32
    %dma_wait3A_266 = arith.constant 0 : i32
    %dma_wait3A_267 = tpu.memref_slice %arg5[%dma_wait3A_259, %dma_wait3A_260, %add3A, %dma_wait3A_265, %dma_wait3A_266] : memref<200x8x32x8x128xf32, #tpu.memory_space<hbm>> -> memref<1x1x1x8x128xf32, #tpu.memory_space<hbm>>
    %dma_wait3A_268 = tpu.memref_squeeze %dma_wait3A_267 : memref<1x1x1x8x128xf32, #tpu.memory_space<hbm>> -> memref<8x128xf32, #tpu.memory_space<hbm>>
    %dma_wait3A_269 = tpu.memref_slice %arg15[%dma_wait3A_261] : memref<2x!tpu.dma_semaphore, #tpu.memory_space<semaphore_mem>> -> memref<1x!tpu.dma_semaphore, #tpu.memory_space<semaphore_mem>>
    %dma_wait3A_270 = tpu.memref_squeeze %dma_wait3A_269 : memref<1x!tpu.dma_semaphore, #tpu.memory_space<semaphore_mem>> -> memref<!tpu.dma_semaphore, #tpu.memory_space<semaphore_mem>>
    %dma_wait3A_271 = arith.constant 0 : i32
    %dma_wait3A_272 = arith.constant 0 : i32
    %dma_wait3A_273 = tpu.memref_slice %arg5[%dma_wait3A_259, %dma_wait3A_260, %add3A, %dma_wait3A_271, %dma_wait3A_272] : memref<200x8x32x8x128xf32, #tpu.memory_space<hbm>> -> memref<1x1x1x8x128xf32, #tpu.memory_space<hbm>>
    %dma_wait3A_274 = tpu.memref_squeeze %dma_wait3A_273 : memref<1x1x1x8x128xf32, #tpu.memory_space<hbm>> -> memref<8x128xf32, #tpu.memory_space<hbm>>
    %dma_wait3A_275 = arith.constant 16 : i32
    %dma_wait3A_276 = arith.constant 0 : i32
    %dma_wait3A_277 = tpu.memref_slice %arg11[%dma_wait3A_275, %dma_wait3A_276] : memref<64x129xf32, #tpu.memory_space<vmem>> -> memref<8x128xf32, #tpu.memory_space<vmem>>
    tpu.wait_dma2 semaphore(%dma_wait3A_270 : memref<!tpu.dma_semaphore, #tpu.memory_space<semaphore_mem>>) src(%dma_wait3A_277 : memref<8x128xf32, #tpu.memory_space<vmem>>) dst(%dma_wait3A_274 : memref<8x128xf32, #tpu.memory_space<hbm>>)
    %dma_wait3A_278 = arith.constant 199 : i32
    %dma_wait3A_279 = arith.constant 3 : i32
    %dma_wait3A_280 = arith.constant 1 : i32
    %dma_wait3A_281 = arith.constant 24 : i32
    %dma_wait3A_282 = arith.constant 0 : i32
    %dma_wait3A_283 = tpu.memref_slice %arg11[%dma_wait3A_281, %dma_wait3A_282] : memref<64x129xf32, #tpu.memory_space<vmem>> -> memref<8x128xf32, #tpu.memory_space<vmem>>
    %dma_wait3A_284 = arith.constant 0 : i32
    %dma_wait3A_285 = arith.constant 0 : i32
    %dma_wait3A_286 = tpu.memref_slice %arg5[%dma_wait3A_278, %dma_wait3A_279, %add3A, %dma_wait3A_284, %dma_wait3A_285] : memref<200x8x32x8x128xf32, #tpu.memory_space<hbm>> -> memref<1x1x1x8x128xf32, #tpu.memory_space<hbm>>
    %dma_wait3A_287 = tpu.memref_squeeze %dma_wait3A_286 : memref<1x1x1x8x128xf32, #tpu.memory_space<hbm>> -> memref<8x128xf32, #tpu.memory_space<hbm>>
    %dma_wait3A_288 = tpu.memref_slice %arg15[%dma_wait3A_280] : memref<2x!tpu.dma_semaphore, #tpu.memory_space<semaphore_mem>> -> memref<1x!tpu.dma_semaphore, #tpu.memory_space<semaphore_mem>>
    %dma_wait3A_289 = tpu.memref_squeeze %dma_wait3A_288 : memref<1x!tpu.dma_semaphore, #tpu.memory_space<semaphore_mem>> -> memref<!tpu.dma_semaphore, #tpu.memory_space<semaphore_mem>>
    %dma_wait3A_290 = arith.constant 0 : i32
    %dma_wait3A_291 = arith.constant 0 : i32
    %dma_wait3A_292 = tpu.memref_slice %arg5[%dma_wait3A_278, %dma_wait3A_279, %add3A, %dma_wait3A_290, %dma_wait3A_291] : memref<200x8x32x8x128xf32, #tpu.memory_space<hbm>> -> memref<1x1x1x8x128xf32, #tpu.memory_space<hbm>>
    %dma_wait3A_293 = tpu.memref_squeeze %dma_wait3A_292 : memref<1x1x1x8x128xf32, #tpu.memory_space<hbm>> -> memref<8x128xf32, #tpu.memory_space<hbm>>
    %dma_wait3A_294 = arith.constant 24 : i32
    %dma_wait3A_295 = arith.constant 0 : i32
    %dma_wait3A_296 = tpu.memref_slice %arg11[%dma_wait3A_294, %dma_wait3A_295] : memref<64x129xf32, #tpu.memory_space<vmem>> -> memref<8x128xf32, #tpu.memory_space<vmem>>
    tpu.wait_dma2 semaphore(%dma_wait3A_289 : memref<!tpu.dma_semaphore, #tpu.memory_space<semaphore_mem>>) src(%dma_wait3A_296 : memref<8x128xf32, #tpu.memory_space<vmem>>) dst(%dma_wait3A_293 : memref<8x128xf32, #tpu.memory_space<hbm>>)
    %dma_wait3A_297 = arith.constant 199 : i32
    %dma_wait3A_298 = arith.constant 4 : i32
    %dma_wait3A_299 = arith.constant 1 : i32
    %dma_wait3A_300 = arith.constant 32 : i32
    %dma_wait3A_301 = arith.constant 0 : i32
    %dma_wait3A_302 = tpu.memref_slice %arg11[%dma_wait3A_300, %dma_wait3A_301] : memref<64x129xf32, #tpu.memory_space<vmem>> -> memref<8x128xf32, #tpu.memory_space<vmem>>
    %dma_wait3A_303 = arith.constant 0 : i32
    %dma_wait3A_304 = arith.constant 0 : i32
    %dma_wait3A_305 = tpu.memref_slice %arg5[%dma_wait3A_297, %dma_wait3A_298, %add3A, %dma_wait3A_303, %dma_wait3A_304] : memref<200x8x32x8x128xf32, #tpu.memory_space<hbm>> -> memref<1x1x1x8x128xf32, #tpu.memory_space<hbm>>
    %dma_wait3A_306 = tpu.memref_squeeze %dma_wait3A_305 : memref<1x1x1x8x128xf32, #tpu.memory_space<hbm>> -> memref<8x128xf32, #tpu.memory_space<hbm>>
    %dma_wait3A_307 = tpu.memref_slice %arg15[%dma_wait3A_299] : memref<2x!tpu.dma_semaphore, #tpu.memory_space<semaphore_mem>> -> memref<1x!tpu.dma_semaphore, #tpu.memory_space<semaphore_mem>>
    %dma_wait3A_308 = tpu.memref_squeeze %dma_wait3A_307 : memref<1x!tpu.dma_semaphore, #tpu.memory_space<semaphore_mem>> -> memref<!tpu.dma_semaphore, #tpu.memory_space<semaphore_mem>>
    %dma_wait3A_309 = arith.constant 0 : i32
    %dma_wait3A_310 = arith.constant 0 : i32
    %dma_wait3A_311 = tpu.memref_slice %arg5[%dma_wait3A_297, %dma_wait3A_298, %add3A, %dma_wait3A_309, %dma_wait3A_310] : memref<200x8x32x8x128xf32, #tpu.memory_space<hbm>> -> memref<1x1x1x8x128xf32, #tpu.memory_space<hbm>>
    %dma_wait3A_312 = tpu.memref_squeeze %dma_wait3A_311 : memref<1x1x1x8x128xf32, #tpu.memory_space<hbm>> -> memref<8x128xf32, #tpu.memory_space<hbm>>
    %dma_wait3A_313 = arith.constant 32 : i32
    %dma_wait3A_314 = arith.constant 0 : i32
    %dma_wait3A_315 = tpu.memref_slice %arg11[%dma_wait3A_313, %dma_wait3A_314] : memref<64x129xf32, #tpu.memory_space<vmem>> -> memref<8x128xf32, #tpu.memory_space<vmem>>
    tpu.wait_dma2 semaphore(%dma_wait3A_308 : memref<!tpu.dma_semaphore, #tpu.memory_space<semaphore_mem>>) src(%dma_wait3A_315 : memref<8x128xf32, #tpu.memory_space<vmem>>) dst(%dma_wait3A_312 : memref<8x128xf32, #tpu.memory_space<hbm>>)
    %dma_wait3A_316 = arith.constant 199 : i32
    %dma_wait3A_317 = arith.constant 5 : i32
    %dma_wait3A_318 = arith.constant 1 : i32
    %dma_wait3A_319 = arith.constant 40 : i32
    %dma_wait3A_320 = arith.constant 0 : i32
    %dma_wait3A_321 = tpu.memref_slice %arg11[%dma_wait3A_319, %dma_wait3A_320] : memref<64x129xf32, #tpu.memory_space<vmem>> -> memref<8x128xf32, #tpu.memory_space<vmem>>
    %dma_wait3A_322 = arith.constant 0 : i32
    %dma_wait3A_323 = arith.constant 0 : i32
    %dma_wait3A_324 = tpu.memref_slice %arg5[%dma_wait3A_316, %dma_wait3A_317, %add3A, %dma_wait3A_322, %dma_wait3A_323] : memref<200x8x32x8x128xf32, #tpu.memory_space<hbm>> -> memref<1x1x1x8x128xf32, #tpu.memory_space<hbm>>
    %dma_wait3A_325 = tpu.memref_squeeze %dma_wait3A_324 : memref<1x1x1x8x128xf32, #tpu.memory_space<hbm>> -> memref<8x128xf32, #tpu.memory_space<hbm>>
    %dma_wait3A_326 = tpu.memref_slice %arg15[%dma_wait3A_318] : memref<2x!tpu.dma_semaphore, #tpu.memory_space<semaphore_mem>> -> memref<1x!tpu.dma_semaphore, #tpu.memory_space<semaphore_mem>>
    %dma_wait3A_327 = tpu.memref_squeeze %dma_wait3A_326 : memref<1x!tpu.dma_semaphore, #tpu.memory_space<semaphore_mem>> -> memref<!tpu.dma_semaphore, #tpu.memory_space<semaphore_mem>>
    %dma_wait3A_328 = arith.constant 0 : i32
    %dma_wait3A_329 = arith.constant 0 : i32
    %dma_wait3A_330 = tpu.memref_slice %arg5[%dma_wait3A_316, %dma_wait3A_317, %add3A, %dma_wait3A_328, %dma_wait3A_329] : memref<200x8x32x8x128xf32, #tpu.memory_space<hbm>> -> memref<1x1x1x8x128xf32, #tpu.memory_space<hbm>>
    %dma_wait3A_331 = tpu.memref_squeeze %dma_wait3A_330 : memref<1x1x1x8x128xf32, #tpu.memory_space<hbm>> -> memref<8x128xf32, #tpu.memory_space<hbm>>
    %dma_wait3A_332 = arith.constant 40 : i32
    %dma_wait3A_333 = arith.constant 0 : i32
    %dma_wait3A_334 = tpu.memref_slice %arg11[%dma_wait3A_332, %dma_wait3A_333] : memref<64x129xf32, #tpu.memory_space<vmem>> -> memref<8x128xf32, #tpu.memory_space<vmem>>
    tpu.wait_dma2 semaphore(%dma_wait3A_327 : memref<!tpu.dma_semaphore, #tpu.memory_space<semaphore_mem>>) src(%dma_wait3A_334 : memref<8x128xf32, #tpu.memory_space<vmem>>) dst(%dma_wait3A_331 : memref<8x128xf32, #tpu.memory_space<hbm>>)
    %dma_wait3A_335 = arith.constant 199 : i32
    %dma_wait3A_336 = arith.constant 6 : i32
    %dma_wait3A_337 = arith.constant 1 : i32
    %dma_wait3A_338 = arith.constant 48 : i32
    %dma_wait3A_339 = arith.constant 0 : i32
    %dma_wait3A_340 = tpu.memref_slice %arg11[%dma_wait3A_338, %dma_wait3A_339] : memref<64x129xf32, #tpu.memory_space<vmem>> -> memref<8x128xf32, #tpu.memory_space<vmem>>
    %dma_wait3A_341 = arith.constant 0 : i32
    %dma_wait3A_342 = arith.constant 0 : i32
    %dma_wait3A_343 = tpu.memref_slice %arg5[%dma_wait3A_335, %dma_wait3A_336, %add3A, %dma_wait3A_341, %dma_wait3A_342] : memref<200x8x32x8x128xf32, #tpu.memory_space<hbm>> -> memref<1x1x1x8x128xf32, #tpu.memory_space<hbm>>
    %dma_wait3A_344 = tpu.memref_squeeze %dma_wait3A_343 : memref<1x1x1x8x128xf32, #tpu.memory_space<hbm>> -> memref<8x128xf32, #tpu.memory_space<hbm>>
    %dma_wait3A_345 = tpu.memref_slice %arg15[%dma_wait3A_337] : memref<2x!tpu.dma_semaphore, #tpu.memory_space<semaphore_mem>> -> memref<1x!tpu.dma_semaphore, #tpu.memory_space<semaphore_mem>>
    %dma_wait3A_346 = tpu.memref_squeeze %dma_wait3A_345 : memref<1x!tpu.dma_semaphore, #tpu.memory_space<semaphore_mem>> -> memref<!tpu.dma_semaphore, #tpu.memory_space<semaphore_mem>>
    %dma_wait3A_347 = arith.constant 0 : i32
    %dma_wait3A_348 = arith.constant 0 : i32
    %dma_wait3A_349 = tpu.memref_slice %arg5[%dma_wait3A_335, %dma_wait3A_336, %add3A, %dma_wait3A_347, %dma_wait3A_348] : memref<200x8x32x8x128xf32, #tpu.memory_space<hbm>> -> memref<1x1x1x8x128xf32, #tpu.memory_space<hbm>>
    %dma_wait3A_350 = tpu.memref_squeeze %dma_wait3A_349 : memref<1x1x1x8x128xf32, #tpu.memory_space<hbm>> -> memref<8x128xf32, #tpu.memory_space<hbm>>
    %dma_wait3A_351 = arith.constant 48 : i32
    %dma_wait3A_352 = arith.constant 0 : i32
    %dma_wait3A_353 = tpu.memref_slice %arg11[%dma_wait3A_351, %dma_wait3A_352] : memref<64x129xf32, #tpu.memory_space<vmem>> -> memref<8x128xf32, #tpu.memory_space<vmem>>
    tpu.wait_dma2 semaphore(%dma_wait3A_346 : memref<!tpu.dma_semaphore, #tpu.memory_space<semaphore_mem>>) src(%dma_wait3A_353 : memref<8x128xf32, #tpu.memory_space<vmem>>) dst(%dma_wait3A_350 : memref<8x128xf32, #tpu.memory_space<hbm>>)
    %dma_wait3A_354 = arith.constant 199 : i32
    %dma_wait3A_355 = arith.constant 7 : i32
    %dma_wait3A_356 = arith.constant 1 : i32
    %dma_wait3A_357 = arith.constant 56 : i32
    %dma_wait3A_358 = arith.constant 0 : i32
    %dma_wait3A_359 = tpu.memref_slice %arg11[%dma_wait3A_357, %dma_wait3A_358] : memref<64x129xf32, #tpu.memory_space<vmem>> -> memref<8x128xf32, #tpu.memory_space<vmem>>
    %dma_wait3A_360 = arith.constant 0 : i32
    %dma_wait3A_361 = arith.constant 0 : i32
    %dma_wait3A_362 = tpu.memref_slice %arg5[%dma_wait3A_354, %dma_wait3A_355, %add3A, %dma_wait3A_360, %dma_wait3A_361] : memref<200x8x32x8x128xf32, #tpu.memory_space<hbm>> -> memref<1x1x1x8x128xf32, #tpu.memory_space<hbm>>
    %dma_wait3A_363 = tpu.memref_squeeze %dma_wait3A_362 : memref<1x1x1x8x128xf32, #tpu.memory_space<hbm>> -> memref<8x128xf32, #tpu.memory_space<hbm>>
    %dma_wait3A_364 = tpu.memref_slice %arg15[%dma_wait3A_356] : memref<2x!tpu.dma_semaphore, #tpu.memory_space<semaphore_mem>> -> memref<1x!tpu.dma_semaphore, #tpu.memory_space<semaphore_mem>>
    %dma_wait3A_365 = tpu.memref_squeeze %dma_wait3A_364 : memref<1x!tpu.dma_semaphore, #tpu.memory_space<semaphore_mem>> -> memref<!tpu.dma_semaphore, #tpu.memory_space<semaphore_mem>>
    %dma_wait3A_366 = arith.constant 0 : i32
    %dma_wait3A_367 = arith.constant 0 : i32
    %dma_wait3A_368 = tpu.memref_slice %arg5[%dma_wait3A_354, %dma_wait3A_355, %add3A, %dma_wait3A_366, %dma_wait3A_367] : memref<200x8x32x8x128xf32, #tpu.memory_space<hbm>> -> memref<1x1x1x8x128xf32, #tpu.memory_space<hbm>>
    %dma_wait3A_369 = tpu.memref_squeeze %dma_wait3A_368 : memref<1x1x1x8x128xf32, #tpu.memory_space<hbm>> -> memref<8x128xf32, #tpu.memory_space<hbm>>
    %dma_wait3A_370 = arith.constant 56 : i32
    %dma_wait3A_371 = arith.constant 0 : i32
    %dma_wait3A_372 = tpu.memref_slice %arg11[%dma_wait3A_370, %dma_wait3A_371] : memref<64x129xf32, #tpu.memory_space<vmem>> -> memref<8x128xf32, #tpu.memory_space<vmem>>
    tpu.wait_dma2 semaphore(%dma_wait3A_365 : memref<!tpu.dma_semaphore, #tpu.memory_space<semaphore_mem>>) src(%dma_wait3A_372 : memref<8x128xf32, #tpu.memory_space<vmem>>) dst(%dma_wait3A_369 : memref<8x128xf32, #tpu.memory_space<hbm>>)
    return
  }
}

</mosaic_0001>

<sc_bundles>
// kernel: kernel.3.cloned.1.call-start
scs
__scs_entry_jumppad:
0x0: {  	(pc) =	sbr.rel $0x88, $3  }
0x1: {  	(tag) =	ssettag $0x0;
	lr =	simm.s32 $0x1  }
0x2: {  	[smem:$0x3F9E] =	sst lr;
	_ =	strace $0xD0000000  }
0x3: {  	_ = 	snop  }
0x4: {  	_ = 	snop  }
0x5: {  	_ = 	snop  }
0x6: {  	_ = 	snop  }
0x7: {  	_ = 	snop  }
__scs_overlays_trampoline_lowered:
0x8: {  	[smem:$0x3FAD] =	sst s0  }
0x9: {  	[smem:$0x3FAE] =	sst s1  }
0xa: {  	[smem:$0x3FAF] =	sst s2  }
0xb: {  	[smem:$0x3FB0] =	sst s3  }
0xc: {  	[smem:$0x3FB1] =	sst s4  }
0xd: {  	[smem:$0x3FB2] =	sst s5  }
0xe: {  	[smem:$0x3FB3] =	sst s6  }
0xf: {  	[smem:$0x3FB4] =	sst s7  }
0x10: {  	[smem:$0x3FB5] =	sst s8  }
0x11: {  	[smem:$0x3FB6] =	sst s9;
	s0 =	simm.s32 @!p0 $0x0  }
0x12: {  	s1 =	sld [smem:$0x3F9C];
	s0 =	simm.s32 @p0 $0x1  }
0x13: {  	[smem:$0x3FB7] =	sst s0;
	s0 =	simm.s32 @!p1 $0x0  }
0x14: {  	s2 =	sld [smem:$0x3F9B];
	s0 =	simm.s32 @p1 $0x1  }
0x15: {  	[smem:$0x3FB8] =	sst s0;
	s0 =	simm.s32 @!p2 $0x0  }
0x16: {  	s3 =	sld [smem:$0x3FDB];
	s0 =	simm.s32 @p2 $0x1  }
0x17: {  	s4 =	simm.s32 $0x1BF5;
	[smem:$0x3FBA] =	sst s0  }
0x18: {  	s0 =	sld [smem:$0x3F9D];
	_ =	swait.ge [sflag:s4], $0x0  }
0x19: {  	s7 =	sld [smem:$0x3F9E]  }
0x1a: {  	s8 =	sadd.s32 $0xFFFFE003, lr  }
0x1b: {  	s9 =	sadd.s32 $0xFFFFFEF7, lr;
	s5 =	simm.s32 $0xFFFFFFFF;
	p2 =	slt.u32 s8, $0xFFFFF086  }
0x1c: {  	p1 =	slt.u32 s9, $0xF7A;
	s5 =	simm.s32 @!p2 $0x0  }
0x1d: {  	s5 =	simm.s32 @p1 $0x1;
	p0 =	seq.s32 s7, s2  }
0x1e: {  	s7 =	smul.u32 @!p0 $0xF7A, s2;
	p2 =	seq.s32 @!p0 s5, $0x0  }
0x1f: {  	s9 =	smul.u32 $0xF7A, s1;
	s8 =	simm.s32 @!p0 $0x1BF5;
	p2 =	por !p2, p0  }
0x20: {  	[sflag:s8] =	ssyncset.s32 @!p0 $0xFFFFF086;
	s6 =	sadd.s32 @!p0 s3, s7;
	s7 =	simm.s32 @!p0 $0x108  }
0x21: {  	s3 =	sadd.s32 s3, s9;
	s6 =	sadd.s32 @!p0 $0x88, s6;
	s7 =	simm.s32 @p2 $0x1082  }
0x22: {  	[simem:s7], [sflag:s8] =	dma.local @!p0 [hbm:s6], $0xF7A  }
0x23: {  	s9 =	sor.u32 $0xD0000000, s2;
	s6 =	simm.s32 $0x108;
	_ =	swait.ge @!p0 [sflag:s8], $0x0  }
0x24: {  	s3 =	sadd.s32 $0x88, s3;
	s6 =	simm.s32 @!p1 $0x1082;
	[sflag:s4] =	ssyncset.s32 $0xFFFFF086  }
0x25: {  	[simem:s6], [sflag:s4] =	dma.local [hbm:s3], $0xF7A  }
0x26: {  	[smem:$0x3F9E] =	sst s1;
	(tag) =	ssettag s2;
	_ =	strace s9  }
0x27: {  	s1 =	sld [smem:$0x3FAE]  }
0x28: {  	s2 =	sld [smem:$0x3FAF]  }
0x29: {  	s4 =	sld [smem:$0x3FB1]  }
0x2a: {  	p0 =	seq.s32 s5, $0x0;
	s5 =	sld [smem:$0x3FB2]  }
0x2b: {  	s6 =	sld [smem:$0x3FB3]  }
0x2c: {  	s7 =	sld [smem:$0x3FB4]  }
0x2d: {  	s3 =	simm.s32 $0x108;
	s8 =	sld [smem:$0x3FB5]  }
0x2e: {  	s3 =	simm.s32 @!p0 $0x1082;
	s9 =	sld [smem:$0x3FB6]  }
0x2f: {  	lr =	sadd.s32 s0, s3;
	s0 =	sld [smem:$0x3FAD]  }
0x30: {  	s3 =	sld [smem:$0x3FB0]  }
0x31: {  	[smem:$0x3FB9] =	sst s10  }
0x32: {  	s10 =	sld [smem:$0x3FB7];
	_ =	sdelay $0x3  }
0x33: {  	p0 =	seq.s32 s10, $0x1;
	s10 =	sld [smem:$0x3FB9];
	_ =	sdelay $0x3  }
0x34: {  	[smem:$0x3FB9] =	sst s10  }
0x35: {  	s10 =	sld [smem:$0x3FB8];
	_ =	sdelay $0x3  }
0x36: {  	p1 =	seq.s32 s10, $0x1;
	s10 =	sld [smem:$0x3FB9];
	_ =	sdelay $0x3  }
0x37: {  	[smem:$0x3FB9] =	sst s10  }
0x38: {  	s10 =	sld [smem:$0x3FBA]  }
0x39: {  	_ = 	snop;
	(pc) =	sbr.ind lr, $3  }
0x3a: {  	_ = 	snop  }
0x3b: {  	_ = 	snop  }
0x3c: {  	p2 =	seq.s32 s10, $0x1;
	s10 =	sld [smem:$0x3FB9]  }
0x3d: {  	_ =	shalt  }
0x3e: {  	_ =	shalt  }
0x3f: {  	_ =	shalt  }
0x40: {  	_ =	shalt  }
0x41: {  	_ =	shalt  }
0x42: {  	_ =	shalt  }
0x43: {  	_ =	shalt  }
0x44: {  	_ =	shalt  }
0x45: {  	_ =	shalt  }
0x46: {  	_ =	shalt  }
0x47: {  	_ =	shalt  }
0x48: {  	_ =	shalt  }
0x49: {  	_ =	shalt  }
0x4a: {  	_ =	shalt  }
0x4b: {  	_ =	shalt  }
0x4c: {  	_ =	shalt  }
0x4d: {  	_ =	shalt  }
0x4e: {  	_ =	shalt  }
0x4f: {  	_ =	shalt  }
0x50: {  	_ =	shalt  }
0x51: {  	_ =	shalt  }
0x52: {  	_ =	shalt  }
0x53: {  	_ =	shalt  }
0x54: {  	_ =	shalt  }
0x55: {  	_ =	shalt  }
0x56: {  	_ =	shalt  }
0x57: {  	_ =	shalt  }
0x58: {  	_ =	shalt  }
0x59: {  	_ =	shalt  }
0x5a: {  	_ =	shalt  }
0x5b: {  	_ =	shalt  }
0x5c: {  	_ =	shalt  }
0x5d: {  	_ =	shalt  }
0x5e: {  	_ =	shalt  }
0x5f: {  	_ =	shalt  }
0x60: {  	_ =	shalt  }
0x61: {  	_ =	shalt  }
0x62: {  	_ =	shalt  }
0x63: {  	_ =	shalt  }
0x64: {  	_ =	shalt  }
0x65: {  	_ =	shalt  }
0x66: {  	_ =	shalt  }
0x67: {  	_ =	shalt  }
0x68: {  	_ =	shalt  }
0x69: {  	_ =	shalt  }
0x6a: {  	_ =	shalt  }
0x6b: {  	_ =	shalt  }
0x6c: {  	_ =	shalt  }
0x6d: {  	_ =	shalt  }
0x6e: {  	_ =	shalt  }
0x6f: {  	_ =	shalt  }
0x70: {  	_ =	shalt  }
0x71: {  	_ =	shalt  }
0x72: {  	_ =	shalt  }
0x73: {  	_ =	shalt  }
0x74: {  	_ =	shalt  }
0x75: {  	_ =	shalt  }
0x76: {  	_ =	shalt  }
0x77: {  	_ =	shalt  }
0x78: {  	_ =	shalt  }
0x79: {  	_ =	shalt  }
0x7a: {  	_ =	shalt  }
0x7b: {  	_ =	shalt  }
0x7c: {  	_ =	shalt  }
0x7d: {  	_ =	shalt  }
0x7e: {  	_ =	shalt  }
0x7f: {  	_ =	shalt  }
0x80: {  	_ =	shalt  }
0x81: {  	_ =	shalt  }
0x82: {  	_ =	shalt  }
0x83: {  	_ =	shalt  }
0x84: {  	_ =	shalt  }
0x85: {  	_ =	shalt  }
0x86: {  	_ =	shalt  }
0x87: {  	_ =	shalt  }
.Lfunc_end0:
.L_simem_size_0:
called_computation.1_lowered:
.L_overlay_start_0:
0x88: {  	s2 =	sld [smem:$0x3FD9]  }
0x89: {  	s3 =	sld [smem:$0x3FFE];
	_ =	sdelay $0x1  }
0x8a: {  	s1 =	srdreg.scid  }
0x8b: {  	s0 =	sand.u32 $0x1, s1  }
0x8c: {  	s17 =	sshll.u32 s0, $0xA;
	s2 =	sadd.s32 s3, s2  }
0x8d: {  	s2 =	sadd.s32 s2, s17  }
0x8e: {  	[smem:$0x3FC5] =	sst s2  }
0x8f: {  	_ = 	snop  }
0x90: {  	s2 =	sld [smem:$0x3FC9]  }
0x91: {  	s18 =	sld [smem:$0x3FD0];
	(tm) =	ssettm $0x1  }
0x92: {  	s4 =	sld [smem:$0x3FFB];
	_ =	sdelay $0x3  }
0x93: {  	_ =	strace s4  }
0x94: {  	s4 =	sld [smem:$0x3FFC];
	_ =	sdelay $0x3  }
0x95: {  	_ =	strace s4  }
0x96: {  	s4 =	sld [smem:$0x3FFD];
	_ =	sdelay $0x3  }
0x97: {  	_ =	strace s4  }
0x98: {  	_ =	strace $0x8FFFFFFF  }
0x99: {  	s19 =	sld [smem:$0x3FDB];
	_ =	sdelay $0x1  }
0x9a: {  	s5 =	simm.s32 $_scs_section_size  }
0x9b: {  	s6 =	simm.s32 $_size__tile_overlayer_lowered;
	s7 =	simm.s32 $_tile_overlayer_lowered  }
0x9c: {  	s22 =	simm.s32 $0x1BFF;
	s21 =	sshll.u32 s7, $0x1;
	s4 =	sadd.s32 s5, s19  }
0x9d: {  	s8 =	simm.s32 $0x0;
	s20 =	sshll.u32 s6, $0x1;
	s6 =	sadd.s32 s21, s4  }
0x9e: {  	[timem:s8], [sflag:s22] =	dma.local [hbm:s6], s20  }
0x9f: {  	_ =	swait.ge [sflag:s22], s20  }
0xa0: {  	s5 =	ssub.s32 $0x0, s20;
	[sflag:s22] =	ssyncset.done $0x0  }
0xa1: {  	[sflag:s22] =	ssyncadd.s32 s5;
	_ =	sdelay $0x1  }
0xa2: {  	s23 =	simm.s32 $0x1B8B  }
0xa3: {  	_ =	swait.ge [sflag:s23], $0x1  }
0xa4: {  	[sflag:s23] =	ssyncset.done $0x0  }
0xa5: {  	s25 =	simm.s32 $0x1B8E;
	s24 =	sld [smem:$0x3FFE];
	[sflag:s23] =	ssyncadd.s32 $0xFFFFFFFF  }
0xa6: {  	s26 =	simm.s32 $execute0_lowered;
	[smem:$0x3FD2] =	sst s25  }
0xa7: {  	s6 =	sshll.u32 s26, $0x1;
	_ =	strace $0x80000049;
	[dreg:$0x1] =	wrdreg $0xFFFFFFFF  }
0xa8: {  	s28 =	simm.s32 $_size_execute0_lowered;
	s4 =	sadd.s32 s4, s6;
	[dreg:$0x0] =	wrdreg $0x0  }
0xa9: {  	s6 =	sshll.u32 s28, $0x1;
	[dreg:$0x2] =	wrdreg s4  }
0xaa: {  	[dreg:$0x3] =	wrdreg s6  }
0xab: {  	[dreg:$0x4] =	wrdreg $0xC0  }
0xac: {  	_ =	task [dreg:s8], $0x5FFFF  }
0xad: {  	[dreg:$0x1] =	wrdreg $0xFFFFFFFF  }
0xae: {  	[dreg:$0x0] =	wrdreg $0x60  }
0xaf: {  	[dreg:$0x2] =	wrdreg s2  }
0xb0: {  	[dreg:$0x3] =	wrdreg s24  }
0xb1: {  	[dreg:$0x4] =	wrdreg s18  }
0xb2: {  	[dreg:$0x5] =	wrdreg $0x9  }
0xb3: {  	_ =	task.clear_ibuf [dreg:s8], $0x6FFFF;
	_ =	strace $0x90000049  }
0xb4: {  	s29 =	simm.s32 $0x9;
	_ =	strace $0x8000004B  }
0xb5: {  	_ =	swait.ge [sflag:s29], $0x1  }
0xb6: {  	[sflag:s29] =	ssyncadd.s32 $0xFFFFFFFF  }
0xb7: {  	_ =	strace $0x9000004B  }
0xb8: {  	_ =	sfence  }
0xb9: {  	s30 =	sld [smem:$0x0];
	_ =	sdelay $0x2  }
0xba: {  	s31 =	sshll.u32 s1, $0xD;
	s1 =	sshrl.u32 s1, $0x2  }
0xbb: {  	s3 =	sand.u32 $0x4000, s31;
	s1 =	sadd.s32 s1, s30  }
0xbc: {  	s0 =	sor.u32 s3, s0;
	s1 =	sshll.u32 s1, $0x11  }
0xbd: {  	s0 =	sor.u32 s1, s0  }
0xbe: {  	s0 =	sadd.s32 $0x8F2B, s0  }
0xbf: {  	[sflag:s0] =	ssyncadd.remote.s32 $0x1  }
0xc0: {  	_ =	sfence.sel $0xFFFF  }
0xc1: {  	[dreg:$0x0] =	wrdreg $0xFFFFFFFF;
	(pc) =	sbr.abs _section_cstart, $3  }
0xc2: {  	[dreg:$0x1] =	wrdreg $0xFFFFFFFF  }
0xc3: {  	_ =	task.clear_ibuf [dreg:s8], $0x2FFFF;
	_ =	strace $0x9FFFFFFF  }
0xc4: {  	(tm) =	ssettm $0x7FFFFFFF  }
0xc5: {  	_ =	shalt  }
tec
execute0_lowered:
.L_overlay_start_1:
0x0: {  	(tag) =	ssettag $0x1  }
0x1: {  	s0 =	rddreg [dreg:$0x0]  }
0x2: {  	s1 =	rddreg [dreg:$0x1]  }
0x3: {  	s2 =	rddreg [dreg:$0x2]  }
0x4: {  	s4 =	srdreg.scid;
	s3 =	simm.s32 $0x0;
	s5 =	stileid.u32  }
0x5: {  	s6 =	sand.u32 $0x1, s4;
	[smem:$0x7FF] =	sst s3;
	s23 =	sshll.u32 s5, $0xB  }
0x6: {  	s5 =	sadd.s32 $0xF43600, s1;
	s24 =	sshll.u32 s6, $0xA;
	s6 =	ssub.s32 $0x2, s6  }
0x7: {  	s1 =	sadd.s32 $0xF42E00, s1;
	s4 =	sor.u32 s24, s23;
	s25 =	sshrl.u32 s6, $0x1  }
0x8: {  	_ =	strace $0x8000004A;
	s7 =	sshrl.u32 s4, $0x3;
	s26 =	ssub.s32 s6, s25  }
0x9: {  	[dreg:$0x4] =	wrdreg s1;
	s7 =	sadd.s32 s0, s7;
	s0 =	smax.u32 s26, $0x1  }
0xa: {  	[dreg:$0x17] =	wrdreg s0  }
0xb: {  	s30 =	sadd.s32 $0x1000, s7;
	[dreg:$0x5] =	wrdreg s7  }
0xc: {  	s31 =	sadd.s32 $0x2000, s7;
	[dreg:$0x6] =	wrdreg s30  }
0xd: {  	s6 =	sadd.s32 $0x3000, s7;
	[dreg:$0x7] =	wrdreg s31  }
0xe: {  	s8 =	sadd.s32 $0x4000, s7;
	[dreg:$0x8] =	wrdreg s6  }
0xf: {  	s9 =	sadd.s32 $0x5000, s7;
	[dreg:$0x9] =	wrdreg s8  }
0x10: {  	s10 =	sadd.s32 $0x6000, s7;
	[dreg:$0xa] =	wrdreg s9  }
0x11: {  	s11 =	sadd.s32 $0x7000, s7;
	[dreg:$0xb] =	wrdreg s10  }
0x12: {  	s12 =	sadd.s32 $0x8000, s7;
	[dreg:$0xc] =	wrdreg s11  }
0x13: {  	s13 =	sadd.s32 $0x9000, s7;
	[dreg:$0xd] =	wrdreg s12  }
0x14: {  	s14 =	sadd.s32 $0xA000, s7;
	[dreg:$0xe] =	wrdreg s13  }
0x15: {  	s15 =	sadd.s32 $0xB000, s7;
	[dreg:$0xf] =	wrdreg s14  }
0x16: {  	s16 =	sadd.s32 $0xC000, s7;
	[dreg:$0x10] =	wrdreg s15  }
0x17: {  	s17 =	sadd.s32 $0xD000, s7;
	[dreg:$0x11] =	wrdreg s16  }
0x18: {  	s18 =	sadd.s32 $0xE000, s7;
	[dreg:$0x12] =	wrdreg s17  }
0x19: {  	s19 =	sadd.s32 $0xF000, s7;
	[dreg:$0x13] =	wrdreg s18  }
0x1a: {  	s20 =	sadd.s32 $0x10000, s7;
	[dreg:$0x14] =	wrdreg s19  }
0x1b: {  	s21 =	sadd.s32 $0x11000, s7;
	[dreg:$0x15] =	wrdreg s20  }
0x1c: {  	s22 =	sadd.s32 $0x12000, s7;
	[dreg:$0x16] =	wrdreg s21  }
0x1d: {  	s23 =	sadd.s32 $0x13000, s7;
	[dreg:$0x18] =	wrdreg s22  }
0x1e: {  	s24 =	sadd.s32 $0x14000, s7;
	[dreg:$0x19] =	wrdreg s23  }
0x1f: {  	s28 =	simm.s32 $0x2;
	s25 =	sadd.s32 $0x15000, s7;
	[dreg:$0x1a] =	wrdreg s24  }
0x20: {  	s29 =	simm.s32 $0xC700;
	s26 =	sadd.s32 $0x16000, s7;
	[dreg:$0x1b] =	wrdreg s25  }
0x21: {  	s1 =	simm.s32 $0x0;
	[dreg:$0x1c] =	wrdreg s26;
	s30 =	sadd.s32 $0x17000, s7  }
0x22: {  	s31 =	sadd.s32 $0x18000, s7;
	s6 =	sadd.s32 $0x1000, s2;
	s8 =	sadd.s32 $0x2000, s2  }
0x23: {  	v0 =	vlaneseq.u32;
	s9 =	sadd.s32 $0x3000, s2;
	s10 =	sadd.s32 $0x4000, s2;
	s11 =	sadd.s32 $0x5000, s2  }
0x24: {  	v0 =	vmul.u32 $0x88, v0;
	s12 =	sadd.s32 $0x6000, s2;
	s13 =	sadd.s32 $0x7000, s2;
	s14 =	simm.s32 $0x5  }
0x25: {  	v1 =	vimm.f32 $1.000000000e+00;
	s20 =	simm.s32 $0x1;
	s21 =	simm.s32 $0x11B00;
	[dreg:$0x1d] =	wrdreg s30  }
0x26: {  	v2 =	vadd.s32 $0x880, v0;
	v3 =	vadd.s32 $0x1100, v0;
	v4 =	vadd.s32 $0x1980, v0;
	s22 =	simm.s32 $0xA500;
	s26 =	simm.s32 $0x4;
	[dreg:$0x1e] =	wrdreg s31  }
.LBB2_1:
0x27: {  	[dreg:$0x1f] =	wrdreg s1  }
0x28: {  	s0 =	rddreg [dreg:$0x4];
	s30 =	simm.s32 $0xE900  }
0x29: {  	[tilespmem:s30], [sflag:$0x5] =	stream.linear.gather [hbm4b:s0+s3], $0x3200, $0x38;
	[tilespmem:$0x11B80] =	vst v63  }
0x2a: {  	_ =	swait.ge [sflag:s14], $0x3200  }
0x2b: {  	[sflag:s14] =	ssyncset.done $0x0  }
0x2c: {  	s31 =	rddreg [dreg:$0x5];
	[sflag:s14] =	ssyncadd.s32 $0xFFFFCE00  }
0x2d: {  	[tilespmem:s3], [sflag:$0x5] =	stream.linear.gather [hbm4b:s31+s3], $0x400, $0x38;
	[tilespmem:$0x11B80] =	vst v63  }
0x2e: {  	_ =	swait.ge [sflag:s14], $0x400  }
0x2f: {  	[sflag:s14] =	ssyncset.done $0x0  }
0x30: {  	s7 =	simm.s32 $0x400;
	s1 =	rddreg [dreg:$0x6];
	[sflag:s14] =	ssyncadd.s32 $0xFFFFFC00  }
0x31: {  	[tilespmem:s7], [sflag:$0x5] =	stream.linear.gather [hbm4b:s1+s3], $0x400, $0x38;
	[tilespmem:$0x11B80] =	vst v63  }
0x32: {  	_ =	swait.ge [sflag:s14], $0x400  }
0x33: {  	[sflag:s14] =	ssyncset.done $0x0  }
0x34: {  	s16 =	simm.s32 $0x800;
	s15 =	rddreg [dreg:$0x7];
	[sflag:s14] =	ssyncadd.s32 $0xFFFFFC00  }
0x35: {  	[tilespmem:s16], [sflag:$0x5] =	stream.linear.gather [hbm4b:s15+s3], $0x400, $0x38;
	[tilespmem:$0x11B80] =	vst v63  }
0x36: {  	_ =	swait.ge [sflag:s14], $0x400  }
0x37: {  	[sflag:s14] =	ssyncset.done $0x0  }
0x38: {  	s18 =	simm.s32 $0xC00;
	s17 =	rddreg [dreg:$0x8];
	[sflag:s14] =	ssyncadd.s32 $0xFFFFFC00  }
0x39: {  	[tilespmem:s18], [sflag:$0x5] =	stream.linear.gather [hbm4b:s17+s3], $0x400, $0x38;
	[tilespmem:$0x11B80] =	vst v63  }
0x3a: {  	_ =	swait.ge [sflag:s14], $0x400  }
0x3b: {  	[sflag:s14] =	ssyncset.done $0x0  }
0x3c: {  	s23 =	simm.s32 $0x1000;
	s19 =	rddreg [dreg:$0x9];
	[sflag:s14] =	ssyncadd.s32 $0xFFFFFC00  }
0x3d: {  	[tilespmem:s23], [sflag:$0x5] =	stream.linear.gather [hbm4b:s19+s3], $0x400, $0x38;
	[tilespmem:$0x11B80] =	vst v63  }
0x3e: {  	_ =	swait.ge [sflag:s14], $0x400  }
0x3f: {  	[sflag:s14] =	ssyncset.done $0x0  }
0x40: {  	s25 =	simm.s32 $0x1400;
	s24 =	rddreg [dreg:$0xa];
	[sflag:s14] =	ssyncadd.s32 $0xFFFFFC00  }
0x41: {  	[tilespmem:s25], [sflag:$0x5] =	stream.linear.gather [hbm4b:s24+s3], $0x400, $0x38;
	[tilespmem:$0x11B80] =	vst v63  }
0x42: {  	_ =	swait.ge [sflag:s14], $0x400  }
0x43: {  	[sflag:s14] =	ssyncset.done $0x0  }
0x44: {  	s31 =	simm.s32 $0x1800;
	s30 =	rddreg [dreg:$0xb];
	[sflag:s14] =	ssyncadd.s32 $0xFFFFFC00  }
0x45: {  	[tilespmem:s31], [sflag:$0x5] =	stream.linear.gather [hbm4b:s30+s3], $0x400, $0x38;
	[tilespmem:$0x11B80] =	vst v63  }
0x46: {  	_ =	swait.ge [sflag:s14], $0x400  }
0x47: {  	[sflag:s14] =	ssyncset.done $0x0  }
0x48: {  	s7 =	simm.s32 $0x1C00;
	s1 =	rddreg [dreg:$0xc];
	[sflag:s14] =	ssyncadd.s32 $0xFFFFFC00  }
0x49: {  	[tilespmem:s7], [sflag:$0x5] =	stream.linear.gather [hbm4b:s1+s3], $0x400, $0x38;
	[tilespmem:$0x11B80] =	vst v63  }
0x4a: {  	_ =	swait.ge [sflag:s14], $0x400  }
0x4b: {  	[sflag:s14] =	ssyncset.done $0x0  }
0x4c: {  	s16 =	simm.s32 $0x2000;
	s15 =	rddreg [dreg:$0xd];
	[sflag:s14] =	ssyncadd.s32 $0xFFFFFC00  }
0x4d: {  	[tilespmem:s16], [sflag:$0x5] =	stream.linear.gather [hbm4b:s15+s3], $0x400, $0x38;
	[tilespmem:$0x11B80] =	vst v63  }
0x4e: {  	_ =	swait.ge [sflag:s14], $0x400  }
0x4f: {  	[sflag:s14] =	ssyncset.done $0x0  }
0x50: {  	s18 =	simm.s32 $0x2400;
	s17 =	rddreg [dreg:$0xe];
	[sflag:s14] =	ssyncadd.s32 $0xFFFFFC00  }
0x51: {  	[tilespmem:s18], [sflag:$0x5] =	stream.linear.gather [hbm4b:s17+s3], $0x400, $0x38;
	[tilespmem:$0x11B80] =	vst v63  }
0x52: {  	_ =	swait.ge [sflag:s14], $0x400  }
0x53: {  	[sflag:s14] =	ssyncset.done $0x0  }
0x54: {  	s23 =	simm.s32 $0x2800;
	s19 =	rddreg [dreg:$0xf];
	[sflag:s14] =	ssyncadd.s32 $0xFFFFFC00  }
0x55: {  	[tilespmem:s23], [sflag:$0x5] =	stream.linear.gather [hbm4b:s19+s3], $0x400, $0x38;
	[tilespmem:$0x11B80] =	vst v63  }
0x56: {  	_ =	swait.ge [sflag:s14], $0x400  }
0x57: {  	[sflag:s14] =	ssyncset.done $0x0  }
0x58: {  	s25 =	simm.s32 $0x2C00;
	s24 =	rddreg [dreg:$0x10];
	[sflag:s14] =	ssyncadd.s32 $0xFFFFFC00  }
0x59: {  	[tilespmem:s25], [sflag:$0x5] =	stream.linear.gather [hbm4b:s24+s3], $0x400, $0x38;
	[tilespmem:$0x11B80] =	vst v63  }
0x5a: {  	_ =	swait.ge [sflag:s14], $0x400  }
0x5b: {  	[sflag:s14] =	ssyncset.done $0x0  }
0x5c: {  	s31 =	simm.s32 $0x3000;
	s30 =	rddreg [dreg:$0x11];
	[sflag:s14] =	ssyncadd.s32 $0xFFFFFC00  }
0x5d: {  	[tilespmem:s31], [sflag:$0x5] =	stream.linear.gather [hbm4b:s30+s3], $0x400, $0x38;
	[tilespmem:$0x11B80] =	vst v63  }
0x5e: {  	_ =	swait.ge [sflag:s14], $0x400  }
0x5f: {  	[sflag:s14] =	ssyncset.done $0x0  }
0x60: {  	s7 =	simm.s32 $0x3400;
	s1 =	rddreg [dreg:$0x12];
	[sflag:s14] =	ssyncadd.s32 $0xFFFFFC00  }
0x61: {  	[tilespmem:s7], [sflag:$0x5] =	stream.linear.gather [hbm4b:s1+s3], $0x400, $0x38;
	[tilespmem:$0x11B80] =	vst v63  }
0x62: {  	_ =	swait.ge [sflag:s14], $0x400  }
0x63: {  	[sflag:s14] =	ssyncset.done $0x0  }
0x64: {  	s16 =	simm.s32 $0x3800;
	s15 =	rddreg [dreg:$0x13];
	[sflag:s14] =	ssyncadd.s32 $0xFFFFFC00  }
0x65: {  	[tilespmem:s16], [sflag:$0x5] =	stream.linear.gather [hbm4b:s15+s3], $0x400, $0x38;
	[tilespmem:$0x11B80] =	vst v63  }
0x66: {  	_ =	swait.ge [sflag:s14], $0x400  }
0x67: {  	[sflag:s14] =	ssyncset.done $0x0  }
0x68: {  	s18 =	simm.s32 $0x3C00;
	s17 =	rddreg [dreg:$0x14];
	[sflag:s14] =	ssyncadd.s32 $0xFFFFFC00  }
0x69: {  	[tilespmem:s18], [sflag:$0x5] =	stream.linear.gather [hbm4b:s17+s3], $0x400, $0x38;
	[tilespmem:$0x11B80] =	vst v63  }
0x6a: {  	_ =	swait.ge [sflag:s14], $0x400  }
0x6b: {  	[sflag:s14] =	ssyncset.done $0x0  }
0x6c: {  	s23 =	simm.s32 $0x4000;
	s19 =	rddreg [dreg:$0x15];
	[sflag:s14] =	ssyncadd.s32 $0xFFFFFC00  }
0x6d: {  	[tilespmem:s23], [sflag:$0x5] =	stream.linear.gather [hbm4b:s19+s3], $0x400, $0x38;
	[tilespmem:$0x11B80] =	vst v63  }
0x6e: {  	_ =	swait.ge [sflag:s14], $0x400  }
0x6f: {  	[sflag:s14] =	ssyncset.done $0x0  }
0x70: {  	s25 =	simm.s32 $0x4400;
	s24 =	rddreg [dreg:$0x16];
	[sflag:s14] =	ssyncadd.s32 $0xFFFFFC00  }
0x71: {  	[tilespmem:s25], [sflag:$0x5] =	stream.linear.gather [hbm4b:s24+s3], $0x400, $0x38;
	[tilespmem:$0x11B80] =	vst v63  }
0x72: {  	_ =	swait.ge [sflag:s14], $0x400  }
0x73: {  	[sflag:s14] =	ssyncset.done $0x0  }
0x74: {  	s31 =	simm.s32 $0x4800;
	s30 =	rddreg [dreg:$0x18];
	[sflag:s14] =	ssyncadd.s32 $0xFFFFFC00  }
0x75: {  	[tilespmem:s31], [sflag:$0x5] =	stream.linear.gather [hbm4b:s30+s3], $0x400, $0x38;
	[tilespmem:$0x11B80] =	vst v63  }
0x76: {  	_ =	swait.ge [sflag:s14], $0x400  }
0x77: {  	[sflag:s14] =	ssyncset.done $0x0  }
0x78: {  	s7 =	simm.s32 $0x4C00;
	s1 =	rddreg [dreg:$0x19];
	[sflag:s14] =	ssyncadd.s32 $0xFFFFFC00  }
0x79: {  	[tilespmem:s7], [sflag:$0x5] =	stream.linear.gather [hbm4b:s1+s3], $0x400, $0x38;
	[tilespmem:$0x11B80] =	vst v63  }
0x7a: {  	_ =	swait.ge [sflag:s14], $0x400  }
0x7b: {  	[sflag:s14] =	ssyncset.done $0x0  }
0x7c: {  	s16 =	simm.s32 $0x5000;
	s15 =	rddreg [dreg:$0x1a];
	[sflag:s14] =	ssyncadd.s32 $0xFFFFFC00  }
0x7d: {  	[tilespmem:s16], [sflag:$0x5] =	stream.linear.gather [hbm4b:s15+s3], $0x400, $0x38;
	[tilespmem:$0x11B80] =	vst v63  }
0x7e: {  	_ =	swait.ge [sflag:s14], $0x400  }
0x7f: {  	[sflag:s14] =	ssyncset.done $0x0  }
0x80: {  	s18 =	simm.s32 $0x5400;
	s17 =	rddreg [dreg:$0x1b];
	[sflag:s14] =	ssyncadd.s32 $0xFFFFFC00  }
0x81: {  	[tilespmem:s18], [sflag:$0x5] =	stream.linear.gather [hbm4b:s17+s3], $0x400, $0x38;
	[tilespmem:$0x11B80] =	vst v63  }
0x82: {  	_ =	swait.ge [sflag:s14], $0x400  }
0x83: {  	[sflag:s14] =	ssyncset.done $0x0  }
0x84: {  	s23 =	simm.s32 $0x5800;
	s19 =	rddreg [dreg:$0x1c];
	[sflag:s14] =	ssyncadd.s32 $0xFFFFFC00  }
0x85: {  	[tilespmem:s23], [sflag:$0x5] =	stream.linear.gather [hbm4b:s19+s3], $0x400, $0x38;
	[tilespmem:$0x11B80] =	vst v63  }
0x86: {  	_ =	swait.ge [sflag:s14], $0x400  }
0x87: {  	[sflag:s14] =	ssyncset.done $0x0  }
0x88: {  	s25 =	simm.s32 $0x5C00;
	s24 =	rddreg [dreg:$0x1d];
	[sflag:s14] =	ssyncadd.s32 $0xFFFFFC00  }
0x89: {  	[tilespmem:s25], [sflag:$0x5] =	stream.linear.gather [hbm4b:s24+s3], $0x400, $0x38;
	[tilespmem:$0x11B80] =	vst v63  }
0x8a: {  	_ =	swait.ge [sflag:s14], $0x400  }
0x8b: {  	[sflag:s14] =	ssyncset.done $0x0  }
0x8c: {  	s31 =	simm.s32 $0x6000;
	s30 =	rddreg [dreg:$0x1e];
	[sflag:s14] =	ssyncadd.s32 $0xFFFFFC00  }
0x8d: {  	[tilespmem:s31], [sflag:$0x5] =	stream.linear.gather [hbm4b:s30+s3], $0x400, $0x38;
	[tilespmem:$0x11B80] =	vst v63  }
0x8e: {  	_ =	swait.ge [sflag:s14], $0x400  }
0x8f: {  	[sflag:s14] =	ssyncset.done $0x0  }
0x90: {  	s0 =	simm.s32 $0x0;
	[sflag:s14] =	ssyncadd.s32 $0xFFFFFC00  }
0x91: {  	s1 =	simm.s32 $0x40;
	v5 =	vld [tilespmem:s0+$0x0]  }
.LBB2_2:
0x92: {  	p0 =	sne.s32 s1, $0x1C0  }
.Ltmp0:
0x93: {  	_ = 	snop;
	(pc) =	sbr.rel @p0 .LBB2_2-.Ltmp0, $3  }
0x94: {  	_ =	sdelay $0x1  }
0x95: {  	s7 =	sshra.s32 s1, $0x2;
	s1 =	sadd.s32 $0x40, s1;
	v6 =	vshll.u32 v5, $0x1  }
0x96: {  	v5 =	vld [tilespmem:s7+$0x0];
	[tilespmem:s0+$0x6400] =	vst v6;
	s0 =	smov.u32 s7  }
0x97: {  	_ =	sdelay $0x3  }
0x98: {  	s31 =	simm.s32 $0x80;
	s1 =	simm.s32 $0x6400;
	v5 =	vshll.u32 v5, $0x1  }
0x99: {  	s7 =	simm.s32 $0x6500;
	s16 =	simm.s32 $0x1;
	s17 =	simm.s32 $0x0;
	[tilespmem:s0+$0x6400] =	vst v5  }
0x9a: {  	[tilespmem:s7], [sflag:$0x1] =	stream.indirect.gather [hbm4b:s5+s31], $0x40, s1, s31, $0xb8;
	[tilespmem:$0x11B80] =	vst v63  }
0x9b: {  	s18 =	simm.s32 $0x0;
	s1 =	simm.s32 $0x0;
	s7 =	simm.s32 $0x400  }
.LBB2_4:
0x9c: {  	s0 =	sand.u32 $0x7, s1  }
0x9d: {  	s19 =	sand.u32 $0xFFFFF000, s17;
	s0 =	sshll.u32 s0, $0x9  }
0x9e: {  	s0 =	sor.u32 s0, s19  }
0x9f: {  	s0 =	sshrl.u32 s0, $0x2  }
0xa0: {  	s0 =	sadd.s32 $0x80, s0  }
0xa1: {  	s24 =	sand.u32 $0x3, s16;
	v5 =	vmov s0  }
0xa2: {  	s25 =	sand.u32 $0xFFFFF000, s7;
	s19 =	sshll.u32 s24, $0xA  }
0xa3: {  	s31 =	sshll.u32 s18, $0x8;
	s0 =	sor.u32 s19, s25;
	s19 =	sshllo.u32 s18, $0x1  }
0xa4: {  	s30 =	sand.u32 $0x1FFFFC00, s31;
	s23 =	sshll.u32 s19, $0x7  }
0xa5: {  	s24 =	sshrl.u32 s0, $0x2;
	s0 =	simm.s32 $0x0;
	s23 =	sand.u32 $0x380, s23  }
0xa6: {  	s25 =	sshll.u32 s18, $0xA;
	s23 =	sor.u32 s23, s30;
	s30 =	simm.s32 $0x40;
	v6 =	vld.idx.msk [tilespmem:v5+s0+$0x0 ss:$0x1], $0xffff  }
.LBB2_5:
0xa7: {  	p0 =	sne.s32 s30, $0x1C0  }
.Ltmp1:
0xa8: {  	_ = 	snop;
	(pc) =	sbr.rel @p0 .LBB2_5-.Ltmp1, $4  }
0xa9: {  	_ = 	snop  }
0xaa: {  	s31 =	sshra.s32 s30, $0x2;
	s30 =	sadd.s32 $0x40, s30  }
0xab: {  	v7 =	vshll.u32 v6, $0x1;
	v6 =	vld.idx.msk [tilespmem:v5+s31+$0x0 ss:$0x1], $0xffff  }
0xac: {  	[tilespmem:s0+$0x6480] =	vst v7;
	s0 =	smov.u32 s31  }
0xad: {  	_ =	sdelay $0x2  }
0xae: {  	s15 =	simm.s32 $0x6480;
	v5 =	vshll.u32 v6, $0x1  }
0xaf: {  	s30 =	simm.s32 $0x8500;
	p0 =	seq.s32 s18, $0x0;
	[tilespmem:s0+$0x6480] =	vst v5;
	s0 =	simm.s32 $0x80  }
0xb0: {  	[tilespmem:s30], [sflag:$0x2] =	stream.indirect.gather [hbm4b:s5+s0], $0x40, s15, s0, $0xb8;
	[tilespmem:$0x11B80] =	vst v63  }
0xb1: {  	s0 =	simm.s32 @!p0 $0x3  }
0xb2: {  	_ =	swait.ge @!p0 [sflag:s0], $0x400  }
0xb3: {  	[sflag:s0] =	ssyncset.done @!p0 $0x0  }
0xb4: {  	[sflag:s0] =	ssyncadd.s32 @!p0 $0xFFFFFC00  }
0xb5: {  	_ =	swait.ge @!p0 [sflag:s0], $0x400  }
0xb6: {  	[sflag:s0] =	ssyncset.done @!p0 $0x0  }
0xb7: {  	[sflag:s0] =	ssyncadd.s32 @!p0 $0xFFFFFC00  }
0xb8: {  	_ =	swait.ge @!p0 [sflag:s0], $0x400  }
0xb9: {  	[sflag:s0] =	ssyncset.done @!p0 $0x0  }
0xba: {  	[sflag:s0] =	ssyncadd.s32 @!p0 $0xFFFFFC00  }
0xbb: {  	_ =	swait.ge @!p0 [sflag:s0], $0x400  }
0xbc: {  	[sflag:s0] =	ssyncset.done @!p0 $0x0  }
0xbd: {  	[sflag:s0] =	ssyncadd.s32 @!p0 $0xFFFFFC00  }
0xbe: {  	_ =	swait.ge @!p0 [sflag:s0], $0x400  }
0xbf: {  	[sflag:s0] =	ssyncset.done @!p0 $0x0  }
0xc0: {  	[sflag:s0] =	ssyncadd.s32 @!p0 $0xFFFFFC00  }
0xc1: {  	_ =	swait.ge @!p0 [sflag:s0], $0x400  }
0xc2: {  	[sflag:s0] =	ssyncset.done @!p0 $0x0  }
0xc3: {  	[sflag:s0] =	ssyncadd.s32 @!p0 $0xFFFFFC00  }
0xc4: {  	_ =	swait.ge @!p0 [sflag:s0], $0x400  }
0xc5: {  	[sflag:s0] =	ssyncset.done @!p0 $0x0  }
0xc6: {  	[sflag:s0] =	ssyncadd.s32 @!p0 $0xFFFFFC00  }
0xc7: {  	_ =	swait.ge @!p0 [sflag:s0], $0x400  }
0xc8: {  	[sflag:s0] =	ssyncset.done @!p0 $0x0  }
0xc9: {  	[sflag:s0] =	ssyncadd.s32 @!p0 $0xFFFFFC00  }
0xca: {  	_ =	swait.ge [sflag:s20], $0x2000  }
0xcb: {  	[sflag:s20] =	ssyncset.done $0x0  }
0xcc: {  	s15 =	sshrl.u32 s25, $0x2;
	[sflag:s20] =	ssyncadd.s32 $0xFFFFE000  }
0xcd: {  	v5 =	vld [tilespmem:s15+$0x0];
	_ =	sdelay $0x4  }
0xce: {  	vm0 =	veq.s32 v5, $0x0  }
0xcf: {  	v5 =	vsel vm0, $0x0, v1  }
0xd0: {  	[tilespmem:$0x11B00] =	vst v5  }
0xd1: {  	v5 =	vld [tilespmem:s15+$0x10];
	_ =	sdelay $0x4  }
0xd2: {  	vm9 =	veq.s32 v5, $0x0  }
0xd3: {  	v5 =	vsel vm9, $0x0, v1  }
0xd4: {  	[tilespmem:$0x11B10] =	vst v5  }
0xd5: {  	v5 =	vld [tilespmem:s15+$0x20];
	_ =	sdelay $0x4  }
0xd6: {  	vm10 =	veq.s32 v5, $0x0  }
0xd7: {  	v5 =	vsel vm10, $0x0, v1  }
0xd8: {  	[tilespmem:$0x11B20] =	vst v5  }
0xd9: {  	v5 =	vld [tilespmem:s15+$0x30];
	_ =	sdelay $0x4  }
0xda: {  	vm11 =	veq.s32 v5, $0x0  }
0xdb: {  	v5 =	vsel vm11, $0x0, v1  }
0xdc: {  	[tilespmem:$0x11B30] =	vst v5  }
0xdd: {  	v5 =	vld [tilespmem:s15+$0x40];
	_ =	sdelay $0x4  }
0xde: {  	vm12 =	veq.s32 v5, $0x0  }
0xdf: {  	v5 =	vsel vm12, $0x0, v1  }
0xe0: {  	[tilespmem:$0x11B40] =	vst v5  }
0xe1: {  	v5 =	vld [tilespmem:s15+$0x50];
	_ =	sdelay $0x4  }
0xe2: {  	vm13 =	veq.s32 v5, $0x0  }
0xe3: {  	v5 =	vsel vm13, $0x0, v1  }
0xe4: {  	[tilespmem:$0x11B50] =	vst v5  }
0xe5: {  	v5 =	vld [tilespmem:s15+$0x60];
	_ =	sdelay $0x4  }
0xe6: {  	vm14 =	veq.s32 v5, $0x0  }
0xe7: {  	v5 =	vsel vm14, $0x0, v1  }
0xe8: {  	[tilespmem:$0x11B60] =	vst v5  }
0xe9: {  	v5 =	vld [tilespmem:s15+$0x70];
	_ =	sdelay $0x4  }
0xea: {  	vm15 =	veq.s32 v5, $0x0  }
0xeb: {  	s25 =	simm.s32 $0x3;
	v5 =	vsel vm15, $0x0, v1  }
0xec: {  	s30 =	simm.s32 $0x6580;
	s15 =	sshll.u32 s18, $0x7;
	[tilespmem:$0x11B70] =	vst v5;
	v5 =	vmov s25  }
0xed: {  	s0 =	sand.u32 $0x3FFFFF80, s15;
	v7 =	vld [tilespmem:s30+$0x40]  }
0xee: {  	v18 =	vld [tilespmem:s0+$0xE900]  }
0xef: {  	s15 =	simm.s32 $0x0;
	v9 =	vld [tilespmem:s0+$0xE910]  }
0xf0: {  	v8 =	vmov s15;
	s15 =	simm.s32 $0x1;
	v6 =	vld [tilespmem:s0+$0xE920]  }
0xf1: {  	v11 =	vmov s15;
	v23 =	vld.idx.msk [tilespmem:v5+s21+$0x0], $0xffff  }
0xf2: {  	s31 =	simm.s32 $0x2;
	v12 =	vld [tilespmem:s30+$0xFFFFFF80];
	v22 =	vand.u32 $0x7F, v5;
	v7 =	vmul.f32 $8.000000000e+00, v7  }
0xf3: {  	v13 =	vmov s31;
	v14 =	vld [tilespmem:s30+$0xFFFFFFC0];
	v15 =	vadd.s32 v0, v22  }
0xf4: {  	v16 =	vld [tilespmem:s30+$0x0];
	v7 =	vadd.f32 v7, v18  }
0xf5: {  	v10 =	vld.idx.msk [tilespmem:v8+s21+$0x0], $0xffff  }
0xf6: {  	v21 =	vand.u32 $0x7C, v8;
	v19 =	vld.idx.msk [tilespmem:v11+s21+$0x0], $0xffff;
	v8 =	vmul.f32 v7, v23  }
0xf7: {  	v17 =	vand.u32 $0x7E, v13;
	v5 =	vld [tilespmem:s0+$0xE930];
	v12 =	vmul.f32 $8.000000000e+00, v12  }
0xf8: {  	v20 =	vadd.s32 v0, v21;
	v25 =	vand.u32 $0x7D, v11;
	v11 =	vmul.f32 $8.000000000e+00, v14;
	v7 =	vld.idx.msk [tilespmem:v13+s21+$0x0], $0xffff;
	[tilespmem:v15+s22+$0x0] =	vst.idx.msk $0xffff, v8  }
0xf9: {  	v13 =	vmul.f32 $8.000000000e+00, v16;
	v8 =	vadd.f32 v12, v18;
	v12 =	vadd.s32 v0, v25;
	v14 =	vld [tilespmem:s30+$0x50]  }
0xfa: {  	v11 =	vadd.f32 v11, v18;
	v15 =	vadd.s32 v0, v17  }
0xfb: {  	v13 =	vadd.f32 v13, v18;
	v8 =	vmul.f32 v8, v10  }
0xfc: {  	v11 =	vmul.f32 v11, v19  }
0xfd: {  	[tilespmem:v20+s22+$0x0] =	vst.idx.msk $0xffff, v8;
	v8 =	vmul.f32 v13, v7  }
0xfe: {  	v13 =	vld [tilespmem:s30+$0xFFFFFF90];
	[tilespmem:v12+s22+$0x0] =	vst.idx.msk $0xffff, v11;
	v12 =	vmul.f32 $8.000000000e+00, v14  }
0xff: {  	v14 =	vld [tilespmem:s30+$0xFFFFFFD0];
	[tilespmem:v15+s22+$0x0] =	vst.idx.msk $0xffff, v8;
	v15 =	vadd.s32 v2, v22  }
0x100: {  	s25 =	simm.s32 $0x4;
	v20 =	vld [tilespmem:s30+$0x10];
	v8 =	vadd.f32 v12, v9  }
0x101: {  	v11 =	vmov s25;
	s25 =	simm.s32 $0x7  }
0x102: {  	s15 =	simm.s32 $0x5;
	v26 =	vmov s25;
	s25 =	simm.s32 $0x6680;
	v24 =	vmul.f32 v8, v23  }
0x103: {  	v16 =	vmov s15;
	v28 =	vld [tilespmem:s25+$0x40]  }
0x104: {  	v27 =	vadd.s32 v2, v17;
	v59 =	vadd.s32 v3, v17;
	v33 =	vld [tilespmem:s25+$0xFFFFFFC0];
	v14 =	vmul.f32 $8.000000000e+00, v14;
	[tilespmem:v15+s22+$0x0] =	vst.idx.msk $0xffff, v24  }
0x105: {  	v13 =	vmul.f32 $8.000000000e+00, v13;
	v15 =	vadd.s32 v2, v25;
	v20 =	vmul.f32 $8.000000000e+00, v20;
	v24 =	vld [tilespmem:s30+$0x60]  }
0x106: {  	v30 =	vadd.s32 v2, v21;
	v35 =	vadd.s32 v3, v21;
	v31 =	vld [tilespmem:s25+$0xFFFFFF80];
	v14 =	vadd.f32 v14, v9  }
0x107: {  	v21 =	vadd.s32 v4, v21;
	s15 =	simm.s32 $0x6;
	v36 =	vld [tilespmem:s25+$0x0];
	v13 =	vadd.f32 v13, v9;
	v20 =	vadd.f32 v20, v9  }
0x108: {  	v38 =	vadd.s32 v3, v25;
	v29 =	vmov s15;
	v12 =	vld.idx.msk [tilespmem:v16+s21+$0x0], $0xffff;
	v14 =	vmul.f32 v14, v19  }
0x109: {  	v8 =	vld.idx.msk [tilespmem:v11+s21+$0x0], $0xffff;
	v32 =	vmul.f32 v13, v10;
	v13 =	vand.u32 $0x7C, v11;
	v20 =	vmul.f32 v20, v7  }
0x10a: {  	v33 =	vmul.f32 $8.000000000e+00, v33;
	v11 =	vld.idx.msk [tilespmem:v26+s21+$0x0], $0xffff;
	v34 =	vadd.s32 v0, v13;
	[tilespmem:v15+s22+$0x0] =	vst.idx.msk $0xffff, v14;
	v14 =	vmul.f32 $8.000000000e+00, v24  }
0x10b: {  	[tilespmem:v27+s22+$0x0] =	vst.idx.msk $0xffff, v20;
	v24 =	vmul.f32 $8.000000000e+00, v28;
	v20 =	vand.u32 $0x7F, v26;
	v26 =	vld [tilespmem:s30+$0xFFFFFFE0];
	v27 =	vadd.s32 v3, v22  }
0x10c: {  	[tilespmem:v30+s22+$0x0] =	vst.idx.msk $0xffff, v32;
	v28 =	vmul.f32 $8.000000000e+00, v31;
	v30 =	vadd.s32 v0, v20;
	v31 =	vld [tilespmem:s30+$0x20];
	v57 =	vadd.f32 v14, v6  }
0x10d: {  	v15 =	vand.u32 $0x7D, v16;
	v16 =	vand.u32 $0x7E, v29;
	v37 =	vld [tilespmem:s30+$0xFFFFFFA0];
	v24 =	vadd.f32 v24, v18  }
0x10e: {  	v14 =	vld.idx.msk [tilespmem:v29+s21+$0x0], $0xffff;
	v28 =	vadd.f32 v28, v18;
	v29 =	vadd.s32 v0, v15;
	v32 =	vmul.f32 v57, v23  }
0x10f: {  	v36 =	vmul.f32 $8.000000000e+00, v36;
	v33 =	vadd.f32 v33, v18;
	v24 =	vmul.f32 v24, v11  }
0x110: {  	v39 =	vadd.s32 v0, v16;
	v28 =	vmul.f32 v28, v8;
	v26 =	vmul.f32 $8.000000000e+00, v26;
	[tilespmem:v27+s22+$0x0] =	vst.idx.msk $0xffff, v32  }
0x111: {  	v58 =	vadd.f32 v36, v18;
	v27 =	vmul.f32 v33, v12;
	[tilespmem:v30+s22+$0x0] =	vst.idx.msk $0xffff, v24;
	v24 =	vmul.f32 $8.000000000e+00, v31;
	v30 =	vld [tilespmem:s30+$0x70]  }
0x112: {  	v42 =	vadd.s32 v4, v22;
	[tilespmem:v34+s22+$0x0] =	vst.idx.msk $0xffff, v28;
	v31 =	vmul.f32 $8.000000000e+00, v37;
	v28 =	vld [tilespmem:s25+$0x50];
	v26 =	vadd.f32 v26, v6  }
0x113: {  	v34 =	vld [tilespmem:s25+$0xFFFFFF90];
	[tilespmem:v29+s22+$0x0] =	vst.idx.msk $0xffff, v27;
	v29 =	vmul.f32 v58, v14;
	v60 =	vadd.f32 v24, v6  }
0x114: {  	v32 =	vadd.s32 v2, v13;
	v31 =	vadd.f32 v31, v6;
	v61 =	vld [tilespmem:s25+$0xFFFFFFD0];
	v62 =	vmul.f32 v26, v19  }
0x115: {  	s15 =	simm.s32 $0x8;
	v33 =	vadd.s32 v2, v20;
	[tilespmem:v39+s22+$0x0] =	vst.idx.msk $0xffff, v29;
	v29 =	vmul.f32 v60, v7  }
0x116: {  	s31 =	simm.s32 $0xA;
	v24 =	vmov s15;
	s15 =	simm.s32 $0x9;
	v31 =	vmul.f32 v31, v10;
	v39 =	vld [tilespmem:s25+$0x10];
	[tilespmem:v38+s22+$0x0] =	vst.idx.msk $0xffff, v62;
	v30 =	vmul.f32 $8.000000000e+00, v30  }
0x117: {  	v27 =	vmov s31;
	v26 =	vmov s15;
	v28 =	vmul.f32 $8.000000000e+00, v28;
	v41 =	vld [tilespmem:s30+$0xFFFFFFF0];
	[tilespmem:v59+s22+$0x0] =	vst.idx.msk $0xffff, v29  }
0x118: {  	v34 =	vmul.f32 $8.000000000e+00, v34;
	[tilespmem:v35+s22+$0x0] =	vst.idx.msk $0xffff, v31;
	v29 =	vadd.s32 v4, v25;
	v31 =	vld [tilespmem:s30+$0x30];
	v30 =	vadd.f32 v30, v5  }
0x119: {  	v35 =	vadd.s32 v2, v16;
	v36 =	vld [tilespmem:s30+$0xFFFFFFB0];
	v63 =	vmul.f32 $8.000000000e+00, v61;
	v28 =	vadd.f32 v28, v9  }
0x11a: {  	v25 =	vadd.f32 v34, v9;
	v34 =	vadd.s32 v2, v15;
	v30 =	vmul.f32 v30, v23  }
0x11b: {  	v22 =	vld.idx.msk [tilespmem:v24+s21+$0x0], $0xffff;
	v37 =	vadd.f32 v63, v9;
	v39 =	vmul.f32 $8.000000000e+00, v39;
	v38 =	vmul.f32 v28, v11  }
0x11c: {  	s0 =	simm.s32 $0xB;
	s31 =	simm.s32 $0x6680;
	s30 =	simm.s32 $0xC;
	v23 =	vld.idx.msk [tilespmem:v26+s21+$0x0], $0xffff;
	v40 =	vmul.f32 v25, v8;
	v41 =	vmul.f32 $8.000000000e+00, v41;
	[tilespmem:v42+s22+$0x0] =	vst.idx.msk $0xffff, v30  }
.LBB2_7:
0x11d: {  	p1 =	slt.u32 s30, $0x7C;
	v25 =	vld.idx.msk [tilespmem:v27+s21+$0x0], $0xffff;
	v28 =	vmov s0;
	v30 =	vmul.f32 v37, v12;
	v37 =	vadd.f32 v39, v9;
	[tilespmem:v33+s22+$0x0] =	vst.idx.msk $0xffff, v38  }
0x11e: {  	s31 =	sadd.s32 $0x100, s31;
	v31 =	vmul.f32 $8.000000000e+00, v31;
	v38 =	vmovc v20;
	[tilespmem:v32+s22+$0x0] =	vst.idx.msk $0xffff, v40;
	v32 =	vld [tilespmem:s25+$0x60];
	v33 =	vmul.f32 $8.000000000e+00, v36;
	v36 =	vadd.f32 v41, v5  }
0x11f: {  	v39 =	vand.u32 $0x7C, v24;
	v20 =	vld [tilespmem:s31+$0x40];
	[tilespmem:v34+s22+$0x0] =	vst.idx.msk $0xffff, v30;
	v24 =	vmul.f32 v37, v14;
	v30 =	vadd.s32 v4, v17  }
0x120: {  	v31 =	vadd.f32 v31, v5;
	v17 =	vmovc v16;
	v34 =	vld [tilespmem:s31+$0xFFFFFF80];
	v33 =	vadd.f32 v33, v5;
	v36 =	vmul.f32 v36, v19  }
0x121: {  	v41 =	vadd.s32 v3, v13;
	v37 =	vadd.s32 v0, v39;
	v19 =	vmov v12;
	v40 =	vld [tilespmem:s31+$0xFFFFFFC0];
	[tilespmem:v35+s22+$0x0] =	vst.idx.msk $0xffff, v24  }
0x122: {  	v35 =	vld.idx.msk [tilespmem:v28+s21+$0x0], $0xffff;
	v12 =	vmul.f32 v33, v10;
	[tilespmem:v29+s22+$0x0] =	vst.idx.msk $0xffff, v36;
	v29 =	vmul.f32 v31, v7  }
0x123: {  	v42 =	vand.u32 $0x7D, v26;
	v16 =	vand.u32 $0x7E, v27;
	v7 =	vmovc v14;
	v14 =	vmovc v25;
	v24 =	vld [tilespmem:s31+$0x0];
	v26 =	vmul.f32 $8.000000000e+00, v32  }
0x124: {  	v10 =	vmovc v8;
	v25 =	vmul.f32 $8.000000000e+00, v20;
	v20 =	vand.u32 $0x7F, v28;
	v27 =	vld [tilespmem:s25+$0xFFFFFFE0];
	v28 =	vadd.s32 v3, v38;
	[tilespmem:v30+s22+$0x0] =	vst.idx.msk $0xffff, v29  }
0x125: {  	v29 =	vmul.f32 $8.000000000e+00, v34;
	v30 =	vadd.s32 v0, v20;
	v31 =	vld [tilespmem:s25+$0x20];
	v26 =	vadd.f32 v26, v6;
	[tilespmem:v21+s22+$0x0] =	vst.idx.msk $0xffff, v12  }
0x126: {  	v33 =	vadd.s32 v3, v15;
	v8 =	vmovc v22;
	v21 =	vmul.f32 $8.000000000e+00, v40;
	v25 =	vadd.f32 v25, v18;
	v32 =	vld [tilespmem:s25+$0xFFFFFFA0];
	v12 =	vmovc v23  }
0x127: {  	v23 =	vadd.s32 v0, v42;
	v22 =	vadd.f32 v29, v18;
	v26 =	vmul.f32 v26, v11  }
0x128: {  	v21 =	vadd.f32 v21, v18;
	v24 =	vmul.f32 $8.000000000e+00, v24;
	v25 =	vmul.f32 v25, v35  }
0x129: {  	v29 =	vadd.s32 v0, v16;
	v22 =	vmul.f32 v22, v8;
	v27 =	vmul.f32 $8.000000000e+00, v27;
	[tilespmem:v28+s22+$0x0] =	vst.idx.msk $0xffff, v26  }
0x12a: {  	v21 =	vmul.f32 v21, v12;
	v24 =	vadd.f32 v24, v18;
	[tilespmem:v30+s22+$0x0] =	vst.idx.msk $0xffff, v25;
	v25 =	vmul.f32 $8.000000000e+00, v31;
	v28 =	vld [tilespmem:s25+$0x70]  }
0x12b: {  	v30 =	vadd.s32 v3, v17;
	[tilespmem:v37+s22+$0x0] =	vst.idx.msk $0xffff, v22;
	v22 =	vld [tilespmem:s31+$0x50];
	v26 =	vmul.f32 $8.000000000e+00, v32;
	v27 =	vadd.f32 v27, v6  }
0x12c: {  	v31 =	vld [tilespmem:s31+$0xFFFFFF90];
	[tilespmem:v23+s22+$0x0] =	vst.idx.msk $0xffff, v21;
	v21 =	vmul.f32 v24, v14;
	v23 =	vadd.f32 v25, v6  }
0x12d: {  	s0 =	sadd.s32 $0x1, s30;
	s15 =	sadd.s32 $0x2, s30;
	v24 =	vmov s30;
	v25 =	vld [tilespmem:s31+$0xFFFFFFD0];
	v32 =	vadd.f32 v26, v6;
	v34 =	vmul.f32 v27, v19  }
0x12e: {  	v26 =	vmov s0;
	v27 =	vmov s15;
	[tilespmem:v29+s22+$0x0] =	vst.idx.msk $0xffff, v21;
	v23 =	vmul.f32 v23, v7  }
0x12f: {  	v21 =	vadd.s32 v4, v13;
	v40 =	vld [tilespmem:s31+$0x10];
	v29 =	vmul.f32 v32, v10;
	[tilespmem:v33+s22+$0x0] =	vst.idx.msk $0xffff, v34;
	v34 =	vmul.f32 $8.000000000e+00, v28  }
0x130: {  	v32 =	vadd.s32 v2, v39;
	v22 =	vmul.f32 $8.000000000e+00, v22;
	v28 =	vld [tilespmem:s25+$0xFFFFFFF0];
	[tilespmem:v30+s22+$0x0] =	vst.idx.msk $0xffff, v23;
	v30 =	vadd.s32 v4, v38  }
.Ltmp2:
0x131: {  	v33 =	vadd.s32 v2, v20;
	v23 =	vmul.f32 $8.000000000e+00, v31;
	[tilespmem:v41+s22+$0x0] =	vst.idx.msk $0xffff, v29;
	v31 =	vld [tilespmem:s25+$0x30];
	v37 =	vadd.f32 v34, v5;
	(pc) =	sbr.rel @p1 .LBB2_7-.Ltmp2, $4  }
0x132: {  	v13 =	vmovc v39;
	v29 =	vadd.s32 v4, v15;
	v15 =	vmovc v42;
	v25 =	vmul.f32 $8.000000000e+00, v25;
	v38 =	vadd.f32 v22, v9;
	v36 =	vld [tilespmem:s25+$0xFFFFFFB0];
	s25 =	smov.u32 s31  }
0x133: {  	v34 =	vadd.s32 v2, v15;
	v22 =	vld.idx.msk [tilespmem:v24+s21+$0x0], $0xffff;
	v41 =	vadd.f32 v23, v9;
	v42 =	vmul.f32 v37, v11  }
0x134: {  	v11 =	vmovc v35;
	v23 =	vld.idx.msk [tilespmem:v26+s21+$0x0], $0xffff;
	v37 =	vadd.f32 v25, v9;
	v39 =	vmul.f32 $8.000000000e+00, v40;
	v38 =	vmul.f32 v38, v35  }
0x135: {  	s0 =	sadd.s32 $0x3, s30;
	s30 =	sadd.s32 $0x4, s30;
	v35 =	vadd.s32 v2, v16;
	v40 =	vmul.f32 v41, v8;
	v41 =	vmul.f32 $8.000000000e+00, v28;
	[tilespmem:v30+s22+$0x0] =	vst.idx.msk $0xffff, v42  }
0x136: {  	v28 =	vmov s0;
	s30 =	sadd.s32 $0x100, s31  }
0x137: {  	v30 =	vld [tilespmem:s30+$0x40]  }
0x138: {  	v43 =	vld [tilespmem:s30+$0xFFFFFFC0]  }
0x139: {  	v44 =	vld [tilespmem:s30+$0x0]  }
0x13a: {  	v42 =	vld [tilespmem:s30+$0xFFFFFF80]  }
0x13b: {  	v24 =	vand.u32 $0x7C, v24;
	v25 =	vld.idx.msk [tilespmem:v28+s21+$0x0], $0xffff  }
0x13c: {  	v46 =	vmul.f32 $8.000000000e+00, v30;
	v30 =	vand.u32 $0x7F, v28;
	v28 =	vand.u32 $0x7D, v26  }
0x13d: {  	v26 =	vld.idx.msk [tilespmem:v27+s21+$0x0], $0xffff;
	v27 =	vand.u32 $0x7E, v27;
	v43 =	vmul.f32 $8.000000000e+00, v43;
	v47 =	vadd.s32 v0, v30  }
0x13e: {  	v44 =	vmul.f32 $8.000000000e+00, v44;
	v48 =	vadd.s32 v0, v28;
	v46 =	vadd.f32 v46, v18  }
0x13f: {  	v42 =	vmul.f32 $8.000000000e+00, v42;
	v49 =	vadd.s32 v0, v27;
	v43 =	vadd.f32 v43, v18  }
0x140: {  	v45 =	vadd.s32 v0, v24;
	v58 =	vadd.f32 v44, v18;
	v46 =	vmul.f32 v46, v25  }
0x141: {  	v42 =	vadd.f32 v42, v18;
	v43 =	vmul.f32 v43, v23  }
0x142: {  	v18 =	vmul.f32 v58, v26;
	[tilespmem:v47+s22+$0x0] =	vst.idx.msk $0xffff, v46  }
0x143: {  	v42 =	vmul.f32 v42, v22;
	[tilespmem:v48+s22+$0x0] =	vst.idx.msk $0xffff, v43;
	v59 =	vld [tilespmem:s30+$0x50]  }
0x144: {  	[tilespmem:v49+s22+$0x0] =	vst.idx.msk $0xffff, v18;
	v61 =	vld [tilespmem:s30+$0xFFFFFFD0]  }
0x145: {  	[tilespmem:v45+s22+$0x0] =	vst.idx.msk $0xffff, v42;
	v62 =	vld [tilespmem:s30+$0x10]  }
0x146: {  	v37 =	vmul.f32 v37, v12;
	v41 =	vadd.f32 v41, v5;
	v63 =	vmul.f32 $8.000000000e+00, v36;
	v60 =	vld [tilespmem:s30+$0xFFFFFF90]  }
0x147: {  	v39 =	vadd.f32 v39, v9;
	v55 =	vadd.s32 v2, v24  }
0x148: {  	[tilespmem:v34+s22+$0x0] =	vst.idx.msk $0xffff, v37;
	v19 =	vmul.f32 v41, v19;
	v57 =	vadd.f32 v63, v5;
	v46 =	vmul.f32 $8.000000000e+00, v59  }
0x149: {  	[tilespmem:v33+s22+$0x0] =	vst.idx.msk $0xffff, v38;
	v45 =	vmul.f32 v39, v14;
	v48 =	vadd.s32 v2, v30;
	v49 =	vld [tilespmem:s25+$0xFFFFFFE0];
	v18 =	vmul.f32 $8.000000000e+00, v61  }
0x14a: {  	[tilespmem:v32+s22+$0x0] =	vst.idx.msk $0xffff, v40;
	v38 =	vld [tilespmem:s25+$0x60];
	v50 =	vadd.s32 v2, v28;
	v51 =	vmul.f32 $8.000000000e+00, v62;
	v32 =	vadd.f32 v46, v9  }
0x14b: {  	v40 =	vld [tilespmem:s25+$0xFFFFFFA0];
	v52 =	vadd.s32 v2, v27;
	[tilespmem:v35+s22+$0x0] =	vst.idx.msk $0xffff, v45;
	v47 =	vmul.f32 $8.000000000e+00, v60;
	v18 =	vadd.f32 v18, v9  }
0x14c: {  	v56 =	vmul.f32 $8.000000000e+00, v31;
	[tilespmem:v29+s22+$0x0] =	vst.idx.msk $0xffff, v19;
	v53 =	vld [tilespmem:s25+$0x20];
	v54 =	vadd.f32 v51, v9;
	v32 =	vmul.f32 v32, v25  }
0x14d: {  	v10 =	vmul.f32 v57, v10;
	v34 =	vadd.f32 v47, v9;
	v18 =	vmul.f32 v18, v23  }
0x14e: {  	v17 =	vadd.s32 v4, v17;
	v60 =	vmul.f32 $8.000000000e+00, v49;
	v9 =	vmul.f32 v54, v26;
	[tilespmem:v48+s22+$0x0] =	vst.idx.msk $0xffff, v32  }
0x14f: {  	v63 =	vadd.s32 v3, v15;
	v58 =	vmul.f32 $8.000000000e+00, v38;
	v34 =	vmul.f32 v34, v22;
	[tilespmem:v50+s22+$0x0] =	vst.idx.msk $0xffff, v18;
	v61 =	vld [tilespmem:s30+$0x60]  }
0x150: {  	v44 =	vmul.f32 $8.000000000e+00, v40;
	v59 =	vadd.s32 v3, v20;
	v33 =	vadd.f32 v60, v6;
	[tilespmem:v52+s22+$0x0] =	vst.idx.msk $0xffff, v9;
	v45 =	vld [tilespmem:s30+$0xFFFFFFE0]  }
0x151: {  	v62 =	vadd.f32 v58, v6;
	v46 =	vadd.s32 v3, v13;
	v47 =	vmul.f32 $8.000000000e+00, v53;
	[tilespmem:v55+s22+$0x0] =	vst.idx.msk $0xffff, v34;
	v48 =	vld [tilespmem:s30+$0x20]  }
0x152: {  	v36 =	vadd.f32 v44, v6;
	v49 =	vadd.s32 v3, v16;
	v33 =	vmul.f32 v33, v12;
	v50 =	vld [tilespmem:s30+$0xFFFFFFA0]  }
0x153: {  	v19 =	vadd.f32 v56, v5;
	v51 =	vadd.f32 v47, v6;
	v18 =	vmul.f32 v62, v11  }
0x154: {  	v57 =	vadd.s32 v3, v28;
	[tilespmem:v63+s22+$0x0] =	vst.idx.msk $0xffff, v33;
	v52 =	vmul.f32 v36, v8;
	v53 =	vmul.f32 $8.000000000e+00, v61  }
0x155: {  	v29 =	vmul.f32 v51, v14;
	v55 =	vadd.s32 v3, v30;
	v33 =	vld [tilespmem:s25+$0xFFFFFFF0];
	[tilespmem:v59+s22+$0x0] =	vst.idx.msk $0xffff, v18;
	v9 =	vmul.f32 $8.000000000e+00, v45  }
0x156: {  	v7 =	vmul.f32 v19, v7;
	v54 =	vld [tilespmem:s25+$0x70];
	[tilespmem:v46+s22+$0x0] =	vst.idx.msk $0xffff, v52;
	v34 =	vmul.f32 $8.000000000e+00, v48;
	v56 =	vadd.f32 v53, v6  }
0x157: {  	v60 =	vadd.s32 v3, v27;
	[tilespmem:v49+s22+$0x0] =	vst.idx.msk $0xffff, v29;
	v58 =	vld [tilespmem:s25+$0xFFFFFFB0];
	v59 =	vmul.f32 $8.000000000e+00, v50;
	v9 =	vadd.f32 v9, v6  }
0x158: {  	v62 =	vadd.s32 v3, v24;
	v61 =	vld [tilespmem:s25+$0x30];
	v34 =	vadd.f32 v34, v6;
	v18 =	vmul.f32 v56, v25  }
0x159: {  	[tilespmem:v17+s22+$0x0] =	vst.idx.msk $0xffff, v7;
	v6 =	vadd.f32 v59, v6;
	v9 =	vmul.f32 v9, v23  }
0x15a: {  	v40 =	vmul.f32 $8.000000000e+00, v33;
	v36 =	vmul.f32 v34, v26;
	[tilespmem:v55+s22+$0x0] =	vst.idx.msk $0xffff, v18  }
0x15b: {  	v63 =	vmul.f32 $8.000000000e+00, v54;
	v6 =	vmul.f32 v6, v22;
	[tilespmem:v57+s22+$0x0] =	vst.idx.msk $0xffff, v9;
	v41 =	vld [tilespmem:s30+$0x70]  }
0x15c: {  	v7 =	vadd.s32 v4, v16;
	v45 =	vadd.s32 v4, v15;
	v43 =	vmul.f32 $8.000000000e+00, v58;
	v44 =	vld [tilespmem:s30+$0xFFFFFFF0];
	[tilespmem:v60+s22+$0x0] =	vst.idx.msk $0xffff, v36  }
0x15d: {  	v46 =	vadd.f32 v40, v5;
	v19 =	vadd.f32 v63, v5;
	v47 =	vmul.f32 $8.000000000e+00, v61;
	[tilespmem:v62+s22+$0x0] =	vst.idx.msk $0xffff, v6;
	v6 =	vld [tilespmem:s30+$0x30]  }
0x15e: {  	v42 =	vadd.s32 v4, v20;
	v53 =	vadd.s32 v4, v13;
	v48 =	vadd.f32 v43, v5;
	v49 =	vld [tilespmem:s30+$0xFFFFFFB0]  }
0x15f: {  	v51 =	vmul.f32 v46, v12;
	v50 =	vmul.f32 v19, v11;
	v52 =	vadd.f32 v47, v5  }
0x160: {  	v63 =	vadd.s32 v4, v24;
	v54 =	vmul.f32 v48, v8;
	v55 =	vmul.f32 $8.000000000e+00, v41  }
0x161: {  	[tilespmem:v21+s22+$0x0] =	vst.idx.msk $0xffff, v10;
	v57 =	vadd.s32 v4, v30;
	v56 =	vmul.f32 v52, v14;
	v58 =	vmul.f32 $8.000000000e+00, v44  }
0x162: {  	[tilespmem:v45+s22+$0x0] =	vst.idx.msk $0xffff, v51;
	v60 =	vadd.s32 v4, v28;
	v6 =	vmul.f32 $8.000000000e+00, v6;
	v59 =	vadd.f32 v55, v5  }
0x163: {  	v62 =	vadd.s32 v4, v27;
	[tilespmem:v7+s22+$0x0] =	vst.idx.msk $0xffff, v56;
	v7 =	vmul.f32 $8.000000000e+00, v49;
	v61 =	vadd.f32 v58, v5  }
0x164: {  	[tilespmem:v42+s22+$0x0] =	vst.idx.msk $0xffff, v50;
	v6 =	vadd.f32 v6, v5;
	v12 =	vmul.f32 v59, v25  }
0x165: {  	[tilespmem:v53+s22+$0x0] =	vst.idx.msk $0xffff, v54;
	v5 =	vadd.f32 v7, v5;
	v7 =	vmul.f32 v61, v23  }
0x166: {  	s30 =	sshll.u32 s18, $0x13;
	v6 =	vmul.f32 v6, v26;
	[tilespmem:v57+s22+$0x0] =	vst.idx.msk $0xffff, v12  }
0x167: {  	s0 =	sor.u32 s4, s30;
	v5 =	vmul.f32 v5, v22;
	[tilespmem:v60+s22+$0x0] =	vst.idx.msk $0xffff, v7  }
0x168: {  	s30 =	sshrl.u32 s0, $0x3;
	[tilespmem:v62+s22+$0x0] =	vst.idx.msk $0xffff, v6  }
0x169: {  	s25 =	simm.s32 $0x0;
	s0 =	sadd.s32 s2, s30;
	[tilespmem:v63+s22+$0x0] =	vst.idx.msk $0xffff, v5  }
0x16a: {  	[hbm4b:s0+s25] =	stream.linear.scatter [tilespmem:s22], [sflag:$0x3], $0x80, $0x38;
	[tilespmem:$0x11B80] =	vst v63  }
0x16b: {  	s31 =	simm.s32 $0xA588;
	s15 =	sadd.s32 $0x10, s0  }
0x16c: {  	[hbm4b:s15+s25] =	stream.linear.scatter [tilespmem:s31], [sflag:$0x3], $0x80, $0x38;
	[tilespmem:$0x11B80] =	vst v63  }
0x16d: {  	s15 =	sadd.s32 $0x20, s0;
	s31 =	simm.s32 $0xA610  }
0x16e: {  	[hbm4b:s15+s25] =	stream.linear.scatter [tilespmem:s31], [sflag:$0x3], $0x80, $0x38;
	[tilespmem:$0x11B80] =	vst v63  }
0x16f: {  	s15 =	sadd.s32 $0x30, s0;
	s31 =	simm.s32 $0xA698  }
0x170: {  	[hbm4b:s15+s25] =	stream.linear.scatter [tilespmem:s31], [sflag:$0x3], $0x80, $0x38;
	[tilespmem:$0x11B80] =	vst v63  }
0x171: {  	s15 =	sadd.s32 $0x40, s0;
	s31 =	simm.s32 $0xA720  }
0x172: {  	[hbm4b:s15+s25] =	stream.linear.scatter [tilespmem:s31], [sflag:$0x3], $0x80, $0x38;
	[tilespmem:$0x11B80] =	vst v63  }
0x173: {  	s15 =	sadd.s32 $0x50, s0;
	s31 =	simm.s32 $0xA7A8  }
0x174: {  	[hbm4b:s15+s25] =	stream.linear.scatter [tilespmem:s31], [sflag:$0x3], $0x80, $0x38;
	[tilespmem:$0x11B80] =	vst v63  }
0x175: {  	s15 =	sadd.s32 $0x60, s0;
	s31 =	simm.s32 $0xA830  }
0x176: {  	[hbm4b:s15+s25] =	stream.linear.scatter [tilespmem:s31], [sflag:$0x3], $0x80, $0x38;
	[tilespmem:$0x11B80] =	vst v63  }
0x177: {  	s0 =	sadd.s32 $0x70, s0;
	s31 =	simm.s32 $0xA8B8  }
0x178: {  	[hbm4b:s0+s25] =	stream.linear.scatter [tilespmem:s31], [sflag:$0x3], $0x80, $0x38;
	[tilespmem:$0x11B80] =	vst v63  }
0x179: {  	s0 =	sadd.s32 s30, s6;
	s31 =	simm.s32 $0xA940  }
0x17a: {  	[hbm4b:s0+s25] =	stream.linear.scatter [tilespmem:s31], [sflag:$0x3], $0x80, $0x38;
	[tilespmem:$0x11B80] =	vst v63  }
0x17b: {  	s15 =	sadd.s32 $0x10, s0;
	s31 =	simm.s32 $0xA9C8  }
0x17c: {  	[hbm4b:s15+s25] =	stream.linear.scatter [tilespmem:s31], [sflag:$0x3], $0x80, $0x38;
	[tilespmem:$0x11B80] =	vst v63  }
0x17d: {  	s15 =	sadd.s32 $0x20, s0;
	s31 =	simm.s32 $0xAA50  }
0x17e: {  	[hbm4b:s15+s25] =	stream.linear.scatter [tilespmem:s31], [sflag:$0x3], $0x80, $0x38;
	[tilespmem:$0x11B80] =	vst v63  }
0x17f: {  	s15 =	sadd.s32 $0x30, s0;
	s31 =	simm.s32 $0xAAD8  }
0x180: {  	[hbm4b:s15+s25] =	stream.linear.scatter [tilespmem:s31], [sflag:$0x3], $0x80, $0x38;
	[tilespmem:$0x11B80] =	vst v63  }
0x181: {  	s15 =	sadd.s32 $0x40, s0;
	s31 =	simm.s32 $0xAB60  }
0x182: {  	[hbm4b:s15+s25] =	stream.linear.scatter [tilespmem:s31], [sflag:$0x3], $0x80, $0x38;
	[tilespmem:$0x11B80] =	vst v63  }
0x183: {  	s15 =	sadd.s32 $0x50, s0;
	s31 =	simm.s32 $0xABE8  }
0x184: {  	[hbm4b:s15+s25] =	stream.linear.scatter [tilespmem:s31], [sflag:$0x3], $0x80, $0x38;
	[tilespmem:$0x11B80] =	vst v63  }
0x185: {  	s15 =	sadd.s32 $0x60, s0;
	s31 =	simm.s32 $0xAC70  }
0x186: {  	[hbm4b:s15+s25] =	stream.linear.scatter [tilespmem:s31], [sflag:$0x3], $0x80, $0x38;
	[tilespmem:$0x11B80] =	vst v63  }
0x187: {  	s0 =	sadd.s32 $0x70, s0;
	s31 =	simm.s32 $0xACF8  }
0x188: {  	[hbm4b:s0+s25] =	stream.linear.scatter [tilespmem:s31], [sflag:$0x3], $0x80, $0x38;
	[tilespmem:$0x11B80] =	vst v63  }
0x189: {  	s0 =	sadd.s32 s30, s8;
	s31 =	simm.s32 $0xAD80  }
0x18a: {  	[hbm4b:s0+s25] =	stream.linear.scatter [tilespmem:s31], [sflag:$0x3], $0x80, $0x38;
	[tilespmem:$0x11B80] =	vst v63  }
0x18b: {  	s15 =	sadd.s32 $0x10, s0;
	s31 =	simm.s32 $0xAE08  }
0x18c: {  	[hbm4b:s15+s25] =	stream.linear.scatter [tilespmem:s31], [sflag:$0x3], $0x80, $0x38;
	[tilespmem:$0x11B80] =	vst v63  }
0x18d: {  	s15 =	sadd.s32 $0x20, s0;
	s31 =	simm.s32 $0xAE90  }
0x18e: {  	[hbm4b:s15+s25] =	stream.linear.scatter [tilespmem:s31], [sflag:$0x3], $0x80, $0x38;
	[tilespmem:$0x11B80] =	vst v63  }
0x18f: {  	s15 =	sadd.s32 $0x30, s0;
	s31 =	simm.s32 $0xAF18  }
0x190: {  	[hbm4b:s15+s25] =	stream.linear.scatter [tilespmem:s31], [sflag:$0x3], $0x80, $0x38;
	[tilespmem:$0x11B80] =	vst v63  }
0x191: {  	s15 =	sadd.s32 $0x40, s0;
	s31 =	simm.s32 $0xAFA0  }
0x192: {  	[hbm4b:s15+s25] =	stream.linear.scatter [tilespmem:s31], [sflag:$0x3], $0x80, $0x38;
	[tilespmem:$0x11B80] =	vst v63  }
0x193: {  	s15 =	sadd.s32 $0x50, s0;
	s31 =	simm.s32 $0xB028  }
0x194: {  	[hbm4b:s15+s25] =	stream.linear.scatter [tilespmem:s31], [sflag:$0x3], $0x80, $0x38;
	[tilespmem:$0x11B80] =	vst v63  }
0x195: {  	s15 =	sadd.s32 $0x60, s0;
	s31 =	simm.s32 $0xB0B0  }
0x196: {  	[hbm4b:s15+s25] =	stream.linear.scatter [tilespmem:s31], [sflag:$0x3], $0x80, $0x38;
	[tilespmem:$0x11B80] =	vst v63  }
0x197: {  	s0 =	sadd.s32 $0x70, s0;
	s31 =	simm.s32 $0xB138  }
0x198: {  	[hbm4b:s0+s25] =	stream.linear.scatter [tilespmem:s31], [sflag:$0x3], $0x80, $0x38;
	[tilespmem:$0x11B80] =	vst v63  }
0x199: {  	s0 =	sadd.s32 s30, s9;
	s31 =	simm.s32 $0xB1C0  }
0x19a: {  	[hbm4b:s0+s25] =	stream.linear.scatter [tilespmem:s31], [sflag:$0x3], $0x80, $0x38;
	[tilespmem:$0x11B80] =	vst v63  }
0x19b: {  	s15 =	sadd.s32 $0x10, s0;
	s31 =	simm.s32 $0xB248  }
0x19c: {  	[hbm4b:s15+s25] =	stream.linear.scatter [tilespmem:s31], [sflag:$0x3], $0x80, $0x38;
	[tilespmem:$0x11B80] =	vst v63  }
0x19d: {  	s15 =	sadd.s32 $0x20, s0;
	s31 =	simm.s32 $0xB2D0  }
0x19e: {  	[hbm4b:s15+s25] =	stream.linear.scatter [tilespmem:s31], [sflag:$0x3], $0x80, $0x38;
	[tilespmem:$0x11B80] =	vst v63  }
0x19f: {  	s15 =	sadd.s32 $0x30, s0;
	s31 =	simm.s32 $0xB358  }
0x1a0: {  	[hbm4b:s15+s25] =	stream.linear.scatter [tilespmem:s31], [sflag:$0x3], $0x80, $0x38;
	[tilespmem:$0x11B80] =	vst v63  }
0x1a1: {  	s15 =	sadd.s32 $0x40, s0;
	s31 =	simm.s32 $0xB3E0  }
0x1a2: {  	[hbm4b:s15+s25] =	stream.linear.scatter [tilespmem:s31], [sflag:$0x3], $0x80, $0x38;
	[tilespmem:$0x11B80] =	vst v63  }
0x1a3: {  	s15 =	sadd.s32 $0x50, s0;
	s31 =	simm.s32 $0xB468  }
0x1a4: {  	[hbm4b:s15+s25] =	stream.linear.scatter [tilespmem:s31], [sflag:$0x3], $0x80, $0x38;
	[tilespmem:$0x11B80] =	vst v63  }
0x1a5: {  	s15 =	sadd.s32 $0x60, s0;
	s31 =	simm.s32 $0xB4F0  }
0x1a6: {  	[hbm4b:s15+s25] =	stream.linear.scatter [tilespmem:s31], [sflag:$0x3], $0x80, $0x38;
	[tilespmem:$0x11B80] =	vst v63  }
0x1a7: {  	s0 =	sadd.s32 $0x70, s0;
	s31 =	simm.s32 $0xB578  }
0x1a8: {  	[hbm4b:s0+s25] =	stream.linear.scatter [tilespmem:s31], [sflag:$0x3], $0x80, $0x38;
	[tilespmem:$0x11B80] =	vst v63  }
0x1a9: {  	s0 =	sadd.s32 s30, s10;
	s31 =	simm.s32 $0xB600  }
0x1aa: {  	[hbm4b:s0+s25] =	stream.linear.scatter [tilespmem:s31], [sflag:$0x3], $0x80, $0x38;
	[tilespmem:$0x11B80] =	vst v63  }
0x1ab: {  	s15 =	sadd.s32 $0x10, s0;
	s31 =	simm.s32 $0xB688  }
0x1ac: {  	[hbm4b:s15+s25] =	stream.linear.scatter [tilespmem:s31], [sflag:$0x3], $0x80, $0x38;
	[tilespmem:$0x11B80] =	vst v63  }
0x1ad: {  	s15 =	sadd.s32 $0x20, s0;
	s31 =	simm.s32 $0xB710  }
0x1ae: {  	[hbm4b:s15+s25] =	stream.linear.scatter [tilespmem:s31], [sflag:$0x3], $0x80, $0x38;
	[tilespmem:$0x11B80] =	vst v63  }
0x1af: {  	s15 =	sadd.s32 $0x30, s0;
	s31 =	simm.s32 $0xB798  }
0x1b0: {  	[hbm4b:s15+s25] =	stream.linear.scatter [tilespmem:s31], [sflag:$0x3], $0x80, $0x38;
	[tilespmem:$0x11B80] =	vst v63  }
0x1b1: {  	s15 =	sadd.s32 $0x40, s0;
	s31 =	simm.s32 $0xB820  }
0x1b2: {  	[hbm4b:s15+s25] =	stream.linear.scatter [tilespmem:s31], [sflag:$0x3], $0x80, $0x38;
	[tilespmem:$0x11B80] =	vst v63  }
0x1b3: {  	s15 =	sadd.s32 $0x50, s0;
	s31 =	simm.s32 $0xB8A8  }
0x1b4: {  	[hbm4b:s15+s25] =	stream.linear.scatter [tilespmem:s31], [sflag:$0x3], $0x80, $0x38;
	[tilespmem:$0x11B80] =	vst v63  }
0x1b5: {  	s15 =	sadd.s32 $0x60, s0;
	s31 =	simm.s32 $0xB930  }
0x1b6: {  	[hbm4b:s15+s25] =	stream.linear.scatter [tilespmem:s31], [sflag:$0x3], $0x80, $0x38;
	[tilespmem:$0x11B80] =	vst v63  }
0x1b7: {  	s0 =	sadd.s32 $0x70, s0;
	s31 =	simm.s32 $0xB9B8  }
0x1b8: {  	[hbm4b:s0+s25] =	stream.linear.scatter [tilespmem:s31], [sflag:$0x3], $0x80, $0x38;
	[tilespmem:$0x11B80] =	vst v63  }
0x1b9: {  	s0 =	sadd.s32 s30, s11;
	s31 =	simm.s32 $0xBA40  }
0x1ba: {  	[hbm4b:s0+s25] =	stream.linear.scatter [tilespmem:s31], [sflag:$0x3], $0x80, $0x38;
	[tilespmem:$0x11B80] =	vst v63  }
0x1bb: {  	s15 =	sadd.s32 $0x10, s0;
	s31 =	simm.s32 $0xBAC8  }
0x1bc: {  	[hbm4b:s15+s25] =	stream.linear.scatter [tilespmem:s31], [sflag:$0x3], $0x80, $0x38;
	[tilespmem:$0x11B80] =	vst v63  }
0x1bd: {  	s15 =	sadd.s32 $0x20, s0;
	s31 =	simm.s32 $0xBB50  }
0x1be: {  	[hbm4b:s15+s25] =	stream.linear.scatter [tilespmem:s31], [sflag:$0x3], $0x80, $0x38;
	[tilespmem:$0x11B80] =	vst v63  }
0x1bf: {  	s15 =	sadd.s32 $0x30, s0;
	s31 =	simm.s32 $0xBBD8  }
0x1c0: {  	[hbm4b:s15+s25] =	stream.linear.scatter [tilespmem:s31], [sflag:$0x3], $0x80, $0x38;
	[tilespmem:$0x11B80] =	vst v63  }
0x1c1: {  	s15 =	sadd.s32 $0x40, s0;
	s31 =	simm.s32 $0xBC60  }
0x1c2: {  	[hbm4b:s15+s25] =	stream.linear.scatter [tilespmem:s31], [sflag:$0x3], $0x80, $0x38;
	[tilespmem:$0x11B80] =	vst v63  }
0x1c3: {  	s15 =	sadd.s32 $0x50, s0;
	s31 =	simm.s32 $0xBCE8  }
0x1c4: {  	[hbm4b:s15+s25] =	stream.linear.scatter [tilespmem:s31], [sflag:$0x3], $0x80, $0x38;
	[tilespmem:$0x11B80] =	vst v63  }
0x1c5: {  	s15 =	sadd.s32 $0x60, s0;
	s31 =	simm.s32 $0xBD70  }
0x1c6: {  	[hbm4b:s15+s25] =	stream.linear.scatter [tilespmem:s31], [sflag:$0x3], $0x80, $0x38;
	[tilespmem:$0x11B80] =	vst v63  }
0x1c7: {  	s0 =	sadd.s32 $0x70, s0;
	s31 =	simm.s32 $0xBDF8  }
0x1c8: {  	[hbm4b:s0+s25] =	stream.linear.scatter [tilespmem:s31], [sflag:$0x3], $0x80, $0x38;
	[tilespmem:$0x11B80] =	vst v63  }
0x1c9: {  	s0 =	sadd.s32 s30, s12;
	s31 =	simm.s32 $0xBE80  }
0x1ca: {  	[hbm4b:s0+s25] =	stream.linear.scatter [tilespmem:s31], [sflag:$0x3], $0x80, $0x38;
	[tilespmem:$0x11B80] =	vst v63  }
0x1cb: {  	s15 =	sadd.s32 $0x10, s0;
	s31 =	simm.s32 $0xBF08  }
0x1cc: {  	[hbm4b:s15+s25] =	stream.linear.scatter [tilespmem:s31], [sflag:$0x3], $0x80, $0x38;
	[tilespmem:$0x11B80] =	vst v63  }
0x1cd: {  	s15 =	sadd.s32 $0x20, s0;
	s31 =	simm.s32 $0xBF90  }
0x1ce: {  	[hbm4b:s15+s25] =	stream.linear.scatter [tilespmem:s31], [sflag:$0x3], $0x80, $0x38;
	[tilespmem:$0x11B80] =	vst v63  }
0x1cf: {  	s15 =	sadd.s32 $0x30, s0;
	s31 =	simm.s32 $0xC018  }
0x1d0: {  	[hbm4b:s15+s25] =	stream.linear.scatter [tilespmem:s31], [sflag:$0x3], $0x80, $0x38;
	[tilespmem:$0x11B80] =	vst v63  }
0x1d1: {  	s15 =	sadd.s32 $0x40, s0;
	s31 =	simm.s32 $0xC0A0  }
0x1d2: {  	[hbm4b:s15+s25] =	stream.linear.scatter [tilespmem:s31], [sflag:$0x3], $0x80, $0x38;
	[tilespmem:$0x11B80] =	vst v63  }
0x1d3: {  	s15 =	sadd.s32 $0x50, s0;
	s31 =	simm.s32 $0xC128  }
0x1d4: {  	[hbm4b:s15+s25] =	stream.linear.scatter [tilespmem:s31], [sflag:$0x3], $0x80, $0x38;
	[tilespmem:$0x11B80] =	vst v63  }
0x1d5: {  	s15 =	sadd.s32 $0x60, s0;
	s31 =	simm.s32 $0xC1B0  }
0x1d6: {  	[hbm4b:s15+s25] =	stream.linear.scatter [tilespmem:s31], [sflag:$0x3], $0x80, $0x38;
	[tilespmem:$0x11B80] =	vst v63  }
0x1d7: {  	s0 =	sadd.s32 $0x70, s0;
	s31 =	simm.s32 $0xC238  }
0x1d8: {  	[hbm4b:s0+s25] =	stream.linear.scatter [tilespmem:s31], [sflag:$0x3], $0x80, $0x38;
	[tilespmem:$0x11B80] =	vst v63  }
0x1d9: {  	s0 =	sadd.s32 s30, s13;
	s30 =	simm.s32 $0xC2C0  }
0x1da: {  	[hbm4b:s0+s25] =	stream.linear.scatter [tilespmem:s30], [sflag:$0x3], $0x80, $0x38;
	[tilespmem:$0x11B80] =	vst v63  }
0x1db: {  	s31 =	simm.s32 $0xC348;
	s15 =	sadd.s32 $0x10, s0  }
0x1dc: {  	[hbm4b:s15+s25] =	stream.linear.scatter [tilespmem:s31], [sflag:$0x3], $0x80, $0x38;
	[tilespmem:$0x11B80] =	vst v63  }
0x1dd: {  	s15 =	sadd.s32 $0x20, s0;
	s31 =	simm.s32 $0xC3D0  }
0x1de: {  	[hbm4b:s15+s25] =	stream.linear.scatter [tilespmem:s31], [sflag:$0x3], $0x80, $0x38;
	[tilespmem:$0x11B80] =	vst v63  }
0x1df: {  	s15 =	sadd.s32 $0x30, s0;
	s31 =	simm.s32 $0xC458  }
0x1e0: {  	[hbm4b:s15+s25] =	stream.linear.scatter [tilespmem:s31], [sflag:$0x3], $0x80, $0x38;
	[tilespmem:$0x11B80] =	vst v63  }
0x1e1: {  	s15 =	sadd.s32 $0x40, s0;
	s31 =	simm.s32 $0xC4E0  }
0x1e2: {  	[hbm4b:s15+s25] =	stream.linear.scatter [tilespmem:s31], [sflag:$0x3], $0x80, $0x38;
	[tilespmem:$0x11B80] =	vst v63  }
0x1e3: {  	p1 =	seq.s32 s18, $0x63;
	s15 =	sadd.s32 $0x50, s0;
	s31 =	simm.s32 $0xC568  }
0x1e4: {  	[hbm4b:s15+s25] =	stream.linear.scatter [tilespmem:s31], [sflag:$0x3], $0x80, $0x38;
	[tilespmem:$0x11B80] =	vst v63  }
.Ltmp3:
0x1e5: {  	_ = 	snop;
	(pc) =	sbr.rel @p1 .LBB2_12-.Ltmp3, $4  }
0x1e6: {  	s15 =	sadd.s32 $0x60, s0;
	s31 =	simm.s32 $0xC5F0  }
0x1e7: {  	[hbm4b:s15+s25] =	stream.linear.scatter [tilespmem:s31], [sflag:$0x3], $0x80, $0x38;
	[tilespmem:$0x11B80] =	vst v63  }
0x1e8: {  	s0 =	sadd.s32 $0x70, s0;
	s31 =	simm.s32 $0xC678  }
0x1e9: {  	[hbm4b:s0+s25] =	stream.linear.scatter [tilespmem:s31], [sflag:$0x3], $0x80, $0x38;
	[tilespmem:$0x11B80] =	vst v63  }
0x1ea: {  	s15 =	sadd.s32 $0x0, s24  }
0x1eb: {  	s0 =	simm.s32 $0x0;
	s25 =	simm.s32 $0x40;
	v5 =	vld [tilespmem:s15+$0x0]  }
.LBB2_10:
0x1ec: {  	p1 =	sne.s32 s25, $0x1C0  }
.Ltmp4:
0x1ed: {  	_ = 	snop;
	(pc) =	sbr.rel @p1 .LBB2_10-.Ltmp4, $4  }
0x1ee: {  	_ = 	snop  }
0x1ef: {  	s15 =	sshra.s32 s25, $0x2;
	s25 =	sadd.s32 $0x40, s25  }
0x1f0: {  	s30 =	sadd.s32 s15, s24;
	v6 =	vshll.u32 v5, $0x1  }
0x1f1: {  	v5 =	vld [tilespmem:s30+$0x0];
	[tilespmem:s0+$0x6400] =	vst v6;
	s0 =	smov.u32 s15  }
0x1f2: {  	_ =	sdelay $0x1  }
.Ltmp5:
0x1f3: {  	_ = 	snop;
	(pc) =	sbr.rel @p0 .LBB2_13-.Ltmp5, $4  }
0x1f4: {  	_ = 	snop  }
0x1f5: {  	v5 =	vshll.u32 v5, $0x1  }
0x1f6: {  	s31 =	simm.s32 $0x80;
	s15 =	simm.s32 $0x6400;
	s24 =	simm.s32 $0x6500;
	[tilespmem:s0+$0x6400] =	vst v5  }
0x1f7: {  	[tilespmem:s24], [sflag:$0x1] =	stream.indirect.gather [hbm4b:s5+s31], $0x40, s15, s31, $0xb8;
	[tilespmem:$0x11B80] =	vst v63  }
.LBB2_12:
0x1f8: {  	_ =	swait.ge [sflag:s26], $0x400  }
0x1f9: {  	[sflag:s26] =	ssyncset.done $0x0  }
0x1fa: {  	[sflag:s26] =	ssyncadd.s32 $0xFFFFFC00  }
0x1fb: {  	_ =	swait.ge [sflag:s26], $0x400  }
0x1fc: {  	[sflag:s26] =	ssyncset.done $0x0  }
0x1fd: {  	[sflag:s26] =	ssyncadd.s32 $0xFFFFFC00  }
0x1fe: {  	_ =	swait.ge [sflag:s26], $0x400  }
0x1ff: {  	[sflag:s26] =	ssyncset.done $0x0  }
0x200: {  	[sflag:s26] =	ssyncadd.s32 $0xFFFFFC00  }
0x201: {  	_ =	swait.ge [sflag:s26], $0x400  }
0x202: {  	[sflag:s26] =	ssyncset.done $0x0  }
0x203: {  	[sflag:s26] =	ssyncadd.s32 $0xFFFFFC00  }
0x204: {  	_ =	swait.ge [sflag:s26], $0x400  }
0x205: {  	[sflag:s26] =	ssyncset.done $0x0  }
0x206: {  	[sflag:s26] =	ssyncadd.s32 $0xFFFFFC00  }
0x207: {  	_ =	swait.ge [sflag:s26], $0x400  }
0x208: {  	[sflag:s26] =	ssyncset.done $0x0  }
0x209: {  	[sflag:s26] =	ssyncadd.s32 $0xFFFFFC00  }
0x20a: {  	_ =	swait.ge [sflag:s26], $0x400  }
0x20b: {  	[sflag:s26] =	ssyncset.done $0x0  }
0x20c: {  	[sflag:s26] =	ssyncadd.s32 $0xFFFFFC00  }
0x20d: {  	_ =	swait.ge [sflag:s26], $0x400  }
0x20e: {  	[sflag:s26] =	ssyncset.done $0x0  }
0x20f: {  	[sflag:s26] =	ssyncadd.s32 $0xFFFFFC00  }
.LBB2_13:
0x210: {  	_ =	swait.ge [sflag:s28], $0x2000  }
0x211: {  	[sflag:s28] =	ssyncset.done $0x0  }
0x212: {  	[sflag:s28] =	ssyncadd.s32 $0xFFFFE000  }
0x213: {  	v5 =	vld [tilespmem:s23+$0x0];
	_ =	sdelay $0x4  }
0x214: {  	vm0 =	veq.s32 v5, $0x0  }
0x215: {  	v5 =	vsel vm0, $0x0, v1  }
0x216: {  	[tilespmem:$0x11B00] =	vst v5  }
0x217: {  	v5 =	vld [tilespmem:s23+$0x10];
	_ =	sdelay $0x4  }
0x218: {  	vm9 =	veq.s32 v5, $0x0  }
0x219: {  	v5 =	vsel vm9, $0x0, v1  }
0x21a: {  	[tilespmem:$0x11B10] =	vst v5  }
0x21b: {  	v5 =	vld [tilespmem:s23+$0x20];
	_ =	sdelay $0x4  }
0x21c: {  	vm10 =	veq.s32 v5, $0x0  }
0x21d: {  	v5 =	vsel vm10, $0x0, v1  }
0x21e: {  	[tilespmem:$0x11B20] =	vst v5  }
0x21f: {  	v5 =	vld [tilespmem:s23+$0x30];
	_ =	sdelay $0x4  }
0x220: {  	vm11 =	veq.s32 v5, $0x0  }
0x221: {  	v5 =	vsel vm11, $0x0, v1  }
0x222: {  	[tilespmem:$0x11B30] =	vst v5  }
0x223: {  	v5 =	vld [tilespmem:s23+$0x40];
	_ =	sdelay $0x4  }
0x224: {  	vm12 =	veq.s32 v5, $0x0  }
0x225: {  	v5 =	vsel vm12, $0x0, v1  }
0x226: {  	[tilespmem:$0x11B40] =	vst v5  }
0x227: {  	v5 =	vld [tilespmem:s23+$0x50];
	_ =	sdelay $0x4  }
0x228: {  	vm13 =	veq.s32 v5, $0x0  }
0x229: {  	v5 =	vsel vm13, $0x0, v1  }
0x22a: {  	[tilespmem:$0x11B50] =	vst v5  }
0x22b: {  	v5 =	vld [tilespmem:s23+$0x60];
	_ =	sdelay $0x4  }
0x22c: {  	vm14 =	veq.s32 v5, $0x0  }
0x22d: {  	v5 =	vsel vm14, $0x0, v1  }
0x22e: {  	[tilespmem:$0x11B60] =	vst v5  }
0x22f: {  	v5 =	vld [tilespmem:s23+$0x70];
	_ =	sdelay $0x4  }
0x230: {  	vm15 =	veq.s32 v5, $0x0  }
0x231: {  	s0 =	simm.s32 $0x3;
	v5 =	vsel vm15, $0x0, v1  }
0x232: {  	s15 =	sshll.u32 s19, $0x6;
	s24 =	simm.s32 $0x8580;
	[tilespmem:$0x11B70] =	vst v5;
	v5 =	vmov s0  }
0x233: {  	s0 =	sand.u32 $0x3FFFFFC0, s15;
	v7 =	vld [tilespmem:s24+$0x40]  }
0x234: {  	v18 =	vld [tilespmem:s0+$0xE900]  }
0x235: {  	s25 =	simm.s32 $0x0;
	v9 =	vld [tilespmem:s0+$0xE910]  }
0x236: {  	s30 =	simm.s32 $0x1;
	v8 =	vmov s25;
	v6 =	vld [tilespmem:s0+$0xE920]  }
0x237: {  	v11 =	vmov s30;
	v23 =	vld.idx.msk [tilespmem:v5+s21+$0x0], $0xffff  }
0x238: {  	s31 =	simm.s32 $0x2;
	v12 =	vld [tilespmem:s24+$0xFFFFFF80];
	v22 =	vand.u32 $0x7F, v5;
	v7 =	vmul.f32 $8.000000000e+00, v7  }
0x239: {  	v13 =	vmov s31;
	v14 =	vld [tilespmem:s24+$0xFFFFFFC0];
	v15 =	vadd.s32 v0, v22  }
0x23a: {  	v16 =	vld [tilespmem:s24+$0x0];
	v7 =	vadd.f32 v7, v18  }
0x23b: {  	v10 =	vld.idx.msk [tilespmem:v8+s21+$0x0], $0xffff  }
0x23c: {  	v21 =	vand.u32 $0x7C, v8;
	v19 =	vld.idx.msk [tilespmem:v11+s21+$0x0], $0xffff;
	v8 =	vmul.f32 v7, v23  }
0x23d: {  	v25 =	vand.u32 $0x7D, v11;
	v5 =	vld [tilespmem:s0+$0xE930];
	v12 =	vmul.f32 $8.000000000e+00, v12  }
0x23e: {  	v17 =	vand.u32 $0x7E, v13;
	v20 =	vadd.s32 v0, v21;
	v11 =	vmul.f32 $8.000000000e+00, v14;
	v7 =	vld.idx.msk [tilespmem:v13+s21+$0x0], $0xffff;
	[tilespmem:v15+s29+$0x0] =	vst.idx.msk $0xffff, v8  }
0x23f: {  	v13 =	vmul.f32 $8.000000000e+00, v16;
	v8 =	vadd.f32 v12, v18;
	v12 =	vadd.s32 v0, v25;
	v14 =	vld [tilespmem:s24+$0x50]  }
0x240: {  	v11 =	vadd.f32 v11, v18;
	v15 =	vadd.s32 v0, v17  }
0x241: {  	v13 =	vadd.f32 v13, v18;
	v8 =	vmul.f32 v8, v10  }
0x242: {  	v11 =	vmul.f32 v11, v19  }
0x243: {  	[tilespmem:v20+s29+$0x0] =	vst.idx.msk $0xffff, v8;
	v8 =	vmul.f32 v13, v7  }
0x244: {  	v13 =	vld [tilespmem:s24+$0xFFFFFF90];
	[tilespmem:v12+s29+$0x0] =	vst.idx.msk $0xffff, v11;
	v12 =	vmul.f32 $8.000000000e+00, v14  }
0x245: {  	v14 =	vld [tilespmem:s24+$0xFFFFFFD0];
	[tilespmem:v15+s29+$0x0] =	vst.idx.msk $0xffff, v8;
	v15 =	vadd.s32 v2, v22  }
0x246: {  	v20 =	vld [tilespmem:s24+$0x10];
	v8 =	vadd.f32 v12, v9;
	_ =	sdelay $0x1  }
0x247: {  	s30 =	simm.s32 $0x5;
	s31 =	simm.s32 $0x7;
	s23 =	simm.s32 $0x8680;
	v24 =	vmul.f32 v8, v23  }
0x248: {  	s25 =	simm.s32 $0x4;
	v26 =	vmov s31;
	v27 =	vadd.s32 v2, v17;
	v28 =	vld [tilespmem:s23+$0x40];
	v16 =	vmov s30  }
0x249: {  	v30 =	vadd.s32 v2, v21;
	v33 =	vld [tilespmem:s23+$0xFFFFFFC0];
	v11 =	vmov s25;
	v14 =	vmul.f32 $8.000000000e+00, v14;
	[tilespmem:v15+s29+$0x0] =	vst.idx.msk $0xffff, v24  }
0x24a: {  	v13 =	vmul.f32 $8.000000000e+00, v13;
	v15 =	vadd.s32 v2, v25;
	v20 =	vmul.f32 $8.000000000e+00, v20;
	v24 =	vld [tilespmem:s24+$0x60]  }
0x24b: {  	v35 =	vadd.s32 v3, v21;
	v38 =	vadd.s32 v3, v25;
	v31 =	vld [tilespmem:s23+$0xFFFFFF80];
	v14 =	vadd.f32 v14, v9  }
0x24c: {  	v59 =	vadd.s32 v3, v17;
	s15 =	simm.s32 $0x6;
	v36 =	vld [tilespmem:s23+$0x0];
	v13 =	vadd.f32 v13, v9;
	v20 =	vadd.f32 v20, v9  }
0x24d: {  	v21 =	vadd.s32 v4, v21;
	v29 =	vmov s15;
	v12 =	vld.idx.msk [tilespmem:v16+s21+$0x0], $0xffff;
	v14 =	vmul.f32 v14, v19  }
0x24e: {  	v8 =	vld.idx.msk [tilespmem:v11+s21+$0x0], $0xffff;
	v32 =	vmul.f32 v13, v10;
	v13 =	vand.u32 $0x7C, v11;
	v20 =	vmul.f32 v20, v7  }
0x24f: {  	v33 =	vmul.f32 $8.000000000e+00, v33;
	v11 =	vld.idx.msk [tilespmem:v26+s21+$0x0], $0xffff;
	v34 =	vadd.s32 v0, v13;
	[tilespmem:v15+s29+$0x0] =	vst.idx.msk $0xffff, v14;
	v14 =	vmul.f32 $8.000000000e+00, v24  }
0x250: {  	[tilespmem:v27+s29+$0x0] =	vst.idx.msk $0xffff, v20;
	v24 =	vmul.f32 $8.000000000e+00, v28;
	v20 =	vand.u32 $0x7F, v26;
	v26 =	vld [tilespmem:s24+$0xFFFFFFE0];
	v27 =	vadd.s32 v3, v22  }
0x251: {  	[tilespmem:v30+s29+$0x0] =	vst.idx.msk $0xffff, v32;
	v28 =	vmul.f32 $8.000000000e+00, v31;
	v30 =	vadd.s32 v0, v20;
	v31 =	vld [tilespmem:s24+$0x20];
	v57 =	vadd.f32 v14, v6  }
0x252: {  	v15 =	vand.u32 $0x7D, v16;
	v16 =	vand.u32 $0x7E, v29;
	v37 =	vld [tilespmem:s24+$0xFFFFFFA0];
	v24 =	vadd.f32 v24, v18  }
0x253: {  	v14 =	vld.idx.msk [tilespmem:v29+s21+$0x0], $0xffff;
	v28 =	vadd.f32 v28, v18;
	v29 =	vadd.s32 v0, v15;
	v32 =	vmul.f32 v57, v23  }
0x254: {  	v36 =	vmul.f32 $8.000000000e+00, v36;
	v33 =	vadd.f32 v33, v18;
	v24 =	vmul.f32 v24, v11  }
0x255: {  	v39 =	vadd.s32 v0, v16;
	v28 =	vmul.f32 v28, v8;
	v26 =	vmul.f32 $8.000000000e+00, v26;
	[tilespmem:v27+s29+$0x0] =	vst.idx.msk $0xffff, v32  }
0x256: {  	v58 =	vadd.f32 v36, v18;
	v27 =	vmul.f32 v33, v12;
	[tilespmem:v30+s29+$0x0] =	vst.idx.msk $0xffff, v24;
	v24 =	vmul.f32 $8.000000000e+00, v31;
	v30 =	vld [tilespmem:s24+$0x70]  }
0x257: {  	v42 =	vadd.s32 v4, v22;
	[tilespmem:v34+s29+$0x0] =	vst.idx.msk $0xffff, v28;
	v31 =	vmul.f32 $8.000000000e+00, v37;
	v28 =	vld [tilespmem:s23+$0x50];
	v26 =	vadd.f32 v26, v6  }
0x258: {  	v34 =	vld [tilespmem:s23+$0xFFFFFF90];
	[tilespmem:v29+s29+$0x0] =	vst.idx.msk $0xffff, v27;
	v29 =	vmul.f32 v58, v14;
	v60 =	vadd.f32 v24, v6  }
0x259: {  	v32 =	vadd.s32 v2, v13;
	v31 =	vadd.f32 v31, v6;
	v61 =	vld [tilespmem:s23+$0xFFFFFFD0];
	v62 =	vmul.f32 v26, v19  }
0x25a: {  	s25 =	simm.s32 $0x8;
	v33 =	vadd.s32 v2, v20;
	[tilespmem:v39+s29+$0x0] =	vst.idx.msk $0xffff, v29;
	v29 =	vmul.f32 v60, v7  }
0x25b: {  	s31 =	simm.s32 $0xA;
	s30 =	simm.s32 $0x9;
	v24 =	vmov s25;
	v31 =	vmul.f32 v31, v10;
	v39 =	vld [tilespmem:s23+$0x10];
	[tilespmem:v38+s29+$0x0] =	vst.idx.msk $0xffff, v62;
	v30 =	vmul.f32 $8.000000000e+00, v30  }
0x25c: {  	v27 =	vmov s31;
	v26 =	vmov s30;
	v28 =	vmul.f32 $8.000000000e+00, v28;
	v41 =	vld [tilespmem:s24+$0xFFFFFFF0];
	[tilespmem:v59+s29+$0x0] =	vst.idx.msk $0xffff, v29  }
0x25d: {  	v34 =	vmul.f32 $8.000000000e+00, v34;
	[tilespmem:v35+s29+$0x0] =	vst.idx.msk $0xffff, v31;
	v29 =	vadd.s32 v4, v25;
	v31 =	vld [tilespmem:s24+$0x30];
	v30 =	vadd.f32 v30, v5  }
0x25e: {  	v35 =	vadd.s32 v2, v16;
	v36 =	vld [tilespmem:s24+$0xFFFFFFB0];
	v63 =	vmul.f32 $8.000000000e+00, v61;
	v28 =	vadd.f32 v28, v9  }
0x25f: {  	v25 =	vadd.f32 v34, v9;
	v34 =	vadd.s32 v2, v15;
	v30 =	vmul.f32 v30, v23  }
0x260: {  	v22 =	vld.idx.msk [tilespmem:v24+s21+$0x0], $0xffff;
	v37 =	vadd.f32 v63, v9;
	v39 =	vmul.f32 $8.000000000e+00, v39;
	v38 =	vmul.f32 v28, v11  }
0x261: {  	s0 =	simm.s32 $0xB;
	s25 =	simm.s32 $0x8680;
	s24 =	simm.s32 $0xC;
	v23 =	vld.idx.msk [tilespmem:v26+s21+$0x0], $0xffff;
	v40 =	vmul.f32 v25, v8;
	v41 =	vmul.f32 $8.000000000e+00, v41;
	[tilespmem:v42+s29+$0x0] =	vst.idx.msk $0xffff, v30  }
.LBB2_14:
0x262: {  	p0 =	slt.u32 s24, $0x7C;
	v25 =	vld.idx.msk [tilespmem:v27+s21+$0x0], $0xffff;
	v28 =	vmov s0;
	v30 =	vmul.f32 v37, v12;
	v37 =	vadd.f32 v39, v9;
	[tilespmem:v33+s29+$0x0] =	vst.idx.msk $0xffff, v38  }
0x263: {  	s25 =	sadd.s32 $0x100, s25;
	v31 =	vmul.f32 $8.000000000e+00, v31;
	v38 =	vmovc v20;
	[tilespmem:v32+s29+$0x0] =	vst.idx.msk $0xffff, v40;
	v32 =	vld [tilespmem:s23+$0x60];
	v33 =	vmul.f32 $8.000000000e+00, v36;
	v36 =	vadd.f32 v41, v5  }
0x264: {  	v39 =	vand.u32 $0x7C, v24;
	v20 =	vld [tilespmem:s25+$0x40];
	[tilespmem:v34+s29+$0x0] =	vst.idx.msk $0xffff, v30;
	v24 =	vmul.f32 v37, v14;
	v30 =	vadd.s32 v4, v17  }
0x265: {  	v31 =	vadd.f32 v31, v5;
	v17 =	vmovc v16;
	v34 =	vld [tilespmem:s25+$0xFFFFFF80];
	v33 =	vadd.f32 v33, v5;
	v36 =	vmul.f32 v36, v19  }
0x266: {  	v41 =	vadd.s32 v3, v13;
	v37 =	vadd.s32 v0, v39;
	v19 =	vmov v12;
	v40 =	vld [tilespmem:s25+$0xFFFFFFC0];
	[tilespmem:v35+s29+$0x0] =	vst.idx.msk $0xffff, v24  }
0x267: {  	v35 =	vld.idx.msk [tilespmem:v28+s21+$0x0], $0xffff;
	v12 =	vmul.f32 v33, v10;
	[tilespmem:v29+s29+$0x0] =	vst.idx.msk $0xffff, v36;
	v29 =	vmul.f32 v31, v7  }
0x268: {  	v42 =	vand.u32 $0x7D, v26;
	v16 =	vand.u32 $0x7E, v27;
	v7 =	vmovc v14;
	v14 =	vmovc v25;
	v24 =	vld [tilespmem:s25+$0x0];
	v26 =	vmul.f32 $8.000000000e+00, v32  }
0x269: {  	v10 =	vmovc v8;
	v25 =	vmul.f32 $8.000000000e+00, v20;
	v20 =	vand.u32 $0x7F, v28;
	v27 =	vld [tilespmem:s23+$0xFFFFFFE0];
	v28 =	vadd.s32 v3, v38;
	[tilespmem:v30+s29+$0x0] =	vst.idx.msk $0xffff, v29  }
0x26a: {  	v29 =	vmul.f32 $8.000000000e+00, v34;
	v30 =	vadd.s32 v0, v20;
	v31 =	vld [tilespmem:s23+$0x20];
	v26 =	vadd.f32 v26, v6;
	[tilespmem:v21+s29+$0x0] =	vst.idx.msk $0xffff, v12  }
0x26b: {  	v33 =	vadd.s32 v3, v15;
	v8 =	vmovc v22;
	v21 =	vmul.f32 $8.000000000e+00, v40;
	v25 =	vadd.f32 v25, v18;
	v32 =	vld [tilespmem:s23+$0xFFFFFFA0];
	v12 =	vmovc v23  }
0x26c: {  	v23 =	vadd.s32 v0, v42;
	v22 =	vadd.f32 v29, v18;
	v26 =	vmul.f32 v26, v11  }
0x26d: {  	v21 =	vadd.f32 v21, v18;
	v24 =	vmul.f32 $8.000000000e+00, v24;
	v25 =	vmul.f32 v25, v35  }
0x26e: {  	v29 =	vadd.s32 v0, v16;
	v22 =	vmul.f32 v22, v8;
	v27 =	vmul.f32 $8.000000000e+00, v27;
	[tilespmem:v28+s29+$0x0] =	vst.idx.msk $0xffff, v26  }
0x26f: {  	v21 =	vmul.f32 v21, v12;
	v24 =	vadd.f32 v24, v18;
	[tilespmem:v30+s29+$0x0] =	vst.idx.msk $0xffff, v25;
	v25 =	vmul.f32 $8.000000000e+00, v31;
	v28 =	vld [tilespmem:s23+$0x70]  }
0x270: {  	v30 =	vadd.s32 v3, v17;
	[tilespmem:v37+s29+$0x0] =	vst.idx.msk $0xffff, v22;
	v22 =	vld [tilespmem:s25+$0x50];
	v26 =	vmul.f32 $8.000000000e+00, v32;
	v27 =	vadd.f32 v27, v6  }
0x271: {  	v31 =	vld [tilespmem:s25+$0xFFFFFF90];
	[tilespmem:v23+s29+$0x0] =	vst.idx.msk $0xffff, v21;
	v21 =	vmul.f32 v24, v14;
	v23 =	vadd.f32 v25, v6  }
0x272: {  	s0 =	sadd.s32 $0x1, s24;
	s15 =	sadd.s32 $0x2, s24;
	v24 =	vmov s24;
	v25 =	vld [tilespmem:s25+$0xFFFFFFD0];
	v32 =	vadd.f32 v26, v6;
	v34 =	vmul.f32 v27, v19  }
0x273: {  	v26 =	vmov s0;
	v27 =	vmov s15;
	[tilespmem:v29+s29+$0x0] =	vst.idx.msk $0xffff, v21;
	v23 =	vmul.f32 v23, v7  }
0x274: {  	v21 =	vadd.s32 v4, v13;
	v40 =	vld [tilespmem:s25+$0x10];
	v29 =	vmul.f32 v32, v10;
	[tilespmem:v33+s29+$0x0] =	vst.idx.msk $0xffff, v34;
	v34 =	vmul.f32 $8.000000000e+00, v28  }
0x275: {  	v32 =	vadd.s32 v2, v39;
	v22 =	vmul.f32 $8.000000000e+00, v22;
	v28 =	vld [tilespmem:s23+$0xFFFFFFF0];
	[tilespmem:v30+s29+$0x0] =	vst.idx.msk $0xffff, v23;
	v30 =	vadd.s32 v4, v38  }
.Ltmp6:
0x276: {  	v33 =	vadd.s32 v2, v20;
	v23 =	vmul.f32 $8.000000000e+00, v31;
	[tilespmem:v41+s29+$0x0] =	vst.idx.msk $0xffff, v29;
	v31 =	vld [tilespmem:s23+$0x30];
	v37 =	vadd.f32 v34, v5;
	(pc) =	sbr.rel @p0 .LBB2_14-.Ltmp6, $4  }
0x277: {  	v13 =	vmovc v39;
	v29 =	vadd.s32 v4, v15;
	v15 =	vmovc v42;
	v25 =	vmul.f32 $8.000000000e+00, v25;
	v38 =	vadd.f32 v22, v9;
	v36 =	vld [tilespmem:s23+$0xFFFFFFB0];
	s23 =	smov.u32 s25  }
0x278: {  	v34 =	vadd.s32 v2, v15;
	v22 =	vld.idx.msk [tilespmem:v24+s21+$0x0], $0xffff;
	v41 =	vadd.f32 v23, v9;
	v42 =	vmul.f32 v37, v11  }
0x279: {  	v11 =	vmovc v35;
	v23 =	vld.idx.msk [tilespmem:v26+s21+$0x0], $0xffff;
	v37 =	vadd.f32 v25, v9;
	v39 =	vmul.f32 $8.000000000e+00, v40;
	v38 =	vmul.f32 v38, v35  }
0x27a: {  	s0 =	sadd.s32 $0x3, s24;
	s24 =	sadd.s32 $0x4, s24;
	v35 =	vadd.s32 v2, v16;
	v40 =	vmul.f32 v41, v8;
	v41 =	vmul.f32 $8.000000000e+00, v28;
	[tilespmem:v30+s29+$0x0] =	vst.idx.msk $0xffff, v42  }
0x27b: {  	v28 =	vmov s0;
	s24 =	sadd.s32 $0x100, s25  }
0x27c: {  	v30 =	vld [tilespmem:s24+$0x40]  }
0x27d: {  	v43 =	vld [tilespmem:s24+$0xFFFFFFC0]  }
0x27e: {  	v44 =	vld [tilespmem:s24+$0x0]  }
0x27f: {  	v42 =	vld [tilespmem:s24+$0xFFFFFF80]  }
0x280: {  	v24 =	vand.u32 $0x7C, v24;
	v25 =	vld.idx.msk [tilespmem:v28+s21+$0x0], $0xffff  }
0x281: {  	v46 =	vmul.f32 $8.000000000e+00, v30;
	v30 =	vand.u32 $0x7F, v28;
	v28 =	vand.u32 $0x7D, v26  }
0x282: {  	v26 =	vld.idx.msk [tilespmem:v27+s21+$0x0], $0xffff;
	v27 =	vand.u32 $0x7E, v27;
	v43 =	vmul.f32 $8.000000000e+00, v43;
	v47 =	vadd.s32 v0, v30  }
0x283: {  	v44 =	vmul.f32 $8.000000000e+00, v44;
	v48 =	vadd.s32 v0, v28;
	v46 =	vadd.f32 v46, v18  }
0x284: {  	v42 =	vmul.f32 $8.000000000e+00, v42;
	v49 =	vadd.s32 v0, v27;
	v43 =	vadd.f32 v43, v18  }
0x285: {  	v45 =	vadd.s32 v0, v24;
	v58 =	vadd.f32 v44, v18;
	v46 =	vmul.f32 v46, v25  }
0x286: {  	v42 =	vadd.f32 v42, v18;
	v43 =	vmul.f32 v43, v23  }
0x287: {  	v18 =	vmul.f32 v58, v26;
	[tilespmem:v47+s29+$0x0] =	vst.idx.msk $0xffff, v46  }
0x288: {  	v42 =	vmul.f32 v42, v22;
	[tilespmem:v48+s29+$0x0] =	vst.idx.msk $0xffff, v43;
	v59 =	vld [tilespmem:s24+$0x50]  }
0x289: {  	[tilespmem:v49+s29+$0x0] =	vst.idx.msk $0xffff, v18;
	v61 =	vld [tilespmem:s24+$0xFFFFFFD0]  }
0x28a: {  	[tilespmem:v45+s29+$0x0] =	vst.idx.msk $0xffff, v42;
	v62 =	vld [tilespmem:s24+$0x10]  }
0x28b: {  	v37 =	vmul.f32 v37, v12;
	v41 =	vadd.f32 v41, v5;
	v63 =	vmul.f32 $8.000000000e+00, v36;
	v60 =	vld [tilespmem:s24+$0xFFFFFF90]  }
0x28c: {  	v39 =	vadd.f32 v39, v9;
	v55 =	vadd.s32 v2, v24  }
0x28d: {  	[tilespmem:v34+s29+$0x0] =	vst.idx.msk $0xffff, v37;
	v19 =	vmul.f32 v41, v19;
	v57 =	vadd.f32 v63, v5;
	v46 =	vmul.f32 $8.000000000e+00, v59  }
0x28e: {  	[tilespmem:v33+s29+$0x0] =	vst.idx.msk $0xffff, v38;
	v45 =	vmul.f32 v39, v14;
	v48 =	vadd.s32 v2, v30;
	v49 =	vld [tilespmem:s23+$0xFFFFFFE0];
	v18 =	vmul.f32 $8.000000000e+00, v61  }
0x28f: {  	[tilespmem:v32+s29+$0x0] =	vst.idx.msk $0xffff, v40;
	v38 =	vld [tilespmem:s23+$0x60];
	v50 =	vadd.s32 v2, v28;
	v51 =	vmul.f32 $8.000000000e+00, v62;
	v32 =	vadd.f32 v46, v9  }
0x290: {  	v40 =	vld [tilespmem:s23+$0xFFFFFFA0];
	v52 =	vadd.s32 v2, v27;
	[tilespmem:v35+s29+$0x0] =	vst.idx.msk $0xffff, v45;
	v47 =	vmul.f32 $8.000000000e+00, v60;
	v18 =	vadd.f32 v18, v9  }
0x291: {  	v56 =	vmul.f32 $8.000000000e+00, v31;
	[tilespmem:v29+s29+$0x0] =	vst.idx.msk $0xffff, v19;
	v53 =	vld [tilespmem:s23+$0x20];
	v54 =	vadd.f32 v51, v9;
	v32 =	vmul.f32 v32, v25  }
0x292: {  	v10 =	vmul.f32 v57, v10;
	v34 =	vadd.f32 v47, v9;
	v18 =	vmul.f32 v18, v23  }
0x293: {  	v17 =	vadd.s32 v4, v17;
	v60 =	vmul.f32 $8.000000000e+00, v49;
	v9 =	vmul.f32 v54, v26;
	[tilespmem:v48+s29+$0x0] =	vst.idx.msk $0xffff, v32  }
0x294: {  	v63 =	vadd.s32 v3, v15;
	v58 =	vmul.f32 $8.000000000e+00, v38;
	v34 =	vmul.f32 v34, v22;
	[tilespmem:v50+s29+$0x0] =	vst.idx.msk $0xffff, v18;
	v61 =	vld [tilespmem:s24+$0x60]  }
0x295: {  	v44 =	vmul.f32 $8.000000000e+00, v40;
	v59 =	vadd.s32 v3, v20;
	v33 =	vadd.f32 v60, v6;
	[tilespmem:v52+s29+$0x0] =	vst.idx.msk $0xffff, v9;
	v45 =	vld [tilespmem:s24+$0xFFFFFFE0]  }
0x296: {  	v62 =	vadd.f32 v58, v6;
	v46 =	vadd.s32 v3, v13;
	v47 =	vmul.f32 $8.000000000e+00, v53;
	[tilespmem:v55+s29+$0x0] =	vst.idx.msk $0xffff, v34;
	v48 =	vld [tilespmem:s24+$0x20]  }
0x297: {  	v36 =	vadd.f32 v44, v6;
	v49 =	vadd.s32 v3, v16;
	v33 =	vmul.f32 v33, v12;
	v50 =	vld [tilespmem:s24+$0xFFFFFFA0]  }
0x298: {  	v19 =	vadd.f32 v56, v5;
	v51 =	vadd.f32 v47, v6;
	v18 =	vmul.f32 v62, v11  }
0x299: {  	v57 =	vadd.s32 v3, v28;
	[tilespmem:v63+s29+$0x0] =	vst.idx.msk $0xffff, v33;
	v52 =	vmul.f32 v36, v8;
	v53 =	vmul.f32 $8.000000000e+00, v61  }
0x29a: {  	v29 =	vmul.f32 v51, v14;
	v55 =	vadd.s32 v3, v30;
	v33 =	vld [tilespmem:s23+$0xFFFFFFF0];
	[tilespmem:v59+s29+$0x0] =	vst.idx.msk $0xffff, v18;
	v9 =	vmul.f32 $8.000000000e+00, v45  }
0x29b: {  	v7 =	vmul.f32 v19, v7;
	v54 =	vld [tilespmem:s23+$0x70];
	[tilespmem:v46+s29+$0x0] =	vst.idx.msk $0xffff, v52;
	v34 =	vmul.f32 $8.000000000e+00, v48;
	v56 =	vadd.f32 v53, v6  }
0x29c: {  	v60 =	vadd.s32 v3, v27;
	[tilespmem:v49+s29+$0x0] =	vst.idx.msk $0xffff, v29;
	v58 =	vld [tilespmem:s23+$0xFFFFFFB0];
	v59 =	vmul.f32 $8.000000000e+00, v50;
	v9 =	vadd.f32 v9, v6  }
0x29d: {  	v62 =	vadd.s32 v3, v24;
	v61 =	vld [tilespmem:s23+$0x30];
	v34 =	vadd.f32 v34, v6;
	v18 =	vmul.f32 v56, v25  }
0x29e: {  	[tilespmem:v17+s29+$0x0] =	vst.idx.msk $0xffff, v7;
	v6 =	vadd.f32 v59, v6;
	v9 =	vmul.f32 v9, v23  }
0x29f: {  	v40 =	vmul.f32 $8.000000000e+00, v33;
	v36 =	vmul.f32 v34, v26;
	[tilespmem:v55+s29+$0x0] =	vst.idx.msk $0xffff, v18  }
0x2a0: {  	v63 =	vmul.f32 $8.000000000e+00, v54;
	v6 =	vmul.f32 v6, v22;
	[tilespmem:v57+s29+$0x0] =	vst.idx.msk $0xffff, v9;
	v41 =	vld [tilespmem:s24+$0x70]  }
0x2a1: {  	v7 =	vadd.s32 v4, v16;
	v45 =	vadd.s32 v4, v15;
	v43 =	vmul.f32 $8.000000000e+00, v58;
	v44 =	vld [tilespmem:s24+$0xFFFFFFF0];
	[tilespmem:v60+s29+$0x0] =	vst.idx.msk $0xffff, v36  }
0x2a2: {  	v46 =	vadd.f32 v40, v5;
	v19 =	vadd.f32 v63, v5;
	v47 =	vmul.f32 $8.000000000e+00, v61;
	[tilespmem:v62+s29+$0x0] =	vst.idx.msk $0xffff, v6;
	v6 =	vld [tilespmem:s24+$0x30]  }
0x2a3: {  	v42 =	vadd.s32 v4, v20;
	v53 =	vadd.s32 v4, v13;
	v48 =	vadd.f32 v43, v5;
	v49 =	vld [tilespmem:s24+$0xFFFFFFB0]  }
0x2a4: {  	v51 =	vmul.f32 v46, v12;
	v50 =	vmul.f32 v19, v11;
	v52 =	vadd.f32 v47, v5  }
0x2a5: {  	v63 =	vadd.s32 v4, v24;
	v54 =	vmul.f32 v48, v8;
	v55 =	vmul.f32 $8.000000000e+00, v41  }
0x2a6: {  	[tilespmem:v21+s29+$0x0] =	vst.idx.msk $0xffff, v10;
	v57 =	vadd.s32 v4, v30;
	v56 =	vmul.f32 v52, v14;
	v58 =	vmul.f32 $8.000000000e+00, v44  }
0x2a7: {  	[tilespmem:v45+s29+$0x0] =	vst.idx.msk $0xffff, v51;
	v60 =	vadd.s32 v4, v28;
	v6 =	vmul.f32 $8.000000000e+00, v6;
	v59 =	vadd.f32 v55, v5  }
0x2a8: {  	v62 =	vadd.s32 v4, v27;
	[tilespmem:v7+s29+$0x0] =	vst.idx.msk $0xffff, v56;
	v7 =	vmul.f32 $8.000000000e+00, v49;
	v61 =	vadd.f32 v58, v5  }
0x2a9: {  	[tilespmem:v42+s29+$0x0] =	vst.idx.msk $0xffff, v50;
	v6 =	vadd.f32 v6, v5;
	v12 =	vmul.f32 v59, v25  }
0x2aa: {  	[tilespmem:v53+s29+$0x0] =	vst.idx.msk $0xffff, v54;
	v5 =	vadd.f32 v7, v5;
	v7 =	vmul.f32 v61, v23  }
0x2ab: {  	s24 =	sshll.u32 s19, $0x12;
	v6 =	vmul.f32 v6, v26;
	[tilespmem:v57+s29+$0x0] =	vst.idx.msk $0xffff, v12  }
0x2ac: {  	s0 =	sor.u32 s4, s24;
	v5 =	vmul.f32 v5, v22;
	[tilespmem:v60+s29+$0x0] =	vst.idx.msk $0xffff, v7  }
0x2ad: {  	s19 =	sshrl.u32 s0, $0x3;
	[tilespmem:v62+s29+$0x0] =	vst.idx.msk $0xffff, v6  }
0x2ae: {  	s0 =	sadd.s32 s2, s19;
	[tilespmem:v63+s29+$0x0] =	vst.idx.msk $0xffff, v5  }
0x2af: {  	[hbm4b:s0+s3] =	stream.linear.scatter [tilespmem:s29], [sflag:$0x4], $0x80, $0x38;
	[tilespmem:$0x11B80] =	vst v63  }
0x2b0: {  	s25 =	simm.s32 $0xC788;
	s15 =	sadd.s32 $0x10, s0  }
0x2b1: {  	[hbm4b:s15+s3] =	stream.linear.scatter [tilespmem:s25], [sflag:$0x4], $0x80, $0x38;
	[tilespmem:$0x11B80] =	vst v63  }
0x2b2: {  	s31 =	simm.s32 $0xC810;
	s30 =	sadd.s32 $0x20, s0  }
0x2b3: {  	[hbm4b:s30+s3] =	stream.linear.scatter [tilespmem:s31], [sflag:$0x4], $0x80, $0x38;
	[tilespmem:$0x11B80] =	vst v63  }
0x2b4: {  	s24 =	sadd.s32 $0x30, s0;
	s25 =	simm.s32 $0xC898  }
0x2b5: {  	[hbm4b:s24+s3] =	stream.linear.scatter [tilespmem:s25], [sflag:$0x4], $0x80, $0x38;
	[tilespmem:$0x11B80] =	vst v63  }
0x2b6: {  	s30 =	sadd.s32 $0x40, s0;
	s31 =	simm.s32 $0xC920  }
0x2b7: {  	[hbm4b:s30+s3] =	stream.linear.scatter [tilespmem:s31], [sflag:$0x4], $0x80, $0x38;
	[tilespmem:$0x11B80] =	vst v63  }
0x2b8: {  	s23 =	sadd.s32 $0x50, s0;
	s24 =	simm.s32 $0xC9A8  }
0x2b9: {  	[hbm4b:s23+s3] =	stream.linear.scatter [tilespmem:s24], [sflag:$0x4], $0x80, $0x38;
	[tilespmem:$0x11B80] =	vst v63  }
0x2ba: {  	s25 =	sadd.s32 $0x60, s0;
	s30 =	simm.s32 $0xCA30  }
0x2bb: {  	[hbm4b:s25+s3] =	stream.linear.scatter [tilespmem:s30], [sflag:$0x4], $0x80, $0x38;
	[tilespmem:$0x11B80] =	vst v63  }
0x2bc: {  	s0 =	sadd.s32 $0x70, s0;
	s31 =	simm.s32 $0xCAB8  }
0x2bd: {  	[hbm4b:s0+s3] =	stream.linear.scatter [tilespmem:s31], [sflag:$0x4], $0x80, $0x38;
	[tilespmem:$0x11B80] =	vst v63  }
0x2be: {  	s23 =	simm.s32 $0xCB40;
	s0 =	sadd.s32 s19, s6  }
0x2bf: {  	[hbm4b:s0+s3] =	stream.linear.scatter [tilespmem:s23], [sflag:$0x4], $0x80, $0x38;
	[tilespmem:$0x11B80] =	vst v63  }
0x2c0: {  	s25 =	simm.s32 $0xCBC8;
	s24 =	sadd.s32 $0x10, s0  }
0x2c1: {  	[hbm4b:s24+s3] =	stream.linear.scatter [tilespmem:s25], [sflag:$0x4], $0x80, $0x38;
	[tilespmem:$0x11B80] =	vst v63  }
0x2c2: {  	s31 =	simm.s32 $0xCC50;
	s30 =	sadd.s32 $0x20, s0  }
0x2c3: {  	[hbm4b:s30+s3] =	stream.linear.scatter [tilespmem:s31], [sflag:$0x4], $0x80, $0x38;
	[tilespmem:$0x11B80] =	vst v63  }
0x2c4: {  	s24 =	sadd.s32 $0x30, s0;
	s25 =	simm.s32 $0xCCD8  }
0x2c5: {  	[hbm4b:s24+s3] =	stream.linear.scatter [tilespmem:s25], [sflag:$0x4], $0x80, $0x38;
	[tilespmem:$0x11B80] =	vst v63  }
0x2c6: {  	s30 =	sadd.s32 $0x40, s0;
	s31 =	simm.s32 $0xCD60  }
0x2c7: {  	[hbm4b:s30+s3] =	stream.linear.scatter [tilespmem:s31], [sflag:$0x4], $0x80, $0x38;
	[tilespmem:$0x11B80] =	vst v63  }
0x2c8: {  	s23 =	sadd.s32 $0x50, s0;
	s24 =	simm.s32 $0xCDE8  }
0x2c9: {  	[hbm4b:s23+s3] =	stream.linear.scatter [tilespmem:s24], [sflag:$0x4], $0x80, $0x38;
	[tilespmem:$0x11B80] =	vst v63  }
0x2ca: {  	s25 =	sadd.s32 $0x60, s0;
	s30 =	simm.s32 $0xCE70  }
0x2cb: {  	[hbm4b:s25+s3] =	stream.linear.scatter [tilespmem:s30], [sflag:$0x4], $0x80, $0x38;
	[tilespmem:$0x11B80] =	vst v63  }
0x2cc: {  	s0 =	sadd.s32 $0x70, s0;
	s31 =	simm.s32 $0xCEF8  }
0x2cd: {  	[hbm4b:s0+s3] =	stream.linear.scatter [tilespmem:s31], [sflag:$0x4], $0x80, $0x38;
	[tilespmem:$0x11B80] =	vst v63  }
0x2ce: {  	s23 =	simm.s32 $0xCF80;
	s0 =	sadd.s32 s19, s8  }
0x2cf: {  	[hbm4b:s0+s3] =	stream.linear.scatter [tilespmem:s23], [sflag:$0x4], $0x80, $0x38;
	[tilespmem:$0x11B80] =	vst v63  }
0x2d0: {  	s25 =	simm.s32 $0xD008;
	s24 =	sadd.s32 $0x10, s0  }
0x2d1: {  	[hbm4b:s24+s3] =	stream.linear.scatter [tilespmem:s25], [sflag:$0x4], $0x80, $0x38;
	[tilespmem:$0x11B80] =	vst v63  }
0x2d2: {  	s31 =	simm.s32 $0xD090;
	s30 =	sadd.s32 $0x20, s0  }
0x2d3: {  	[hbm4b:s30+s3] =	stream.linear.scatter [tilespmem:s31], [sflag:$0x4], $0x80, $0x38;
	[tilespmem:$0x11B80] =	vst v63  }
0x2d4: {  	s24 =	sadd.s32 $0x30, s0;
	s25 =	simm.s32 $0xD118  }
0x2d5: {  	[hbm4b:s24+s3] =	stream.linear.scatter [tilespmem:s25], [sflag:$0x4], $0x80, $0x38;
	[tilespmem:$0x11B80] =	vst v63  }
0x2d6: {  	s30 =	sadd.s32 $0x40, s0;
	s31 =	simm.s32 $0xD1A0  }
0x2d7: {  	[hbm4b:s30+s3] =	stream.linear.scatter [tilespmem:s31], [sflag:$0x4], $0x80, $0x38;
	[tilespmem:$0x11B80] =	vst v63  }
0x2d8: {  	s23 =	sadd.s32 $0x50, s0;
	s24 =	simm.s32 $0xD228  }
0x2d9: {  	[hbm4b:s23+s3] =	stream.linear.scatter [tilespmem:s24], [sflag:$0x4], $0x80, $0x38;
	[tilespmem:$0x11B80] =	vst v63  }
0x2da: {  	s25 =	sadd.s32 $0x60, s0;
	s30 =	simm.s32 $0xD2B0  }
0x2db: {  	[hbm4b:s25+s3] =	stream.linear.scatter [tilespmem:s30], [sflag:$0x4], $0x80, $0x38;
	[tilespmem:$0x11B80] =	vst v63  }
0x2dc: {  	s0 =	sadd.s32 $0x70, s0;
	s31 =	simm.s32 $0xD338  }
0x2dd: {  	[hbm4b:s0+s3] =	stream.linear.scatter [tilespmem:s31], [sflag:$0x4], $0x80, $0x38;
	[tilespmem:$0x11B80] =	vst v63  }
0x2de: {  	s23 =	simm.s32 $0xD3C0;
	s0 =	sadd.s32 s19, s9  }
0x2df: {  	[hbm4b:s0+s3] =	stream.linear.scatter [tilespmem:s23], [sflag:$0x4], $0x80, $0x38;
	[tilespmem:$0x11B80] =	vst v63  }
0x2e0: {  	s25 =	simm.s32 $0xD448;
	s24 =	sadd.s32 $0x10, s0  }
0x2e1: {  	[hbm4b:s24+s3] =	stream.linear.scatter [tilespmem:s25], [sflag:$0x4], $0x80, $0x38;
	[tilespmem:$0x11B80] =	vst v63  }
0x2e2: {  	s31 =	simm.s32 $0xD4D0;
	s30 =	sadd.s32 $0x20, s0  }
0x2e3: {  	[hbm4b:s30+s3] =	stream.linear.scatter [tilespmem:s31], [sflag:$0x4], $0x80, $0x38;
	[tilespmem:$0x11B80] =	vst v63  }
0x2e4: {  	s24 =	sadd.s32 $0x30, s0;
	s25 =	simm.s32 $0xD558  }
0x2e5: {  	[hbm4b:s24+s3] =	stream.linear.scatter [tilespmem:s25], [sflag:$0x4], $0x80, $0x38;
	[tilespmem:$0x11B80] =	vst v63  }
0x2e6: {  	s30 =	sadd.s32 $0x40, s0;
	s31 =	simm.s32 $0xD5E0  }
0x2e7: {  	[hbm4b:s30+s3] =	stream.linear.scatter [tilespmem:s31], [sflag:$0x4], $0x80, $0x38;
	[tilespmem:$0x11B80] =	vst v63  }
0x2e8: {  	s23 =	sadd.s32 $0x50, s0;
	s24 =	simm.s32 $0xD668  }
0x2e9: {  	[hbm4b:s23+s3] =	stream.linear.scatter [tilespmem:s24], [sflag:$0x4], $0x80, $0x38;
	[tilespmem:$0x11B80] =	vst v63  }
0x2ea: {  	s25 =	sadd.s32 $0x60, s0;
	s30 =	simm.s32 $0xD6F0  }
0x2eb: {  	[hbm4b:s25+s3] =	stream.linear.scatter [tilespmem:s30], [sflag:$0x4], $0x80, $0x38;
	[tilespmem:$0x11B80] =	vst v63  }
0x2ec: {  	s0 =	sadd.s32 $0x70, s0;
	s31 =	simm.s32 $0xD778  }
0x2ed: {  	[hbm4b:s0+s3] =	stream.linear.scatter [tilespmem:s31], [sflag:$0x4], $0x80, $0x38;
	[tilespmem:$0x11B80] =	vst v63  }
0x2ee: {  	s23 =	simm.s32 $0xD800;
	s0 =	sadd.s32 s19, s10  }
0x2ef: {  	[hbm4b:s0+s3] =	stream.linear.scatter [tilespmem:s23], [sflag:$0x4], $0x80, $0x38;
	[tilespmem:$0x11B80] =	vst v63  }
0x2f0: {  	s25 =	simm.s32 $0xD888;
	s24 =	sadd.s32 $0x10, s0  }
0x2f1: {  	[hbm4b:s24+s3] =	stream.linear.scatter [tilespmem:s25], [sflag:$0x4], $0x80, $0x38;
	[tilespmem:$0x11B80] =	vst v63  }
0x2f2: {  	s31 =	simm.s32 $0xD910;
	s30 =	sadd.s32 $0x20, s0  }
0x2f3: {  	[hbm4b:s30+s3] =	stream.linear.scatter [tilespmem:s31], [sflag:$0x4], $0x80, $0x38;
	[tilespmem:$0x11B80] =	vst v63  }
0x2f4: {  	s24 =	sadd.s32 $0x30, s0;
	s25 =	simm.s32 $0xD998  }
0x2f5: {  	[hbm4b:s24+s3] =	stream.linear.scatter [tilespmem:s25], [sflag:$0x4], $0x80, $0x38;
	[tilespmem:$0x11B80] =	vst v63  }
0x2f6: {  	s30 =	sadd.s32 $0x40, s0;
	s31 =	simm.s32 $0xDA20  }
0x2f7: {  	[hbm4b:s30+s3] =	stream.linear.scatter [tilespmem:s31], [sflag:$0x4], $0x80, $0x38;
	[tilespmem:$0x11B80] =	vst v63  }
0x2f8: {  	s23 =	sadd.s32 $0x50, s0;
	s24 =	simm.s32 $0xDAA8  }
0x2f9: {  	[hbm4b:s23+s3] =	stream.linear.scatter [tilespmem:s24], [sflag:$0x4], $0x80, $0x38;
	[tilespmem:$0x11B80] =	vst v63  }
0x2fa: {  	s25 =	sadd.s32 $0x60, s0;
	s30 =	simm.s32 $0xDB30  }
0x2fb: {  	[hbm4b:s25+s3] =	stream.linear.scatter [tilespmem:s30], [sflag:$0x4], $0x80, $0x38;
	[tilespmem:$0x11B80] =	vst v63  }
0x2fc: {  	s0 =	sadd.s32 $0x70, s0;
	s31 =	simm.s32 $0xDBB8  }
0x2fd: {  	[hbm4b:s0+s3] =	stream.linear.scatter [tilespmem:s31], [sflag:$0x4], $0x80, $0x38;
	[tilespmem:$0x11B80] =	vst v63  }
0x2fe: {  	s23 =	simm.s32 $0xDC40;
	s0 =	sadd.s32 s19, s11  }
0x2ff: {  	[hbm4b:s0+s3] =	stream.linear.scatter [tilespmem:s23], [sflag:$0x4], $0x80, $0x38;
	[tilespmem:$0x11B80] =	vst v63  }
0x300: {  	s25 =	simm.s32 $0xDCC8;
	s24 =	sadd.s32 $0x10, s0  }
0x301: {  	[hbm4b:s24+s3] =	stream.linear.scatter [tilespmem:s25], [sflag:$0x4], $0x80, $0x38;
	[tilespmem:$0x11B80] =	vst v63  }
0x302: {  	s31 =	simm.s32 $0xDD50;
	s30 =	sadd.s32 $0x20, s0  }
0x303: {  	[hbm4b:s30+s3] =	stream.linear.scatter [tilespmem:s31], [sflag:$0x4], $0x80, $0x38;
	[tilespmem:$0x11B80] =	vst v63  }
0x304: {  	s24 =	sadd.s32 $0x30, s0;
	s25 =	simm.s32 $0xDDD8  }
0x305: {  	[hbm4b:s24+s3] =	stream.linear.scatter [tilespmem:s25], [sflag:$0x4], $0x80, $0x38;
	[tilespmem:$0x11B80] =	vst v63  }
0x306: {  	s30 =	sadd.s32 $0x40, s0;
	s31 =	simm.s32 $0xDE60  }
0x307: {  	[hbm4b:s30+s3] =	stream.linear.scatter [tilespmem:s31], [sflag:$0x4], $0x80, $0x38;
	[tilespmem:$0x11B80] =	vst v63  }
0x308: {  	s23 =	sadd.s32 $0x50, s0;
	s24 =	simm.s32 $0xDEE8  }
0x309: {  	[hbm4b:s23+s3] =	stream.linear.scatter [tilespmem:s24], [sflag:$0x4], $0x80, $0x38;
	[tilespmem:$0x11B80] =	vst v63  }
0x30a: {  	s25 =	sadd.s32 $0x60, s0;
	s30 =	simm.s32 $0xDF70  }
0x30b: {  	[hbm4b:s25+s3] =	stream.linear.scatter [tilespmem:s30], [sflag:$0x4], $0x80, $0x38;
	[tilespmem:$0x11B80] =	vst v63  }
0x30c: {  	s0 =	sadd.s32 $0x70, s0;
	s31 =	simm.s32 $0xDFF8  }
0x30d: {  	[hbm4b:s0+s3] =	stream.linear.scatter [tilespmem:s31], [sflag:$0x4], $0x80, $0x38;
	[tilespmem:$0x11B80] =	vst v63  }
0x30e: {  	s23 =	simm.s32 $0xE080;
	s0 =	sadd.s32 s19, s12  }
0x30f: {  	[hbm4b:s0+s3] =	stream.linear.scatter [tilespmem:s23], [sflag:$0x4], $0x80, $0x38;
	[tilespmem:$0x11B80] =	vst v63  }
0x310: {  	s25 =	simm.s32 $0xE108;
	s24 =	sadd.s32 $0x10, s0  }
0x311: {  	[hbm4b:s24+s3] =	stream.linear.scatter [tilespmem:s25], [sflag:$0x4], $0x80, $0x38;
	[tilespmem:$0x11B80] =	vst v63  }
0x312: {  	s31 =	simm.s32 $0xE190;
	s30 =	sadd.s32 $0x20, s0  }
0x313: {  	[hbm4b:s30+s3] =	stream.linear.scatter [tilespmem:s31], [sflag:$0x4], $0x80, $0x38;
	[tilespmem:$0x11B80] =	vst v63  }
0x314: {  	s24 =	sadd.s32 $0x30, s0;
	s25 =	simm.s32 $0xE218  }
0x315: {  	[hbm4b:s24+s3] =	stream.linear.scatter [tilespmem:s25], [sflag:$0x4], $0x80, $0x38;
	[tilespmem:$0x11B80] =	vst v63  }
0x316: {  	s30 =	sadd.s32 $0x40, s0;
	s31 =	simm.s32 $0xE2A0  }
0x317: {  	[hbm4b:s30+s3] =	stream.linear.scatter [tilespmem:s31], [sflag:$0x4], $0x80, $0x38;
	[tilespmem:$0x11B80] =	vst v63  }
0x318: {  	s24 =	sadd.s32 $0x50, s0;
	s25 =	simm.s32 $0xE328  }
0x319: {  	[hbm4b:s24+s3] =	stream.linear.scatter [tilespmem:s25], [sflag:$0x4], $0x80, $0x38;
	[tilespmem:$0x11B80] =	vst v63  }
0x31a: {  	s30 =	sadd.s32 $0x60, s0;
	s31 =	simm.s32 $0xE3B0  }
0x31b: {  	[hbm4b:s30+s3] =	stream.linear.scatter [tilespmem:s31], [sflag:$0x4], $0x80, $0x38;
	[tilespmem:$0x11B80] =	vst v63  }
0x31c: {  	s0 =	sadd.s32 $0x70, s0;
	s24 =	simm.s32 $0xE438  }
0x31d: {  	[hbm4b:s0+s3] =	stream.linear.scatter [tilespmem:s24], [sflag:$0x4], $0x80, $0x38;
	[tilespmem:$0x11B80] =	vst v63  }
0x31e: {  	s25 =	simm.s32 $0xE4C0;
	s0 =	sadd.s32 s19, s13  }
0x31f: {  	[hbm4b:s0+s3] =	stream.linear.scatter [tilespmem:s25], [sflag:$0x4], $0x80, $0x38;
	[tilespmem:$0x11B80] =	vst v63  }
0x320: {  	s31 =	simm.s32 $0xE548;
	s30 =	sadd.s32 $0x10, s0  }
0x321: {  	[hbm4b:s30+s3] =	stream.linear.scatter [tilespmem:s31], [sflag:$0x4], $0x80, $0x38;
	[tilespmem:$0x11B80] =	vst v63  }
0x322: {  	s23 =	simm.s32 $0xE5D0;
	s19 =	sadd.s32 $0x20, s0  }
0x323: {  	[hbm4b:s19+s3] =	stream.linear.scatter [tilespmem:s23], [sflag:$0x4], $0x80, $0x38;
	[tilespmem:$0x11B80] =	vst v63  }
0x324: {  	s24 =	sadd.s32 $0x30, s0;
	s25 =	simm.s32 $0xE658  }
0x325: {  	[hbm4b:s24+s3] =	stream.linear.scatter [tilespmem:s25], [sflag:$0x4], $0x80, $0x38;
	[tilespmem:$0x11B80] =	vst v63  }
0x326: {  	s18 =	sadd.s32 $0x1, s18;
	s30 =	sadd.s32 $0x40, s0;
	s31 =	simm.s32 $0xE6E0  }
0x327: {  	[hbm4b:s30+s3] =	stream.linear.scatter [tilespmem:s31], [sflag:$0x4], $0x80, $0x38;
	[tilespmem:$0x11B80] =	vst v63  }
0x328: {  	p0 =	sne.s32 s18, $0x64;
	s23 =	sadd.s32 $0x50, s0;
	s24 =	simm.s32 $0xE768  }
0x329: {  	[hbm4b:s23+s3] =	stream.linear.scatter [tilespmem:s24], [sflag:$0x4], $0x80, $0x38;
	[tilespmem:$0x11B80] =	vst v63  }
.Ltmp7:
0x32a: {  	s17 =	sadd.s32 $0x400, s17;
	s1 =	sadd.s32 $0x2, s1;
	(pc) =	sbr.rel @p0 .LBB2_4-.Ltmp7, $4  }
0x32b: {  	s7 =	sadd.s32 $0x400, s7;
	s25 =	sadd.s32 $0x60, s0;
	s30 =	simm.s32 $0xE7F0  }
0x32c: {  	[hbm4b:s25+s3] =	stream.linear.scatter [tilespmem:s30], [sflag:$0x4], $0x80, $0x38;
	[tilespmem:$0x11B80] =	vst v63  }
0x32d: {  	s16 =	sadd.s32 $0x1, s16;
	s0 =	sadd.s32 $0x70, s0;
	s31 =	simm.s32 $0xE878  }
0x32e: {  	[hbm4b:s0+s3] =	stream.linear.scatter [tilespmem:s31], [sflag:$0x4], $0x80, $0x38;
	[tilespmem:$0x11B80] =	vst v63  }
0x32f: {  	s0 =	simm.s32 $0x3  }
0x330: {  	_ =	swait.ge [sflag:s0], $0x400  }
0x331: {  	[sflag:s0] =	ssyncset.done $0x0  }
0x332: {  	[sflag:s0] =	ssyncadd.s32 $0xFFFFFC00  }
0x333: {  	_ =	swait.ge [sflag:s0], $0x400  }
0x334: {  	[sflag:s0] =	ssyncset.done $0x0  }
0x335: {  	[sflag:s0] =	ssyncadd.s32 $0xFFFFFC00  }
0x336: {  	_ =	swait.ge [sflag:s0], $0x400  }
0x337: {  	[sflag:s0] =	ssyncset.done $0x0  }
0x338: {  	[sflag:s0] =	ssyncadd.s32 $0xFFFFFC00  }
0x339: {  	_ =	swait.ge [sflag:s0], $0x400  }
0x33a: {  	[sflag:s0] =	ssyncset.done $0x0  }
0x33b: {  	[sflag:s0] =	ssyncadd.s32 $0xFFFFFC00  }
0x33c: {  	_ =	swait.ge [sflag:s0], $0x400  }
0x33d: {  	[sflag:s0] =	ssyncset.done $0x0  }
0x33e: {  	[sflag:s0] =	ssyncadd.s32 $0xFFFFFC00  }
0x33f: {  	_ =	swait.ge [sflag:s0], $0x400  }
0x340: {  	[sflag:s0] =	ssyncset.done $0x0  }
0x341: {  	[sflag:s0] =	ssyncadd.s32 $0xFFFFFC00  }
0x342: {  	_ =	swait.ge [sflag:s0], $0x400  }
0x343: {  	[sflag:s0] =	ssyncset.done $0x0  }
0x344: {  	[sflag:s0] =	ssyncadd.s32 $0xFFFFFC00  }
0x345: {  	_ =	swait.ge [sflag:s0], $0x400  }
0x346: {  	[sflag:s0] =	ssyncset.done $0x0  }
0x347: {  	[sflag:s0] =	ssyncadd.s32 $0xFFFFFC00  }
0x348: {  	_ =	swait.ge [sflag:s26], $0x400  }
0x349: {  	[sflag:s26] =	ssyncset.done $0x0  }
0x34a: {  	[sflag:s26] =	ssyncadd.s32 $0xFFFFFC00  }
0x34b: {  	_ =	swait.ge [sflag:s26], $0x400  }
0x34c: {  	[sflag:s26] =	ssyncset.done $0x0  }
0x34d: {  	[sflag:s26] =	ssyncadd.s32 $0xFFFFFC00  }
0x34e: {  	_ =	swait.ge [sflag:s26], $0x400  }
0x34f: {  	[sflag:s26] =	ssyncset.done $0x0  }
0x350: {  	[sflag:s26] =	ssyncadd.s32 $0xFFFFFC00  }
0x351: {  	_ =	swait.ge [sflag:s26], $0x400  }
0x352: {  	[sflag:s26] =	ssyncset.done $0x0  }
0x353: {  	[sflag:s26] =	ssyncadd.s32 $0xFFFFFC00  }
0x354: {  	_ =	swait.ge [sflag:s26], $0x400  }
0x355: {  	[sflag:s26] =	ssyncset.done $0x0  }
0x356: {  	[sflag:s26] =	ssyncadd.s32 $0xFFFFFC00  }
0x357: {  	_ =	swait.ge [sflag:s26], $0x400  }
0x358: {  	[sflag:s26] =	ssyncset.done $0x0  }
0x359: {  	[sflag:s26] =	ssyncadd.s32 $0xFFFFFC00  }
0x35a: {  	_ =	swait.ge [sflag:s26], $0x400  }
0x35b: {  	[sflag:s26] =	ssyncset.done $0x0  }
0x35c: {  	[sflag:s26] =	ssyncadd.s32 $0xFFFFFC00  }
0x35d: {  	_ =	swait.ge [sflag:s26], $0x400  }
0x35e: {  	s1 =	rddreg [dreg:$0x1f]  }
0x35f: {  	s31 =	rddreg [dreg:$0x17];
	s1 =	sadd.s32 $0x1, s1  }
0x360: {  	p0 =	sne.s32 s1, s31  }
.Ltmp8:
0x361: {  	_ = 	snop;
	(pc) =	sbr.rel @p0 .LBB2_1-.Ltmp8, $3  }
0x362: {  	_ =	sdelay $0x1  }
0x363: {  	[sflag:s26] =	ssyncset.done $0x0  }
0x364: {  	[sflag:s26] =	ssyncadd.s32 $0xFFFFFC00  }
0x365: {  	_ =	sfence.sel $0x180000  }
0x366: {  	[bflag:$0x0] =	sbarrier.arrive $0xFFFF  }
0x367: {  	_ =	strace $0x9000004A  }
0x368: {  	s0 =	stileid.u32;
	[bflag:$0x2] =	sbarrier.arrive $0xFFFF  }
0x369: {  	p0 =	sne.s32 s0, $0x0;
	s0 =	rddreg [dreg:$0x3]  }
0x36a: {  	s0 =	sadd.s32 @!p0 $0x100000, s0  }
0x36b: {  	[sflag:s0] =	ssyncadd.tile.s32 @!p0 $0x1;
	_ =	shalt  }
.Lfunc_end2:
_tile_overlayer_lowered:
.L_overlay_start_2:
0x36c: {  	(tag) =	ssettag $0x2  }
0x36d: {  	s0 =	rddreg [dreg:$0x0];
	s2 =	stileid.u32  }
0x36e: {  	s1 =	rddreg [dreg:$0x1];
	p0 =	sne.s32 s2, $0x0  }
0x36f: {  	s3 =	rddreg [dreg:$0x2];
	[bflag:$0x3] =	sbarrier.arrive $0xFFFF;
	s2 =	simm.s32 @!p0 $0x1C05  }
0x370: {  	[timem:s3], [sflag:s2] =	dma.local @!p0 [hbm:s0], s1  }
0x371: {  	s0 =	simm.s32 @!p0 $0x5  }
0x372: {  	_ =	swait.ge @!p0 [sflag:s0], s1  }
0x373: {  	s1 =	ssub.s32 @!p0 $0x0, s1;
	[sflag:s0] =	ssyncset.done @!p0 $0x0  }
0x374: {  	[sflag:s0] =	ssyncadd.s32 @!p0 s1  }
0x375: {  	[bflag:$0x3] =	sbarrier.arrive $0xFFFF  }
0x376: {  	_ =	shalt  }

// kernel: sparse-core-data-format-call.cloned.1.call-start
scs
called_computation_lowered:
.L_overlay_start_0:
0x0: {  	s2 =	sld [smem:$0x3FD9]  }
0x1: {  	s3 =	sld [smem:$0x3FFE];
	_ =	sdelay $0x1  }
0x2: {  	s1 =	srdreg.scid  }
0x3: {  	s0 =	sand.u32 $0x1, s1  }
0x4: {  	s18 =	sshll.u32 s0, $0xA;
	s2 =	sadd.s32 s3, s2  }
0x5: {  	s2 =	sadd.s32 s2, s18  }
0x6: {  	[smem:$0x3FC5] =	sst s2  }
0x7: {  	_ = 	snop  }
0x8: {  	s2 =	sld [smem:$0x3FC8];
	(tm) =	ssettm $0x1  }
0x9: {  	s19 =	sld [smem:$0x3FFB];
	_ =	sdelay $0x3  }
0xa: {  	_ =	strace s19  }
0xb: {  	s3 =	sld [smem:$0x3FFC];
	_ =	sdelay $0x3  }
0xc: {  	_ =	strace s3  }
0xd: {  	s3 =	sld [smem:$0x3FFD];
	_ =	sdelay $0x3  }
0xe: {  	_ =	strace s3  }
0xf: {  	_ =	strace $0x8FFFFFFF  }
0x10: {  	s20 =	sld [smem:$0x3FDB];
	_ =	sdelay $0x1  }
0x11: {  	s4 =	simm.s32 $_scs_section_size  }
0x12: {  	s5 =	simm.s32 $_size__tile_overlayer_lowered;
	s6 =	simm.s32 $_tile_overlayer_lowered  }
0x13: {  	s23 =	simm.s32 $0x1BFF;
	s22 =	sshll.u32 s6, $0x1;
	s3 =	sadd.s32 s4, s20  }
0x14: {  	s7 =	simm.s32 $0x0;
	s21 =	sshll.u32 s5, $0x1;
	s5 =	sadd.s32 s22, s3  }
0x15: {  	[timem:s7], [sflag:s23] =	dma.local [hbm:s5], s21  }
0x16: {  	_ =	swait.ge [sflag:s23], s21  }
0x17: {  	s4 =	ssub.s32 $0x0, s21;
	[sflag:s23] =	ssyncset.done $0x0  }
0x18: {  	[sflag:s23] =	ssyncadd.s32 s4;
	_ =	sdelay $0x1  }
0x19: {  	s24 =	simm.s32 $0x1B8B  }
0x1a: {  	_ =	swait.ge [sflag:s24], $0x1  }
0x1b: {  	[sflag:s24] =	ssyncset.done $0x0  }
0x1c: {  	s26 =	simm.s32 $0x1B8E;
	s25 =	sld [smem:$0x3FFE];
	[sflag:s24] =	ssyncadd.s32 $0xFFFFFFFF  }
0x1d: {  	s27 =	simm.s32 $execute0_lowered;
	[smem:$0x3FD2] =	sst s26  }
0x1e: {  	s5 =	sshll.u32 s27, $0x1;
	_ =	strace $0x80000046;
	[dreg:$0x1] =	wrdreg $0xFFFFFFFF  }
0x1f: {  	s28 =	simm.s32 $_size_execute0_lowered;
	s3 =	sadd.s32 s3, s5;
	[dreg:$0x0] =	wrdreg $0x0  }
0x20: {  	s5 =	sshll.u32 s28, $0x1;
	[dreg:$0x2] =	wrdreg s3  }
0x21: {  	[dreg:$0x3] =	wrdreg s5  }
0x22: {  	[dreg:$0x4] =	wrdreg $0xC0  }
0x23: {  	_ =	task [dreg:s7], $0x5FFFF  }
0x24: {  	[dreg:$0x1] =	wrdreg $0xFFFFFFFF  }
0x25: {  	[dreg:$0x0] =	wrdreg $0x60  }
0x26: {  	[dreg:$0x2] =	wrdreg s2  }
0x27: {  	[dreg:$0x3] =	wrdreg s25  }
0x28: {  	[dreg:$0x4] =	wrdreg $0x9  }
0x29: {  	_ =	task.clear_ibuf [dreg:s7], $0x5FFFF;
	_ =	strace $0x90000046  }
0x2a: {  	s29 =	simm.s32 $0x9;
	_ =	strace $0x80000048  }
0x2b: {  	_ =	swait.ge [sflag:s29], $0x1  }
0x2c: {  	[sflag:s29] =	ssyncadd.s32 $0xFFFFFFFF  }
0x2d: {  	_ =	strace $0x90000048  }
0x2e: {  	_ =	sfence  }
0x2f: {  	s30 =	sld [smem:$0x0];
	_ =	sdelay $0x2  }
0x30: {  	s31 =	sshll.u32 s1, $0xD;
	s1 =	sshrl.u32 s1, $0x2  }
0x31: {  	s3 =	sand.u32 $0x4000, s31;
	s1 =	sadd.s32 s1, s30  }
0x32: {  	s0 =	sor.u32 s3, s0;
	s1 =	sshll.u32 s1, $0x11  }
0x33: {  	s0 =	sor.u32 s1, s0  }
0x34: {  	s0 =	sadd.s32 $0x8F2B, s0  }
0x35: {  	[sflag:s0] =	ssyncadd.remote.s32 $0x1  }
0x36: {  	_ =	sfence.sel $0xFFFF  }
0x37: {  	[dreg:$0x0] =	wrdreg $0xFFFFFFFF;
	(pc) =	sbr.abs _section_cstart, $3  }
0x38: {  	[dreg:$0x1] =	wrdreg $0xFFFFFFFF  }
0x39: {  	_ =	task.clear_ibuf [dreg:s7], $0x2FFFF;
	_ =	strace $0x9FFFFFFF  }
0x3a: {  	(tm) =	ssettm $0x7FFFFFFF  }
0x3b: {  	_ =	shalt  }
tec
execute0_lowered:
.L_overlay_start_1:
0x0: {  	(tag) =	ssettag $0x1  }
0x1: {  	s0 =	srdreg.scid;
	s2 =	rddreg [dreg:$0x0]  }
0x2: {  	s5 =	rddreg [dreg:$0x1];
	s1 =	stileid.u32  }
0x3: {  	s4 =	simm.s32 $0x1;
	s6 =	simm.s32 $0x2;
	s15 =	simm.s32 $0x0  }
0x4: {  	p0 =	por $0x0, $0x0;
	s8 =	simm.s32 $0x80;
	s0 =	sshll.u32 s0, $0x4  }
0x5: {  	s14 =	simm.s32 $0x0;
	s9 =	simm.s32 $0x0;
	s3 =	sand.u32 $0x10, s0  }
.Ltmp0:
0x6: {  	s10 =	simm.s32 $0x0;
	s3 =	sor.u32 s1, s3;
	(pc) =	sbr.rel .LBB1_1-.Ltmp0, $4  }
0x7: {  	s0 =	rddreg [dreg:$0x2];
	_ =	strace $0x80000047;
	s3 =	sshll.u32 s3, $0x7  }
0x8: {  	s12 =	simm.s32 $0x0;
	[sflag:s4] =	ssyncpa.u1 $0x0;
	s7 =	ssub.s32 $0xF4200, s3  }
0x9: {  	s13 =	simm.s32 $0x0;
	[sflag:s6] =	ssyncpa.u1 $0x0;
	s6 =	sshrl.u32 s7, $0xC  }
0xa: {  	s5 =	sadd.s32 $0xA00, s5;
	s11 =	smov.u32 s3;
	s7 =	sadd.s32 $0x2, s6  }
.LBB1_5:
0xb: {  	p1 =	slt.u32 s13, $0x2  }
0xc: {  	s17 =	smov.u32 s15;
	p2 =	sgt.s32 @!p1 s15, $0xF41C0;
	s16 =	sshra.s32 @!p1 s15, $0x1F  }
0xd: {  	p3 =	sgt.s32 @!p1 s14, $0x40;
	s18 =	sshra.s32 @!p1 s14, $0x1F;
	p2 =	por !p2, p1  }
0xe: {  	s15 =	sand.u32 @!p1 s16, s15;
	p3 =	por !p3, p1;
	s16 =	smov.u32 s14  }
0xf: {  	s14 =	sand.u32 @!p1 s18, s14;
	s17 =	simm.s32 @p2 $0xF41C0;
	s16 =	simm.s32 @p3 $0x40  }
0x10: {  	s15 =	ssub.s32 @!p1 s17, s15;
	s14 =	ssub.s32 @!p1 s16, s14  }
0x11: {  	s18 =	smov.u32 s12;
	s16 =	sadd.s32 @!p1 $0xFFF0BE40, s15;
	s17 =	sadd.s32 @!p1 $0xFFFFFFC0, s14  }
0x12: {  	s15 =	ssub.s32 @!p1 $0xF4240, s15;
	p2 =	sgt.s32 @!p1 s16, $0x7F;
	p3 =	sgt.s32 @!p1 s17, $0x3F  }
0x13: {  	s14 =	ssub.s32 @!p1 $0x80, s14;
	p2 =	por !p2, p1;
	p3 =	por !p3, p1  }
0x14: {  	s16 =	sadd.s32 $0x1000, s11;
	s15 =	simm.s32 @!p2 $0x0;
	s14 =	simm.s32 @!p3 $0x0  }
0x15: {  	p2 =	sgt.s32 s16, $0xF423F;
	s14 =	smul.u32 @!p1 s14, s15;
	s15 =	sadd.s32 $0x40, s12  }
0x16: {  	s18 =	smov.u32 @p2 s15  }
0x17: {  	s16 =	smov.u32 @p2 s3;
	p2 =	sgt.s32 s18, $0x3F  }
0x18: {  	s18 =	simm.s32 @p2 $0x0;
	p2 =	sne.s32 s13, s7  }
.Ltmp1:
0x19: {  	p0 =	por !p0, !p0;
	s17 =	simm.s32 @!p1 $0x2;
	(pc) =	sbr.rel @!p2 .LBB1_6-.Ltmp1, $4  }
0x1a: {  	s15 =	smov.u32 s9;
	s9 =	smov.u32 s11;
	s14 =	sand.u32 @!p1 $0x3FFFFFFF, s14  }
0x1b: {  	s11 =	smov.u32 s16;
	_ =	swait.ge @!p1 [sflag:s17], s14;
	s19 =	ssub.s32 @!p1 $0x0, s14  }
0x1c: {  	s14 =	smov.u32 s10;
	s13 =	sadd.s32 $0x1, s13;
	[sflag:s17] =	ssyncset.done @!p1 $0x0  }
0x1d: {  	s10 =	smov.u32 s12;
	s12 =	smov.u32 s18;
	[sflag:s17] =	ssyncadd.s32 @!p1 s19  }
.LBB1_1:
0x1e: {  	p1 =	sgt.u32 s13, s6  }
0x1f: {  	s16 =	sshrl.u32 @!p1 s12, $0x3  }
0x20: {  	s17 =	sshll.u32 @!p1 s11, $0x3;
	s16 =	smul.u32 @!p1 $0x7A1400, s16  }
0x21: {  	s18 =	sshll.u32 @!p1 s12, $0x7;
	s17 =	sand.u32 @!p1 $0xFFFFFC00, s17  }
0x22: {  	s16 =	sadd.s32 @!p1 s16, s17;
	s17 =	sand.u32 @!p1 $0x380, s18  }
0x23: {  	s18 =	sand.u32 @!p1 $0x7F, s11;
	s16 =	sor.u32 @!p1 s17, s16  }
0x24: {  	s17 =	sor.u32 @!p1 s18, s16  }
0x25: {  	s18 =	smulhi.u32 @!p1 $0x218D6287, s17;
	_ =	sdelay $0x1  }
0x26: {  	s16 =	smulhi.u32 @!p1 $0x218D6287, s16;
	s18 =	sshrl.u32 @!p1 s18, $0x11  }
0x27: {  	s18 =	smul.u32 @!p1 $0xF4280, s18  }
0x28: {  	s19 =	sxor.u32 @!p1 $0xFFFFFFFF, s13;
	s16 =	sshrl.u32 @!p1 s16, $0x11  }
0x29: {  	s19 =	sshll.u32 @!p1 s19, $0xD;
	s16 =	sand.u32 @!p1 $0x3F, s16;
	s17 =	ssub.s32 @!p1 s17, s18  }
0x2a: {  	s16 =	smul.u32 @!p1 $0x1E850, s16;
	s18 =	sshrl.u32 @!p1 s17, $0x3;
	s17 =	sand.u32 @!p1 $0x7, s17  }
0x2b: {  	s19 =	sand.u32 @!p1 $0x2000, s19;
	s18 =	sadd.s32 @!p1 s2, s18;
	s17 =	sshll.u32 @!p1 s17, $0x12  }
0x2c: {  	s16 =	sadd.s32 @!p1 s16, s18;
	s17 =	sor.u32 @!p1 $0x400, s17;
	s18 =	simm.s32 @!p1 $0x7A1400  }
0x2d: {  	[tilespmem:s19], [sflag:$0x1] =	stream.strided.gather @!p1 [hbm4b:s16+s17], $0x2000, s18, s17, $0x38;
	[tilespmem:$0x8100] =	vst v63  }
0x2e: {  	p1 =	seq.s32 s13, $0x0  }
0x2f: {  	p2 =	sge.u32 @!p1 s13, s7  }
0x30: {  	p1 =	por p1, p2  }
.Ltmp2:
0x31: {  	_ = 	snop;
	(pc) =	sbr.rel @p1 .LBB1_5-.Ltmp2, $1  }
0x32: {  	_ =	sdelay $0x3  }
0x33: {  	s16 =	simm.s32 $0x1  }
0x34: {  	_ =	swait.ge [sflag:s4], $0x2000;
	s16 =	simm.s32 @!p0 $0x0  }
0x35: {  	[sflag:s4] =	ssyncset.done $0x0;
	s17 =	sshll.u32 s16, $0xD  }
0x36: {  	[sflag:s4] =	ssyncadd.s32 $0xFFFFE000;
	s17 =	sor.u32 $0x40, s17  }
0x37: {  	s16 =	smul.u32 $0x8200, s16;
	v0 =	vld [tilespmem:s17+$0x30]  }
0x38: {  	v1 =	vld [tilespmem:s17+$0xFFFFFFD0]  }
0x39: {  	s16 =	sshrl.u32 s16, $0x2;
	v5 =	vld [tilespmem:s17+$0xFFFFFFE0]  }
0x3a: {  	v6 =	vld [tilespmem:s17+$0xFFFFFFF0];
	s19 =	sor.u32 $0x4000, s16  }
0x3b: {  	s31 =	sand.u32 $0x1, s13;
	v4 =	vld [tilespmem:s17+$0x0];
	s18 =	sadd.s32 $0x0, s19  }
0x3c: {  	v3 =	vld [tilespmem:s17+$0x10];
	s16 =	smul.u32 $0x8200, s31;
	[tilespmem:s18+$0x1C70 ss:$0x41] =	vst.msk $0xffff, v0  }
0x3d: {  	v2 =	vld [tilespmem:s17+$0x20];
	[tilespmem:s18+$0x410 ss:$0x41] =	vst.msk $0xffff, v1  }
0x3e: {  	s16 =	sshrl.u32 s16, $0x2;
	v1 =	vld [tilespmem:s17+$0xFFFFFFC0];
	[tilespmem:s18+$0x820 ss:$0x41] =	vst.msk $0xffff, v5;
	s17 =	sadd.s32 $0x80, s17  }
0x3f: {  	s20 =	simm.s32 $0x4;
	s21 =	simm.s32 $0x8;
	s16 =	sor.u32 $0x4000, s16;
	[tilespmem:s18+$0xC30 ss:$0x41] =	vst.msk $0xffff, v6;
	v0 =	vld [tilespmem:s17+$0x30]  }
.LBB1_3:
0x40: {  	p1 =	sne.s32 s21, $0xFC;
	v5 =	vld [tilespmem:s17+$0xFFFFFFD0];
	[tilespmem:s18+$0x1040 ss:$0x41] =	vst.msk $0xffff, v4  }
0x41: {  	v6 =	vld [tilespmem:s17+$0xFFFFFFE0];
	[tilespmem:s18+$0x1450 ss:$0x41] =	vst.msk $0xffff, v3  }
0x42: {  	s22 =	sshra.s32 s20, $0x2;
	s20 =	smov.u32 s21;
	v7 =	vld [tilespmem:s17+$0xFFFFFFF0];
	[tilespmem:s18+$0x1860 ss:$0x41] =	vst.msk $0xffff, v2  }
.Ltmp3:
0x43: {  	v4 =	vld [tilespmem:s17+$0x0];
	[tilespmem:s18+$0x0 ss:$0x41] =	vst.msk $0xffff, v1;
	s18 =	sadd.s32 s22, s19;
	(pc) =	sbr.rel @p1 .LBB1_3-.Ltmp3, $4  }
0x44: {  	v3 =	vld [tilespmem:s17+$0x10];
	[tilespmem:s18+$0x1C70 ss:$0x41] =	vst.msk $0xffff, v0  }
0x45: {  	[tilespmem:s18+$0x410 ss:$0x41] =	vst.msk $0xffff, v5;
	v2 =	vld [tilespmem:s17+$0x20]  }
0x46: {  	v1 =	vld [tilespmem:s17+$0xFFFFFFC0];
	[tilespmem:s18+$0x820 ss:$0x41] =	vst.msk $0xffff, v6;
	s17 =	sadd.s32 $0x80, s17  }
0x47: {  	s21 =	sadd.s32 $0x4, s21;
	v0 =	vld [tilespmem:s17+$0x30];
	[tilespmem:s18+$0xC30 ss:$0x41] =	vst.msk $0xffff, v7  }
0x48: {  	s21 =	sshll.u32 s9, $0x7;
	s22 =	sshll.u32 s10, $0x3;
	s20 =	sshra.s32 s20, $0x2  }
0x49: {  	p1 =	sgt.s32 s9, $0xF41C0;
	s30 =	sshra.s32 s9, $0x1F;
	s25 =	sshra.s32 s10, $0x1F  }
0x4a: {  	v5 =	vld [tilespmem:s17+$0xFFFFFFD0];
	s28 =	sshrl.u32 s10, $0x3;
	s23 =	sand.u32 $0xFFFFFC00, s21;
	s22 =	sand.u32 $0xFFFFFC00, s22  }
0x4b: {  	[tilespmem:s18+$0x1040 ss:$0x41] =	vst.msk $0xffff, v4;
	v58 =	vld [tilespmem:s17+$0xFFFFFFE0];
	s21 =	sand.u32 $0x380, s21;
	s19 =	sadd.s32 s20, s19;
	s22 =	sadd.s32 s22, s23  }
0x4c: {  	v59 =	vld [tilespmem:s17+$0xFFFFFFF0];
	[tilespmem:s18+$0x1450 ss:$0x41] =	vst.msk $0xffff, v3;
	s29 =	sor.u32 s21, s22;
	s21 =	smov.u32 s9;
	s22 =	sand.u32 s30, s9  }
0x4d: {  	v60 =	vld [tilespmem:s17+$0x0];
	[tilespmem:s18+$0x1860 ss:$0x41] =	vst.msk $0xffff, v2;
	s30 =	sand.u32 $0x7, s10;
	s20 =	sshrl.u32 s29, $0x7;
	s21 =	simm.s32 @!p1 $0xF41C0  }
0x4e: {  	v61 =	vld [tilespmem:s17+$0x10];
	[tilespmem:s18+$0x0 ss:$0x41] =	vst.msk $0xffff, v1;
	p1 =	sgt.s32 s10, $0x40;
	s24 =	ssub.s32 s21, s22;
	s21 =	smov.u32 s10  }
0x4f: {  	v62 =	vld [tilespmem:s17+$0x20];
	[tilespmem:s19+$0x1C70 ss:$0x41] =	vst.msk $0xffff, v0;
	s31 =	smulhi.u32 $0x218DEF5, s20;
	s22 =	sand.u32 s25, s10;
	s21 =	simm.s32 @!p1 $0x40  }
0x50: {  	v63 =	vld [tilespmem:s17+$0xFFFFFFC0];
	[tilespmem:s19+$0x410 ss:$0x41] =	vst.msk $0xffff, v5;
	s26 =	sadd.s32 $0xFFF0BE40, s24;
	s17 =	ssub.s32 $0xF4240, s24;
	s21 =	ssub.s32 s21, s22  }
0x51: {  	[tilespmem:s19+$0x820 ss:$0x41] =	vst.msk $0xffff, v58;
	s23 =	sshrl.u32 s31, $0xD;
	p1 =	sgt.s32 s26, $0x7F;
	s27 =	sadd.s32 $0xFFFFFFC0, s21  }
0x52: {  	[tilespmem:s19+$0xC30 ss:$0x41] =	vst.msk $0xffff, v59;
	s23 =	smul.u32 $0xF4240, s23;
	s18 =	ssub.s32 $0x80, s21;
	p2 =	sgt.s32 s27, $0x3F  }
.Ltmp4:
0x53: {  	[tilespmem:s19+$0x1040 ss:$0x41] =	vst.msk $0xffff, v60;
	s17 =	simm.s32 @p1 $0x0;
	s18 =	simm.s32 @p2 $0x0;
	(pc) =	sbr.rel .LBB1_5-.Ltmp4, $4  }
0x54: {  	s29 =	sand.u32 $0xF, s28;
	[tilespmem:s19+$0x1450 ss:$0x41] =	vst.msk $0xffff, v61;
	s20 =	ssub.s32 s20, s23;
	s17 =	smul.u32 s18, s17  }
0x55: {  	[tilespmem:s19+$0x1860 ss:$0x41] =	vst.msk $0xffff, v62;
	s21 =	sshll.u32 s30, $0x12;
	s20 =	sshll.u32 s20, $0x4;
	s18 =	sadd.s32 s5, s29  }
0x56: {  	[tilespmem:s19+$0x0 ss:$0x41] =	vst.msk $0xffff, v63;
	s31 =	sor.u32 $0x40, s21;
	s18 =	sadd.s32 s20, s18;
	s17 =	sand.u32 $0x3FFFFFFF, s17  }
0x57: {  	[hbm4b:s18+s31] =	stream.strided.scatter [tilespmem:s16], [sflag:$0x2], s17, s8, s31, $0x18;
	[tilespmem:$0x8100] =	vst v63  }
.LBB1_6:
0x58: {  	_ =	sfence.sel $0x180000  }
0x59: {  	s2 =	simm.s32 $0x1;
	[bflag:$0x0] =	sbarrier.arrive $0xFFFF  }
0x5a: {  	s31 =	simm.s32 $0x2;
	[sflag:s2] =	ssyncpa.u1 $0x1  }
0x5b: {  	[sflag:s31] =	ssyncpa.u1 $0x1  }
0x5c: {  	p0 =	sne.s32 s1, $0x0;
	_ =	strace $0x90000047  }
0x5d: {  	s0 =	sadd.s32 @!p0 $0x100000, s0;
	[bflag:$0x2] =	sbarrier.arrive $0xFFFF  }
0x5e: {  	[sflag:s0] =	ssyncadd.tile.s32 @!p0 $0x1;
	_ =	shalt  }
.Lfunc_end1:
_tile_overlayer_lowered:
.L_overlay_start_2:
0x5f: {  	(tag) =	ssettag $0x2  }
0x60: {  	s0 =	rddreg [dreg:$0x0];
	s2 =	stileid.u32  }
0x61: {  	s1 =	rddreg [dreg:$0x1];
	p0 =	sne.s32 s2, $0x0  }
0x62: {  	s3 =	rddreg [dreg:$0x2];
	[bflag:$0x3] =	sbarrier.arrive $0xFFFF;
	s2 =	simm.s32 @!p0 $0x1C01  }
0x63: {  	[timem:s3], [sflag:s2] =	dma.local @!p0 [hbm:s0], s1  }
0x64: {  	s0 =	simm.s32 @!p0 $0x1  }
0x65: {  	_ =	swait.ge @!p0 [sflag:s0], s1  }
0x66: {  	s1 =	ssub.s32 @!p0 $0x0, s1;
	[sflag:s0] =	ssyncset.done @!p0 $0x0  }
0x67: {  	[sflag:s0] =	ssyncadd.s32 @!p0 s1  }
0x68: {  	[bflag:$0x3] =	sbarrier.arrive $0xFFFF  }
0x69: {  	_ =	shalt  }

</sc_bundles>
